<compile_context>
chip_gen: v7x
topology: tpu7x:2x2x1
jax: 0.10.2.dev20260603
libtpu: 0.0.44.dev20260713+nightly
codegen_flags: <defaults>
</compile_context>

<pallas_src>
import functools

import jax
import jax.numpy as jnp
from jax import lax
from jax.experimental import pallas as pl
from jax.experimental.pallas import tpu as pltpu
from jax.experimental.pallas import tpu_sc as plsc

NC = 2
NS = 16
NW = NC * NS
CH = 128


def _sc_mesh():
    return plsc.VectorSubcoreMesh(
        core_axis_name="c", subcore_axis_name="s", num_cores=NC, num_subcores=NS
    )


def _make_sc_degrees(n_pad, ecc):
    rc = n_pad // NS // CH

    @functools.partial(
        pl.kernel,
        out_type=jax.ShapeDtypeStruct((NC, n_pad, CH), jnp.float32),
        mesh=_sc_mesh(),
        scratch_types=[
            pltpu.VMEM_SHARED((n_pad, CH), jnp.float32),
            pltpu.VMEM((ecc, CH), jnp.int32),
            pltpu.VMEM((CH, CH), jnp.float32),
        ],
    )
    def k(src_h, dst_h, ones_h, zrows_h, out_h, deg, idx_v, ones_v):
        c = lax.axis_index("c")
        s = lax.axis_index("s")
        pltpu.sync_copy(zrows_h, ones_v)
        row0 = s * (rc * CH)
        for kk in range(rc):
            pltpu.sync_copy(ones_v, deg.at[pl.ds(row0 + kk * CH, CH), :])
        pltpu.sync_copy(ones_h, ones_v)

        @pl.when(c == 0)
        def _():
            pltpu.sync_copy(src_h.at[pl.ds(s * ecc, ecc), :], idx_v)

        @pl.when(c == 1)
        def _():
            pltpu.sync_copy(dst_h.at[pl.ds(s * ecc, ecc), :], idx_v)

        plsc.subcore_barrier()

        @pl.loop(0, ecc)
        def _(j):
            pltpu.sync_copy(ones_v, deg.at[idx_v.at[j]], add=True)

        plsc.subcore_barrier()
        for kk in range(rc):
            r = row0 + kk * CH
            pltpu.sync_copy(deg.at[pl.ds(r, CH), :], out_h.at[c, pl.ds(r, CH), :])

    return k


def _make_sc_aggregate(n_pad, d, ec0, ec1):
    rc = n_pad // NS // CH
    w = ec1
    nw0 = ec0 // w

    @functools.partial(
        pl.kernel,
        out_type=jax.ShapeDtypeStruct((NC, n_pad, d), jnp.float32),
        mesh=_sc_mesh(),
        scratch_types=[
            pltpu.VMEM_SHARED((n_pad, d), jnp.float32),
            pltpu.VMEM((w, CH), jnp.int32),
            pltpu.VMEM((w, CH), jnp.int32),
            pltpu.VMEM((CH, d), jnp.float32),
            pltpu.VMEM((CH, d), jnp.float32),
            pltpu.SemaphoreType.DMA,
            pltpu.SemaphoreType.DMA,
        ],
    )
    def k(table_h, src_h, dst_h, zrows_h, out_h, agg, src_v, dst_v, rows0,
          rows1, sem0, sem1):
        c = lax.axis_index("c")
        s = lax.axis_index("s")
        pltpu.sync_copy(zrows_h, rows0)
        row0 = s * (rc * CH)
        for kk in range(rc):
            pltpu.sync_copy(rows0, agg.at[pl.ds(row0 + kk * CH, CH), :])
        plsc.subcore_barrier()
        tile_base = jnp.where(c == 0, s * ec0, NS * ec0 + s * ec1)
        nwin = jnp.where(c == 0, nw0, 1)

        @pl.loop(0, nwin)
        def _(wi):
            base = pl.multiple_of(tile_base + wi * w, 8)
            pltpu.sync_copy(src_h.at[pl.ds(base, w), :], src_v)
            pltpu.sync_copy(dst_h.at[pl.ds(base, w), :], dst_v)
            pltpu.async_copy(table_h.at[src_v.at[0]], rows0, sem0)

            @pl.loop(0, w, step=2)
            def _(j):
                pltpu.async_copy(table_h.at[src_v.at[j + 1]], rows1, sem1)
                pltpu.make_async_copy(table_h.at[src_v.at[j]], rows0, sem0).wait()
                pltpu.sync_copy(rows0, agg.at[dst_v.at[j]], add=True)

                @pl.when(j + 2 < w)
                def _():
                    pltpu.async_copy(table_h.at[src_v.at[j + 2]], rows0, sem0)

                pltpu.make_async_copy(table_h.at[src_v.at[j]], rows1, sem1).wait()
                pltpu.sync_copy(rows1, agg.at[dst_v.at[j + 1]], add=True)

        plsc.subcore_barrier()
        for kk in range(rc):
            r = row0 + kk * CH
            pltpu.sync_copy(agg.at[pl.ds(r, CH), :], out_h.at[c, pl.ds(r, CH), :])

    return k


def _make_sc_edge_gather(n_pad, d, e_pad, ec0, ec1):
    @functools.partial(
        pl.kernel,
        out_type=jax.ShapeDtypeStruct((e_pad, d), jnp.float32),
        mesh=_sc_mesh(),
        scratch_types=[
            pltpu.VMEM((ec0, CH), jnp.int32),
            pltpu.VMEM((ec0, CH), jnp.int32),
            pltpu.VMEM((CH, d), jnp.float32),
            pltpu.VMEM((CH, d), jnp.float32),
            pltpu.VMEM((CH, d), jnp.float32),
            pltpu.VMEM((CH, d), jnp.float32),
            pltpu.SemaphoreType.DMA,
            pltpu.SemaphoreType.DMA,
            pltpu.SemaphoreType.DMA,
            pltpu.SemaphoreType.DMA,
        ],
    )
    def k(a_h, b_h, src_h, dst_h, out_h, src_v, dst_v, a0, b0, a1, b1,
          sa0, sb0, sa1, sb1):
        c = lax.axis_index("c")
        s = lax.axis_index("s")
        tile_base = pl.multiple_of(
            jnp.where(c == 0, s * ec0, NS * ec0 + s * ec1), 8
        )
        ecc = jnp.where(c == 0, ec0, ec1)
        pltpu.sync_copy(src_h.at[pl.ds(tile_base, ec1), :],
                        src_v.at[pl.ds(0, ec1), :])
        pltpu.sync_copy(dst_h.at[pl.ds(tile_base, ec1), :],
                        dst_v.at[pl.ds(0, ec1), :])
        if ec0 > ec1:

            @pl.when(c == 0)
            def _():
                pltpu.sync_copy(src_h.at[pl.ds(tile_base + ec1, ec0 - ec1), :],
                                src_v.at[pl.ds(ec1, ec0 - ec1), :])
                pltpu.sync_copy(dst_h.at[pl.ds(tile_base + ec1, ec0 - ec1), :],
                                dst_v.at[pl.ds(ec1, ec0 - ec1), :])

        pltpu.async_copy(a_h.at[src_v.at[0]], a0, sa0)
        pltpu.async_copy(b_h.at[dst_v.at[0]], b0, sb0)

        def addout(av, bv, j):
            @pl.loop(0, CH)
            def _(r):
                for cc in range(d // 16):
                    sl = pl.ds(cc * 16, 16)
                    av[r, sl] = av[r, sl] + bv[r, sl]

            off = pl.multiple_of((tile_base + j) * CH, CH)
            pltpu.sync_copy(av, out_h.at[pl.ds(off, CH), :])

        @pl.loop(0, ecc, step=2)
        def _(j):
            pltpu.async_copy(a_h.at[src_v.at[j + 1]], a1, sa1)
            pltpu.async_copy(b_h.at[dst_v.at[j + 1]], b1, sb1)
            pltpu.make_async_copy(a_h.at[src_v.at[0]], a0, sa0).wait()
            pltpu.make_async_copy(b_h.at[dst_v.at[0]], b0, sb0).wait()
            addout(a0, b0, j)

            @pl.when(j + 2 < ecc)
            def _():
                pltpu.async_copy(a_h.at[src_v.at[j + 2]], a0, sa0)
                pltpu.async_copy(b_h.at[dst_v.at[j + 2]], b0, sb0)

            pltpu.make_async_copy(a_h.at[src_v.at[0]], a1, sa1).wait()
            pltpu.make_async_copy(b_h.at[dst_v.at[0]], b1, sb1).wait()
            addout(a1, b1, j + 1)

    return k


def _tc_prescale(deg_parts, x_pad, n_pad, d, rb=512):
    grid = (n_pad // rb,)

    def body(dp_r, x_r, xn_r, no_r, ni_r):
        dp = dp_r[...]
        no = lax.rsqrt(jnp.maximum(dp[0, :, 0:1], 1.0))
        ni = lax.rsqrt(jnp.maximum(dp[1, :, 0:1], 1.0))
        xn_r[...] = x_r[...] * no
        no_r[...] = no
        ni_r[...] = ni

    return pl.pallas_call(
        body,
        grid=grid,
        in_specs=[
            pl.BlockSpec((NC, rb, CH), lambda i: (0, i, 0)),
            pl.BlockSpec((rb, d), lambda i: (i, 0)),
        ],
        out_specs=[
            pl.BlockSpec((rb, d), lambda i: (i, 0)),
            pl.BlockSpec((rb, 1), lambda i: (i, 0)),
            pl.BlockSpec((rb, 1), lambda i: (i, 0)),
        ],
        out_shape=[
            jax.ShapeDtypeStruct((n_pad, d), jnp.float32),
            jax.ShapeDtypeStruct((n_pad, 1), jnp.float32),
            jax.ShapeDtypeStruct((n_pad, 1), jnp.float32),
        ],
    )(deg_parts, x_pad)


def _tc_layer1(agg_parts, ni, no, W, b, n_pad, d, rb=512):
    def body(ap_r, ni_r, no_r, w_r, b_r, out_r):
        agg = (ap_r[0] + ap_r[1]) * ni_r[...]
        h = jnp.dot(agg, w_r[...], preferred_element_type=jnp.float32) + b_r[...]
        out_r[...] = jnp.maximum(h, 0.0) * no_r[...]

    return pl.pallas_call(
        body,
        grid=(n_pad // rb,),
        in_specs=[
            pl.BlockSpec((NC, rb, d), lambda i: (0, i, 0)),
            pl.BlockSpec((rb, 1), lambda i: (i, 0)),
            pl.BlockSpec((rb, 1), lambda i: (i, 0)),
            pl.BlockSpec((d, d), lambda i: (0, 0)),
            pl.BlockSpec((1, d), lambda i: (0, 0)),
        ],
        out_specs=pl.BlockSpec((rb, d), lambda i: (i, 0)),
        out_shape=jax.ShapeDtypeStruct((n_pad, d), jnp.float32),
    )(agg_parts, ni, no, W, b)


def _tc_layer2_head(agg_parts, ni, W2, b2, Wp1, bp1, n_pad, d, rb=512):
    def body(ap_r, ni_r, w2_r, b2_r, wp1_r, bp1_r, a_r, b_out_r):
        agg = (ap_r[0] + ap_r[1]) * ni_r[...]
        h2 = jnp.dot(agg, w2_r[...], preferred_element_type=jnp.float32) + b2_r[...]
        wp1 = wp1_r[...]
        a_r[...] = jnp.dot(h2, wp1[:d], preferred_element_type=jnp.float32)
        b_out_r[...] = (
            jnp.dot(h2, wp1[d:], preferred_element_type=jnp.float32) + bp1_r[...]
        )

    return pl.pallas_call(
        body,
        grid=(n_pad // rb,),
        in_specs=[
            pl.BlockSpec((NC, rb, d), lambda i: (0, i, 0)),
            pl.BlockSpec((rb, 1), lambda i: (i, 0)),
            pl.BlockSpec((d, d), lambda i: (0, 0)),
            pl.BlockSpec((1, d), lambda i: (0, 0)),
            pl.BlockSpec((2 * d, d), lambda i: (0, 0)),
            pl.BlockSpec((1, d), lambda i: (0, 0)),
        ],
        out_specs=[
            pl.BlockSpec((rb, d), lambda i: (i, 0)),
            pl.BlockSpec((rb, d), lambda i: (i, 0)),
        ],
        out_shape=[
            jax.ShapeDtypeStruct((n_pad, d), jnp.float32),
            jax.ShapeDtypeStruct((n_pad, d), jnp.float32),
        ],
    )(agg_parts, ni, W2, b2, Wp1, bp1)


def _tc_mlp(z1pre, Wp2, bp2, Wp3, bp3, e, d, dh, rb=2560):
    def body(z_r, w2_r, b2_r, w3_r, b3_r, out_r):
        z1 = jnp.maximum(z_r[...], 0.0)
        z2 = jnp.maximum(
            jnp.dot(z1, w2_r[...], preferred_element_type=jnp.float32) + b2_r[...],
            0.0,
        )
        z3 = jnp.dot(z2, w3_r[...], preferred_element_type=jnp.float32) + b3_r[...]
        out_r[...] = jax.nn.sigmoid(z3)

    return pl.pallas_call(
        body,
        grid=(e // rb,),
        in_specs=[
            pl.BlockSpec((rb, d), lambda i: (i, 0)),
            pl.BlockSpec((d, dh), lambda i: (0, 0)),
            pl.BlockSpec((1, dh), lambda i: (0, 0)),
            pl.BlockSpec((dh, 1), lambda i: (0, 0)),
            pl.BlockSpec((1, 1), lambda i: (0, 0)),
        ],
        out_specs=pl.BlockSpec((rb, 1), lambda i: (i, 0)),
        out_shape=jax.ShapeDtypeStruct((e, 1), jnp.float32),
    )(z1pre, Wp2, bp2, Wp3, bp3)


def kernel(x, edge_index, W1, b1, W2, b2, Wp1, bp1, Wp2, bp2, Wp3, bp3):
    n, d = x.shape
    e = edge_index.shape[1]
    dh = Wp2.shape[1]

    n_pad = -(-n // (NS * CH)) * NS * CH
    e_pad = -(-e // (NW * CH * 8)) * NW * CH * 8

    src = edge_index[0].astype(jnp.int32)
    dst = edge_index[1].astype(jnp.int32)
    pad = jnp.full((e_pad - e,), n, jnp.int32)
    src_h = jnp.concatenate([src, pad]).reshape(e_pad // CH, CH)
    dst_h = jnp.concatenate([dst, pad]).reshape(e_pad // CH, CH)

    x_pad = jnp.zeros((n_pad, d), jnp.float32).at[:n].set(x)
    ones_rows = jnp.ones((CH, CH), jnp.float32)
    zrows = jnp.zeros((CH, d), jnp.float32)

    ecc = e_pad // NS // CH
    ec0 = (ecc * 3 // 4) // 8 * 8
    ec1 = ecc - ec0
    if ec1 <= 0 or ec0 % ec1 != 0 or ec1 % 2 != 0:
        ec0 = ec1 = ecc // 2
    sc_deg = _make_sc_degrees(n_pad, ecc)
    sc_agg = _make_sc_aggregate(n_pad, d, ec0, ec1)
    sc_edge = _make_sc_edge_gather(n_pad, d, e_pad, ec0, ec1)

    deg_parts = sc_deg(src_h, dst_h, ones_rows, zrows)
    xn, no, ni = _tc_prescale(deg_parts, x_pad, n_pad, d)

    agg1 = sc_agg(xn, src_h, dst_h, zrows)
    h1n = _tc_layer1(agg1, ni, no, W1, b1.reshape(1, d), n_pad, d)

    agg2 = sc_agg(h1n, src_h, dst_h, zrows)
    A, B = _tc_layer2_head(
        agg2, ni, W2, b2.reshape(1, d), Wp1, bp1.reshape(1, d), n_pad, d
    )

    z1pre = sc_edge(A, B, src_h, dst_h)
    out = _tc_mlp(z1pre, Wp2, bp2.reshape(1, dh), Wp3, bp3.reshape(1, 1), e, d, dh)
    return out

# --- scband reference (transcript-rebuilt; emitter-appended) ---
"""Pipeline reference for scband-gcn-lp-46600395161977 (READ-ONLY COPY).

The authoritative reference and input builder live on the scoring server;
editing this copy changes nothing except your own understanding.
"""

import jax, jax.numpy as jnp
import numpy as np

N = 10000
E = 320000
D = 128


def _gcn_layer(x, src, dst, W, b, n, act):
    # DGL GraphConv, norm='both': D_out^{-1/2} on src feats, scatter-add to dst, D_in^{-1/2}, then linear
    deg_out = jnp.zeros((n,), jnp.float32).at[src].add(1.0)
    deg_in = jnp.zeros((n,), jnp.float32).at[dst].add(1.0)
    norm_out = jnp.power(jnp.clip(deg_out, 1.0, None), -0.5)
    norm_in = jnp.power(jnp.clip(deg_in, 1.0, None), -0.5)
    h = x * norm_out[:, None]
    agg = jnp.zeros((n, h.shape[1]), h.dtype).at[dst].add(h[src])
    agg = agg * norm_in[:, None]
    out = agg @ W + b
    if act:
        out = jax.nn.relu(out)
    return out


def setup_inputs(seed: int = 0) -> dict:
    key = jax.random.key(seed)
    ks = jax.random.split(key, 12)
    x = jax.random.normal(ks[0], (N, D), dtype=jnp.float32)
    edge_index = jax.random.randint(ks[1], (2, E), 0, N, dtype=jnp.int64)
    s = 0.05
    W1 = jax.random.normal(ks[2], (D, 128), dtype=jnp.float32) * s
    b1 = jnp.zeros((128,), jnp.float32)
    W2 = jax.random.normal(ks[3], (128, 128), dtype=jnp.float32) * s
    b2 = jnp.zeros((128,), jnp.float32)
    Wp1 = jax.random.normal(ks[4], (256, 128), dtype=jnp.float32) * s
    bp1 = jnp.zeros((128,), jnp.float32)
    Wp2 = jax.random.normal(ks[5], (128, 64), dtype=jnp.float32) * s
    bp2 = jnp.zeros((64,), jnp.float32)
    Wp3 = jax.random.normal(ks[6], (64, 1), dtype=jnp.float32) * s
    bp3 = jnp.zeros((1,), jnp.float32)
    return {"x": x, "edge_index": edge_index, "W1": W1, "b1": b1, "W2": W2, "b2": b2,
            "Wp1": Wp1, "bp1": bp1, "Wp2": Wp2, "bp2": bp2, "Wp3": Wp3, "bp3": bp3}


def reference(x, edge_index, W1, b1, W2, b2, Wp1, bp1, Wp2, bp2, Wp3, bp3):
    src = edge_index[0]
    dst = edge_index[1]
    # GCN encoder: layer1 (relu), layer2 (no activation on final GraphConv)
    h = _gcn_layer(x, src, dst, W1, b1, N, True)
    h = _gcn_layer(h, src, dst, W2, b2, N, False)
    # link prediction over all graph edges
    emb = jnp.concatenate([h[src], h[dst]], axis=1)
    z = jax.nn.relu(emb @ Wp1 + bp1)
    z = jax.nn.relu(z @ Wp2 + bp2)
    z = z @ Wp3 + bp3
    return jax.nn.sigmoid(z)

if __name__ == "__main__":
    import jax
    _d = setup_inputs()
    print(jax.jit(kernel)(*tuple(_d.values())))

</pallas_src>

<mosaic_0001>
#map = affine_map<(d0, d1) -> (0, 0)>
#map1 = affine_map<(d0, d1) -> (0, 0, 0)>
module attributes {stable_mosaic.version = 14 : i64} {
  func.func @k(%arg0: i32, %arg1: i32, %arg2: memref<10240x128xf32, #tpu.memory_space<hbm>>, %arg3: memref<2560x128xi32, #tpu.memory_space<hbm>>, %arg4: memref<2560x128xi32, #tpu.memory_space<hbm>>, %arg5: memref<128x128xf32, #tpu.memory_space<hbm>>, %arg6: memref<2x10240x128xf32, #tpu.memory_space<hbm>>, %arg7: memref<10240x128xf32, #tpu.memory_space<vmem_shared>>, %arg8: memref<40x128xi32, #tpu.memory_space<vmem>>, %arg9: memref<40x128xi32, #tpu.memory_space<vmem>>, %arg10: memref<128x128xf32, #tpu.memory_space<vmem>>, %arg11: memref<128x128xf32, #tpu.memory_space<vmem>>, %arg12: memref<!tpu.dma_semaphore, #tpu.memory_space<semaphore_mem>>, %arg13: memref<!tpu.dma_semaphore, #tpu.memory_space<semaphore_mem>>) attributes {dimension_semantics = [#tpu.dimension_semantics<core_parallel>, #tpu.dimension_semantics<subcore_parallel>], iteration_bounds = array<i64: 2, 16>, scalar_prefetch = 0 : i64, scratch_operands = 7 : i64, tpu.core_type = #tpu.core_type<sc_vector_subcore>, window_params = [{transform_indices = #map}, {transform_indices = #map}, {transform_indices = #map}, {transform_indices = #map}, {transform_indices = #map1}]} {
    "tpu.region"() ({
      %run_scoped3A = tpu.sem_alloc : memref<!tpu.dma_semaphore, #tpu.memory_space<semaphore_mem>>
      tpu.enqueue_dma source(%arg5 : memref<128x128xf32, #tpu.memory_space<hbm>>) target(%arg10 : memref<128x128xf32, #tpu.memory_space<vmem>>) target_semaphore(%run_scoped3A : memref<!tpu.dma_semaphore, #tpu.memory_space<semaphore_mem>>)
      tpu.wait_dma2 semaphore(%run_scoped3A : memref<!tpu.dma_semaphore, #tpu.memory_space<semaphore_mem>>) src(%arg5 : memref<128x128xf32, #tpu.memory_space<hbm>>) dst(%arg10 : memref<128x128xf32, #tpu.memory_space<vmem>>)
      tpu.yield
    }) : () -> ()
    %mul3A = arith.constant 640 : i32
    %mul3A_0 = arith.muli %arg1, %mul3A : i32
    %add3A = arith.constant 0 : i32
    %add3A_1 = arith.addi %mul3A_0, %add3A : i32
    "tpu.region"() ({
      %run_scoped3A = tpu.sem_alloc : memref<!tpu.dma_semaphore, #tpu.memory_space<semaphore_mem>>
      %dma_start3A = arith.constant 0 : i32
      %dma_start3A_48 = tpu.memref_slice %arg7[%add3A_1, %dma_start3A] : memref<10240x128xf32, #tpu.memory_space<vmem_shared>> -> memref<128x128xf32, #tpu.memory_space<vmem_shared>>
      %dma_start3A_49 = arith.constant 0 : i32
      %dma_start3A_50 = tpu.memref_slice %arg7[%add3A_1, %dma_start3A_49] : memref<10240x128xf32, #tpu.memory_space<vmem_shared>> -> memref<128x128xf32, #tpu.memory_space<vmem_shared>>
      tpu.enqueue_dma source(%arg10 : memref<128x128xf32, #tpu.memory_space<vmem>>) target(%dma_start3A_50 : memref<128x128xf32, #tpu.memory_space<vmem_shared>>) target_semaphore(%run_scoped3A : memref<!tpu.dma_semaphore, #tpu.memory_space<semaphore_mem>>)
      %dma_wait3A = arith.constant 0 : i32
      %dma_wait3A_51 = tpu.memref_slice %arg7[%add3A_1, %dma_wait3A] : memref<10240x128xf32, #tpu.memory_space<vmem_shared>> -> memref<128x128xf32, #tpu.memory_space<vmem_shared>>
      %dma_wait3A_52 = arith.constant 0 : i32
      %dma_wait3A_53 = tpu.memref_slice %arg7[%add3A_1, %dma_wait3A_52] : memref<10240x128xf32, #tpu.memory_space<vmem_shared>> -> memref<128x128xf32, #tpu.memory_space<vmem_shared>>
      tpu.wait_dma2 semaphore(%run_scoped3A : memref<!tpu.dma_semaphore, #tpu.memory_space<semaphore_mem>>) src(%arg10 : memref<128x128xf32, #tpu.memory_space<vmem>>) dst(%dma_wait3A_53 : memref<128x128xf32, #tpu.memory_space<vmem_shared>>)
      tpu.yield
    }) : () -> ()
    %add3A_2 = arith.constant 128 : i32
    %add3A_3 = arith.addi %mul3A_0, %add3A_2 : i32
    "tpu.region"() ({
      %run_scoped3A = tpu.sem_alloc : memref<!tpu.dma_semaphore, #tpu.memory_space<semaphore_mem>>
      %dma_start3A = arith.constant 0 : i32
      %dma_start3A_48 = tpu.memref_slice %arg7[%add3A_3, %dma_start3A] : memref<10240x128xf32, #tpu.memory_space<vmem_shared>> -> memref<128x128xf32, #tpu.memory_space<vmem_shared>>
      %dma_start3A_49 = arith.constant 0 : i32
      %dma_start3A_50 = tpu.memref_slice %arg7[%add3A_3, %dma_start3A_49] : memref<10240x128xf32, #tpu.memory_space<vmem_shared>> -> memref<128x128xf32, #tpu.memory_space<vmem_shared>>
      tpu.enqueue_dma source(%arg10 : memref<128x128xf32, #tpu.memory_space<vmem>>) target(%dma_start3A_50 : memref<128x128xf32, #tpu.memory_space<vmem_shared>>) target_semaphore(%run_scoped3A : memref<!tpu.dma_semaphore, #tpu.memory_space<semaphore_mem>>)
      %dma_wait3A = arith.constant 0 : i32
      %dma_wait3A_51 = tpu.memref_slice %arg7[%add3A_3, %dma_wait3A] : memref<10240x128xf32, #tpu.memory_space<vmem_shared>> -> memref<128x128xf32, #tpu.memory_space<vmem_shared>>
      %dma_wait3A_52 = arith.constant 0 : i32
      %dma_wait3A_53 = tpu.memref_slice %arg7[%add3A_3, %dma_wait3A_52] : memref<10240x128xf32, #tpu.memory_space<vmem_shared>> -> memref<128x128xf32, #tpu.memory_space<vmem_shared>>
      tpu.wait_dma2 semaphore(%run_scoped3A : memref<!tpu.dma_semaphore, #tpu.memory_space<semaphore_mem>>) src(%arg10 : memref<128x128xf32, #tpu.memory_space<vmem>>) dst(%dma_wait3A_53 : memref<128x128xf32, #tpu.memory_space<vmem_shared>>)
      tpu.yield
    }) : () -> ()
    %add3A_4 = arith.constant 256 : i32
    %add3A_5 = arith.addi %mul3A_0, %add3A_4 : i32
    "tpu.region"() ({
      %run_scoped3A = tpu.sem_alloc : memref<!tpu.dma_semaphore, #tpu.memory_space<semaphore_mem>>
      %dma_start3A = arith.constant 0 : i32
      %dma_start3A_48 = tpu.memref_slice %arg7[%add3A_5, %dma_start3A] : memref<10240x128xf32, #tpu.memory_space<vmem_shared>> -> memref<128x128xf32, #tpu.memory_space<vmem_shared>>
      %dma_start3A_49 = arith.constant 0 : i32
      %dma_start3A_50 = tpu.memref_slice %arg7[%add3A_5, %dma_start3A_49] : memref<10240x128xf32, #tpu.memory_space<vmem_shared>> -> memref<128x128xf32, #tpu.memory_space<vmem_shared>>
      tpu.enqueue_dma source(%arg10 : memref<128x128xf32, #tpu.memory_space<vmem>>) target(%dma_start3A_50 : memref<128x128xf32, #tpu.memory_space<vmem_shared>>) target_semaphore(%run_scoped3A : memref<!tpu.dma_semaphore, #tpu.memory_space<semaphore_mem>>)
      %dma_wait3A = arith.constant 0 : i32
      %dma_wait3A_51 = tpu.memref_slice %arg7[%add3A_5, %dma_wait3A] : memref<10240x128xf32, #tpu.memory_space<vmem_shared>> -> memref<128x128xf32, #tpu.memory_space<vmem_shared>>
      %dma_wait3A_52 = arith.constant 0 : i32
      %dma_wait3A_53 = tpu.memref_slice %arg7[%add3A_5, %dma_wait3A_52] : memref<10240x128xf32, #tpu.memory_space<vmem_shared>> -> memref<128x128xf32, #tpu.memory_space<vmem_shared>>
      tpu.wait_dma2 semaphore(%run_scoped3A : memref<!tpu.dma_semaphore, #tpu.memory_space<semaphore_mem>>) src(%arg10 : memref<128x128xf32, #tpu.memory_space<vmem>>) dst(%dma_wait3A_53 : memref<128x128xf32, #tpu.memory_space<vmem_shared>>)
      tpu.yield
    }) : () -> ()
    %add3A_6 = arith.constant 384 : i32
    %add3A_7 = arith.addi %mul3A_0, %add3A_6 : i32
    "tpu.region"() ({
      %run_scoped3A = tpu.sem_alloc : memref<!tpu.dma_semaphore, #tpu.memory_space<semaphore_mem>>
      %dma_start3A = arith.constant 0 : i32
      %dma_start3A_48 = tpu.memref_slice %arg7[%add3A_7, %dma_start3A] : memref<10240x128xf32, #tpu.memory_space<vmem_shared>> -> memref<128x128xf32, #tpu.memory_space<vmem_shared>>
      %dma_start3A_49 = arith.constant 0 : i32
      %dma_start3A_50 = tpu.memref_slice %arg7[%add3A_7, %dma_start3A_49] : memref<10240x128xf32, #tpu.memory_space<vmem_shared>> -> memref<128x128xf32, #tpu.memory_space<vmem_shared>>
      tpu.enqueue_dma source(%arg10 : memref<128x128xf32, #tpu.memory_space<vmem>>) target(%dma_start3A_50 : memref<128x128xf32, #tpu.memory_space<vmem_shared>>) target_semaphore(%run_scoped3A : memref<!tpu.dma_semaphore, #tpu.memory_space<semaphore_mem>>)
      %dma_wait3A = arith.constant 0 : i32
      %dma_wait3A_51 = tpu.memref_slice %arg7[%add3A_7, %dma_wait3A] : memref<10240x128xf32, #tpu.memory_space<vmem_shared>> -> memref<128x128xf32, #tpu.memory_space<vmem_shared>>
      %dma_wait3A_52 = arith.constant 0 : i32
      %dma_wait3A_53 = tpu.memref_slice %arg7[%add3A_7, %dma_wait3A_52] : memref<10240x128xf32, #tpu.memory_space<vmem_shared>> -> memref<128x128xf32, #tpu.memory_space<vmem_shared>>
      tpu.wait_dma2 semaphore(%run_scoped3A : memref<!tpu.dma_semaphore, #tpu.memory_space<semaphore_mem>>) src(%arg10 : memref<128x128xf32, #tpu.memory_space<vmem>>) dst(%dma_wait3A_53 : memref<128x128xf32, #tpu.memory_space<vmem_shared>>)
      tpu.yield
    }) : () -> ()
    %add3A_8 = arith.constant 512 : i32
    %add3A_9 = arith.addi %mul3A_0, %add3A_8 : i32
    "tpu.region"() ({
      %run_scoped3A = tpu.sem_alloc : memref<!tpu.dma_semaphore, #tpu.memory_space<semaphore_mem>>
      %dma_start3A = arith.constant 0 : i32
      %dma_start3A_48 = tpu.memref_slice %arg7[%add3A_9, %dma_start3A] : memref<10240x128xf32, #tpu.memory_space<vmem_shared>> -> memref<128x128xf32, #tpu.memory_space<vmem_shared>>
      %dma_start3A_49 = arith.constant 0 : i32
      %dma_start3A_50 = tpu.memref_slice %arg7[%add3A_9, %dma_start3A_49] : memref<10240x128xf32, #tpu.memory_space<vmem_shared>> -> memref<128x128xf32, #tpu.memory_space<vmem_shared>>
      tpu.enqueue_dma source(%arg10 : memref<128x128xf32, #tpu.memory_space<vmem>>) target(%dma_start3A_50 : memref<128x128xf32, #tpu.memory_space<vmem_shared>>) target_semaphore(%run_scoped3A : memref<!tpu.dma_semaphore, #tpu.memory_space<semaphore_mem>>)
      %dma_wait3A = arith.constant 0 : i32
      %dma_wait3A_51 = tpu.memref_slice %arg7[%add3A_9, %dma_wait3A] : memref<10240x128xf32, #tpu.memory_space<vmem_shared>> -> memref<128x128xf32, #tpu.memory_space<vmem_shared>>
      %dma_wait3A_52 = arith.constant 0 : i32
      %dma_wait3A_53 = tpu.memref_slice %arg7[%add3A_9, %dma_wait3A_52] : memref<10240x128xf32, #tpu.memory_space<vmem_shared>> -> memref<128x128xf32, #tpu.memory_space<vmem_shared>>
      tpu.wait_dma2 semaphore(%run_scoped3A : memref<!tpu.dma_semaphore, #tpu.memory_space<semaphore_mem>>) src(%arg10 : memref<128x128xf32, #tpu.memory_space<vmem>>) dst(%dma_wait3A_53 : memref<128x128xf32, #tpu.memory_space<vmem_shared>>)
      tpu.yield
    }) : () -> ()
    %barrier3A = arith.constant 0 : index
    tpu.barrier barrier_id(%barrier3A)
    %eq3A = arith.constant 0 : i32
    %eq3A_10 = arith.cmpi eq, %arg0, %eq3A : i32
    %mul3A_11 = arith.constant 120 : i32
    %mul3A_12 = arith.muli %arg1, %mul3A_11 : i32
    %mul3A_13 = arith.constant 40 : i32
    %mul3A_14 = arith.muli %arg1, %mul3A_13 : i32
    %add3A_15 = arith.constant 1920 : i32
    %add3A_16 = arith.addi %add3A_15, %mul3A_14 : i32
    %select_n3A = arith.select %eq3A_10, %mul3A_12, %add3A_16 : i32
    %eq3A_17 = arith.constant 0 : i32
    %eq3A_18 = arith.cmpi eq, %arg0, %eq3A_17 : i32
    %jit3A = arith.constant 3 : i32
    %jit3A_19 = arith.constant 1 : i32
    %select_n3A_20 = arith.select %eq3A_18, %jit3A, %jit3A_19 : i32
    %sub3A = arith.constant 0 : i32
    %sub3A_21 = arith.subi %select_n3A_20, %sub3A : i32
    %sub3A_22 = arith.constant 1 : i32
    %sub3A_23 = arith.constant 1 : i32
    %sub3A_24 = arith.subi %sub3A_22, %sub3A_23 : i32
    %add3A_25 = arith.addi %sub3A_21, %sub3A_24 : i32
    %div3A = arith.constant 1 : i32
    %div3A_26 = arith.divsi %add3A_25, %div3A : i32
    %while3A = arith.constant 1 : i32
    %while3A_27 = arith.constant 0 : i32
    %while3A_28 = arith.constant 0 : i32
    %while3A_29 = arith.subi %div3A_26, %while3A_28 : i32
    %while3A_30 = arith.addi %while3A_28, %while3A_29 : i32
    %while3A_31 = arith.constant 1 : i32
    %while3A_32 = arith.divsi %while3A_29, %while3A_31 : i32
    %while3A_33 = arith.muli %while3A_32, %while3A_31 : i32
    %while3A_34 = arith.addi %while3A_28, %while3A_33 : i32
    %while3A_35 = arith.constant 1 : i32
    scf.for %while3A_48 = %while3A_28 to %while3A_34 step %while3A_35  : i32 {
      %mul3A_49 = arith.muli %while3A_48, %while3A : i32
      %add3A_50 = arith.addi %while3A_27, %mul3A_49 : i32
      %mul3A_51 = arith.constant 40 : i32
      %mul3A_52 = arith.muli %add3A_50, %mul3A_51 : i32
      %add3A_53 = arith.addi %select_n3A, %mul3A_52 : i32
      %multiple_of3A = tpu.assume_multiple %add3A_53, 8 : i32
      "tpu.region"() ({
        %run_scoped3A = tpu.sem_alloc : memref<!tpu.dma_semaphore, #tpu.memory_space<semaphore_mem>>
        %dma_start3A_64 = arith.constant 0 : i32
        %dma_start3A_65 = tpu.memref_slice %arg3[%multiple_of3A, %dma_start3A_64] : memref<2560x128xi32, #tpu.memory_space<hbm>> -> memref<40x128xi32, #tpu.memory_space<hbm>>
        %dma_start3A_66 = arith.constant 0 : i32
        %dma_start3A_67 = tpu.memref_slice %arg3[%multiple_of3A, %dma_start3A_66] : memref<2560x128xi32, #tpu.memory_space<hbm>> -> memref<40x128xi32, #tpu.memory_space<hbm>>
        tpu.enqueue_dma source(%dma_start3A_67 : memref<40x128xi32, #tpu.memory_space<hbm>>) target(%arg8 : memref<40x128xi32, #tpu.memory_space<vmem>>) target_semaphore(%run_scoped3A : memref<!tpu.dma_semaphore, #tpu.memory_space<semaphore_mem>>)
        %dma_wait3A = arith.constant 0 : i32
        %dma_wait3A_68 = tpu.memref_slice %arg3[%multiple_of3A, %dma_wait3A] : memref<2560x128xi32, #tpu.memory_space<hbm>> -> memref<40x128xi32, #tpu.memory_space<hbm>>
        %dma_wait3A_69 = arith.constant 0 : i32
        %dma_wait3A_70 = tpu.memref_slice %arg3[%multiple_of3A, %dma_wait3A_69] : memref<2560x128xi32, #tpu.memory_space<hbm>> -> memref<40x128xi32, #tpu.memory_space<hbm>>
        tpu.wait_dma2 semaphore(%run_scoped3A : memref<!tpu.dma_semaphore, #tpu.memory_space<semaphore_mem>>) src(%dma_wait3A_70 : memref<40x128xi32, #tpu.memory_space<hbm>>) dst(%arg8 : memref<40x128xi32, #tpu.memory_space<vmem>>)
        tpu.yield
      }) : () -> ()
      "tpu.region"() ({
        %run_scoped3A = tpu.sem_alloc : memref<!tpu.dma_semaphore, #tpu.memory_space<semaphore_mem>>
        %dma_start3A_64 = arith.constant 0 : i32
        %dma_start3A_65 = tpu.memref_slice %arg4[%multiple_of3A, %dma_start3A_64] : memref<2560x128xi32, #tpu.memory_space<hbm>> -> memref<40x128xi32, #tpu.memory_space<hbm>>
        %dma_start3A_66 = arith.constant 0 : i32
        %dma_start3A_67 = tpu.memref_slice %arg4[%multiple_of3A, %dma_start3A_66] : memref<2560x128xi32, #tpu.memory_space<hbm>> -> memref<40x128xi32, #tpu.memory_space<hbm>>
        tpu.enqueue_dma source(%dma_start3A_67 : memref<40x128xi32, #tpu.memory_space<hbm>>) target(%arg9 : memref<40x128xi32, #tpu.memory_space<vmem>>) target_semaphore(%run_scoped3A : memref<!tpu.dma_semaphore, #tpu.memory_space<semaphore_mem>>)
        %dma_wait3A = arith.constant 0 : i32
        %dma_wait3A_68 = tpu.memref_slice %arg4[%multiple_of3A, %dma_wait3A] : memref<2560x128xi32, #tpu.memory_space<hbm>> -> memref<40x128xi32, #tpu.memory_space<hbm>>
        %dma_wait3A_69 = arith.constant 0 : i32
        %dma_wait3A_70 = tpu.memref_slice %arg4[%multiple_of3A, %dma_wait3A_69] : memref<2560x128xi32, #tpu.memory_space<hbm>> -> memref<40x128xi32, #tpu.memory_space<hbm>>
        tpu.wait_dma2 semaphore(%run_scoped3A : memref<!tpu.dma_semaphore, #tpu.memory_space<semaphore_mem>>) src(%dma_wait3A_70 : memref<40x128xi32, #tpu.memory_space<hbm>>) dst(%arg9 : memref<40x128xi32, #tpu.memory_space<vmem>>)
        tpu.yield
      }) : () -> ()
      %dma_start3A = arith.constant 0 : i32
      %dma_start3A_54 = arith.constant 0 : i32
      %dma_start3A_55 = tpu.memref_slice %arg8[%dma_start3A, %dma_start3A_54] : memref<40x128xi32, #tpu.memory_space<vmem>> -> memref<1x128xi32, #tpu.memory_space<vmem>>
      %dma_start3A_56 = tpu.memref_squeeze %dma_start3A_55 : memref<1x128xi32, #tpu.memory_space<vmem>> -> memref<128xi32, #tpu.memory_space<vmem>>
      %dma_start3A_57 = arith.constant 0 : i32
      %dma_start3A_58 = arith.constant 0 : i32
      %dma_start3A_59 = tpu.memref_slice %arg2[%dma_start3A_57, %dma_start3A_58] : memref<10240x128xf32, #tpu.memory_space<hbm>> -> memref<10240x128xf32, #tpu.memory_space<hbm>>
      tpu.enqueue_indirect_dma source(%dma_start3A_59 : memref<10240x128xf32, #tpu.memory_space<hbm>>) target(%arg10 : memref<128x128xf32, #tpu.memory_space<vmem>>) offsets(%dma_start3A_56 : memref<128xi32, #tpu.memory_space<vmem>>) semaphore(%arg12 : memref<!tpu.dma_semaphore, #tpu.memory_space<semaphore_mem>>)
      %scan3A = arith.constant 0 : i32
      %scan3A_60 = arith.constant 20 : i32
      %scan3A_61 = arith.addi %scan3A, %scan3A_60 : i32
      %scan3A_62 = arith.constant 1 : i32
      scf.for %scan3A_64 = %scan3A to %scan3A_61 step %scan3A_62  : i32 {
        %mul3A_65 = arith.constant 2 : i32
        %mul3A_66 = arith.muli %scan3A_64, %mul3A_65 : i32
        %add3A_67 = arith.constant 0 : i32
        %add3A_68 = arith.addi %add3A_67, %mul3A_66 : i32
        %add3A_69 = arith.constant 1 : i32
        %add3A_70 = arith.addi %add3A_68, %add3A_69 : i32
        %dma_start3A_71 = arith.constant 0 : i32
        %dma_start3A_72 = tpu.memref_slice %arg8[%add3A_70, %dma_start3A_71] : memref<40x128xi32, #tpu.memory_space<vmem>> -> memref<1x128xi32, #tpu.memory_space<vmem>>
        %dma_start3A_73 = tpu.memref_squeeze %dma_start3A_72 : memref<1x128xi32, #tpu.memory_space<vmem>> -> memref<128xi32, #tpu.memory_space<vmem>>
        %dma_start3A_74 = arith.constant 0 : i32
        %dma_start3A_75 = arith.constant 0 : i32
        %dma_start3A_76 = tpu.memref_slice %arg2[%dma_start3A_74, %dma_start3A_75] : memref<10240x128xf32, #tpu.memory_space<hbm>> -> memref<10240x128xf32, #tpu.memory_space<hbm>>
        tpu.enqueue_indirect_dma source(%dma_start3A_76 : memref<10240x128xf32, #tpu.memory_space<hbm>>) target(%arg11 : memref<128x128xf32, #tpu.memory_space<vmem>>) offsets(%dma_start3A_73 : memref<128xi32, #tpu.memory_space<vmem>>) semaphore(%arg13 : memref<!tpu.dma_semaphore, #tpu.memory_space<semaphore_mem>>)
        %dma_wait3A = arith.constant 0 : i32
        %dma_wait3A_77 = tpu.memref_slice %arg8[%add3A_68, %dma_wait3A] : memref<40x128xi32, #tpu.memory_space<vmem>> -> memref<1x128xi32, #tpu.memory_space<vmem>>
        %dma_wait3A_78 = tpu.memref_squeeze %dma_wait3A_77 : memref<1x128xi32, #tpu.memory_space<vmem>> -> memref<128xi32, #tpu.memory_space<vmem>>
        %dma_wait3A_79 = arith.constant 0 : i32
        %dma_wait3A_80 = arith.constant 0 : i32
        %dma_wait3A_81 = tpu.memref_slice %arg2[%dma_wait3A_79, %dma_wait3A_80] : memref<10240x128xf32, #tpu.memory_space<hbm>> -> memref<10240x128xf32, #tpu.memory_space<hbm>>
        tpu.wait_indirect_dma semaphore(%arg12 : memref<!tpu.dma_semaphore, #tpu.memory_space<semaphore_mem>>) src(%dma_wait3A_81 : memref<10240x128xf32, #tpu.memory_space<hbm>>) dst(%arg10 : memref<128x128xf32, #tpu.memory_space<vmem>>)
        "tpu.region"() ({
          %run_scoped3A = tpu.sem_alloc : memref<!tpu.dma_semaphore, #tpu.memory_space<semaphore_mem>>
          %dma_start3A_94 = arith.constant 0 : i32
          %dma_start3A_95 = tpu.memref_slice %arg9[%add3A_68, %dma_start3A_94] : memref<40x128xi32, #tpu.memory_space<vmem>> -> memref<1x128xi32, #tpu.memory_space<vmem>>
          %dma_start3A_96 = tpu.memref_squeeze %dma_start3A_95 : memref<1x128xi32, #tpu.memory_space<vmem>> -> memref<128xi32, #tpu.memory_space<vmem>>
          %dma_start3A_97 = arith.constant 0 : i32
          %dma_start3A_98 = arith.constant 0 : i32
          %dma_start3A_99 = tpu.memref_slice %arg7[%dma_start3A_97, %dma_start3A_98] : memref<10240x128xf32, #tpu.memory_space<vmem_shared>> -> memref<10240x128xf32, #tpu.memory_space<vmem_shared>>
          tpu.enqueue_indirect_dma source(%arg10 : memref<128x128xf32, #tpu.memory_space<vmem>>) target(%dma_start3A_99 : memref<10240x128xf32, #tpu.memory_space<vmem_shared>>) offsets(%dma_start3A_96 : memref<128xi32, #tpu.memory_space<vmem>>) semaphore(%run_scoped3A : memref<!tpu.dma_semaphore, #tpu.memory_space<semaphore_mem>>) {add = true}
          %dma_wait3A_100 = arith.constant 0 : i32
          %dma_wait3A_101 = tpu.memref_slice %arg9[%add3A_68, %dma_wait3A_100] : memref<40x128xi32, #tpu.memory_space<vmem>> -> memref<1x128xi32, #tpu.memory_space<vmem>>
          %dma_wait3A_102 = tpu.memref_squeeze %dma_wait3A_101 : memref<1x128xi32, #tpu.memory_space<vmem>> -> memref<128xi32, #tpu.memory_space<vmem>>
          %dma_wait3A_103 = arith.constant 0 : i32
          %dma_wait3A_104 = arith.constant 0 : i32
          %dma_wait3A_105 = tpu.memref_slice %arg7[%dma_wait3A_103, %dma_wait3A_104] : memref<10240x128xf32, #tpu.memory_space<vmem_shared>> -> memref<10240x128xf32, #tpu.memory_space<vmem_shared>>
          tpu.wait_indirect_dma semaphore(%run_scoped3A : memref<!tpu.dma_semaphore, #tpu.memory_space<semaphore_mem>>) src(%arg10 : memref<128x128xf32, #tpu.memory_space<vmem>>) dst(%dma_wait3A_105 : memref<10240x128xf32, #tpu.memory_space<vmem_shared>>)
          tpu.yield
        }) : () -> ()
        %add3A_82 = arith.constant 2 : i32
        %add3A_83 = arith.addi %add3A_68, %add3A_82 : i32
        %lt3A = arith.constant 40 : i32
        %lt3A_84 = arith.cmpi slt, %add3A_83, %lt3A : i32
        %convert_element_type3A = arith.extui %lt3A_84 : i1 to i32
        %cond3A = arith.constant 0 : i32
        %cond3A_85 = arith.cmpi ne, %convert_element_type3A, %cond3A : i32
        scf.if %cond3A_85 {
          %add3A_94 = arith.constant 2 : i32
          %add3A_95 = arith.addi %add3A_68, %add3A_94 : i32
          %dma_start3A_96 = arith.constant 0 : i32
          %dma_start3A_97 = tpu.memref_slice %arg8[%add3A_95, %dma_start3A_96] : memref<40x128xi32, #tpu.memory_space<vmem>> -> memref<1x128xi32, #tpu.memory_space<vmem>>
          %dma_start3A_98 = tpu.memref_squeeze %dma_start3A_97 : memref<1x128xi32, #tpu.memory_space<vmem>> -> memref<128xi32, #tpu.memory_space<vmem>>
          %dma_start3A_99 = arith.constant 0 : i32
          %dma_start3A_100 = arith.constant 0 : i32
          %dma_start3A_101 = tpu.memref_slice %arg2[%dma_start3A_99, %dma_start3A_100] : memref<10240x128xf32, #tpu.memory_space<hbm>> -> memref<10240x128xf32, #tpu.memory_space<hbm>>
          tpu.enqueue_indirect_dma source(%dma_start3A_101 : memref<10240x128xf32, #tpu.memory_space<hbm>>) target(%arg10 : memref<128x128xf32, #tpu.memory_space<vmem>>) offsets(%dma_start3A_98 : memref<128xi32, #tpu.memory_space<vmem>>) semaphore(%arg12 : memref<!tpu.dma_semaphore, #tpu.memory_space<semaphore_mem>>)
        } else {
        }
        %dma_wait3A_86 = arith.constant 0 : i32
        %dma_wait3A_87 = tpu.memref_slice %arg8[%add3A_68, %dma_wait3A_86] : memref<40x128xi32, #tpu.memory_space<vmem>> -> memref<1x128xi32, #tpu.memory_space<vmem>>
        %dma_wait3A_88 = tpu.memref_squeeze %dma_wait3A_87 : memref<1x128xi32, #tpu.memory_space<vmem>> -> memref<128xi32, #tpu.memory_space<vmem>>
        %dma_wait3A_89 = arith.constant 0 : i32
        %dma_wait3A_90 = arith.constant 0 : i32
        %dma_wait3A_91 = tpu.memref_slice %arg2[%dma_wait3A_89, %dma_wait3A_90] : memref<10240x128xf32, #tpu.memory_space<hbm>> -> memref<10240x128xf32, #tpu.memory_space<hbm>>
        tpu.wait_indirect_dma semaphore(%arg13 : memref<!tpu.dma_semaphore, #tpu.memory_space<semaphore_mem>>) src(%dma_wait3A_91 : memref<10240x128xf32, #tpu.memory_space<hbm>>) dst(%arg11 : memref<128x128xf32, #tpu.memory_space<vmem>>)
        %add3A_92 = arith.constant 1 : i32
        %add3A_93 = arith.addi %add3A_68, %add3A_92 : i32
        "tpu.region"() ({
          %run_scoped3A = tpu.sem_alloc : memref<!tpu.dma_semaphore, #tpu.memory_space<semaphore_mem>>
          %dma_start3A_94 = arith.constant 0 : i32
          %dma_start3A_95 = tpu.memref_slice %arg9[%add3A_93, %dma_start3A_94] : memref<40x128xi32, #tpu.memory_space<vmem>> -> memref<1x128xi32, #tpu.memory_space<vmem>>
          %dma_start3A_96 = tpu.memref_squeeze %dma_start3A_95 : memref<1x128xi32, #tpu.memory_space<vmem>> -> memref<128xi32, #tpu.memory_space<vmem>>
          %dma_start3A_97 = arith.constant 0 : i32
          %dma_start3A_98 = arith.constant 0 : i32
          %dma_start3A_99 = tpu.memref_slice %arg7[%dma_start3A_97, %dma_start3A_98] : memref<10240x128xf32, #tpu.memory_space<vmem_shared>> -> memref<10240x128xf32, #tpu.memory_space<vmem_shared>>
          tpu.enqueue_indirect_dma source(%arg11 : memref<128x128xf32, #tpu.memory_space<vmem>>) target(%dma_start3A_99 : memref<10240x128xf32, #tpu.memory_space<vmem_shared>>) offsets(%dma_start3A_96 : memref<128xi32, #tpu.memory_space<vmem>>) semaphore(%run_scoped3A : memref<!tpu.dma_semaphore, #tpu.memory_space<semaphore_mem>>) {add = true}
          %dma_wait3A_100 = arith.constant 0 : i32
          %dma_wait3A_101 = tpu.memref_slice %arg9[%add3A_93, %dma_wait3A_100] : memref<40x128xi32, #tpu.memory_space<vmem>> -> memref<1x128xi32, #tpu.memory_space<vmem>>
          %dma_wait3A_102 = tpu.memref_squeeze %dma_wait3A_101 : memref<1x128xi32, #tpu.memory_space<vmem>> -> memref<128xi32, #tpu.memory_space<vmem>>
          %dma_wait3A_103 = arith.constant 0 : i32
          %dma_wait3A_104 = arith.constant 0 : i32
          %dma_wait3A_105 = tpu.memref_slice %arg7[%dma_wait3A_103, %dma_wait3A_104] : memref<10240x128xf32, #tpu.memory_space<vmem_shared>> -> memref<10240x128xf32, #tpu.memory_space<vmem_shared>>
          tpu.wait_indirect_dma semaphore(%run_scoped3A : memref<!tpu.dma_semaphore, #tpu.memory_space<semaphore_mem>>) src(%arg11 : memref<128x128xf32, #tpu.memory_space<vmem>>) dst(%dma_wait3A_105 : memref<10240x128xf32, #tpu.memory_space<vmem_shared>>)
          tpu.yield
        }) : () -> ()
      }
      %scan3A_63 = arith.constant 20 : i32
    }
    %while3A_36 = arith.constant 1 : i32
    scf.for %while3A_48 = %while3A_34 to %while3A_30 step %while3A_36  : i32 {
      %mul3A_49 = arith.muli %while3A_48, %while3A : i32
      %add3A_50 = arith.addi %while3A_27, %mul3A_49 : i32
      %mul3A_51 = arith.constant 40 : i32
      %mul3A_52 = arith.muli %add3A_50, %mul3A_51 : i32
      %add3A_53 = arith.addi %select_n3A, %mul3A_52 : i32
      %multiple_of3A = tpu.assume_multiple %add3A_53, 8 : i32
      "tpu.region"() ({
        %run_scoped3A = tpu.sem_alloc : memref<!tpu.dma_semaphore, #tpu.memory_space<semaphore_mem>>
        %dma_start3A_64 = arith.constant 0 : i32
        %dma_start3A_65 = tpu.memref_slice %arg3[%multiple_of3A, %dma_start3A_64] : memref<2560x128xi32, #tpu.memory_space<hbm>> -> memref<40x128xi32, #tpu.memory_space<hbm>>
        %dma_start3A_66 = arith.constant 0 : i32
        %dma_start3A_67 = tpu.memref_slice %arg3[%multiple_of3A, %dma_start3A_66] : memref<2560x128xi32, #tpu.memory_space<hbm>> -> memref<40x128xi32, #tpu.memory_space<hbm>>
        tpu.enqueue_dma source(%dma_start3A_67 : memref<40x128xi32, #tpu.memory_space<hbm>>) target(%arg8 : memref<40x128xi32, #tpu.memory_space<vmem>>) target_semaphore(%run_scoped3A : memref<!tpu.dma_semaphore, #tpu.memory_space<semaphore_mem>>)
        %dma_wait3A = arith.constant 0 : i32
        %dma_wait3A_68 = tpu.memref_slice %arg3[%multiple_of3A, %dma_wait3A] : memref<2560x128xi32, #tpu.memory_space<hbm>> -> memref<40x128xi32, #tpu.memory_space<hbm>>
        %dma_wait3A_69 = arith.constant 0 : i32
        %dma_wait3A_70 = tpu.memref_slice %arg3[%multiple_of3A, %dma_wait3A_69] : memref<2560x128xi32, #tpu.memory_space<hbm>> -> memref<40x128xi32, #tpu.memory_space<hbm>>
        tpu.wait_dma2 semaphore(%run_scoped3A : memref<!tpu.dma_semaphore, #tpu.memory_space<semaphore_mem>>) src(%dma_wait3A_70 : memref<40x128xi32, #tpu.memory_space<hbm>>) dst(%arg8 : memref<40x128xi32, #tpu.memory_space<vmem>>)
        tpu.yield
      }) : () -> ()
      "tpu.region"() ({
        %run_scoped3A = tpu.sem_alloc : memref<!tpu.dma_semaphore, #tpu.memory_space<semaphore_mem>>
        %dma_start3A_64 = arith.constant 0 : i32
        %dma_start3A_65 = tpu.memref_slice %arg4[%multiple_of3A, %dma_start3A_64] : memref<2560x128xi32, #tpu.memory_space<hbm>> -> memref<40x128xi32, #tpu.memory_space<hbm>>
        %dma_start3A_66 = arith.constant 0 : i32
        %dma_start3A_67 = tpu.memref_slice %arg4[%multiple_of3A, %dma_start3A_66] : memref<2560x128xi32, #tpu.memory_space<hbm>> -> memref<40x128xi32, #tpu.memory_space<hbm>>
        tpu.enqueue_dma source(%dma_start3A_67 : memref<40x128xi32, #tpu.memory_space<hbm>>) target(%arg9 : memref<40x128xi32, #tpu.memory_space<vmem>>) target_semaphore(%run_scoped3A : memref<!tpu.dma_semaphore, #tpu.memory_space<semaphore_mem>>)
        %dma_wait3A = arith.constant 0 : i32
        %dma_wait3A_68 = tpu.memref_slice %arg4[%multiple_of3A, %dma_wait3A] : memref<2560x128xi32, #tpu.memory_space<hbm>> -> memref<40x128xi32, #tpu.memory_space<hbm>>
        %dma_wait3A_69 = arith.constant 0 : i32
        %dma_wait3A_70 = tpu.memref_slice %arg4[%multiple_of3A, %dma_wait3A_69] : memref<2560x128xi32, #tpu.memory_space<hbm>> -> memref<40x128xi32, #tpu.memory_space<hbm>>
        tpu.wait_dma2 semaphore(%run_scoped3A : memref<!tpu.dma_semaphore, #tpu.memory_space<semaphore_mem>>) src(%dma_wait3A_70 : memref<40x128xi32, #tpu.memory_space<hbm>>) dst(%arg9 : memref<40x128xi32, #tpu.memory_space<vmem>>)
        tpu.yield
      }) : () -> ()
      %dma_start3A = arith.constant 0 : i32
      %dma_start3A_54 = arith.constant 0 : i32
      %dma_start3A_55 = tpu.memref_slice %arg8[%dma_start3A, %dma_start3A_54] : memref<40x128xi32, #tpu.memory_space<vmem>> -> memref<1x128xi32, #tpu.memory_space<vmem>>
      %dma_start3A_56 = tpu.memref_squeeze %dma_start3A_55 : memref<1x128xi32, #tpu.memory_space<vmem>> -> memref<128xi32, #tpu.memory_space<vmem>>
      %dma_start3A_57 = arith.constant 0 : i32
      %dma_start3A_58 = arith.constant 0 : i32
      %dma_start3A_59 = tpu.memref_slice %arg2[%dma_start3A_57, %dma_start3A_58] : memref<10240x128xf32, #tpu.memory_space<hbm>> -> memref<10240x128xf32, #tpu.memory_space<hbm>>
      tpu.enqueue_indirect_dma source(%dma_start3A_59 : memref<10240x128xf32, #tpu.memory_space<hbm>>) target(%arg10 : memref<128x128xf32, #tpu.memory_space<vmem>>) offsets(%dma_start3A_56 : memref<128xi32, #tpu.memory_space<vmem>>) semaphore(%arg12 : memref<!tpu.dma_semaphore, #tpu.memory_space<semaphore_mem>>)
      %scan3A = arith.constant 0 : i32
      %scan3A_60 = arith.constant 20 : i32
      %scan3A_61 = arith.addi %scan3A, %scan3A_60 : i32
      %scan3A_62 = arith.constant 1 : i32
      scf.for %scan3A_64 = %scan3A to %scan3A_61 step %scan3A_62  : i32 {
        %mul3A_65 = arith.constant 2 : i32
        %mul3A_66 = arith.muli %scan3A_64, %mul3A_65 : i32
        %add3A_67 = arith.constant 0 : i32
        %add3A_68 = arith.addi %add3A_67, %mul3A_66 : i32
        %add3A_69 = arith.constant 1 : i32
        %add3A_70 = arith.addi %add3A_68, %add3A_69 : i32
        %dma_start3A_71 = arith.constant 0 : i32
        %dma_start3A_72 = tpu.memref_slice %arg8[%add3A_70, %dma_start3A_71] : memref<40x128xi32, #tpu.memory_space<vmem>> -> memref<1x128xi32, #tpu.memory_space<vmem>>
        %dma_start3A_73 = tpu.memref_squeeze %dma_start3A_72 : memref<1x128xi32, #tpu.memory_space<vmem>> -> memref<128xi32, #tpu.memory_space<vmem>>
        %dma_start3A_74 = arith.constant 0 : i32
        %dma_start3A_75 = arith.constant 0 : i32
        %dma_start3A_76 = tpu.memref_slice %arg2[%dma_start3A_74, %dma_start3A_75] : memref<10240x128xf32, #tpu.memory_space<hbm>> -> memref<10240x128xf32, #tpu.memory_space<hbm>>
        tpu.enqueue_indirect_dma source(%dma_start3A_76 : memref<10240x128xf32, #tpu.memory_space<hbm>>) target(%arg11 : memref<128x128xf32, #tpu.memory_space<vmem>>) offsets(%dma_start3A_73 : memref<128xi32, #tpu.memory_space<vmem>>) semaphore(%arg13 : memref<!tpu.dma_semaphore, #tpu.memory_space<semaphore_mem>>)
        %dma_wait3A = arith.constant 0 : i32
        %dma_wait3A_77 = tpu.memref_slice %arg8[%add3A_68, %dma_wait3A] : memref<40x128xi32, #tpu.memory_space<vmem>> -> memref<1x128xi32, #tpu.memory_space<vmem>>
        %dma_wait3A_78 = tpu.memref_squeeze %dma_wait3A_77 : memref<1x128xi32, #tpu.memory_space<vmem>> -> memref<128xi32, #tpu.memory_space<vmem>>
        %dma_wait3A_79 = arith.constant 0 : i32
        %dma_wait3A_80 = arith.constant 0 : i32
        %dma_wait3A_81 = tpu.memref_slice %arg2[%dma_wait3A_79, %dma_wait3A_80] : memref<10240x128xf32, #tpu.memory_space<hbm>> -> memref<10240x128xf32, #tpu.memory_space<hbm>>
        tpu.wait_indirect_dma semaphore(%arg12 : memref<!tpu.dma_semaphore, #tpu.memory_space<semaphore_mem>>) src(%dma_wait3A_81 : memref<10240x128xf32, #tpu.memory_space<hbm>>) dst(%arg10 : memref<128x128xf32, #tpu.memory_space<vmem>>)
        "tpu.region"() ({
          %run_scoped3A = tpu.sem_alloc : memref<!tpu.dma_semaphore, #tpu.memory_space<semaphore_mem>>
          %dma_start3A_94 = arith.constant 0 : i32
          %dma_start3A_95 = tpu.memref_slice %arg9[%add3A_68, %dma_start3A_94] : memref<40x128xi32, #tpu.memory_space<vmem>> -> memref<1x128xi32, #tpu.memory_space<vmem>>
          %dma_start3A_96 = tpu.memref_squeeze %dma_start3A_95 : memref<1x128xi32, #tpu.memory_space<vmem>> -> memref<128xi32, #tpu.memory_space<vmem>>
          %dma_start3A_97 = arith.constant 0 : i32
          %dma_start3A_98 = arith.constant 0 : i32
          %dma_start3A_99 = tpu.memref_slice %arg7[%dma_start3A_97, %dma_start3A_98] : memref<10240x128xf32, #tpu.memory_space<vmem_shared>> -> memref<10240x128xf32, #tpu.memory_space<vmem_shared>>
          tpu.enqueue_indirect_dma source(%arg10 : memref<128x128xf32, #tpu.memory_space<vmem>>) target(%dma_start3A_99 : memref<10240x128xf32, #tpu.memory_space<vmem_shared>>) offsets(%dma_start3A_96 : memref<128xi32, #tpu.memory_space<vmem>>) semaphore(%run_scoped3A : memref<!tpu.dma_semaphore, #tpu.memory_space<semaphore_mem>>) {add = true}
          %dma_wait3A_100 = arith.constant 0 : i32
          %dma_wait3A_101 = tpu.memref_slice %arg9[%add3A_68, %dma_wait3A_100] : memref<40x128xi32, #tpu.memory_space<vmem>> -> memref<1x128xi32, #tpu.memory_space<vmem>>
          %dma_wait3A_102 = tpu.memref_squeeze %dma_wait3A_101 : memref<1x128xi32, #tpu.memory_space<vmem>> -> memref<128xi32, #tpu.memory_space<vmem>>
          %dma_wait3A_103 = arith.constant 0 : i32
          %dma_wait3A_104 = arith.constant 0 : i32
          %dma_wait3A_105 = tpu.memref_slice %arg7[%dma_wait3A_103, %dma_wait3A_104] : memref<10240x128xf32, #tpu.memory_space<vmem_shared>> -> memref<10240x128xf32, #tpu.memory_space<vmem_shared>>
          tpu.wait_indirect_dma semaphore(%run_scoped3A : memref<!tpu.dma_semaphore, #tpu.memory_space<semaphore_mem>>) src(%arg10 : memref<128x128xf32, #tpu.memory_space<vmem>>) dst(%dma_wait3A_105 : memref<10240x128xf32, #tpu.memory_space<vmem_shared>>)
          tpu.yield
        }) : () -> ()
        %add3A_82 = arith.constant 2 : i32
        %add3A_83 = arith.addi %add3A_68, %add3A_82 : i32
        %lt3A = arith.constant 40 : i32
        %lt3A_84 = arith.cmpi slt, %add3A_83, %lt3A : i32
        %convert_element_type3A = arith.extui %lt3A_84 : i1 to i32
        %cond3A = arith.constant 0 : i32
        %cond3A_85 = arith.cmpi ne, %convert_element_type3A, %cond3A : i32
        scf.if %cond3A_85 {
          %add3A_94 = arith.constant 2 : i32
          %add3A_95 = arith.addi %add3A_68, %add3A_94 : i32
          %dma_start3A_96 = arith.constant 0 : i32
          %dma_start3A_97 = tpu.memref_slice %arg8[%add3A_95, %dma_start3A_96] : memref<40x128xi32, #tpu.memory_space<vmem>> -> memref<1x128xi32, #tpu.memory_space<vmem>>
          %dma_start3A_98 = tpu.memref_squeeze %dma_start3A_97 : memref<1x128xi32, #tpu.memory_space<vmem>> -> memref<128xi32, #tpu.memory_space<vmem>>
          %dma_start3A_99 = arith.constant 0 : i32
          %dma_start3A_100 = arith.constant 0 : i32
          %dma_start3A_101 = tpu.memref_slice %arg2[%dma_start3A_99, %dma_start3A_100] : memref<10240x128xf32, #tpu.memory_space<hbm>> -> memref<10240x128xf32, #tpu.memory_space<hbm>>
          tpu.enqueue_indirect_dma source(%dma_start3A_101 : memref<10240x128xf32, #tpu.memory_space<hbm>>) target(%arg10 : memref<128x128xf32, #tpu.memory_space<vmem>>) offsets(%dma_start3A_98 : memref<128xi32, #tpu.memory_space<vmem>>) semaphore(%arg12 : memref<!tpu.dma_semaphore, #tpu.memory_space<semaphore_mem>>)
        } else {
        }
        %dma_wait3A_86 = arith.constant 0 : i32
        %dma_wait3A_87 = tpu.memref_slice %arg8[%add3A_68, %dma_wait3A_86] : memref<40x128xi32, #tpu.memory_space<vmem>> -> memref<1x128xi32, #tpu.memory_space<vmem>>
        %dma_wait3A_88 = tpu.memref_squeeze %dma_wait3A_87 : memref<1x128xi32, #tpu.memory_space<vmem>> -> memref<128xi32, #tpu.memory_space<vmem>>
        %dma_wait3A_89 = arith.constant 0 : i32
        %dma_wait3A_90 = arith.constant 0 : i32
        %dma_wait3A_91 = tpu.memref_slice %arg2[%dma_wait3A_89, %dma_wait3A_90] : memref<10240x128xf32, #tpu.memory_space<hbm>> -> memref<10240x128xf32, #tpu.memory_space<hbm>>
        tpu.wait_indirect_dma semaphore(%arg13 : memref<!tpu.dma_semaphore, #tpu.memory_space<semaphore_mem>>) src(%dma_wait3A_91 : memref<10240x128xf32, #tpu.memory_space<hbm>>) dst(%arg11 : memref<128x128xf32, #tpu.memory_space<vmem>>)
        %add3A_92 = arith.constant 1 : i32
        %add3A_93 = arith.addi %add3A_68, %add3A_92 : i32
        "tpu.region"() ({
          %run_scoped3A = tpu.sem_alloc : memref<!tpu.dma_semaphore, #tpu.memory_space<semaphore_mem>>
          %dma_start3A_94 = arith.constant 0 : i32
          %dma_start3A_95 = tpu.memref_slice %arg9[%add3A_93, %dma_start3A_94] : memref<40x128xi32, #tpu.memory_space<vmem>> -> memref<1x128xi32, #tpu.memory_space<vmem>>
          %dma_start3A_96 = tpu.memref_squeeze %dma_start3A_95 : memref<1x128xi32, #tpu.memory_space<vmem>> -> memref<128xi32, #tpu.memory_space<vmem>>
          %dma_start3A_97 = arith.constant 0 : i32
          %dma_start3A_98 = arith.constant 0 : i32
          %dma_start3A_99 = tpu.memref_slice %arg7[%dma_start3A_97, %dma_start3A_98] : memref<10240x128xf32, #tpu.memory_space<vmem_shared>> -> memref<10240x128xf32, #tpu.memory_space<vmem_shared>>
          tpu.enqueue_indirect_dma source(%arg11 : memref<128x128xf32, #tpu.memory_space<vmem>>) target(%dma_start3A_99 : memref<10240x128xf32, #tpu.memory_space<vmem_shared>>) offsets(%dma_start3A_96 : memref<128xi32, #tpu.memory_space<vmem>>) semaphore(%run_scoped3A : memref<!tpu.dma_semaphore, #tpu.memory_space<semaphore_mem>>) {add = true}
          %dma_wait3A_100 = arith.constant 0 : i32
          %dma_wait3A_101 = tpu.memref_slice %arg9[%add3A_93, %dma_wait3A_100] : memref<40x128xi32, #tpu.memory_space<vmem>> -> memref<1x128xi32, #tpu.memory_space<vmem>>
          %dma_wait3A_102 = tpu.memref_squeeze %dma_wait3A_101 : memref<1x128xi32, #tpu.memory_space<vmem>> -> memref<128xi32, #tpu.memory_space<vmem>>
          %dma_wait3A_103 = arith.constant 0 : i32
          %dma_wait3A_104 = arith.constant 0 : i32
          %dma_wait3A_105 = tpu.memref_slice %arg7[%dma_wait3A_103, %dma_wait3A_104] : memref<10240x128xf32, #tpu.memory_space<vmem_shared>> -> memref<10240x128xf32, #tpu.memory_space<vmem_shared>>
          tpu.wait_indirect_dma semaphore(%run_scoped3A : memref<!tpu.dma_semaphore, #tpu.memory_space<semaphore_mem>>) src(%arg11 : memref<128x128xf32, #tpu.memory_space<vmem>>) dst(%dma_wait3A_105 : memref<10240x128xf32, #tpu.memory_space<vmem_shared>>)
          tpu.yield
        }) : () -> ()
      }
      %scan3A_63 = arith.constant 20 : i32
    }
    %barrier3A_37 = arith.constant 0 : index
    tpu.barrier barrier_id(%barrier3A_37)
    %add3A_38 = arith.constant 0 : i32
    %add3A_39 = arith.addi %mul3A_0, %add3A_38 : i32
    "tpu.region"() ({
      %run_scoped3A = tpu.sem_alloc : memref<!tpu.dma_semaphore, #tpu.memory_space<semaphore_mem>>
      %dma_start3A = arith.constant 0 : i32
      %dma_start3A_48 = tpu.memref_slice %arg6[%arg0, %add3A_39, %dma_start3A] : memref<2x10240x128xf32, #tpu.memory_space<hbm>> -> memref<1x128x128xf32, #tpu.memory_space<hbm>>
      %dma_start3A_49 = tpu.memref_squeeze %dma_start3A_48 : memref<1x128x128xf32, #tpu.memory_space<hbm>> -> memref<128x128xf32, #tpu.memory_space<hbm>>
      %dma_start3A_50 = arith.constant 0 : i32
      %dma_start3A_51 = tpu.memref_slice %arg7[%add3A_39, %dma_start3A_50] : memref<10240x128xf32, #tpu.memory_space<vmem_shared>> -> memref<128x128xf32, #tpu.memory_space<vmem_shared>>
      tpu.enqueue_dma source(%dma_start3A_51 : memref<128x128xf32, #tpu.memory_space<vmem_shared>>) target(%dma_start3A_49 : memref<128x128xf32, #tpu.memory_space<hbm>>) target_semaphore(%run_scoped3A : memref<!tpu.dma_semaphore, #tpu.memory_space<semaphore_mem>>)
      %dma_wait3A = arith.constant 0 : i32
      %dma_wait3A_52 = tpu.memref_slice %arg6[%arg0, %add3A_39, %dma_wait3A] : memref<2x10240x128xf32, #tpu.memory_space<hbm>> -> memref<1x128x128xf32, #tpu.memory_space<hbm>>
      %dma_wait3A_53 = tpu.memref_squeeze %dma_wait3A_52 : memref<1x128x128xf32, #tpu.memory_space<hbm>> -> memref<128x128xf32, #tpu.memory_space<hbm>>
      %dma_wait3A_54 = arith.constant 0 : i32
      %dma_wait3A_55 = tpu.memref_slice %arg7[%add3A_39, %dma_wait3A_54] : memref<10240x128xf32, #tpu.memory_space<vmem_shared>> -> memref<128x128xf32, #tpu.memory_space<vmem_shared>>
      tpu.wait_dma2 semaphore(%run_scoped3A : memref<!tpu.dma_semaphore, #tpu.memory_space<semaphore_mem>>) src(%dma_wait3A_55 : memref<128x128xf32, #tpu.memory_space<vmem_shared>>) dst(%dma_wait3A_53 : memref<128x128xf32, #tpu.memory_space<hbm>>)
      tpu.yield
    }) : () -> ()
    %add3A_40 = arith.constant 128 : i32
    %add3A_41 = arith.addi %mul3A_0, %add3A_40 : i32
    "tpu.region"() ({
      %run_scoped3A = tpu.sem_alloc : memref<!tpu.dma_semaphore, #tpu.memory_space<semaphore_mem>>
      %dma_start3A = arith.constant 0 : i32
      %dma_start3A_48 = tpu.memref_slice %arg6[%arg0, %add3A_41, %dma_start3A] : memref<2x10240x128xf32, #tpu.memory_space<hbm>> -> memref<1x128x128xf32, #tpu.memory_space<hbm>>
      %dma_start3A_49 = tpu.memref_squeeze %dma_start3A_48 : memref<1x128x128xf32, #tpu.memory_space<hbm>> -> memref<128x128xf32, #tpu.memory_space<hbm>>
      %dma_start3A_50 = arith.constant 0 : i32
      %dma_start3A_51 = tpu.memref_slice %arg7[%add3A_41, %dma_start3A_50] : memref<10240x128xf32, #tpu.memory_space<vmem_shared>> -> memref<128x128xf32, #tpu.memory_space<vmem_shared>>
      tpu.enqueue_dma source(%dma_start3A_51 : memref<128x128xf32, #tpu.memory_space<vmem_shared>>) target(%dma_start3A_49 : memref<128x128xf32, #tpu.memory_space<hbm>>) target_semaphore(%run_scoped3A : memref<!tpu.dma_semaphore, #tpu.memory_space<semaphore_mem>>)
      %dma_wait3A = arith.constant 0 : i32
      %dma_wait3A_52 = tpu.memref_slice %arg6[%arg0, %add3A_41, %dma_wait3A] : memref<2x10240x128xf32, #tpu.memory_space<hbm>> -> memref<1x128x128xf32, #tpu.memory_space<hbm>>
      %dma_wait3A_53 = tpu.memref_squeeze %dma_wait3A_52 : memref<1x128x128xf32, #tpu.memory_space<hbm>> -> memref<128x128xf32, #tpu.memory_space<hbm>>
      %dma_wait3A_54 = arith.constant 0 : i32
      %dma_wait3A_55 = tpu.memref_slice %arg7[%add3A_41, %dma_wait3A_54] : memref<10240x128xf32, #tpu.memory_space<vmem_shared>> -> memref<128x128xf32, #tpu.memory_space<vmem_shared>>
      tpu.wait_dma2 semaphore(%run_scoped3A : memref<!tpu.dma_semaphore, #tpu.memory_space<semaphore_mem>>) src(%dma_wait3A_55 : memref<128x128xf32, #tpu.memory_space<vmem_shared>>) dst(%dma_wait3A_53 : memref<128x128xf32, #tpu.memory_space<hbm>>)
      tpu.yield
    }) : () -> ()
    %add3A_42 = arith.constant 256 : i32
    %add3A_43 = arith.addi %mul3A_0, %add3A_42 : i32
    "tpu.region"() ({
      %run_scoped3A = tpu.sem_alloc : memref<!tpu.dma_semaphore, #tpu.memory_space<semaphore_mem>>
      %dma_start3A = arith.constant 0 : i32
      %dma_start3A_48 = tpu.memref_slice %arg6[%arg0, %add3A_43, %dma_start3A] : memref<2x10240x128xf32, #tpu.memory_space<hbm>> -> memref<1x128x128xf32, #tpu.memory_space<hbm>>
      %dma_start3A_49 = tpu.memref_squeeze %dma_start3A_48 : memref<1x128x128xf32, #tpu.memory_space<hbm>> -> memref<128x128xf32, #tpu.memory_space<hbm>>
      %dma_start3A_50 = arith.constant 0 : i32
      %dma_start3A_51 = tpu.memref_slice %arg7[%add3A_43, %dma_start3A_50] : memref<10240x128xf32, #tpu.memory_space<vmem_shared>> -> memref<128x128xf32, #tpu.memory_space<vmem_shared>>
      tpu.enqueue_dma source(%dma_start3A_51 : memref<128x128xf32, #tpu.memory_space<vmem_shared>>) target(%dma_start3A_49 : memref<128x128xf32, #tpu.memory_space<hbm>>) target_semaphore(%run_scoped3A : memref<!tpu.dma_semaphore, #tpu.memory_space<semaphore_mem>>)
      %dma_wait3A = arith.constant 0 : i32
      %dma_wait3A_52 = tpu.memref_slice %arg6[%arg0, %add3A_43, %dma_wait3A] : memref<2x10240x128xf32, #tpu.memory_space<hbm>> -> memref<1x128x128xf32, #tpu.memory_space<hbm>>
      %dma_wait3A_53 = tpu.memref_squeeze %dma_wait3A_52 : memref<1x128x128xf32, #tpu.memory_space<hbm>> -> memref<128x128xf32, #tpu.memory_space<hbm>>
      %dma_wait3A_54 = arith.constant 0 : i32
      %dma_wait3A_55 = tpu.memref_slice %arg7[%add3A_43, %dma_wait3A_54] : memref<10240x128xf32, #tpu.memory_space<vmem_shared>> -> memref<128x128xf32, #tpu.memory_space<vmem_shared>>
      tpu.wait_dma2 semaphore(%run_scoped3A : memref<!tpu.dma_semaphore, #tpu.memory_space<semaphore_mem>>) src(%dma_wait3A_55 : memref<128x128xf32, #tpu.memory_space<vmem_shared>>) dst(%dma_wait3A_53 : memref<128x128xf32, #tpu.memory_space<hbm>>)
      tpu.yield
    }) : () -> ()
    %add3A_44 = arith.constant 384 : i32
    %add3A_45 = arith.addi %mul3A_0, %add3A_44 : i32
    "tpu.region"() ({
      %run_scoped3A = tpu.sem_alloc : memref<!tpu.dma_semaphore, #tpu.memory_space<semaphore_mem>>
      %dma_start3A = arith.constant 0 : i32
      %dma_start3A_48 = tpu.memref_slice %arg6[%arg0, %add3A_45, %dma_start3A] : memref<2x10240x128xf32, #tpu.memory_space<hbm>> -> memref<1x128x128xf32, #tpu.memory_space<hbm>>
      %dma_start3A_49 = tpu.memref_squeeze %dma_start3A_48 : memref<1x128x128xf32, #tpu.memory_space<hbm>> -> memref<128x128xf32, #tpu.memory_space<hbm>>
      %dma_start3A_50 = arith.constant 0 : i32
      %dma_start3A_51 = tpu.memref_slice %arg7[%add3A_45, %dma_start3A_50] : memref<10240x128xf32, #tpu.memory_space<vmem_shared>> -> memref<128x128xf32, #tpu.memory_space<vmem_shared>>
      tpu.enqueue_dma source(%dma_start3A_51 : memref<128x128xf32, #tpu.memory_space<vmem_shared>>) target(%dma_start3A_49 : memref<128x128xf32, #tpu.memory_space<hbm>>) target_semaphore(%run_scoped3A : memref<!tpu.dma_semaphore, #tpu.memory_space<semaphore_mem>>)
      %dma_wait3A = arith.constant 0 : i32
      %dma_wait3A_52 = tpu.memref_slice %arg6[%arg0, %add3A_45, %dma_wait3A] : memref<2x10240x128xf32, #tpu.memory_space<hbm>> -> memref<1x128x128xf32, #tpu.memory_space<hbm>>
      %dma_wait3A_53 = tpu.memref_squeeze %dma_wait3A_52 : memref<1x128x128xf32, #tpu.memory_space<hbm>> -> memref<128x128xf32, #tpu.memory_space<hbm>>
      %dma_wait3A_54 = arith.constant 0 : i32
      %dma_wait3A_55 = tpu.memref_slice %arg7[%add3A_45, %dma_wait3A_54] : memref<10240x128xf32, #tpu.memory_space<vmem_shared>> -> memref<128x128xf32, #tpu.memory_space<vmem_shared>>
      tpu.wait_dma2 semaphore(%run_scoped3A : memref<!tpu.dma_semaphore, #tpu.memory_space<semaphore_mem>>) src(%dma_wait3A_55 : memref<128x128xf32, #tpu.memory_space<vmem_shared>>) dst(%dma_wait3A_53 : memref<128x128xf32, #tpu.memory_space<hbm>>)
      tpu.yield
    }) : () -> ()
    %add3A_46 = arith.constant 512 : i32
    %add3A_47 = arith.addi %mul3A_0, %add3A_46 : i32
    "tpu.region"() ({
      %run_scoped3A = tpu.sem_alloc : memref<!tpu.dma_semaphore, #tpu.memory_space<semaphore_mem>>
      %dma_start3A = arith.constant 0 : i32
      %dma_start3A_48 = tpu.memref_slice %arg6[%arg0, %add3A_47, %dma_start3A] : memref<2x10240x128xf32, #tpu.memory_space<hbm>> -> memref<1x128x128xf32, #tpu.memory_space<hbm>>
      %dma_start3A_49 = tpu.memref_squeeze %dma_start3A_48 : memref<1x128x128xf32, #tpu.memory_space<hbm>> -> memref<128x128xf32, #tpu.memory_space<hbm>>
      %dma_start3A_50 = arith.constant 0 : i32
      %dma_start3A_51 = tpu.memref_slice %arg7[%add3A_47, %dma_start3A_50] : memref<10240x128xf32, #tpu.memory_space<vmem_shared>> -> memref<128x128xf32, #tpu.memory_space<vmem_shared>>
      tpu.enqueue_dma source(%dma_start3A_51 : memref<128x128xf32, #tpu.memory_space<vmem_shared>>) target(%dma_start3A_49 : memref<128x128xf32, #tpu.memory_space<hbm>>) target_semaphore(%run_scoped3A : memref<!tpu.dma_semaphore, #tpu.memory_space<semaphore_mem>>)
      %dma_wait3A = arith.constant 0 : i32
      %dma_wait3A_52 = tpu.memref_slice %arg6[%arg0, %add3A_47, %dma_wait3A] : memref<2x10240x128xf32, #tpu.memory_space<hbm>> -> memref<1x128x128xf32, #tpu.memory_space<hbm>>
      %dma_wait3A_53 = tpu.memref_squeeze %dma_wait3A_52 : memref<1x128x128xf32, #tpu.memory_space<hbm>> -> memref<128x128xf32, #tpu.memory_space<hbm>>
      %dma_wait3A_54 = arith.constant 0 : i32
      %dma_wait3A_55 = tpu.memref_slice %arg7[%add3A_47, %dma_wait3A_54] : memref<10240x128xf32, #tpu.memory_space<vmem_shared>> -> memref<128x128xf32, #tpu.memory_space<vmem_shared>>
      tpu.wait_dma2 semaphore(%run_scoped3A : memref<!tpu.dma_semaphore, #tpu.memory_space<semaphore_mem>>) src(%dma_wait3A_55 : memref<128x128xf32, #tpu.memory_space<vmem_shared>>) dst(%dma_wait3A_53 : memref<128x128xf32, #tpu.memory_space<hbm>>)
      tpu.yield
    }) : () -> ()
    return
  }
}

#map = affine_map<(d0, d1) -> (0, 0)>
#map1 = affine_map<(d0, d1) -> (0, 0, 0)>
module attributes {stable_mosaic.version = 14 : i64} {
  func.func @k(%arg0: i32, %arg1: i32, %arg2: memref<2560x128xi32, #tpu.memory_space<hbm>>, %arg3: memref<2560x128xi32, #tpu.memory_space<hbm>>, %arg4: memref<128x128xf32, #tpu.memory_space<hbm>>, %arg5: memref<128x128xf32, #tpu.memory_space<hbm>>, %arg6: memref<2x10240x128xf32, #tpu.memory_space<hbm>>, %arg7: memref<10240x128xf32, #tpu.memory_space<vmem_shared>>, %arg8: memref<160x128xi32, #tpu.memory_space<vmem>>, %arg9: memref<128x128xf32, #tpu.memory_space<vmem>>) attributes {dimension_semantics = [#tpu.dimension_semantics<core_parallel>, #tpu.dimension_semantics<subcore_parallel>], iteration_bounds = array<i64: 2, 16>, scalar_prefetch = 0 : i64, scratch_operands = 3 : i64, tpu.core_type = #tpu.core_type<sc_vector_subcore>, window_params = [{transform_indices = #map}, {transform_indices = #map}, {transform_indices = #map}, {transform_indices = #map}, {transform_indices = #map1}]} {
    "tpu.region"() ({
      %run_scoped3A = tpu.sem_alloc : memref<!tpu.dma_semaphore, #tpu.memory_space<semaphore_mem>>
      tpu.enqueue_dma source(%arg5 : memref<128x128xf32, #tpu.memory_space<hbm>>) target(%arg9 : memref<128x128xf32, #tpu.memory_space<vmem>>) target_semaphore(%run_scoped3A : memref<!tpu.dma_semaphore, #tpu.memory_space<semaphore_mem>>)
      tpu.wait_dma2 semaphore(%run_scoped3A : memref<!tpu.dma_semaphore, #tpu.memory_space<semaphore_mem>>) src(%arg5 : memref<128x128xf32, #tpu.memory_space<hbm>>) dst(%arg9 : memref<128x128xf32, #tpu.memory_space<vmem>>)
      tpu.yield
    }) : () -> ()
    %mul3A = arith.constant 640 : i32
    %mul3A_0 = arith.muli %arg1, %mul3A : i32
    %add3A = arith.constant 0 : i32
    %add3A_1 = arith.addi %mul3A_0, %add3A : i32
    "tpu.region"() ({
      %run_scoped3A = tpu.sem_alloc : memref<!tpu.dma_semaphore, #tpu.memory_space<semaphore_mem>>
      %dma_start3A = arith.constant 0 : i32
      %dma_start3A_32 = tpu.memref_slice %arg7[%add3A_1, %dma_start3A] : memref<10240x128xf32, #tpu.memory_space<vmem_shared>> -> memref<128x128xf32, #tpu.memory_space<vmem_shared>>
      %dma_start3A_33 = arith.constant 0 : i32
      %dma_start3A_34 = tpu.memref_slice %arg7[%add3A_1, %dma_start3A_33] : memref<10240x128xf32, #tpu.memory_space<vmem_shared>> -> memref<128x128xf32, #tpu.memory_space<vmem_shared>>
      tpu.enqueue_dma source(%arg9 : memref<128x128xf32, #tpu.memory_space<vmem>>) target(%dma_start3A_34 : memref<128x128xf32, #tpu.memory_space<vmem_shared>>) target_semaphore(%run_scoped3A : memref<!tpu.dma_semaphore, #tpu.memory_space<semaphore_mem>>)
      %dma_wait3A = arith.constant 0 : i32
      %dma_wait3A_35 = tpu.memref_slice %arg7[%add3A_1, %dma_wait3A] : memref<10240x128xf32, #tpu.memory_space<vmem_shared>> -> memref<128x128xf32, #tpu.memory_space<vmem_shared>>
      %dma_wait3A_36 = arith.constant 0 : i32
      %dma_wait3A_37 = tpu.memref_slice %arg7[%add3A_1, %dma_wait3A_36] : memref<10240x128xf32, #tpu.memory_space<vmem_shared>> -> memref<128x128xf32, #tpu.memory_space<vmem_shared>>
      tpu.wait_dma2 semaphore(%run_scoped3A : memref<!tpu.dma_semaphore, #tpu.memory_space<semaphore_mem>>) src(%arg9 : memref<128x128xf32, #tpu.memory_space<vmem>>) dst(%dma_wait3A_37 : memref<128x128xf32, #tpu.memory_space<vmem_shared>>)
      tpu.yield
    }) : () -> ()
    %add3A_2 = arith.constant 128 : i32
    %add3A_3 = arith.addi %mul3A_0, %add3A_2 : i32
    "tpu.region"() ({
      %run_scoped3A = tpu.sem_alloc : memref<!tpu.dma_semaphore, #tpu.memory_space<semaphore_mem>>
      %dma_start3A = arith.constant 0 : i32
      %dma_start3A_32 = tpu.memref_slice %arg7[%add3A_3, %dma_start3A] : memref<10240x128xf32, #tpu.memory_space<vmem_shared>> -> memref<128x128xf32, #tpu.memory_space<vmem_shared>>
      %dma_start3A_33 = arith.constant 0 : i32
      %dma_start3A_34 = tpu.memref_slice %arg7[%add3A_3, %dma_start3A_33] : memref<10240x128xf32, #tpu.memory_space<vmem_shared>> -> memref<128x128xf32, #tpu.memory_space<vmem_shared>>
      tpu.enqueue_dma source(%arg9 : memref<128x128xf32, #tpu.memory_space<vmem>>) target(%dma_start3A_34 : memref<128x128xf32, #tpu.memory_space<vmem_shared>>) target_semaphore(%run_scoped3A : memref<!tpu.dma_semaphore, #tpu.memory_space<semaphore_mem>>)
      %dma_wait3A = arith.constant 0 : i32
      %dma_wait3A_35 = tpu.memref_slice %arg7[%add3A_3, %dma_wait3A] : memref<10240x128xf32, #tpu.memory_space<vmem_shared>> -> memref<128x128xf32, #tpu.memory_space<vmem_shared>>
      %dma_wait3A_36 = arith.constant 0 : i32
      %dma_wait3A_37 = tpu.memref_slice %arg7[%add3A_3, %dma_wait3A_36] : memref<10240x128xf32, #tpu.memory_space<vmem_shared>> -> memref<128x128xf32, #tpu.memory_space<vmem_shared>>
      tpu.wait_dma2 semaphore(%run_scoped3A : memref<!tpu.dma_semaphore, #tpu.memory_space<semaphore_mem>>) src(%arg9 : memref<128x128xf32, #tpu.memory_space<vmem>>) dst(%dma_wait3A_37 : memref<128x128xf32, #tpu.memory_space<vmem_shared>>)
      tpu.yield
    }) : () -> ()
    %add3A_4 = arith.constant 256 : i32
    %add3A_5 = arith.addi %mul3A_0, %add3A_4 : i32
    "tpu.region"() ({
      %run_scoped3A = tpu.sem_alloc : memref<!tpu.dma_semaphore, #tpu.memory_space<semaphore_mem>>
      %dma_start3A = arith.constant 0 : i32
      %dma_start3A_32 = tpu.memref_slice %arg7[%add3A_5, %dma_start3A] : memref<10240x128xf32, #tpu.memory_space<vmem_shared>> -> memref<128x128xf32, #tpu.memory_space<vmem_shared>>
      %dma_start3A_33 = arith.constant 0 : i32
      %dma_start3A_34 = tpu.memref_slice %arg7[%add3A_5, %dma_start3A_33] : memref<10240x128xf32, #tpu.memory_space<vmem_shared>> -> memref<128x128xf32, #tpu.memory_space<vmem_shared>>
      tpu.enqueue_dma source(%arg9 : memref<128x128xf32, #tpu.memory_space<vmem>>) target(%dma_start3A_34 : memref<128x128xf32, #tpu.memory_space<vmem_shared>>) target_semaphore(%run_scoped3A : memref<!tpu.dma_semaphore, #tpu.memory_space<semaphore_mem>>)
      %dma_wait3A = arith.constant 0 : i32
      %dma_wait3A_35 = tpu.memref_slice %arg7[%add3A_5, %dma_wait3A] : memref<10240x128xf32, #tpu.memory_space<vmem_shared>> -> memref<128x128xf32, #tpu.memory_space<vmem_shared>>
      %dma_wait3A_36 = arith.constant 0 : i32
      %dma_wait3A_37 = tpu.memref_slice %arg7[%add3A_5, %dma_wait3A_36] : memref<10240x128xf32, #tpu.memory_space<vmem_shared>> -> memref<128x128xf32, #tpu.memory_space<vmem_shared>>
      tpu.wait_dma2 semaphore(%run_scoped3A : memref<!tpu.dma_semaphore, #tpu.memory_space<semaphore_mem>>) src(%arg9 : memref<128x128xf32, #tpu.memory_space<vmem>>) dst(%dma_wait3A_37 : memref<128x128xf32, #tpu.memory_space<vmem_shared>>)
      tpu.yield
    }) : () -> ()
    %add3A_6 = arith.constant 384 : i32
    %add3A_7 = arith.addi %mul3A_0, %add3A_6 : i32
    "tpu.region"() ({
      %run_scoped3A = tpu.sem_alloc : memref<!tpu.dma_semaphore, #tpu.memory_space<semaphore_mem>>
      %dma_start3A = arith.constant 0 : i32
      %dma_start3A_32 = tpu.memref_slice %arg7[%add3A_7, %dma_start3A] : memref<10240x128xf32, #tpu.memory_space<vmem_shared>> -> memref<128x128xf32, #tpu.memory_space<vmem_shared>>
      %dma_start3A_33 = arith.constant 0 : i32
      %dma_start3A_34 = tpu.memref_slice %arg7[%add3A_7, %dma_start3A_33] : memref<10240x128xf32, #tpu.memory_space<vmem_shared>> -> memref<128x128xf32, #tpu.memory_space<vmem_shared>>
      tpu.enqueue_dma source(%arg9 : memref<128x128xf32, #tpu.memory_space<vmem>>) target(%dma_start3A_34 : memref<128x128xf32, #tpu.memory_space<vmem_shared>>) target_semaphore(%run_scoped3A : memref<!tpu.dma_semaphore, #tpu.memory_space<semaphore_mem>>)
      %dma_wait3A = arith.constant 0 : i32
      %dma_wait3A_35 = tpu.memref_slice %arg7[%add3A_7, %dma_wait3A] : memref<10240x128xf32, #tpu.memory_space<vmem_shared>> -> memref<128x128xf32, #tpu.memory_space<vmem_shared>>
      %dma_wait3A_36 = arith.constant 0 : i32
      %dma_wait3A_37 = tpu.memref_slice %arg7[%add3A_7, %dma_wait3A_36] : memref<10240x128xf32, #tpu.memory_space<vmem_shared>> -> memref<128x128xf32, #tpu.memory_space<vmem_shared>>
      tpu.wait_dma2 semaphore(%run_scoped3A : memref<!tpu.dma_semaphore, #tpu.memory_space<semaphore_mem>>) src(%arg9 : memref<128x128xf32, #tpu.memory_space<vmem>>) dst(%dma_wait3A_37 : memref<128x128xf32, #tpu.memory_space<vmem_shared>>)
      tpu.yield
    }) : () -> ()
    %add3A_8 = arith.constant 512 : i32
    %add3A_9 = arith.addi %mul3A_0, %add3A_8 : i32
    "tpu.region"() ({
      %run_scoped3A = tpu.sem_alloc : memref<!tpu.dma_semaphore, #tpu.memory_space<semaphore_mem>>
      %dma_start3A = arith.constant 0 : i32
      %dma_start3A_32 = tpu.memref_slice %arg7[%add3A_9, %dma_start3A] : memref<10240x128xf32, #tpu.memory_space<vmem_shared>> -> memref<128x128xf32, #tpu.memory_space<vmem_shared>>
      %dma_start3A_33 = arith.constant 0 : i32
      %dma_start3A_34 = tpu.memref_slice %arg7[%add3A_9, %dma_start3A_33] : memref<10240x128xf32, #tpu.memory_space<vmem_shared>> -> memref<128x128xf32, #tpu.memory_space<vmem_shared>>
      tpu.enqueue_dma source(%arg9 : memref<128x128xf32, #tpu.memory_space<vmem>>) target(%dma_start3A_34 : memref<128x128xf32, #tpu.memory_space<vmem_shared>>) target_semaphore(%run_scoped3A : memref<!tpu.dma_semaphore, #tpu.memory_space<semaphore_mem>>)
      %dma_wait3A = arith.constant 0 : i32
      %dma_wait3A_35 = tpu.memref_slice %arg7[%add3A_9, %dma_wait3A] : memref<10240x128xf32, #tpu.memory_space<vmem_shared>> -> memref<128x128xf32, #tpu.memory_space<vmem_shared>>
      %dma_wait3A_36 = arith.constant 0 : i32
      %dma_wait3A_37 = tpu.memref_slice %arg7[%add3A_9, %dma_wait3A_36] : memref<10240x128xf32, #tpu.memory_space<vmem_shared>> -> memref<128x128xf32, #tpu.memory_space<vmem_shared>>
      tpu.wait_dma2 semaphore(%run_scoped3A : memref<!tpu.dma_semaphore, #tpu.memory_space<semaphore_mem>>) src(%arg9 : memref<128x128xf32, #tpu.memory_space<vmem>>) dst(%dma_wait3A_37 : memref<128x128xf32, #tpu.memory_space<vmem_shared>>)
      tpu.yield
    }) : () -> ()
    "tpu.region"() ({
      %run_scoped3A = tpu.sem_alloc : memref<!tpu.dma_semaphore, #tpu.memory_space<semaphore_mem>>
      tpu.enqueue_dma source(%arg4 : memref<128x128xf32, #tpu.memory_space<hbm>>) target(%arg9 : memref<128x128xf32, #tpu.memory_space<vmem>>) target_semaphore(%run_scoped3A : memref<!tpu.dma_semaphore, #tpu.memory_space<semaphore_mem>>)
      tpu.wait_dma2 semaphore(%run_scoped3A : memref<!tpu.dma_semaphore, #tpu.memory_space<semaphore_mem>>) src(%arg4 : memref<128x128xf32, #tpu.memory_space<hbm>>) dst(%arg9 : memref<128x128xf32, #tpu.memory_space<vmem>>)
      tpu.yield
    }) : () -> ()
    %eq3A = arith.constant 0 : i32
    %eq3A_10 = arith.cmpi eq, %arg0, %eq3A : i32
    %convert_element_type3A = arith.extui %eq3A_10 : i1 to i32
    %cond3A = arith.constant 0 : i32
    %cond3A_11 = arith.cmpi ne, %convert_element_type3A, %cond3A : i32
    scf.if %cond3A_11 {
      %mul3A_32 = arith.constant 160 : i32
      %mul3A_33 = arith.muli %arg1, %mul3A_32 : i32
      "tpu.region"() ({
        %run_scoped3A = tpu.sem_alloc : memref<!tpu.dma_semaphore, #tpu.memory_space<semaphore_mem>>
        %dma_start3A = arith.constant 0 : i32
        %dma_start3A_34 = tpu.memref_slice %arg2[%mul3A_33, %dma_start3A] : memref<2560x128xi32, #tpu.memory_space<hbm>> -> memref<160x128xi32, #tpu.memory_space<hbm>>
        %dma_start3A_35 = arith.constant 0 : i32
        %dma_start3A_36 = tpu.memref_slice %arg2[%mul3A_33, %dma_start3A_35] : memref<2560x128xi32, #tpu.memory_space<hbm>> -> memref<160x128xi32, #tpu.memory_space<hbm>>
        tpu.enqueue_dma source(%dma_start3A_36 : memref<160x128xi32, #tpu.memory_space<hbm>>) target(%arg8 : memref<160x128xi32, #tpu.memory_space<vmem>>) target_semaphore(%run_scoped3A : memref<!tpu.dma_semaphore, #tpu.memory_space<semaphore_mem>>)
        %dma_wait3A = arith.constant 0 : i32
        %dma_wait3A_37 = tpu.memref_slice %arg2[%mul3A_33, %dma_wait3A] : memref<2560x128xi32, #tpu.memory_space<hbm>> -> memref<160x128xi32, #tpu.memory_space<hbm>>
        %dma_wait3A_38 = arith.constant 0 : i32
        %dma_wait3A_39 = tpu.memref_slice %arg2[%mul3A_33, %dma_wait3A_38] : memref<2560x128xi32, #tpu.memory_space<hbm>> -> memref<160x128xi32, #tpu.memory_space<hbm>>
        tpu.wait_dma2 semaphore(%run_scoped3A : memref<!tpu.dma_semaphore, #tpu.memory_space<semaphore_mem>>) src(%dma_wait3A_39 : memref<160x128xi32, #tpu.memory_space<hbm>>) dst(%arg8 : memref<160x128xi32, #tpu.memory_space<vmem>>)
        tpu.yield
      }) : () -> ()
    } else {
    }
    %eq3A_12 = arith.constant 1 : i32
    %eq3A_13 = arith.cmpi eq, %arg0, %eq3A_12 : i32
    %convert_element_type3A_14 = arith.extui %eq3A_13 : i1 to i32
    %cond3A_15 = arith.constant 0 : i32
    %cond3A_16 = arith.cmpi ne, %convert_element_type3A_14, %cond3A_15 : i32
    scf.if %cond3A_16 {
      %mul3A_32 = arith.constant 160 : i32
      %mul3A_33 = arith.muli %arg1, %mul3A_32 : i32
      "tpu.region"() ({
        %run_scoped3A = tpu.sem_alloc : memref<!tpu.dma_semaphore, #tpu.memory_space<semaphore_mem>>
        %dma_start3A = arith.constant 0 : i32
        %dma_start3A_34 = tpu.memref_slice %arg3[%mul3A_33, %dma_start3A] : memref<2560x128xi32, #tpu.memory_space<hbm>> -> memref<160x128xi32, #tpu.memory_space<hbm>>
        %dma_start3A_35 = arith.constant 0 : i32
        %dma_start3A_36 = tpu.memref_slice %arg3[%mul3A_33, %dma_start3A_35] : memref<2560x128xi32, #tpu.memory_space<hbm>> -> memref<160x128xi32, #tpu.memory_space<hbm>>
        tpu.enqueue_dma source(%dma_start3A_36 : memref<160x128xi32, #tpu.memory_space<hbm>>) target(%arg8 : memref<160x128xi32, #tpu.memory_space<vmem>>) target_semaphore(%run_scoped3A : memref<!tpu.dma_semaphore, #tpu.memory_space<semaphore_mem>>)
        %dma_wait3A = arith.constant 0 : i32
        %dma_wait3A_37 = tpu.memref_slice %arg3[%mul3A_33, %dma_wait3A] : memref<2560x128xi32, #tpu.memory_space<hbm>> -> memref<160x128xi32, #tpu.memory_space<hbm>>
        %dma_wait3A_38 = arith.constant 0 : i32
        %dma_wait3A_39 = tpu.memref_slice %arg3[%mul3A_33, %dma_wait3A_38] : memref<2560x128xi32, #tpu.memory_space<hbm>> -> memref<160x128xi32, #tpu.memory_space<hbm>>
        tpu.wait_dma2 semaphore(%run_scoped3A : memref<!tpu.dma_semaphore, #tpu.memory_space<semaphore_mem>>) src(%dma_wait3A_39 : memref<160x128xi32, #tpu.memory_space<hbm>>) dst(%arg8 : memref<160x128xi32, #tpu.memory_space<vmem>>)
        tpu.yield
      }) : () -> ()
    } else {
    }
    %barrier3A = arith.constant 0 : index
    tpu.barrier barrier_id(%barrier3A)
    %scan3A = arith.constant 0 : i32
    %scan3A_17 = arith.constant 160 : i32
    %scan3A_18 = arith.addi %scan3A, %scan3A_17 : i32
    %scan3A_19 = arith.constant 1 : i32
    scf.for %scan3A_32 = %scan3A to %scan3A_18 step %scan3A_19  : i32 {
      %mul3A_33 = arith.constant 1 : i32
      %mul3A_34 = arith.muli %scan3A_32, %mul3A_33 : i32
      %add3A_35 = arith.constant 0 : i32
      %add3A_36 = arith.addi %add3A_35, %mul3A_34 : i32
      "tpu.region"() ({
        %run_scoped3A = tpu.sem_alloc : memref<!tpu.dma_semaphore, #tpu.memory_space<semaphore_mem>>
        %dma_start3A = arith.constant 0 : i32
        %dma_start3A_37 = tpu.memref_slice %arg8[%add3A_36, %dma_start3A] : memref<160x128xi32, #tpu.memory_space<vmem>> -> memref<1x128xi32, #tpu.memory_space<vmem>>
        %dma_start3A_38 = tpu.memref_squeeze %dma_start3A_37 : memref<1x128xi32, #tpu.memory_space<vmem>> -> memref<128xi32, #tpu.memory_space<vmem>>
        %dma_start3A_39 = arith.constant 0 : i32
        %dma_start3A_40 = arith.constant 0 : i32
        %dma_start3A_41 = tpu.memref_slice %arg7[%dma_start3A_39, %dma_start3A_40] : memref<10240x128xf32, #tpu.memory_space<vmem_shared>> -> memref<10240x128xf32, #tpu.memory_space<vmem_shared>>
        tpu.enqueue_indirect_dma source(%arg9 : memref<128x128xf32, #tpu.memory_space<vmem>>) target(%dma_start3A_41 : memref<10240x128xf32, #tpu.memory_space<vmem_shared>>) offsets(%dma_start3A_38 : memref<128xi32, #tpu.memory_space<vmem>>) semaphore(%run_scoped3A : memref<!tpu.dma_semaphore, #tpu.memory_space<semaphore_mem>>) {add = true}
        %dma_wait3A = arith.constant 0 : i32
        %dma_wait3A_42 = tpu.memref_slice %arg8[%add3A_36, %dma_wait3A] : memref<160x128xi32, #tpu.memory_space<vmem>> -> memref<1x128xi32, #tpu.memory_space<vmem>>
        %dma_wait3A_43 = tpu.memref_squeeze %dma_wait3A_42 : memref<1x128xi32, #tpu.memory_space<vmem>> -> memref<128xi32, #tpu.memory_space<vmem>>
        %dma_wait3A_44 = arith.constant 0 : i32
        %dma_wait3A_45 = arith.constant 0 : i32
        %dma_wait3A_46 = tpu.memref_slice %arg7[%dma_wait3A_44, %dma_wait3A_45] : memref<10240x128xf32, #tpu.memory_space<vmem_shared>> -> memref<10240x128xf32, #tpu.memory_space<vmem_shared>>
        tpu.wait_indirect_dma semaphore(%run_scoped3A : memref<!tpu.dma_semaphore, #tpu.memory_space<semaphore_mem>>) src(%arg9 : memref<128x128xf32, #tpu.memory_space<vmem>>) dst(%dma_wait3A_46 : memref<10240x128xf32, #tpu.memory_space<vmem_shared>>)
        tpu.yield
      }) : () -> ()
    }
    %scan3A_20 = arith.constant 160 : i32
    %barrier3A_21 = arith.constant 0 : index
    tpu.barrier barrier_id(%barrier3A_21)
    %add3A_22 = arith.constant 0 : i32
    %add3A_23 = arith.addi %mul3A_0, %add3A_22 : i32
    "tpu.region"() ({
      %run_scoped3A = tpu.sem_alloc : memref<!tpu.dma_semaphore, #tpu.memory_space<semaphore_mem>>
      %dma_start3A = arith.constant 0 : i32
      %dma_start3A_32 = tpu.memref_slice %arg6[%arg0, %add3A_23, %dma_start3A] : memref<2x10240x128xf32, #tpu.memory_space<hbm>> -> memref<1x128x128xf32, #tpu.memory_space<hbm>>
      %dma_start3A_33 = tpu.memref_squeeze %dma_start3A_32 : memref<1x128x128xf32, #tpu.memory_space<hbm>> -> memref<128x128xf32, #tpu.memory_space<hbm>>
      %dma_start3A_34 = arith.constant 0 : i32
      %dma_start3A_35 = tpu.memref_slice %arg7[%add3A_23, %dma_start3A_34] : memref<10240x128xf32, #tpu.memory_space<vmem_shared>> -> memref<128x128xf32, #tpu.memory_space<vmem_shared>>
      tpu.enqueue_dma source(%dma_start3A_35 : memref<128x128xf32, #tpu.memory_space<vmem_shared>>) target(%dma_start3A_33 : memref<128x128xf32, #tpu.memory_space<hbm>>) target_semaphore(%run_scoped3A : memref<!tpu.dma_semaphore, #tpu.memory_space<semaphore_mem>>)
      %dma_wait3A = arith.constant 0 : i32
      %dma_wait3A_36 = tpu.memref_slice %arg6[%arg0, %add3A_23, %dma_wait3A] : memref<2x10240x128xf32, #tpu.memory_space<hbm>> -> memref<1x128x128xf32, #tpu.memory_space<hbm>>
      %dma_wait3A_37 = tpu.memref_squeeze %dma_wait3A_36 : memref<1x128x128xf32, #tpu.memory_space<hbm>> -> memref<128x128xf32, #tpu.memory_space<hbm>>
      %dma_wait3A_38 = arith.constant 0 : i32
      %dma_wait3A_39 = tpu.memref_slice %arg7[%add3A_23, %dma_wait3A_38] : memref<10240x128xf32, #tpu.memory_space<vmem_shared>> -> memref<128x128xf32, #tpu.memory_space<vmem_shared>>
      tpu.wait_dma2 semaphore(%run_scoped3A : memref<!tpu.dma_semaphore, #tpu.memory_space<semaphore_mem>>) src(%dma_wait3A_39 : memref<128x128xf32, #tpu.memory_space<vmem_shared>>) dst(%dma_wait3A_37 : memref<128x128xf32, #tpu.memory_space<hbm>>)
      tpu.yield
    }) : () -> ()
    %add3A_24 = arith.constant 128 : i32
    %add3A_25 = arith.addi %mul3A_0, %add3A_24 : i32
    "tpu.region"() ({
      %run_scoped3A = tpu.sem_alloc : memref<!tpu.dma_semaphore, #tpu.memory_space<semaphore_mem>>
      %dma_start3A = arith.constant 0 : i32
      %dma_start3A_32 = tpu.memref_slice %arg6[%arg0, %add3A_25, %dma_start3A] : memref<2x10240x128xf32, #tpu.memory_space<hbm>> -> memref<1x128x128xf32, #tpu.memory_space<hbm>>
      %dma_start3A_33 = tpu.memref_squeeze %dma_start3A_32 : memref<1x128x128xf32, #tpu.memory_space<hbm>> -> memref<128x128xf32, #tpu.memory_space<hbm>>
      %dma_start3A_34 = arith.constant 0 : i32
      %dma_start3A_35 = tpu.memref_slice %arg7[%add3A_25, %dma_start3A_34] : memref<10240x128xf32, #tpu.memory_space<vmem_shared>> -> memref<128x128xf32, #tpu.memory_space<vmem_shared>>
      tpu.enqueue_dma source(%dma_start3A_35 : memref<128x128xf32, #tpu.memory_space<vmem_shared>>) target(%dma_start3A_33 : memref<128x128xf32, #tpu.memory_space<hbm>>) target_semaphore(%run_scoped3A : memref<!tpu.dma_semaphore, #tpu.memory_space<semaphore_mem>>)
      %dma_wait3A = arith.constant 0 : i32
      %dma_wait3A_36 = tpu.memref_slice %arg6[%arg0, %add3A_25, %dma_wait3A] : memref<2x10240x128xf32, #tpu.memory_space<hbm>> -> memref<1x128x128xf32, #tpu.memory_space<hbm>>
      %dma_wait3A_37 = tpu.memref_squeeze %dma_wait3A_36 : memref<1x128x128xf32, #tpu.memory_space<hbm>> -> memref<128x128xf32, #tpu.memory_space<hbm>>
      %dma_wait3A_38 = arith.constant 0 : i32
      %dma_wait3A_39 = tpu.memref_slice %arg7[%add3A_25, %dma_wait3A_38] : memref<10240x128xf32, #tpu.memory_space<vmem_shared>> -> memref<128x128xf32, #tpu.memory_space<vmem_shared>>
      tpu.wait_dma2 semaphore(%run_scoped3A : memref<!tpu.dma_semaphore, #tpu.memory_space<semaphore_mem>>) src(%dma_wait3A_39 : memref<128x128xf32, #tpu.memory_space<vmem_shared>>) dst(%dma_wait3A_37 : memref<128x128xf32, #tpu.memory_space<hbm>>)
      tpu.yield
    }) : () -> ()
    %add3A_26 = arith.constant 256 : i32
    %add3A_27 = arith.addi %mul3A_0, %add3A_26 : i32
    "tpu.region"() ({
      %run_scoped3A = tpu.sem_alloc : memref<!tpu.dma_semaphore, #tpu.memory_space<semaphore_mem>>
      %dma_start3A = arith.constant 0 : i32
      %dma_start3A_32 = tpu.memref_slice %arg6[%arg0, %add3A_27, %dma_start3A] : memref<2x10240x128xf32, #tpu.memory_space<hbm>> -> memref<1x128x128xf32, #tpu.memory_space<hbm>>
      %dma_start3A_33 = tpu.memref_squeeze %dma_start3A_32 : memref<1x128x128xf32, #tpu.memory_space<hbm>> -> memref<128x128xf32, #tpu.memory_space<hbm>>
      %dma_start3A_34 = arith.constant 0 : i32
      %dma_start3A_35 = tpu.memref_slice %arg7[%add3A_27, %dma_start3A_34] : memref<10240x128xf32, #tpu.memory_space<vmem_shared>> -> memref<128x128xf32, #tpu.memory_space<vmem_shared>>
      tpu.enqueue_dma source(%dma_start3A_35 : memref<128x128xf32, #tpu.memory_space<vmem_shared>>) target(%dma_start3A_33 : memref<128x128xf32, #tpu.memory_space<hbm>>) target_semaphore(%run_scoped3A : memref<!tpu.dma_semaphore, #tpu.memory_space<semaphore_mem>>)
      %dma_wait3A = arith.constant 0 : i32
      %dma_wait3A_36 = tpu.memref_slice %arg6[%arg0, %add3A_27, %dma_wait3A] : memref<2x10240x128xf32, #tpu.memory_space<hbm>> -> memref<1x128x128xf32, #tpu.memory_space<hbm>>
      %dma_wait3A_37 = tpu.memref_squeeze %dma_wait3A_36 : memref<1x128x128xf32, #tpu.memory_space<hbm>> -> memref<128x128xf32, #tpu.memory_space<hbm>>
      %dma_wait3A_38 = arith.constant 0 : i32
      %dma_wait3A_39 = tpu.memref_slice %arg7[%add3A_27, %dma_wait3A_38] : memref<10240x128xf32, #tpu.memory_space<vmem_shared>> -> memref<128x128xf32, #tpu.memory_space<vmem_shared>>
      tpu.wait_dma2 semaphore(%run_scoped3A : memref<!tpu.dma_semaphore, #tpu.memory_space<semaphore_mem>>) src(%dma_wait3A_39 : memref<128x128xf32, #tpu.memory_space<vmem_shared>>) dst(%dma_wait3A_37 : memref<128x128xf32, #tpu.memory_space<hbm>>)
      tpu.yield
    }) : () -> ()
    %add3A_28 = arith.constant 384 : i32
    %add3A_29 = arith.addi %mul3A_0, %add3A_28 : i32
    "tpu.region"() ({
      %run_scoped3A = tpu.sem_alloc : memref<!tpu.dma_semaphore, #tpu.memory_space<semaphore_mem>>
      %dma_start3A = arith.constant 0 : i32
      %dma_start3A_32 = tpu.memref_slice %arg6[%arg0, %add3A_29, %dma_start3A] : memref<2x10240x128xf32, #tpu.memory_space<hbm>> -> memref<1x128x128xf32, #tpu.memory_space<hbm>>
      %dma_start3A_33 = tpu.memref_squeeze %dma_start3A_32 : memref<1x128x128xf32, #tpu.memory_space<hbm>> -> memref<128x128xf32, #tpu.memory_space<hbm>>
      %dma_start3A_34 = arith.constant 0 : i32
      %dma_start3A_35 = tpu.memref_slice %arg7[%add3A_29, %dma_start3A_34] : memref<10240x128xf32, #tpu.memory_space<vmem_shared>> -> memref<128x128xf32, #tpu.memory_space<vmem_shared>>
      tpu.enqueue_dma source(%dma_start3A_35 : memref<128x128xf32, #tpu.memory_space<vmem_shared>>) target(%dma_start3A_33 : memref<128x128xf32, #tpu.memory_space<hbm>>) target_semaphore(%run_scoped3A : memref<!tpu.dma_semaphore, #tpu.memory_space<semaphore_mem>>)
      %dma_wait3A = arith.constant 0 : i32
      %dma_wait3A_36 = tpu.memref_slice %arg6[%arg0, %add3A_29, %dma_wait3A] : memref<2x10240x128xf32, #tpu.memory_space<hbm>> -> memref<1x128x128xf32, #tpu.memory_space<hbm>>
      %dma_wait3A_37 = tpu.memref_squeeze %dma_wait3A_36 : memref<1x128x128xf32, #tpu.memory_space<hbm>> -> memref<128x128xf32, #tpu.memory_space<hbm>>
      %dma_wait3A_38 = arith.constant 0 : i32
      %dma_wait3A_39 = tpu.memref_slice %arg7[%add3A_29, %dma_wait3A_38] : memref<10240x128xf32, #tpu.memory_space<vmem_shared>> -> memref<128x128xf32, #tpu.memory_space<vmem_shared>>
      tpu.wait_dma2 semaphore(%run_scoped3A : memref<!tpu.dma_semaphore, #tpu.memory_space<semaphore_mem>>) src(%dma_wait3A_39 : memref<128x128xf32, #tpu.memory_space<vmem_shared>>) dst(%dma_wait3A_37 : memref<128x128xf32, #tpu.memory_space<hbm>>)
      tpu.yield
    }) : () -> ()
    %add3A_30 = arith.constant 512 : i32
    %add3A_31 = arith.addi %mul3A_0, %add3A_30 : i32
    "tpu.region"() ({
      %run_scoped3A = tpu.sem_alloc : memref<!tpu.dma_semaphore, #tpu.memory_space<semaphore_mem>>
      %dma_start3A = arith.constant 0 : i32
      %dma_start3A_32 = tpu.memref_slice %arg6[%arg0, %add3A_31, %dma_start3A] : memref<2x10240x128xf32, #tpu.memory_space<hbm>> -> memref<1x128x128xf32, #tpu.memory_space<hbm>>
      %dma_start3A_33 = tpu.memref_squeeze %dma_start3A_32 : memref<1x128x128xf32, #tpu.memory_space<hbm>> -> memref<128x128xf32, #tpu.memory_space<hbm>>
      %dma_start3A_34 = arith.constant 0 : i32
      %dma_start3A_35 = tpu.memref_slice %arg7[%add3A_31, %dma_start3A_34] : memref<10240x128xf32, #tpu.memory_space<vmem_shared>> -> memref<128x128xf32, #tpu.memory_space<vmem_shared>>
      tpu.enqueue_dma source(%dma_start3A_35 : memref<128x128xf32, #tpu.memory_space<vmem_shared>>) target(%dma_start3A_33 : memref<128x128xf32, #tpu.memory_space<hbm>>) target_semaphore(%run_scoped3A : memref<!tpu.dma_semaphore, #tpu.memory_space<semaphore_mem>>)
      %dma_wait3A = arith.constant 0 : i32
      %dma_wait3A_36 = tpu.memref_slice %arg6[%arg0, %add3A_31, %dma_wait3A] : memref<2x10240x128xf32, #tpu.memory_space<hbm>> -> memref<1x128x128xf32, #tpu.memory_space<hbm>>
      %dma_wait3A_37 = tpu.memref_squeeze %dma_wait3A_36 : memref<1x128x128xf32, #tpu.memory_space<hbm>> -> memref<128x128xf32, #tpu.memory_space<hbm>>
      %dma_wait3A_38 = arith.constant 0 : i32
      %dma_wait3A_39 = tpu.memref_slice %arg7[%add3A_31, %dma_wait3A_38] : memref<10240x128xf32, #tpu.memory_space<vmem_shared>> -> memref<128x128xf32, #tpu.memory_space<vmem_shared>>
      tpu.wait_dma2 semaphore(%run_scoped3A : memref<!tpu.dma_semaphore, #tpu.memory_space<semaphore_mem>>) src(%dma_wait3A_39 : memref<128x128xf32, #tpu.memory_space<vmem_shared>>) dst(%dma_wait3A_37 : memref<128x128xf32, #tpu.memory_space<hbm>>)
      tpu.yield
    }) : () -> ()
    return
  }
}

#map = affine_map<(d0, d1) -> (0, 0)>
module attributes {stable_mosaic.version = 14 : i64} {
  func.func @k(%arg0: i32, %arg1: i32, %arg2: memref<10240x128xf32, #tpu.memory_space<hbm>>, %arg3: memref<10240x128xf32, #tpu.memory_space<hbm>>, %arg4: memref<2560x128xi32, #tpu.memory_space<hbm>>, %arg5: memref<2560x128xi32, #tpu.memory_space<hbm>>, %arg6: memref<327680x128xf32, #tpu.memory_space<hbm>>, %arg7: memref<120x128xi32, #tpu.memory_space<vmem>>, %arg8: memref<120x128xi32, #tpu.memory_space<vmem>>, %arg9: memref<128x128xf32, #tpu.memory_space<vmem>>, %arg10: memref<128x128xf32, #tpu.memory_space<vmem>>, %arg11: memref<128x128xf32, #tpu.memory_space<vmem>>, %arg12: memref<128x128xf32, #tpu.memory_space<vmem>>, %arg13: memref<!tpu.dma_semaphore, #tpu.memory_space<semaphore_mem>>, %arg14: memref<!tpu.dma_semaphore, #tpu.memory_space<semaphore_mem>>, %arg15: memref<!tpu.dma_semaphore, #tpu.memory_space<semaphore_mem>>, %arg16: memref<!tpu.dma_semaphore, #tpu.memory_space<semaphore_mem>>) attributes {dimension_semantics = [#tpu.dimension_semantics<core_parallel>, #tpu.dimension_semantics<subcore_parallel>], iteration_bounds = array<i64: 2, 16>, scalar_prefetch = 0 : i64, scratch_operands = 10 : i64, tpu.core_type = #tpu.core_type<sc_vector_subcore>, window_params = [{transform_indices = #map}, {transform_indices = #map}, {transform_indices = #map}, {transform_indices = #map}, {transform_indices = #map}]} {
    %eq3A = arith.constant 0 : i32
    %eq3A_0 = arith.cmpi eq, %arg0, %eq3A : i32
    %mul3A = arith.constant 120 : i32
    %mul3A_1 = arith.muli %arg1, %mul3A : i32
    %mul3A_2 = arith.constant 40 : i32
    %mul3A_3 = arith.muli %arg1, %mul3A_2 : i32
    %add3A = arith.constant 1920 : i32
    %add3A_4 = arith.addi %add3A, %mul3A_3 : i32
    %select_n3A = arith.select %eq3A_0, %mul3A_1, %add3A_4 : i32
    %multiple_of3A = tpu.assume_multiple %select_n3A, 8 : i32
    %eq3A_5 = arith.constant 0 : i32
    %eq3A_6 = arith.cmpi eq, %arg0, %eq3A_5 : i32
    %jit3A = arith.constant 120 : i32
    %jit3A_7 = arith.constant 40 : i32
    %select_n3A_8 = arith.select %eq3A_6, %jit3A, %jit3A_7 : i32
    "tpu.region"() ({
      %run_scoped3A = tpu.sem_alloc : memref<!tpu.dma_semaphore, #tpu.memory_space<semaphore_mem>>
      %dma_start3A_41 = arith.constant 0 : i32
      %dma_start3A_42 = arith.constant 0 : i32
      %dma_start3A_43 = tpu.memref_slice %arg7[%dma_start3A_41, %dma_start3A_42] : memref<120x128xi32, #tpu.memory_space<vmem>> -> memref<40x128xi32, #tpu.memory_space<vmem>>
      %dma_start3A_44 = arith.constant 0 : i32
      %dma_start3A_45 = tpu.memref_slice %arg4[%multiple_of3A, %dma_start3A_44] : memref<2560x128xi32, #tpu.memory_space<hbm>> -> memref<40x128xi32, #tpu.memory_space<hbm>>
      %dma_start3A_46 = arith.constant 0 : i32
      %dma_start3A_47 = arith.constant 0 : i32
      %dma_start3A_48 = tpu.memref_slice %arg7[%dma_start3A_46, %dma_start3A_47] : memref<120x128xi32, #tpu.memory_space<vmem>> -> memref<40x128xi32, #tpu.memory_space<vmem>>
      %dma_start3A_49 = arith.constant 0 : i32
      %dma_start3A_50 = tpu.memref_slice %arg4[%multiple_of3A, %dma_start3A_49] : memref<2560x128xi32, #tpu.memory_space<hbm>> -> memref<40x128xi32, #tpu.memory_space<hbm>>
      tpu.enqueue_dma source(%dma_start3A_50 : memref<40x128xi32, #tpu.memory_space<hbm>>) target(%dma_start3A_48 : memref<40x128xi32, #tpu.memory_space<vmem>>) target_semaphore(%run_scoped3A : memref<!tpu.dma_semaphore, #tpu.memory_space<semaphore_mem>>)
      %dma_wait3A = arith.constant 0 : i32
      %dma_wait3A_51 = arith.constant 0 : i32
      %dma_wait3A_52 = tpu.memref_slice %arg7[%dma_wait3A, %dma_wait3A_51] : memref<120x128xi32, #tpu.memory_space<vmem>> -> memref<40x128xi32, #tpu.memory_space<vmem>>
      %dma_wait3A_53 = arith.constant 0 : i32
      %dma_wait3A_54 = tpu.memref_slice %arg4[%multiple_of3A, %dma_wait3A_53] : memref<2560x128xi32, #tpu.memory_space<hbm>> -> memref<40x128xi32, #tpu.memory_space<hbm>>
      %dma_wait3A_55 = arith.constant 0 : i32
      %dma_wait3A_56 = arith.constant 0 : i32
      %dma_wait3A_57 = tpu.memref_slice %arg7[%dma_wait3A_55, %dma_wait3A_56] : memref<120x128xi32, #tpu.memory_space<vmem>> -> memref<40x128xi32, #tpu.memory_space<vmem>>
      %dma_wait3A_58 = arith.constant 0 : i32
      %dma_wait3A_59 = tpu.memref_slice %arg4[%multiple_of3A, %dma_wait3A_58] : memref<2560x128xi32, #tpu.memory_space<hbm>> -> memref<40x128xi32, #tpu.memory_space<hbm>>
      tpu.wait_dma2 semaphore(%run_scoped3A : memref<!tpu.dma_semaphore, #tpu.memory_space<semaphore_mem>>) src(%dma_wait3A_59 : memref<40x128xi32, #tpu.memory_space<hbm>>) dst(%dma_wait3A_57 : memref<40x128xi32, #tpu.memory_space<vmem>>)
      tpu.yield
    }) : () -> ()
    "tpu.region"() ({
      %run_scoped3A = tpu.sem_alloc : memref<!tpu.dma_semaphore, #tpu.memory_space<semaphore_mem>>
      %dma_start3A_41 = arith.constant 0 : i32
      %dma_start3A_42 = arith.constant 0 : i32
      %dma_start3A_43 = tpu.memref_slice %arg8[%dma_start3A_41, %dma_start3A_42] : memref<120x128xi32, #tpu.memory_space<vmem>> -> memref<40x128xi32, #tpu.memory_space<vmem>>
      %dma_start3A_44 = arith.constant 0 : i32
      %dma_start3A_45 = tpu.memref_slice %arg5[%multiple_of3A, %dma_start3A_44] : memref<2560x128xi32, #tpu.memory_space<hbm>> -> memref<40x128xi32, #tpu.memory_space<hbm>>
      %dma_start3A_46 = arith.constant 0 : i32
      %dma_start3A_47 = arith.constant 0 : i32
      %dma_start3A_48 = tpu.memref_slice %arg8[%dma_start3A_46, %dma_start3A_47] : memref<120x128xi32, #tpu.memory_space<vmem>> -> memref<40x128xi32, #tpu.memory_space<vmem>>
      %dma_start3A_49 = arith.constant 0 : i32
      %dma_start3A_50 = tpu.memref_slice %arg5[%multiple_of3A, %dma_start3A_49] : memref<2560x128xi32, #tpu.memory_space<hbm>> -> memref<40x128xi32, #tpu.memory_space<hbm>>
      tpu.enqueue_dma source(%dma_start3A_50 : memref<40x128xi32, #tpu.memory_space<hbm>>) target(%dma_start3A_48 : memref<40x128xi32, #tpu.memory_space<vmem>>) target_semaphore(%run_scoped3A : memref<!tpu.dma_semaphore, #tpu.memory_space<semaphore_mem>>)
      %dma_wait3A = arith.constant 0 : i32
      %dma_wait3A_51 = arith.constant 0 : i32
      %dma_wait3A_52 = tpu.memref_slice %arg8[%dma_wait3A, %dma_wait3A_51] : memref<120x128xi32, #tpu.memory_space<vmem>> -> memref<40x128xi32, #tpu.memory_space<vmem>>
      %dma_wait3A_53 = arith.constant 0 : i32
      %dma_wait3A_54 = tpu.memref_slice %arg5[%multiple_of3A, %dma_wait3A_53] : memref<2560x128xi32, #tpu.memory_space<hbm>> -> memref<40x128xi32, #tpu.memory_space<hbm>>
      %dma_wait3A_55 = arith.constant 0 : i32
      %dma_wait3A_56 = arith.constant 0 : i32
      %dma_wait3A_57 = tpu.memref_slice %arg8[%dma_wait3A_55, %dma_wait3A_56] : memref<120x128xi32, #tpu.memory_space<vmem>> -> memref<40x128xi32, #tpu.memory_space<vmem>>
      %dma_wait3A_58 = arith.constant 0 : i32
      %dma_wait3A_59 = tpu.memref_slice %arg5[%multiple_of3A, %dma_wait3A_58] : memref<2560x128xi32, #tpu.memory_space<hbm>> -> memref<40x128xi32, #tpu.memory_space<hbm>>
      tpu.wait_dma2 semaphore(%run_scoped3A : memref<!tpu.dma_semaphore, #tpu.memory_space<semaphore_mem>>) src(%dma_wait3A_59 : memref<40x128xi32, #tpu.memory_space<hbm>>) dst(%dma_wait3A_57 : memref<40x128xi32, #tpu.memory_space<vmem>>)
      tpu.yield
    }) : () -> ()
    %eq3A_9 = arith.constant 0 : i32
    %eq3A_10 = arith.cmpi eq, %arg0, %eq3A_9 : i32
    %convert_element_type3A = arith.extui %eq3A_10 : i1 to i32
    %cond3A = arith.constant 0 : i32
    %cond3A_11 = arith.cmpi ne, %convert_element_type3A, %cond3A : i32
    scf.if %cond3A_11 {
      %add3A_41 = arith.constant 40 : i32
      %add3A_42 = arith.addi %multiple_of3A, %add3A_41 : i32
      "tpu.region"() ({
        %run_scoped3A = tpu.sem_alloc : memref<!tpu.dma_semaphore, #tpu.memory_space<semaphore_mem>>
        %dma_start3A_45 = arith.constant 40 : i32
        %dma_start3A_46 = arith.constant 0 : i32
        %dma_start3A_47 = tpu.memref_slice %arg7[%dma_start3A_45, %dma_start3A_46] : memref<120x128xi32, #tpu.memory_space<vmem>> -> memref<80x128xi32, #tpu.memory_space<vmem>>
        %dma_start3A_48 = arith.constant 0 : i32
        %dma_start3A_49 = tpu.memref_slice %arg4[%add3A_42, %dma_start3A_48] : memref<2560x128xi32, #tpu.memory_space<hbm>> -> memref<80x128xi32, #tpu.memory_space<hbm>>
        %dma_start3A_50 = arith.constant 40 : i32
        %dma_start3A_51 = arith.constant 0 : i32
        %dma_start3A_52 = tpu.memref_slice %arg7[%dma_start3A_50, %dma_start3A_51] : memref<120x128xi32, #tpu.memory_space<vmem>> -> memref<80x128xi32, #tpu.memory_space<vmem>>
        %dma_start3A_53 = arith.constant 0 : i32
        %dma_start3A_54 = tpu.memref_slice %arg4[%add3A_42, %dma_start3A_53] : memref<2560x128xi32, #tpu.memory_space<hbm>> -> memref<80x128xi32, #tpu.memory_space<hbm>>
        tpu.enqueue_dma source(%dma_start3A_54 : memref<80x128xi32, #tpu.memory_space<hbm>>) target(%dma_start3A_52 : memref<80x128xi32, #tpu.memory_space<vmem>>) target_semaphore(%run_scoped3A : memref<!tpu.dma_semaphore, #tpu.memory_space<semaphore_mem>>)
        %dma_wait3A = arith.constant 40 : i32
        %dma_wait3A_55 = arith.constant 0 : i32
        %dma_wait3A_56 = tpu.memref_slice %arg7[%dma_wait3A, %dma_wait3A_55] : memref<120x128xi32, #tpu.memory_space<vmem>> -> memref<80x128xi32, #tpu.memory_space<vmem>>
        %dma_wait3A_57 = arith.constant 0 : i32
        %dma_wait3A_58 = tpu.memref_slice %arg4[%add3A_42, %dma_wait3A_57] : memref<2560x128xi32, #tpu.memory_space<hbm>> -> memref<80x128xi32, #tpu.memory_space<hbm>>
        %dma_wait3A_59 = arith.constant 40 : i32
        %dma_wait3A_60 = arith.constant 0 : i32
        %dma_wait3A_61 = tpu.memref_slice %arg7[%dma_wait3A_59, %dma_wait3A_60] : memref<120x128xi32, #tpu.memory_space<vmem>> -> memref<80x128xi32, #tpu.memory_space<vmem>>
        %dma_wait3A_62 = arith.constant 0 : i32
        %dma_wait3A_63 = tpu.memref_slice %arg4[%add3A_42, %dma_wait3A_62] : memref<2560x128xi32, #tpu.memory_space<hbm>> -> memref<80x128xi32, #tpu.memory_space<hbm>>
        tpu.wait_dma2 semaphore(%run_scoped3A : memref<!tpu.dma_semaphore, #tpu.memory_space<semaphore_mem>>) src(%dma_wait3A_63 : memref<80x128xi32, #tpu.memory_space<hbm>>) dst(%dma_wait3A_61 : memref<80x128xi32, #tpu.memory_space<vmem>>)
        tpu.yield
      }) : () -> ()
      %add3A_43 = arith.constant 40 : i32
      %add3A_44 = arith.addi %multiple_of3A, %add3A_43 : i32
      "tpu.region"() ({
        %run_scoped3A = tpu.sem_alloc : memref<!tpu.dma_semaphore, #tpu.memory_space<semaphore_mem>>
        %dma_start3A_45 = arith.constant 40 : i32
        %dma_start3A_46 = arith.constant 0 : i32
        %dma_start3A_47 = tpu.memref_slice %arg8[%dma_start3A_45, %dma_start3A_46] : memref<120x128xi32, #tpu.memory_space<vmem>> -> memref<80x128xi32, #tpu.memory_space<vmem>>
        %dma_start3A_48 = arith.constant 0 : i32
        %dma_start3A_49 = tpu.memref_slice %arg5[%add3A_44, %dma_start3A_48] : memref<2560x128xi32, #tpu.memory_space<hbm>> -> memref<80x128xi32, #tpu.memory_space<hbm>>
        %dma_start3A_50 = arith.constant 40 : i32
        %dma_start3A_51 = arith.constant 0 : i32
        %dma_start3A_52 = tpu.memref_slice %arg8[%dma_start3A_50, %dma_start3A_51] : memref<120x128xi32, #tpu.memory_space<vmem>> -> memref<80x128xi32, #tpu.memory_space<vmem>>
        %dma_start3A_53 = arith.constant 0 : i32
        %dma_start3A_54 = tpu.memref_slice %arg5[%add3A_44, %dma_start3A_53] : memref<2560x128xi32, #tpu.memory_space<hbm>> -> memref<80x128xi32, #tpu.memory_space<hbm>>
        tpu.enqueue_dma source(%dma_start3A_54 : memref<80x128xi32, #tpu.memory_space<hbm>>) target(%dma_start3A_52 : memref<80x128xi32, #tpu.memory_space<vmem>>) target_semaphore(%run_scoped3A : memref<!tpu.dma_semaphore, #tpu.memory_space<semaphore_mem>>)
        %dma_wait3A = arith.constant 40 : i32
        %dma_wait3A_55 = arith.constant 0 : i32
        %dma_wait3A_56 = tpu.memref_slice %arg8[%dma_wait3A, %dma_wait3A_55] : memref<120x128xi32, #tpu.memory_space<vmem>> -> memref<80x128xi32, #tpu.memory_space<vmem>>
        %dma_wait3A_57 = arith.constant 0 : i32
        %dma_wait3A_58 = tpu.memref_slice %arg5[%add3A_44, %dma_wait3A_57] : memref<2560x128xi32, #tpu.memory_space<hbm>> -> memref<80x128xi32, #tpu.memory_space<hbm>>
        %dma_wait3A_59 = arith.constant 40 : i32
        %dma_wait3A_60 = arith.constant 0 : i32
        %dma_wait3A_61 = tpu.memref_slice %arg8[%dma_wait3A_59, %dma_wait3A_60] : memref<120x128xi32, #tpu.memory_space<vmem>> -> memref<80x128xi32, #tpu.memory_space<vmem>>
        %dma_wait3A_62 = arith.constant 0 : i32
        %dma_wait3A_63 = tpu.memref_slice %arg5[%add3A_44, %dma_wait3A_62] : memref<2560x128xi32, #tpu.memory_space<hbm>> -> memref<80x128xi32, #tpu.memory_space<hbm>>
        tpu.wait_dma2 semaphore(%run_scoped3A : memref<!tpu.dma_semaphore, #tpu.memory_space<semaphore_mem>>) src(%dma_wait3A_63 : memref<80x128xi32, #tpu.memory_space<hbm>>) dst(%dma_wait3A_61 : memref<80x128xi32, #tpu.memory_space<vmem>>)
        tpu.yield
      }) : () -> ()
    } else {
    }
    %dma_start3A = arith.constant 0 : i32
    %dma_start3A_12 = arith.constant 0 : i32
    %dma_start3A_13 = tpu.memref_slice %arg7[%dma_start3A, %dma_start3A_12] : memref<120x128xi32, #tpu.memory_space<vmem>> -> memref<1x128xi32, #tpu.memory_space<vmem>>
    %dma_start3A_14 = tpu.memref_squeeze %dma_start3A_13 : memref<1x128xi32, #tpu.memory_space<vmem>> -> memref<128xi32, #tpu.memory_space<vmem>>
    %dma_start3A_15 = arith.constant 0 : i32
    %dma_start3A_16 = arith.constant 0 : i32
    %dma_start3A_17 = tpu.memref_slice %arg2[%dma_start3A_15, %dma_start3A_16] : memref<10240x128xf32, #tpu.memory_space<hbm>> -> memref<10240x128xf32, #tpu.memory_space<hbm>>
    tpu.enqueue_indirect_dma source(%dma_start3A_17 : memref<10240x128xf32, #tpu.memory_space<hbm>>) target(%arg9 : memref<128x128xf32, #tpu.memory_space<vmem>>) offsets(%dma_start3A_14 : memref<128xi32, #tpu.memory_space<vmem>>) semaphore(%arg13 : memref<!tpu.dma_semaphore, #tpu.memory_space<semaphore_mem>>)
    %dma_start3A_18 = arith.constant 0 : i32
    %dma_start3A_19 = arith.constant 0 : i32
    %dma_start3A_20 = tpu.memref_slice %arg8[%dma_start3A_18, %dma_start3A_19] : memref<120x128xi32, #tpu.memory_space<vmem>> -> memref<1x128xi32, #tpu.memory_space<vmem>>
    %dma_start3A_21 = tpu.memref_squeeze %dma_start3A_20 : memref<1x128xi32, #tpu.memory_space<vmem>> -> memref<128xi32, #tpu.memory_space<vmem>>
    %dma_start3A_22 = arith.constant 0 : i32
    %dma_start3A_23 = arith.constant 0 : i32
    %dma_start3A_24 = tpu.memref_slice %arg3[%dma_start3A_22, %dma_start3A_23] : memref<10240x128xf32, #tpu.memory_space<hbm>> -> memref<10240x128xf32, #tpu.memory_space<hbm>>
    tpu.enqueue_indirect_dma source(%dma_start3A_24 : memref<10240x128xf32, #tpu.memory_space<hbm>>) target(%arg10 : memref<128x128xf32, #tpu.memory_space<vmem>>) offsets(%dma_start3A_21 : memref<128xi32, #tpu.memory_space<vmem>>) semaphore(%arg14 : memref<!tpu.dma_semaphore, #tpu.memory_space<semaphore_mem>>)
    %sub3A = arith.constant 0 : i32
    %sub3A_25 = arith.subi %select_n3A_8, %sub3A : i32
    %sub3A_26 = arith.constant 2 : i32
    %sub3A_27 = arith.constant 1 : i32
    %sub3A_28 = arith.subi %sub3A_26, %sub3A_27 : i32
    %add3A_29 = arith.addi %sub3A_25, %sub3A_28 : i32
    %div3A = arith.constant 2 : i32
    %div3A_30 = arith.divsi %add3A_29, %div3A : i32
    %while3A = arith.constant 2 : i32
    %while3A_31 = arith.constant 0 : i32
    %while3A_32 = arith.constant 0 : i32
    %while3A_33 = arith.subi %div3A_30, %while3A_32 : i32
    %while3A_34 = arith.addi %while3A_32, %while3A_33 : i32
    %while3A_35 = arith.constant 1 : i32
    %while3A_36 = arith.divsi %while3A_33, %while3A_35 : i32
    %while3A_37 = arith.muli %while3A_36, %while3A_35 : i32
    %while3A_38 = arith.addi %while3A_32, %while3A_37 : i32
    %while3A_39 = arith.constant 1 : i32
    scf.for %while3A_41 = %while3A_32 to %while3A_38 step %while3A_39  : i32 {
      %mul3A_42 = arith.muli %while3A_41, %while3A : i32
      %add3A_43 = arith.addi %while3A_31, %mul3A_42 : i32
      %add3A_44 = arith.constant 1 : i32
      %add3A_45 = arith.addi %add3A_43, %add3A_44 : i32
      %dma_start3A_46 = arith.constant 0 : i32
      %dma_start3A_47 = tpu.memref_slice %arg7[%add3A_45, %dma_start3A_46] : memref<120x128xi32, #tpu.memory_space<vmem>> -> memref<1x128xi32, #tpu.memory_space<vmem>>
      %dma_start3A_48 = tpu.memref_squeeze %dma_start3A_47 : memref<1x128xi32, #tpu.memory_space<vmem>> -> memref<128xi32, #tpu.memory_space<vmem>>
      %dma_start3A_49 = arith.constant 0 : i32
      %dma_start3A_50 = arith.constant 0 : i32
      %dma_start3A_51 = tpu.memref_slice %arg2[%dma_start3A_49, %dma_start3A_50] : memref<10240x128xf32, #tpu.memory_space<hbm>> -> memref<10240x128xf32, #tpu.memory_space<hbm>>
      tpu.enqueue_indirect_dma source(%dma_start3A_51 : memref<10240x128xf32, #tpu.memory_space<hbm>>) target(%arg11 : memref<128x128xf32, #tpu.memory_space<vmem>>) offsets(%dma_start3A_48 : memref<128xi32, #tpu.memory_space<vmem>>) semaphore(%arg15 : memref<!tpu.dma_semaphore, #tpu.memory_space<semaphore_mem>>)
      %add3A_52 = arith.constant 1 : i32
      %add3A_53 = arith.addi %add3A_43, %add3A_52 : i32
      %dma_start3A_54 = arith.constant 0 : i32
      %dma_start3A_55 = tpu.memref_slice %arg8[%add3A_53, %dma_start3A_54] : memref<120x128xi32, #tpu.memory_space<vmem>> -> memref<1x128xi32, #tpu.memory_space<vmem>>
      %dma_start3A_56 = tpu.memref_squeeze %dma_start3A_55 : memref<1x128xi32, #tpu.memory_space<vmem>> -> memref<128xi32, #tpu.memory_space<vmem>>
      %dma_start3A_57 = arith.constant 0 : i32
      %dma_start3A_58 = arith.constant 0 : i32
      %dma_start3A_59 = tpu.memref_slice %arg3[%dma_start3A_57, %dma_start3A_58] : memref<10240x128xf32, #tpu.memory_space<hbm>> -> memref<10240x128xf32, #tpu.memory_space<hbm>>
      tpu.enqueue_indirect_dma source(%dma_start3A_59 : memref<10240x128xf32, #tpu.memory_space<hbm>>) target(%arg12 : memref<128x128xf32, #tpu.memory_space<vmem>>) offsets(%dma_start3A_56 : memref<128xi32, #tpu.memory_space<vmem>>) semaphore(%arg16 : memref<!tpu.dma_semaphore, #tpu.memory_space<semaphore_mem>>)
      %dma_wait3A = arith.constant 0 : i32
      %dma_wait3A_60 = arith.constant 0 : i32
      %dma_wait3A_61 = tpu.memref_slice %arg7[%dma_wait3A, %dma_wait3A_60] : memref<120x128xi32, #tpu.memory_space<vmem>> -> memref<1x128xi32, #tpu.memory_space<vmem>>
      %dma_wait3A_62 = tpu.memref_squeeze %dma_wait3A_61 : memref<1x128xi32, #tpu.memory_space<vmem>> -> memref<128xi32, #tpu.memory_space<vmem>>
      %dma_wait3A_63 = arith.constant 0 : i32
      %dma_wait3A_64 = arith.constant 0 : i32
      %dma_wait3A_65 = tpu.memref_slice %arg2[%dma_wait3A_63, %dma_wait3A_64] : memref<10240x128xf32, #tpu.memory_space<hbm>> -> memref<10240x128xf32, #tpu.memory_space<hbm>>
      tpu.wait_indirect_dma semaphore(%arg13 : memref<!tpu.dma_semaphore, #tpu.memory_space<semaphore_mem>>) src(%dma_wait3A_65 : memref<10240x128xf32, #tpu.memory_space<hbm>>) dst(%arg9 : memref<128x128xf32, #tpu.memory_space<vmem>>)
      %dma_wait3A_66 = arith.constant 0 : i32
      %dma_wait3A_67 = arith.constant 0 : i32
      %dma_wait3A_68 = tpu.memref_slice %arg8[%dma_wait3A_66, %dma_wait3A_67] : memref<120x128xi32, #tpu.memory_space<vmem>> -> memref<1x128xi32, #tpu.memory_space<vmem>>
      %dma_wait3A_69 = tpu.memref_squeeze %dma_wait3A_68 : memref<1x128xi32, #tpu.memory_space<vmem>> -> memref<128xi32, #tpu.memory_space<vmem>>
      %dma_wait3A_70 = arith.constant 0 : i32
      %dma_wait3A_71 = arith.constant 0 : i32
      %dma_wait3A_72 = tpu.memref_slice %arg3[%dma_wait3A_70, %dma_wait3A_71] : memref<10240x128xf32, #tpu.memory_space<hbm>> -> memref<10240x128xf32, #tpu.memory_space<hbm>>
      tpu.wait_indirect_dma semaphore(%arg14 : memref<!tpu.dma_semaphore, #tpu.memory_space<semaphore_mem>>) src(%dma_wait3A_72 : memref<10240x128xf32, #tpu.memory_space<hbm>>) dst(%arg10 : memref<128x128xf32, #tpu.memory_space<vmem>>)
      %scan3A = arith.constant 0 : i32
      %scan3A_73 = arith.constant 128 : i32
      %scan3A_74 = arith.addi %scan3A, %scan3A_73 : i32
      %scan3A_75 = arith.constant 1 : i32
      scf.for %scan3A_111 = %scan3A to %scan3A_74 step %scan3A_75  : i32 {
        %mul3A_112 = arith.constant 1 : i32
        %mul3A_113 = arith.muli %scan3A_111, %mul3A_112 : i32
        %add3A_114 = arith.constant 0 : i32
        %add3A_115 = arith.addi %add3A_114, %mul3A_113 : i32
        %get3A = arith.index_cast %add3A_115 : i32 to index
        %get3A_116 = arith.constant 0 : index
        %get3A_117 = tpu.vector_load %arg9[%get3A, %get3A_116] {strides = array<i32>} : memref<128x128xf32, #tpu.memory_space<vmem>>, vector<1x16xf32>,
        %get3A_118 = vector.shape_cast %get3A_117 : vector<1x16xf32> to vector<16xf32>
        %get3A_119 = arith.index_cast %add3A_115 : i32 to index
        %get3A_120 = arith.constant 0 : index
        %get3A_121 = tpu.vector_load %arg10[%get3A_119, %get3A_120] {strides = array<i32>} : memref<128x128xf32, #tpu.memory_space<vmem>>, vector<1x16xf32>,
        %get3A_122 = vector.shape_cast %get3A_121 : vector<1x16xf32> to vector<16xf32>
        %add3A_123 = arith.addf %get3A_118, %get3A_122 : vector<16xf32>
        %swap3A = arith.index_cast %add3A_115 : i32 to index
        %swap3A_124 = arith.constant 0 : index
        %swap3A_125 = tpu.vector_load %arg9[%swap3A, %swap3A_124] {strides = array<i32>} : memref<128x128xf32, #tpu.memory_space<vmem>>, vector<1x16xf32>,
        %swap3A_126 = vector.shape_cast %swap3A_125 : vector<1x16xf32> to vector<16xf32>
        %swap3A_127 = vector.shape_cast %add3A_123 : vector<16xf32> to vector<1x16xf32>
        tpu.vector_store %arg9[%swap3A, %swap3A_124], %swap3A_127 {strides = array<i32>} : memref<128x128xf32, #tpu.memory_space<vmem>>, vector<1x16xf32>,
        %get3A_128 = arith.index_cast %add3A_115 : i32 to index
        %get3A_129 = arith.constant 16 : index
        %get3A_130 = tpu.vector_load %arg9[%get3A_128, %get3A_129] {strides = array<i32>} : memref<128x128xf32, #tpu.memory_space<vmem>>, vector<1x16xf32>,
        %get3A_131 = vector.shape_cast %get3A_130 : vector<1x16xf32> to vector<16xf32>
        %get3A_132 = arith.index_cast %add3A_115 : i32 to index
        %get3A_133 = arith.constant 16 : index
        %get3A_134 = tpu.vector_load %arg10[%get3A_132, %get3A_133] {strides = array<i32>} : memref<128x128xf32, #tpu.memory_space<vmem>>, vector<1x16xf32>,
        %get3A_135 = vector.shape_cast %get3A_134 : vector<1x16xf32> to vector<16xf32>
        %add3A_136 = arith.addf %get3A_131, %get3A_135 : vector<16xf32>
        %swap3A_137 = arith.index_cast %add3A_115 : i32 to index
        %swap3A_138 = arith.constant 16 : index
        %swap3A_139 = tpu.vector_load %arg9[%swap3A_137, %swap3A_138] {strides = array<i32>} : memref<128x128xf32, #tpu.memory_space<vmem>>, vector<1x16xf32>,
        %swap3A_140 = vector.shape_cast %swap3A_139 : vector<1x16xf32> to vector<16xf32>
        %swap3A_141 = vector.shape_cast %add3A_136 : vector<16xf32> to vector<1x16xf32>
        tpu.vector_store %arg9[%swap3A_137, %swap3A_138], %swap3A_141 {strides = array<i32>} : memref<128x128xf32, #tpu.memory_space<vmem>>, vector<1x16xf32>,
        %get3A_142 = arith.index_cast %add3A_115 : i32 to index
        %get3A_143 = arith.constant 32 : index
        %get3A_144 = tpu.vector_load %arg9[%get3A_142, %get3A_143] {strides = array<i32>} : memref<128x128xf32, #tpu.memory_space<vmem>>, vector<1x16xf32>,
        %get3A_145 = vector.shape_cast %get3A_144 : vector<1x16xf32> to vector<16xf32>
        %get3A_146 = arith.index_cast %add3A_115 : i32 to index
        %get3A_147 = arith.constant 32 : index
        %get3A_148 = tpu.vector_load %arg10[%get3A_146, %get3A_147] {strides = array<i32>} : memref<128x128xf32, #tpu.memory_space<vmem>>, vector<1x16xf32>,
        %get3A_149 = vector.shape_cast %get3A_148 : vector<1x16xf32> to vector<16xf32>
        %add3A_150 = arith.addf %get3A_145, %get3A_149 : vector<16xf32>
        %swap3A_151 = arith.index_cast %add3A_115 : i32 to index
        %swap3A_152 = arith.constant 32 : index
        %swap3A_153 = tpu.vector_load %arg9[%swap3A_151, %swap3A_152] {strides = array<i32>} : memref<128x128xf32, #tpu.memory_space<vmem>>, vector<1x16xf32>,
        %swap3A_154 = vector.shape_cast %swap3A_153 : vector<1x16xf32> to vector<16xf32>
        %swap3A_155 = vector.shape_cast %add3A_150 : vector<16xf32> to vector<1x16xf32>
        tpu.vector_store %arg9[%swap3A_151, %swap3A_152], %swap3A_155 {strides = array<i32>} : memref<128x128xf32, #tpu.memory_space<vmem>>, vector<1x16xf32>,
        %get3A_156 = arith.index_cast %add3A_115 : i32 to index
        %get3A_157 = arith.constant 48 : index
        %get3A_158 = tpu.vector_load %arg9[%get3A_156, %get3A_157] {strides = array<i32>} : memref<128x128xf32, #tpu.memory_space<vmem>>, vector<1x16xf32>,
        %get3A_159 = vector.shape_cast %get3A_158 : vector<1x16xf32> to vector<16xf32>
        %get3A_160 = arith.index_cast %add3A_115 : i32 to index
        %get3A_161 = arith.constant 48 : index
        %get3A_162 = tpu.vector_load %arg10[%get3A_160, %get3A_161] {strides = array<i32>} : memref<128x128xf32, #tpu.memory_space<vmem>>, vector<1x16xf32>,
        %get3A_163 = vector.shape_cast %get3A_162 : vector<1x16xf32> to vector<16xf32>
        %add3A_164 = arith.addf %get3A_159, %get3A_163 : vector<16xf32>
        %swap3A_165 = arith.index_cast %add3A_115 : i32 to index
        %swap3A_166 = arith.constant 48 : index
        %swap3A_167 = tpu.vector_load %arg9[%swap3A_165, %swap3A_166] {strides = array<i32>} : memref<128x128xf32, #tpu.memory_space<vmem>>, vector<1x16xf32>,
        %swap3A_168 = vector.shape_cast %swap3A_167 : vector<1x16xf32> to vector<16xf32>
        %swap3A_169 = vector.shape_cast %add3A_164 : vector<16xf32> to vector<1x16xf32>
        tpu.vector_store %arg9[%swap3A_165, %swap3A_166], %swap3A_169 {strides = array<i32>} : memref<128x128xf32, #tpu.memory_space<vmem>>, vector<1x16xf32>,
        %get3A_170 = arith.index_cast %add3A_115 : i32 to index
        %get3A_171 = arith.constant 64 : index
        %get3A_172 = tpu.vector_load %arg9[%get3A_170, %get3A_171] {strides = array<i32>} : memref<128x128xf32, #tpu.memory_space<vmem>>, vector<1x16xf32>,
        %get3A_173 = vector.shape_cast %get3A_172 : vector<1x16xf32> to vector<16xf32>
        %get3A_174 = arith.index_cast %add3A_115 : i32 to index
        %get3A_175 = arith.constant 64 : index
        %get3A_176 = tpu.vector_load %arg10[%get3A_174, %get3A_175] {strides = array<i32>} : memref<128x128xf32, #tpu.memory_space<vmem>>, vector<1x16xf32>,
        %get3A_177 = vector.shape_cast %get3A_176 : vector<1x16xf32> to vector<16xf32>
        %add3A_178 = arith.addf %get3A_173, %get3A_177 : vector<16xf32>
        %swap3A_179 = arith.index_cast %add3A_115 : i32 to index
        %swap3A_180 = arith.constant 64 : index
        %swap3A_181 = tpu.vector_load %arg9[%swap3A_179, %swap3A_180] {strides = array<i32>} : memref<128x128xf32, #tpu.memory_space<vmem>>, vector<1x16xf32>,
        %swap3A_182 = vector.shape_cast %swap3A_181 : vector<1x16xf32> to vector<16xf32>
        %swap3A_183 = vector.shape_cast %add3A_178 : vector<16xf32> to vector<1x16xf32>
        tpu.vector_store %arg9[%swap3A_179, %swap3A_180], %swap3A_183 {strides = array<i32>} : memref<128x128xf32, #tpu.memory_space<vmem>>, vector<1x16xf32>,
        %get3A_184 = arith.index_cast %add3A_115 : i32 to index
        %get3A_185 = arith.constant 80 : index
        %get3A_186 = tpu.vector_load %arg9[%get3A_184, %get3A_185] {strides = array<i32>} : memref<128x128xf32, #tpu.memory_space<vmem>>, vector<1x16xf32>,
        %get3A_187 = vector.shape_cast %get3A_186 : vector<1x16xf32> to vector<16xf32>
        %get3A_188 = arith.index_cast %add3A_115 : i32 to index
        %get3A_189 = arith.constant 80 : index
        %get3A_190 = tpu.vector_load %arg10[%get3A_188, %get3A_189] {strides = array<i32>} : memref<128x128xf32, #tpu.memory_space<vmem>>, vector<1x16xf32>,
        %get3A_191 = vector.shape_cast %get3A_190 : vector<1x16xf32> to vector<16xf32>
        %add3A_192 = arith.addf %get3A_187, %get3A_191 : vector<16xf32>
        %swap3A_193 = arith.index_cast %add3A_115 : i32 to index
        %swap3A_194 = arith.constant 80 : index
        %swap3A_195 = tpu.vector_load %arg9[%swap3A_193, %swap3A_194] {strides = array<i32>} : memref<128x128xf32, #tpu.memory_space<vmem>>, vector<1x16xf32>,
        %swap3A_196 = vector.shape_cast %swap3A_195 : vector<1x16xf32> to vector<16xf32>
        %swap3A_197 = vector.shape_cast %add3A_192 : vector<16xf32> to vector<1x16xf32>
        tpu.vector_store %arg9[%swap3A_193, %swap3A_194], %swap3A_197 {strides = array<i32>} : memref<128x128xf32, #tpu.memory_space<vmem>>, vector<1x16xf32>,
        %get3A_198 = arith.index_cast %add3A_115 : i32 to index
        %get3A_199 = arith.constant 96 : index
        %get3A_200 = tpu.vector_load %arg9[%get3A_198, %get3A_199] {strides = array<i32>} : memref<128x128xf32, #tpu.memory_space<vmem>>, vector<1x16xf32>,
        %get3A_201 = vector.shape_cast %get3A_200 : vector<1x16xf32> to vector<16xf32>
        %get3A_202 = arith.index_cast %add3A_115 : i32 to index
        %get3A_203 = arith.constant 96 : index
        %get3A_204 = tpu.vector_load %arg10[%get3A_202, %get3A_203] {strides = array<i32>} : memref<128x128xf32, #tpu.memory_space<vmem>>, vector<1x16xf32>,
        %get3A_205 = vector.shape_cast %get3A_204 : vector<1x16xf32> to vector<16xf32>
        %add3A_206 = arith.addf %get3A_201, %get3A_205 : vector<16xf32>
        %swap3A_207 = arith.index_cast %add3A_115 : i32 to index
        %swap3A_208 = arith.constant 96 : index
        %swap3A_209 = tpu.vector_load %arg9[%swap3A_207, %swap3A_208] {strides = array<i32>} : memref<128x128xf32, #tpu.memory_space<vmem>>, vector<1x16xf32>,
        %swap3A_210 = vector.shape_cast %swap3A_209 : vector<1x16xf32> to vector<16xf32>
        %swap3A_211 = vector.shape_cast %add3A_206 : vector<16xf32> to vector<1x16xf32>
        tpu.vector_store %arg9[%swap3A_207, %swap3A_208], %swap3A_211 {strides = array<i32>} : memref<128x128xf32, #tpu.memory_space<vmem>>, vector<1x16xf32>,
        %get3A_212 = arith.index_cast %add3A_115 : i32 to index
        %get3A_213 = arith.constant 112 : index
        %get3A_214 = tpu.vector_load %arg9[%get3A_212, %get3A_213] {strides = array<i32>} : memref<128x128xf32, #tpu.memory_space<vmem>>, vector<1x16xf32>,
        %get3A_215 = vector.shape_cast %get3A_214 : vector<1x16xf32> to vector<16xf32>
        %get3A_216 = arith.index_cast %add3A_115 : i32 to index
        %get3A_217 = arith.constant 112 : index
        %get3A_218 = tpu.vector_load %arg10[%get3A_216, %get3A_217] {strides = array<i32>} : memref<128x128xf32, #tpu.memory_space<vmem>>, vector<1x16xf32>,
        %get3A_219 = vector.shape_cast %get3A_218 : vector<1x16xf32> to vector<16xf32>
        %add3A_220 = arith.addf %get3A_215, %get3A_219 : vector<16xf32>
        %swap3A_221 = arith.index_cast %add3A_115 : i32 to index
        %swap3A_222 = arith.constant 112 : index
        %swap3A_223 = tpu.vector_load %arg9[%swap3A_221, %swap3A_222] {strides = array<i32>} : memref<128x128xf32, #tpu.memory_space<vmem>>, vector<1x16xf32>,
        %swap3A_224 = vector.shape_cast %swap3A_223 : vector<1x16xf32> to vector<16xf32>
        %swap3A_225 = vector.shape_cast %add3A_220 : vector<16xf32> to vector<1x16xf32>
        tpu.vector_store %arg9[%swap3A_221, %swap3A_222], %swap3A_225 {strides = array<i32>} : memref<128x128xf32, #tpu.memory_space<vmem>>, vector<1x16xf32>,
      }
      %scan3A_76 = arith.constant 128 : i32
      %add3A_77 = arith.addi %multiple_of3A, %add3A_43 : i32
      %mul3A_78 = arith.constant 128 : i32
      %mul3A_79 = arith.muli %add3A_77, %mul3A_78 : i32
      %multiple_of3A_80 = tpu.assume_multiple %mul3A_79, 128 : i32
      "tpu.region"() ({
        %run_scoped3A = tpu.sem_alloc : memref<!tpu.dma_semaphore, #tpu.memory_space<semaphore_mem>>
        %dma_start3A_111 = arith.constant 0 : i32
        %dma_start3A_112 = tpu.memref_slice %arg6[%multiple_of3A_80, %dma_start3A_111] : memref<327680x128xf32, #tpu.memory_space<hbm>> -> memref<128x128xf32, #tpu.memory_space<hbm>>
        %dma_start3A_113 = arith.constant 0 : i32
        %dma_start3A_114 = tpu.memref_slice %arg6[%multiple_of3A_80, %dma_start3A_113] : memref<327680x128xf32, #tpu.memory_space<hbm>> -> memref<128x128xf32, #tpu.memory_space<hbm>>
        tpu.enqueue_dma source(%arg9 : memref<128x128xf32, #tpu.memory_space<vmem>>) target(%dma_start3A_114 : memref<128x128xf32, #tpu.memory_space<hbm>>) target_semaphore(%run_scoped3A : memref<!tpu.dma_semaphore, #tpu.memory_space<semaphore_mem>>)
        %dma_wait3A_115 = arith.constant 0 : i32
        %dma_wait3A_116 = tpu.memref_slice %arg6[%multiple_of3A_80, %dma_wait3A_115] : memref<327680x128xf32, #tpu.memory_space<hbm>> -> memref<128x128xf32, #tpu.memory_space<hbm>>
        %dma_wait3A_117 = arith.constant 0 : i32
        %dma_wait3A_118 = tpu.memref_slice %arg6[%multiple_of3A_80, %dma_wait3A_117] : memref<327680x128xf32, #tpu.memory_space<hbm>> -> memref<128x128xf32, #tpu.memory_space<hbm>>
        tpu.wait_dma2 semaphore(%run_scoped3A : memref<!tpu.dma_semaphore, #tpu.memory_space<semaphore_mem>>) src(%arg9 : memref<128x128xf32, #tpu.memory_space<vmem>>) dst(%dma_wait3A_118 : memref<128x128xf32, #tpu.memory_space<hbm>>)
        tpu.yield
      }) : () -> ()
      %add3A_81 = arith.constant 2 : i32
      %add3A_82 = arith.addi %add3A_43, %add3A_81 : i32
      %lt3A = arith.cmpi slt, %add3A_82, %select_n3A_8 : i32
      %convert_element_type3A_83 = arith.extui %lt3A : i1 to i32
      %cond3A_84 = arith.constant 0 : i32
      %cond3A_85 = arith.cmpi ne, %convert_element_type3A_83, %cond3A_84 : i32
      scf.if %cond3A_85 {
        %add3A_111 = arith.constant 2 : i32
        %add3A_112 = arith.addi %add3A_43, %add3A_111 : i32
        %dma_start3A_113 = arith.constant 0 : i32
        %dma_start3A_114 = tpu.memref_slice %arg7[%add3A_112, %dma_start3A_113] : memref<120x128xi32, #tpu.memory_space<vmem>> -> memref<1x128xi32, #tpu.memory_space<vmem>>
        %dma_start3A_115 = tpu.memref_squeeze %dma_start3A_114 : memref<1x128xi32, #tpu.memory_space<vmem>> -> memref<128xi32, #tpu.memory_space<vmem>>
        %dma_start3A_116 = arith.constant 0 : i32
        %dma_start3A_117 = arith.constant 0 : i32
        %dma_start3A_118 = tpu.memref_slice %arg2[%dma_start3A_116, %dma_start3A_117] : memref<10240x128xf32, #tpu.memory_space<hbm>> -> memref<10240x128xf32, #tpu.memory_space<hbm>>
        tpu.enqueue_indirect_dma source(%dma_start3A_118 : memref<10240x128xf32, #tpu.memory_space<hbm>>) target(%arg9 : memref<128x128xf32, #tpu.memory_space<vmem>>) offsets(%dma_start3A_115 : memref<128xi32, #tpu.memory_space<vmem>>) semaphore(%arg13 : memref<!tpu.dma_semaphore, #tpu.memory_space<semaphore_mem>>)
        %add3A_119 = arith.constant 2 : i32
        %add3A_120 = arith.addi %add3A_43, %add3A_119 : i32
        %dma_start3A_121 = arith.constant 0 : i32
        %dma_start3A_122 = tpu.memref_slice %arg8[%add3A_120, %dma_start3A_121] : memref<120x128xi32, #tpu.memory_space<vmem>> -> memref<1x128xi32, #tpu.memory_space<vmem>>
        %dma_start3A_123 = tpu.memref_squeeze %dma_start3A_122 : memref<1x128xi32, #tpu.memory_space<vmem>> -> memref<128xi32, #tpu.memory_space<vmem>>
        %dma_start3A_124 = arith.constant 0 : i32
        %dma_start3A_125 = arith.constant 0 : i32
        %dma_start3A_126 = tpu.memref_slice %arg3[%dma_start3A_124, %dma_start3A_125] : memref<10240x128xf32, #tpu.memory_space<hbm>> -> memref<10240x128xf32, #tpu.memory_space<hbm>>
        tpu.enqueue_indirect_dma source(%dma_start3A_126 : memref<10240x128xf32, #tpu.memory_space<hbm>>) target(%arg10 : memref<128x128xf32, #tpu.memory_space<vmem>>) offsets(%dma_start3A_123 : memref<128xi32, #tpu.memory_space<vmem>>) semaphore(%arg14 : memref<!tpu.dma_semaphore, #tpu.memory_space<semaphore_mem>>)
      } else {
      }
      %dma_wait3A_86 = arith.constant 0 : i32
      %dma_wait3A_87 = arith.constant 0 : i32
      %dma_wait3A_88 = tpu.memref_slice %arg7[%dma_wait3A_86, %dma_wait3A_87] : memref<120x128xi32, #tpu.memory_space<vmem>> -> memref<1x128xi32, #tpu.memory_space<vmem>>
      %dma_wait3A_89 = tpu.memref_squeeze %dma_wait3A_88 : memref<1x128xi32, #tpu.memory_space<vmem>> -> memref<128xi32, #tpu.memory_space<vmem>>
      %dma_wait3A_90 = arith.constant 0 : i32
      %dma_wait3A_91 = arith.constant 0 : i32
      %dma_wait3A_92 = tpu.memref_slice %arg2[%dma_wait3A_90, %dma_wait3A_91] : memref<10240x128xf32, #tpu.memory_space<hbm>> -> memref<10240x128xf32, #tpu.memory_space<hbm>>
      tpu.wait_indirect_dma semaphore(%arg15 : memref<!tpu.dma_semaphore, #tpu.memory_space<semaphore_mem>>) src(%dma_wait3A_92 : memref<10240x128xf32, #tpu.memory_space<hbm>>) dst(%arg11 : memref<128x128xf32, #tpu.memory_space<vmem>>)
      %dma_wait3A_93 = arith.constant 0 : i32
      %dma_wait3A_94 = arith.constant 0 : i32
      %dma_wait3A_95 = tpu.memref_slice %arg8[%dma_wait3A_93, %dma_wait3A_94] : memref<120x128xi32, #tpu.memory_space<vmem>> -> memref<1x128xi32, #tpu.memory_space<vmem>>
      %dma_wait3A_96 = tpu.memref_squeeze %dma_wait3A_95 : memref<1x128xi32, #tpu.memory_space<vmem>> -> memref<128xi32, #tpu.memory_space<vmem>>
      %dma_wait3A_97 = arith.constant 0 : i32
      %dma_wait3A_98 = arith.constant 0 : i32
      %dma_wait3A_99 = tpu.memref_slice %arg3[%dma_wait3A_97, %dma_wait3A_98] : memref<10240x128xf32, #tpu.memory_space<hbm>> -> memref<10240x128xf32, #tpu.memory_space<hbm>>
      tpu.wait_indirect_dma semaphore(%arg16 : memref<!tpu.dma_semaphore, #tpu.memory_space<semaphore_mem>>) src(%dma_wait3A_99 : memref<10240x128xf32, #tpu.memory_space<hbm>>) dst(%arg12 : memref<128x128xf32, #tpu.memory_space<vmem>>)
      %add3A_100 = arith.constant 1 : i32
      %add3A_101 = arith.addi %add3A_43, %add3A_100 : i32
      %scan3A_102 = arith.constant 0 : i32
      %scan3A_103 = arith.constant 128 : i32
      %scan3A_104 = arith.addi %scan3A_102, %scan3A_103 : i32
      %scan3A_105 = arith.constant 1 : i32
      scf.for %scan3A_111 = %scan3A_102 to %scan3A_104 step %scan3A_105  : i32 {
        %mul3A_112 = arith.constant 1 : i32
        %mul3A_113 = arith.muli %scan3A_111, %mul3A_112 : i32
        %add3A_114 = arith.constant 0 : i32
        %add3A_115 = arith.addi %add3A_114, %mul3A_113 : i32
        %get3A = arith.index_cast %add3A_115 : i32 to index
        %get3A_116 = arith.constant 0 : index
        %get3A_117 = tpu.vector_load %arg11[%get3A, %get3A_116] {strides = array<i32>} : memref<128x128xf32, #tpu.memory_space<vmem>>, vector<1x16xf32>,
        %get3A_118 = vector.shape_cast %get3A_117 : vector<1x16xf32> to vector<16xf32>
        %get3A_119 = arith.index_cast %add3A_115 : i32 to index
        %get3A_120 = arith.constant 0 : index
        %get3A_121 = tpu.vector_load %arg12[%get3A_119, %get3A_120] {strides = array<i32>} : memref<128x128xf32, #tpu.memory_space<vmem>>, vector<1x16xf32>,
        %get3A_122 = vector.shape_cast %get3A_121 : vector<1x16xf32> to vector<16xf32>
        %add3A_123 = arith.addf %get3A_118, %get3A_122 : vector<16xf32>
        %swap3A = arith.index_cast %add3A_115 : i32 to index
        %swap3A_124 = arith.constant 0 : index
        %swap3A_125 = tpu.vector_load %arg11[%swap3A, %swap3A_124] {strides = array<i32>} : memref<128x128xf32, #tpu.memory_space<vmem>>, vector<1x16xf32>,
        %swap3A_126 = vector.shape_cast %swap3A_125 : vector<1x16xf32> to vector<16xf32>
        %swap3A_127 = vector.shape_cast %add3A_123 : vector<16xf32> to vector<1x16xf32>
        tpu.vector_store %arg11[%swap3A, %swap3A_124], %swap3A_127 {strides = array<i32>} : memref<128x128xf32, #tpu.memory_space<vmem>>, vector<1x16xf32>,
        %get3A_128 = arith.index_cast %add3A_115 : i32 to index
        %get3A_129 = arith.constant 16 : index
        %get3A_130 = tpu.vector_load %arg11[%get3A_128, %get3A_129] {strides = array<i32>} : memref<128x128xf32, #tpu.memory_space<vmem>>, vector<1x16xf32>,
        %get3A_131 = vector.shape_cast %get3A_130 : vector<1x16xf32> to vector<16xf32>
        %get3A_132 = arith.index_cast %add3A_115 : i32 to index
        %get3A_133 = arith.constant 16 : index
        %get3A_134 = tpu.vector_load %arg12[%get3A_132, %get3A_133] {strides = array<i32>} : memref<128x128xf32, #tpu.memory_space<vmem>>, vector<1x16xf32>,
        %get3A_135 = vector.shape_cast %get3A_134 : vector<1x16xf32> to vector<16xf32>
        %add3A_136 = arith.addf %get3A_131, %get3A_135 : vector<16xf32>
        %swap3A_137 = arith.index_cast %add3A_115 : i32 to index
        %swap3A_138 = arith.constant 16 : index
        %swap3A_139 = tpu.vector_load %arg11[%swap3A_137, %swap3A_138] {strides = array<i32>} : memref<128x128xf32, #tpu.memory_space<vmem>>, vector<1x16xf32>,
        %swap3A_140 = vector.shape_cast %swap3A_139 : vector<1x16xf32> to vector<16xf32>
        %swap3A_141 = vector.shape_cast %add3A_136 : vector<16xf32> to vector<1x16xf32>
        tpu.vector_store %arg11[%swap3A_137, %swap3A_138], %swap3A_141 {strides = array<i32>} : memref<128x128xf32, #tpu.memory_space<vmem>>, vector<1x16xf32>,
        %get3A_142 = arith.index_cast %add3A_115 : i32 to index
        %get3A_143 = arith.constant 32 : index
        %get3A_144 = tpu.vector_load %arg11[%get3A_142, %get3A_143] {strides = array<i32>} : memref<128x128xf32, #tpu.memory_space<vmem>>, vector<1x16xf32>,
        %get3A_145 = vector.shape_cast %get3A_144 : vector<1x16xf32> to vector<16xf32>
        %get3A_146 = arith.index_cast %add3A_115 : i32 to index
        %get3A_147 = arith.constant 32 : index
        %get3A_148 = tpu.vector_load %arg12[%get3A_146, %get3A_147] {strides = array<i32>} : memref<128x128xf32, #tpu.memory_space<vmem>>, vector<1x16xf32>,
        %get3A_149 = vector.shape_cast %get3A_148 : vector<1x16xf32> to vector<16xf32>
        %add3A_150 = arith.addf %get3A_145, %get3A_149 : vector<16xf32>
        %swap3A_151 = arith.index_cast %add3A_115 : i32 to index
        %swap3A_152 = arith.constant 32 : index
        %swap3A_153 = tpu.vector_load %arg11[%swap3A_151, %swap3A_152] {strides = array<i32>} : memref<128x128xf32, #tpu.memory_space<vmem>>, vector<1x16xf32>,
        %swap3A_154 = vector.shape_cast %swap3A_153 : vector<1x16xf32> to vector<16xf32>
        %swap3A_155 = vector.shape_cast %add3A_150 : vector<16xf32> to vector<1x16xf32>
        tpu.vector_store %arg11[%swap3A_151, %swap3A_152], %swap3A_155 {strides = array<i32>} : memref<128x128xf32, #tpu.memory_space<vmem>>, vector<1x16xf32>,
        %get3A_156 = arith.index_cast %add3A_115 : i32 to index
        %get3A_157 = arith.constant 48 : index
        %get3A_158 = tpu.vector_load %arg11[%get3A_156, %get3A_157] {strides = array<i32>} : memref<128x128xf32, #tpu.memory_space<vmem>>, vector<1x16xf32>,
        %get3A_159 = vector.shape_cast %get3A_158 : vector<1x16xf32> to vector<16xf32>
        %get3A_160 = arith.index_cast %add3A_115 : i32 to index
        %get3A_161 = arith.constant 48 : index
        %get3A_162 = tpu.vector_load %arg12[%get3A_160, %get3A_161] {strides = array<i32>} : memref<128x128xf32, #tpu.memory_space<vmem>>, vector<1x16xf32>,
        %get3A_163 = vector.shape_cast %get3A_162 : vector<1x16xf32> to vector<16xf32>
        %add3A_164 = arith.addf %get3A_159, %get3A_163 : vector<16xf32>
        %swap3A_165 = arith.index_cast %add3A_115 : i32 to index
        %swap3A_166 = arith.constant 48 : index
        %swap3A_167 = tpu.vector_load %arg11[%swap3A_165, %swap3A_166] {strides = array<i32>} : memref<128x128xf32, #tpu.memory_space<vmem>>, vector<1x16xf32>,
        %swap3A_168 = vector.shape_cast %swap3A_167 : vector<1x16xf32> to vector<16xf32>
        %swap3A_169 = vector.shape_cast %add3A_164 : vector<16xf32> to vector<1x16xf32>
        tpu.vector_store %arg11[%swap3A_165, %swap3A_166], %swap3A_169 {strides = array<i32>} : memref<128x128xf32, #tpu.memory_space<vmem>>, vector<1x16xf32>,
        %get3A_170 = arith.index_cast %add3A_115 : i32 to index
        %get3A_171 = arith.constant 64 : index
        %get3A_172 = tpu.vector_load %arg11[%get3A_170, %get3A_171] {strides = array<i32>} : memref<128x128xf32, #tpu.memory_space<vmem>>, vector<1x16xf32>,
        %get3A_173 = vector.shape_cast %get3A_172 : vector<1x16xf32> to vector<16xf32>
        %get3A_174 = arith.index_cast %add3A_115 : i32 to index
        %get3A_175 = arith.constant 64 : index
        %get3A_176 = tpu.vector_load %arg12[%get3A_174, %get3A_175] {strides = array<i32>} : memref<128x128xf32, #tpu.memory_space<vmem>>, vector<1x16xf32>,
        %get3A_177 = vector.shape_cast %get3A_176 : vector<1x16xf32> to vector<16xf32>
        %add3A_178 = arith.addf %get3A_173, %get3A_177 : vector<16xf32>
        %swap3A_179 = arith.index_cast %add3A_115 : i32 to index
        %swap3A_180 = arith.constant 64 : index
        %swap3A_181 = tpu.vector_load %arg11[%swap3A_179, %swap3A_180] {strides = array<i32>} : memref<128x128xf32, #tpu.memory_space<vmem>>, vector<1x16xf32>,
        %swap3A_182 = vector.shape_cast %swap3A_181 : vector<1x16xf32> to vector<16xf32>
        %swap3A_183 = vector.shape_cast %add3A_178 : vector<16xf32> to vector<1x16xf32>
        tpu.vector_store %arg11[%swap3A_179, %swap3A_180], %swap3A_183 {strides = array<i32>} : memref<128x128xf32, #tpu.memory_space<vmem>>, vector<1x16xf32>,
        %get3A_184 = arith.index_cast %add3A_115 : i32 to index
        %get3A_185 = arith.constant 80 : index
        %get3A_186 = tpu.vector_load %arg11[%get3A_184, %get3A_185] {strides = array<i32>} : memref<128x128xf32, #tpu.memory_space<vmem>>, vector<1x16xf32>,
        %get3A_187 = vector.shape_cast %get3A_186 : vector<1x16xf32> to vector<16xf32>
        %get3A_188 = arith.index_cast %add3A_115 : i32 to index
        %get3A_189 = arith.constant 80 : index
        %get3A_190 = tpu.vector_load %arg12[%get3A_188, %get3A_189] {strides = array<i32>} : memref<128x128xf32, #tpu.memory_space<vmem>>, vector<1x16xf32>,
        %get3A_191 = vector.shape_cast %get3A_190 : vector<1x16xf32> to vector<16xf32>
        %add3A_192 = arith.addf %get3A_187, %get3A_191 : vector<16xf32>
        %swap3A_193 = arith.index_cast %add3A_115 : i32 to index
        %swap3A_194 = arith.constant 80 : index
        %swap3A_195 = tpu.vector_load %arg11[%swap3A_193, %swap3A_194] {strides = array<i32>} : memref<128x128xf32, #tpu.memory_space<vmem>>, vector<1x16xf32>,
        %swap3A_196 = vector.shape_cast %swap3A_195 : vector<1x16xf32> to vector<16xf32>
        %swap3A_197 = vector.shape_cast %add3A_192 : vector<16xf32> to vector<1x16xf32>
        tpu.vector_store %arg11[%swap3A_193, %swap3A_194], %swap3A_197 {strides = array<i32>} : memref<128x128xf32, #tpu.memory_space<vmem>>, vector<1x16xf32>,
        %get3A_198 = arith.index_cast %add3A_115 : i32 to index
        %get3A_199 = arith.constant 96 : index
        %get3A_200 = tpu.vector_load %arg11[%get3A_198, %get3A_199] {strides = array<i32>} : memref<128x128xf32, #tpu.memory_space<vmem>>, vector<1x16xf32>,
        %get3A_201 = vector.shape_cast %get3A_200 : vector<1x16xf32> to vector<16xf32>
        %get3A_202 = arith.index_cast %add3A_115 : i32 to index
        %get3A_203 = arith.constant 96 : index
        %get3A_204 = tpu.vector_load %arg12[%get3A_202, %get3A_203] {strides = array<i32>} : memref<128x128xf32, #tpu.memory_space<vmem>>, vector<1x16xf32>,
        %get3A_205 = vector.shape_cast %get3A_204 : vector<1x16xf32> to vector<16xf32>
        %add3A_206 = arith.addf %get3A_201, %get3A_205 : vector<16xf32>
        %swap3A_207 = arith.index_cast %add3A_115 : i32 to index
        %swap3A_208 = arith.constant 96 : index
        %swap3A_209 = tpu.vector_load %arg11[%swap3A_207, %swap3A_208] {strides = array<i32>} : memref<128x128xf32, #tpu.memory_space<vmem>>, vector<1x16xf32>,
        %swap3A_210 = vector.shape_cast %swap3A_209 : vector<1x16xf32> to vector<16xf32>
        %swap3A_211 = vector.shape_cast %add3A_206 : vector<16xf32> to vector<1x16xf32>
        tpu.vector_store %arg11[%swap3A_207, %swap3A_208], %swap3A_211 {strides = array<i32>} : memref<128x128xf32, #tpu.memory_space<vmem>>, vector<1x16xf32>,
        %get3A_212 = arith.index_cast %add3A_115 : i32 to index
        %get3A_213 = arith.constant 112 : index
        %get3A_214 = tpu.vector_load %arg11[%get3A_212, %get3A_213] {strides = array<i32>} : memref<128x128xf32, #tpu.memory_space<vmem>>, vector<1x16xf32>,
        %get3A_215 = vector.shape_cast %get3A_214 : vector<1x16xf32> to vector<16xf32>
        %get3A_216 = arith.index_cast %add3A_115 : i32 to index
        %get3A_217 = arith.constant 112 : index
        %get3A_218 = tpu.vector_load %arg12[%get3A_216, %get3A_217] {strides = array<i32>} : memref<128x128xf32, #tpu.memory_space<vmem>>, vector<1x16xf32>,
        %get3A_219 = vector.shape_cast %get3A_218 : vector<1x16xf32> to vector<16xf32>
        %add3A_220 = arith.addf %get3A_215, %get3A_219 : vector<16xf32>
        %swap3A_221 = arith.index_cast %add3A_115 : i32 to index
        %swap3A_222 = arith.constant 112 : index
        %swap3A_223 = tpu.vector_load %arg11[%swap3A_221, %swap3A_222] {strides = array<i32>} : memref<128x128xf32, #tpu.memory_space<vmem>>, vector<1x16xf32>,
        %swap3A_224 = vector.shape_cast %swap3A_223 : vector<1x16xf32> to vector<16xf32>
        %swap3A_225 = vector.shape_cast %add3A_220 : vector<16xf32> to vector<1x16xf32>
        tpu.vector_store %arg11[%swap3A_221, %swap3A_222], %swap3A_225 {strides = array<i32>} : memref<128x128xf32, #tpu.memory_space<vmem>>, vector<1x16xf32>,
      }
      %scan3A_106 = arith.constant 128 : i32
      %add3A_107 = arith.addi %multiple_of3A, %add3A_101 : i32
      %mul3A_108 = arith.constant 128 : i32
      %mul3A_109 = arith.muli %add3A_107, %mul3A_108 : i32
      %multiple_of3A_110 = tpu.assume_multiple %mul3A_109, 128 : i32
      "tpu.region"() ({
        %run_scoped3A = tpu.sem_alloc : memref<!tpu.dma_semaphore, #tpu.memory_space<semaphore_mem>>
        %dma_start3A_111 = arith.constant 0 : i32
        %dma_start3A_112 = tpu.memref_slice %arg6[%multiple_of3A_110, %dma_start3A_111] : memref<327680x128xf32, #tpu.memory_space<hbm>> -> memref<128x128xf32, #tpu.memory_space<hbm>>
        %dma_start3A_113 = arith.constant 0 : i32
        %dma_start3A_114 = tpu.memref_slice %arg6[%multiple_of3A_110, %dma_start3A_113] : memref<327680x128xf32, #tpu.memory_space<hbm>> -> memref<128x128xf32, #tpu.memory_space<hbm>>
        tpu.enqueue_dma source(%arg11 : memref<128x128xf32, #tpu.memory_space<vmem>>) target(%dma_start3A_114 : memref<128x128xf32, #tpu.memory_space<hbm>>) target_semaphore(%run_scoped3A : memref<!tpu.dma_semaphore, #tpu.memory_space<semaphore_mem>>)
        %dma_wait3A_115 = arith.constant 0 : i32
        %dma_wait3A_116 = tpu.memref_slice %arg6[%multiple_of3A_110, %dma_wait3A_115] : memref<327680x128xf32, #tpu.memory_space<hbm>> -> memref<128x128xf32, #tpu.memory_space<hbm>>
        %dma_wait3A_117 = arith.constant 0 : i32
        %dma_wait3A_118 = tpu.memref_slice %arg6[%multiple_of3A_110, %dma_wait3A_117] : memref<327680x128xf32, #tpu.memory_space<hbm>> -> memref<128x128xf32, #tpu.memory_space<hbm>>
        tpu.wait_dma2 semaphore(%run_scoped3A : memref<!tpu.dma_semaphore, #tpu.memory_space<semaphore_mem>>) src(%arg11 : memref<128x128xf32, #tpu.memory_space<vmem>>) dst(%dma_wait3A_118 : memref<128x128xf32, #tpu.memory_space<hbm>>)
        tpu.yield
      }) : () -> ()
    }
    %while3A_40 = arith.constant 1 : i32
    scf.for %while3A_41 = %while3A_38 to %while3A_34 step %while3A_40  : i32 {
      %mul3A_42 = arith.muli %while3A_41, %while3A : i32
      %add3A_43 = arith.addi %while3A_31, %mul3A_42 : i32
      %add3A_44 = arith.constant 1 : i32
      %add3A_45 = arith.addi %add3A_43, %add3A_44 : i32
      %dma_start3A_46 = arith.constant 0 : i32
      %dma_start3A_47 = tpu.memref_slice %arg7[%add3A_45, %dma_start3A_46] : memref<120x128xi32, #tpu.memory_space<vmem>> -> memref<1x128xi32, #tpu.memory_space<vmem>>
      %dma_start3A_48 = tpu.memref_squeeze %dma_start3A_47 : memref<1x128xi32, #tpu.memory_space<vmem>> -> memref<128xi32, #tpu.memory_space<vmem>>
      %dma_start3A_49 = arith.constant 0 : i32
      %dma_start3A_50 = arith.constant 0 : i32
      %dma_start3A_51 = tpu.memref_slice %arg2[%dma_start3A_49, %dma_start3A_50] : memref<10240x128xf32, #tpu.memory_space<hbm>> -> memref<10240x128xf32, #tpu.memory_space<hbm>>
      tpu.enqueue_indirect_dma source(%dma_start3A_51 : memref<10240x128xf32, #tpu.memory_space<hbm>>) target(%arg11 : memref<128x128xf32, #tpu.memory_space<vmem>>) offsets(%dma_start3A_48 : memref<128xi32, #tpu.memory_space<vmem>>) semaphore(%arg15 : memref<!tpu.dma_semaphore, #tpu.memory_space<semaphore_mem>>)
      %add3A_52 = arith.constant 1 : i32
      %add3A_53 = arith.addi %add3A_43, %add3A_52 : i32
      %dma_start3A_54 = arith.constant 0 : i32
      %dma_start3A_55 = tpu.memref_slice %arg8[%add3A_53, %dma_start3A_54] : memref<120x128xi32, #tpu.memory_space<vmem>> -> memref<1x128xi32, #tpu.memory_space<vmem>>
      %dma_start3A_56 = tpu.memref_squeeze %dma_start3A_55 : memref<1x128xi32, #tpu.memory_space<vmem>> -> memref<128xi32, #tpu.memory_space<vmem>>
      %dma_start3A_57 = arith.constant 0 : i32
      %dma_start3A_58 = arith.constant 0 : i32
      %dma_start3A_59 = tpu.memref_slice %arg3[%dma_start3A_57, %dma_start3A_58] : memref<10240x128xf32, #tpu.memory_space<hbm>> -> memref<10240x128xf32, #tpu.memory_space<hbm>>
      tpu.enqueue_indirect_dma source(%dma_start3A_59 : memref<10240x128xf32, #tpu.memory_space<hbm>>) target(%arg12 : memref<128x128xf32, #tpu.memory_space<vmem>>) offsets(%dma_start3A_56 : memref<128xi32, #tpu.memory_space<vmem>>) semaphore(%arg16 : memref<!tpu.dma_semaphore, #tpu.memory_space<semaphore_mem>>)
      %dma_wait3A = arith.constant 0 : i32
      %dma_wait3A_60 = arith.constant 0 : i32
      %dma_wait3A_61 = tpu.memref_slice %arg7[%dma_wait3A, %dma_wait3A_60] : memref<120x128xi32, #tpu.memory_space<vmem>> -> memref<1x128xi32, #tpu.memory_space<vmem>>
      %dma_wait3A_62 = tpu.memref_squeeze %dma_wait3A_61 : memref<1x128xi32, #tpu.memory_space<vmem>> -> memref<128xi32, #tpu.memory_space<vmem>>
      %dma_wait3A_63 = arith.constant 0 : i32
      %dma_wait3A_64 = arith.constant 0 : i32
      %dma_wait3A_65 = tpu.memref_slice %arg2[%dma_wait3A_63, %dma_wait3A_64] : memref<10240x128xf32, #tpu.memory_space<hbm>> -> memref<10240x128xf32, #tpu.memory_space<hbm>>
      tpu.wait_indirect_dma semaphore(%arg13 : memref<!tpu.dma_semaphore, #tpu.memory_space<semaphore_mem>>) src(%dma_wait3A_65 : memref<10240x128xf32, #tpu.memory_space<hbm>>) dst(%arg9 : memref<128x128xf32, #tpu.memory_space<vmem>>)
      %dma_wait3A_66 = arith.constant 0 : i32
      %dma_wait3A_67 = arith.constant 0 : i32
      %dma_wait3A_68 = tpu.memref_slice %arg8[%dma_wait3A_66, %dma_wait3A_67] : memref<120x128xi32, #tpu.memory_space<vmem>> -> memref<1x128xi32, #tpu.memory_space<vmem>>
      %dma_wait3A_69 = tpu.memref_squeeze %dma_wait3A_68 : memref<1x128xi32, #tpu.memory_space<vmem>> -> memref<128xi32, #tpu.memory_space<vmem>>
      %dma_wait3A_70 = arith.constant 0 : i32
      %dma_wait3A_71 = arith.constant 0 : i32
      %dma_wait3A_72 = tpu.memref_slice %arg3[%dma_wait3A_70, %dma_wait3A_71] : memref<10240x128xf32, #tpu.memory_space<hbm>> -> memref<10240x128xf32, #tpu.memory_space<hbm>>
      tpu.wait_indirect_dma semaphore(%arg14 : memref<!tpu.dma_semaphore, #tpu.memory_space<semaphore_mem>>) src(%dma_wait3A_72 : memref<10240x128xf32, #tpu.memory_space<hbm>>) dst(%arg10 : memref<128x128xf32, #tpu.memory_space<vmem>>)
      %scan3A = arith.constant 0 : i32
      %scan3A_73 = arith.constant 128 : i32
      %scan3A_74 = arith.addi %scan3A, %scan3A_73 : i32
      %scan3A_75 = arith.constant 1 : i32
      scf.for %scan3A_111 = %scan3A to %scan3A_74 step %scan3A_75  : i32 {
        %mul3A_112 = arith.constant 1 : i32
        %mul3A_113 = arith.muli %scan3A_111, %mul3A_112 : i32
        %add3A_114 = arith.constant 0 : i32
        %add3A_115 = arith.addi %add3A_114, %mul3A_113 : i32
        %get3A = arith.index_cast %add3A_115 : i32 to index
        %get3A_116 = arith.constant 0 : index
        %get3A_117 = tpu.vector_load %arg9[%get3A, %get3A_116] {strides = array<i32>} : memref<128x128xf32, #tpu.memory_space<vmem>>, vector<1x16xf32>,
        %get3A_118 = vector.shape_cast %get3A_117 : vector<1x16xf32> to vector<16xf32>
        %get3A_119 = arith.index_cast %add3A_115 : i32 to index
        %get3A_120 = arith.constant 0 : index
        %get3A_121 = tpu.vector_load %arg10[%get3A_119, %get3A_120] {strides = array<i32>} : memref<128x128xf32, #tpu.memory_space<vmem>>, vector<1x16xf32>,
        %get3A_122 = vector.shape_cast %get3A_121 : vector<1x16xf32> to vector<16xf32>
        %add3A_123 = arith.addf %get3A_118, %get3A_122 : vector<16xf32>
        %swap3A = arith.index_cast %add3A_115 : i32 to index
        %swap3A_124 = arith.constant 0 : index
        %swap3A_125 = tpu.vector_load %arg9[%swap3A, %swap3A_124] {strides = array<i32>} : memref<128x128xf32, #tpu.memory_space<vmem>>, vector<1x16xf32>,
        %swap3A_126 = vector.shape_cast %swap3A_125 : vector<1x16xf32> to vector<16xf32>
        %swap3A_127 = vector.shape_cast %add3A_123 : vector<16xf32> to vector<1x16xf32>
        tpu.vector_store %arg9[%swap3A, %swap3A_124], %swap3A_127 {strides = array<i32>} : memref<128x128xf32, #tpu.memory_space<vmem>>, vector<1x16xf32>,
        %get3A_128 = arith.index_cast %add3A_115 : i32 to index
        %get3A_129 = arith.constant 16 : index
        %get3A_130 = tpu.vector_load %arg9[%get3A_128, %get3A_129] {strides = array<i32>} : memref<128x128xf32, #tpu.memory_space<vmem>>, vector<1x16xf32>,
        %get3A_131 = vector.shape_cast %get3A_130 : vector<1x16xf32> to vector<16xf32>
        %get3A_132 = arith.index_cast %add3A_115 : i32 to index
        %get3A_133 = arith.constant 16 : index
        %get3A_134 = tpu.vector_load %arg10[%get3A_132, %get3A_133] {strides = array<i32>} : memref<128x128xf32, #tpu.memory_space<vmem>>, vector<1x16xf32>,
        %get3A_135 = vector.shape_cast %get3A_134 : vector<1x16xf32> to vector<16xf32>
        %add3A_136 = arith.addf %get3A_131, %get3A_135 : vector<16xf32>
        %swap3A_137 = arith.index_cast %add3A_115 : i32 to index
        %swap3A_138 = arith.constant 16 : index
        %swap3A_139 = tpu.vector_load %arg9[%swap3A_137, %swap3A_138] {strides = array<i32>} : memref<128x128xf32, #tpu.memory_space<vmem>>, vector<1x16xf32>,
        %swap3A_140 = vector.shape_cast %swap3A_139 : vector<1x16xf32> to vector<16xf32>
        %swap3A_141 = vector.shape_cast %add3A_136 : vector<16xf32> to vector<1x16xf32>
        tpu.vector_store %arg9[%swap3A_137, %swap3A_138], %swap3A_141 {strides = array<i32>} : memref<128x128xf32, #tpu.memory_space<vmem>>, vector<1x16xf32>,
        %get3A_142 = arith.index_cast %add3A_115 : i32 to index
        %get3A_143 = arith.constant 32 : index
        %get3A_144 = tpu.vector_load %arg9[%get3A_142, %get3A_143] {strides = array<i32>} : memref<128x128xf32, #tpu.memory_space<vmem>>, vector<1x16xf32>,
        %get3A_145 = vector.shape_cast %get3A_144 : vector<1x16xf32> to vector<16xf32>
        %get3A_146 = arith.index_cast %add3A_115 : i32 to index
        %get3A_147 = arith.constant 32 : index
        %get3A_148 = tpu.vector_load %arg10[%get3A_146, %get3A_147] {strides = array<i32>} : memref<128x128xf32, #tpu.memory_space<vmem>>, vector<1x16xf32>,
        %get3A_149 = vector.shape_cast %get3A_148 : vector<1x16xf32> to vector<16xf32>
        %add3A_150 = arith.addf %get3A_145, %get3A_149 : vector<16xf32>
        %swap3A_151 = arith.index_cast %add3A_115 : i32 to index
        %swap3A_152 = arith.constant 32 : index
        %swap3A_153 = tpu.vector_load %arg9[%swap3A_151, %swap3A_152] {strides = array<i32>} : memref<128x128xf32, #tpu.memory_space<vmem>>, vector<1x16xf32>,
        %swap3A_154 = vector.shape_cast %swap3A_153 : vector<1x16xf32> to vector<16xf32>
        %swap3A_155 = vector.shape_cast %add3A_150 : vector<16xf32> to vector<1x16xf32>
        tpu.vector_store %arg9[%swap3A_151, %swap3A_152], %swap3A_155 {strides = array<i32>} : memref<128x128xf32, #tpu.memory_space<vmem>>, vector<1x16xf32>,
        %get3A_156 = arith.index_cast %add3A_115 : i32 to index
        %get3A_157 = arith.constant 48 : index
        %get3A_158 = tpu.vector_load %arg9[%get3A_156, %get3A_157] {strides = array<i32>} : memref<128x128xf32, #tpu.memory_space<vmem>>, vector<1x16xf32>,
        %get3A_159 = vector.shape_cast %get3A_158 : vector<1x16xf32> to vector<16xf32>
        %get3A_160 = arith.index_cast %add3A_115 : i32 to index
        %get3A_161 = arith.constant 48 : index
        %get3A_162 = tpu.vector_load %arg10[%get3A_160, %get3A_161] {strides = array<i32>} : memref<128x128xf32, #tpu.memory_space<vmem>>, vector<1x16xf32>,
        %get3A_163 = vector.shape_cast %get3A_162 : vector<1x16xf32> to vector<16xf32>
        %add3A_164 = arith.addf %get3A_159, %get3A_163 : vector<16xf32>
        %swap3A_165 = arith.index_cast %add3A_115 : i32 to index
        %swap3A_166 = arith.constant 48 : index
        %swap3A_167 = tpu.vector_load %arg9[%swap3A_165, %swap3A_166] {strides = array<i32>} : memref<128x128xf32, #tpu.memory_space<vmem>>, vector<1x16xf32>,
        %swap3A_168 = vector.shape_cast %swap3A_167 : vector<1x16xf32> to vector<16xf32>
        %swap3A_169 = vector.shape_cast %add3A_164 : vector<16xf32> to vector<1x16xf32>
        tpu.vector_store %arg9[%swap3A_165, %swap3A_166], %swap3A_169 {strides = array<i32>} : memref<128x128xf32, #tpu.memory_space<vmem>>, vector<1x16xf32>,
        %get3A_170 = arith.index_cast %add3A_115 : i32 to index
        %get3A_171 = arith.constant 64 : index
        %get3A_172 = tpu.vector_load %arg9[%get3A_170, %get3A_171] {strides = array<i32>} : memref<128x128xf32, #tpu.memory_space<vmem>>, vector<1x16xf32>,
        %get3A_173 = vector.shape_cast %get3A_172 : vector<1x16xf32> to vector<16xf32>
        %get3A_174 = arith.index_cast %add3A_115 : i32 to index
        %get3A_175 = arith.constant 64 : index
        %get3A_176 = tpu.vector_load %arg10[%get3A_174, %get3A_175] {strides = array<i32>} : memref<128x128xf32, #tpu.memory_space<vmem>>, vector<1x16xf32>,
        %get3A_177 = vector.shape_cast %get3A_176 : vector<1x16xf32> to vector<16xf32>
        %add3A_178 = arith.addf %get3A_173, %get3A_177 : vector<16xf32>
        %swap3A_179 = arith.index_cast %add3A_115 : i32 to index
        %swap3A_180 = arith.constant 64 : index
        %swap3A_181 = tpu.vector_load %arg9[%swap3A_179, %swap3A_180] {strides = array<i32>} : memref<128x128xf32, #tpu.memory_space<vmem>>, vector<1x16xf32>,
        %swap3A_182 = vector.shape_cast %swap3A_181 : vector<1x16xf32> to vector<16xf32>
        %swap3A_183 = vector.shape_cast %add3A_178 : vector<16xf32> to vector<1x16xf32>
        tpu.vector_store %arg9[%swap3A_179, %swap3A_180], %swap3A_183 {strides = array<i32>} : memref<128x128xf32, #tpu.memory_space<vmem>>, vector<1x16xf32>,
        %get3A_184 = arith.index_cast %add3A_115 : i32 to index
        %get3A_185 = arith.constant 80 : index
        %get3A_186 = tpu.vector_load %arg9[%get3A_184, %get3A_185] {strides = array<i32>} : memref<128x128xf32, #tpu.memory_space<vmem>>, vector<1x16xf32>,
        %get3A_187 = vector.shape_cast %get3A_186 : vector<1x16xf32> to vector<16xf32>
        %get3A_188 = arith.index_cast %add3A_115 : i32 to index
        %get3A_189 = arith.constant 80 : index
        %get3A_190 = tpu.vector_load %arg10[%get3A_188, %get3A_189] {strides = array<i32>} : memref<128x128xf32, #tpu.memory_space<vmem>>, vector<1x16xf32>,
        %get3A_191 = vector.shape_cast %get3A_190 : vector<1x16xf32> to vector<16xf32>
        %add3A_192 = arith.addf %get3A_187, %get3A_191 : vector<16xf32>
        %swap3A_193 = arith.index_cast %add3A_115 : i32 to index
        %swap3A_194 = arith.constant 80 : index
        %swap3A_195 = tpu.vector_load %arg9[%swap3A_193, %swap3A_194] {strides = array<i32>} : memref<128x128xf32, #tpu.memory_space<vmem>>, vector<1x16xf32>,
        %swap3A_196 = vector.shape_cast %swap3A_195 : vector<1x16xf32> to vector<16xf32>
        %swap3A_197 = vector.shape_cast %add3A_192 : vector<16xf32> to vector<1x16xf32>
        tpu.vector_store %arg9[%swap3A_193, %swap3A_194], %swap3A_197 {strides = array<i32>} : memref<128x128xf32, #tpu.memory_space<vmem>>, vector<1x16xf32>,
        %get3A_198 = arith.index_cast %add3A_115 : i32 to index
        %get3A_199 = arith.constant 96 : index
        %get3A_200 = tpu.vector_load %arg9[%get3A_198, %get3A_199] {strides = array<i32>} : memref<128x128xf32, #tpu.memory_space<vmem>>, vector<1x16xf32>,
        %get3A_201 = vector.shape_cast %get3A_200 : vector<1x16xf32> to vector<16xf32>
        %get3A_202 = arith.index_cast %add3A_115 : i32 to index
        %get3A_203 = arith.constant 96 : index
        %get3A_204 = tpu.vector_load %arg10[%get3A_202, %get3A_203] {strides = array<i32>} : memref<128x128xf32, #tpu.memory_space<vmem>>, vector<1x16xf32>,
        %get3A_205 = vector.shape_cast %get3A_204 : vector<1x16xf32> to vector<16xf32>
        %add3A_206 = arith.addf %get3A_201, %get3A_205 : vector<16xf32>
        %swap3A_207 = arith.index_cast %add3A_115 : i32 to index
        %swap3A_208 = arith.constant 96 : index
        %swap3A_209 = tpu.vector_load %arg9[%swap3A_207, %swap3A_208] {strides = array<i32>} : memref<128x128xf32, #tpu.memory_space<vmem>>, vector<1x16xf32>,
        %swap3A_210 = vector.shape_cast %swap3A_209 : vector<1x16xf32> to vector<16xf32>
        %swap3A_211 = vector.shape_cast %add3A_206 : vector<16xf32> to vector<1x16xf32>
        tpu.vector_store %arg9[%swap3A_207, %swap3A_208], %swap3A_211 {strides = array<i32>} : memref<128x128xf32, #tpu.memory_space<vmem>>, vector<1x16xf32>,
        %get3A_212 = arith.index_cast %add3A_115 : i32 to index
        %get3A_213 = arith.constant 112 : index
        %get3A_214 = tpu.vector_load %arg9[%get3A_212, %get3A_213] {strides = array<i32>} : memref<128x128xf32, #tpu.memory_space<vmem>>, vector<1x16xf32>,
        %get3A_215 = vector.shape_cast %get3A_214 : vector<1x16xf32> to vector<16xf32>
        %get3A_216 = arith.index_cast %add3A_115 : i32 to index
        %get3A_217 = arith.constant 112 : index
        %get3A_218 = tpu.vector_load %arg10[%get3A_216, %get3A_217] {strides = array<i32>} : memref<128x128xf32, #tpu.memory_space<vmem>>, vector<1x16xf32>,
        %get3A_219 = vector.shape_cast %get3A_218 : vector<1x16xf32> to vector<16xf32>
        %add3A_220 = arith.addf %get3A_215, %get3A_219 : vector<16xf32>
        %swap3A_221 = arith.index_cast %add3A_115 : i32 to index
        %swap3A_222 = arith.constant 112 : index
        %swap3A_223 = tpu.vector_load %arg9[%swap3A_221, %swap3A_222] {strides = array<i32>} : memref<128x128xf32, #tpu.memory_space<vmem>>, vector<1x16xf32>,
        %swap3A_224 = vector.shape_cast %swap3A_223 : vector<1x16xf32> to vector<16xf32>
        %swap3A_225 = vector.shape_cast %add3A_220 : vector<16xf32> to vector<1x16xf32>
        tpu.vector_store %arg9[%swap3A_221, %swap3A_222], %swap3A_225 {strides = array<i32>} : memref<128x128xf32, #tpu.memory_space<vmem>>, vector<1x16xf32>,
      }
      %scan3A_76 = arith.constant 128 : i32
      %add3A_77 = arith.addi %multiple_of3A, %add3A_43 : i32
      %mul3A_78 = arith.constant 128 : i32
      %mul3A_79 = arith.muli %add3A_77, %mul3A_78 : i32
      %multiple_of3A_80 = tpu.assume_multiple %mul3A_79, 128 : i32
      "tpu.region"() ({
        %run_scoped3A = tpu.sem_alloc : memref<!tpu.dma_semaphore, #tpu.memory_space<semaphore_mem>>
        %dma_start3A_111 = arith.constant 0 : i32
        %dma_start3A_112 = tpu.memref_slice %arg6[%multiple_of3A_80, %dma_start3A_111] : memref<327680x128xf32, #tpu.memory_space<hbm>> -> memref<128x128xf32, #tpu.memory_space<hbm>>
        %dma_start3A_113 = arith.constant 0 : i32
        %dma_start3A_114 = tpu.memref_slice %arg6[%multiple_of3A_80, %dma_start3A_113] : memref<327680x128xf32, #tpu.memory_space<hbm>> -> memref<128x128xf32, #tpu.memory_space<hbm>>
        tpu.enqueue_dma source(%arg9 : memref<128x128xf32, #tpu.memory_space<vmem>>) target(%dma_start3A_114 : memref<128x128xf32, #tpu.memory_space<hbm>>) target_semaphore(%run_scoped3A : memref<!tpu.dma_semaphore, #tpu.memory_space<semaphore_mem>>)
        %dma_wait3A_115 = arith.constant 0 : i32
        %dma_wait3A_116 = tpu.memref_slice %arg6[%multiple_of3A_80, %dma_wait3A_115] : memref<327680x128xf32, #tpu.memory_space<hbm>> -> memref<128x128xf32, #tpu.memory_space<hbm>>
        %dma_wait3A_117 = arith.constant 0 : i32
        %dma_wait3A_118 = tpu.memref_slice %arg6[%multiple_of3A_80, %dma_wait3A_117] : memref<327680x128xf32, #tpu.memory_space<hbm>> -> memref<128x128xf32, #tpu.memory_space<hbm>>
        tpu.wait_dma2 semaphore(%run_scoped3A : memref<!tpu.dma_semaphore, #tpu.memory_space<semaphore_mem>>) src(%arg9 : memref<128x128xf32, #tpu.memory_space<vmem>>) dst(%dma_wait3A_118 : memref<128x128xf32, #tpu.memory_space<hbm>>)
        tpu.yield
      }) : () -> ()
      %add3A_81 = arith.constant 2 : i32
      %add3A_82 = arith.addi %add3A_43, %add3A_81 : i32
      %lt3A = arith.cmpi slt, %add3A_82, %select_n3A_8 : i32
      %convert_element_type3A_83 = arith.extui %lt3A : i1 to i32
      %cond3A_84 = arith.constant 0 : i32
      %cond3A_85 = arith.cmpi ne, %convert_element_type3A_83, %cond3A_84 : i32
      scf.if %cond3A_85 {
        %add3A_111 = arith.constant 2 : i32
        %add3A_112 = arith.addi %add3A_43, %add3A_111 : i32
        %dma_start3A_113 = arith.constant 0 : i32
        %dma_start3A_114 = tpu.memref_slice %arg7[%add3A_112, %dma_start3A_113] : memref<120x128xi32, #tpu.memory_space<vmem>> -> memref<1x128xi32, #tpu.memory_space<vmem>>
        %dma_start3A_115 = tpu.memref_squeeze %dma_start3A_114 : memref<1x128xi32, #tpu.memory_space<vmem>> -> memref<128xi32, #tpu.memory_space<vmem>>
        %dma_start3A_116 = arith.constant 0 : i32
        %dma_start3A_117 = arith.constant 0 : i32
        %dma_start3A_118 = tpu.memref_slice %arg2[%dma_start3A_116, %dma_start3A_117] : memref<10240x128xf32, #tpu.memory_space<hbm>> -> memref<10240x128xf32, #tpu.memory_space<hbm>>
        tpu.enqueue_indirect_dma source(%dma_start3A_118 : memref<10240x128xf32, #tpu.memory_space<hbm>>) target(%arg9 : memref<128x128xf32, #tpu.memory_space<vmem>>) offsets(%dma_start3A_115 : memref<128xi32, #tpu.memory_space<vmem>>) semaphore(%arg13 : memref<!tpu.dma_semaphore, #tpu.memory_space<semaphore_mem>>)
        %add3A_119 = arith.constant 2 : i32
        %add3A_120 = arith.addi %add3A_43, %add3A_119 : i32
        %dma_start3A_121 = arith.constant 0 : i32
        %dma_start3A_122 = tpu.memref_slice %arg8[%add3A_120, %dma_start3A_121] : memref<120x128xi32, #tpu.memory_space<vmem>> -> memref<1x128xi32, #tpu.memory_space<vmem>>
        %dma_start3A_123 = tpu.memref_squeeze %dma_start3A_122 : memref<1x128xi32, #tpu.memory_space<vmem>> -> memref<128xi32, #tpu.memory_space<vmem>>
        %dma_start3A_124 = arith.constant 0 : i32
        %dma_start3A_125 = arith.constant 0 : i32
        %dma_start3A_126 = tpu.memref_slice %arg3[%dma_start3A_124, %dma_start3A_125] : memref<10240x128xf32, #tpu.memory_space<hbm>> -> memref<10240x128xf32, #tpu.memory_space<hbm>>
        tpu.enqueue_indirect_dma source(%dma_start3A_126 : memref<10240x128xf32, #tpu.memory_space<hbm>>) target(%arg10 : memref<128x128xf32, #tpu.memory_space<vmem>>) offsets(%dma_start3A_123 : memref<128xi32, #tpu.memory_space<vmem>>) semaphore(%arg14 : memref<!tpu.dma_semaphore, #tpu.memory_space<semaphore_mem>>)
      } else {
      }
      %dma_wait3A_86 = arith.constant 0 : i32
      %dma_wait3A_87 = arith.constant 0 : i32
      %dma_wait3A_88 = tpu.memref_slice %arg7[%dma_wait3A_86, %dma_wait3A_87] : memref<120x128xi32, #tpu.memory_space<vmem>> -> memref<1x128xi32, #tpu.memory_space<vmem>>
      %dma_wait3A_89 = tpu.memref_squeeze %dma_wait3A_88 : memref<1x128xi32, #tpu.memory_space<vmem>> -> memref<128xi32, #tpu.memory_space<vmem>>
      %dma_wait3A_90 = arith.constant 0 : i32
      %dma_wait3A_91 = arith.constant 0 : i32
      %dma_wait3A_92 = tpu.memref_slice %arg2[%dma_wait3A_90, %dma_wait3A_91] : memref<10240x128xf32, #tpu.memory_space<hbm>> -> memref<10240x128xf32, #tpu.memory_space<hbm>>
      tpu.wait_indirect_dma semaphore(%arg15 : memref<!tpu.dma_semaphore, #tpu.memory_space<semaphore_mem>>) src(%dma_wait3A_92 : memref<10240x128xf32, #tpu.memory_space<hbm>>) dst(%arg11 : memref<128x128xf32, #tpu.memory_space<vmem>>)
      %dma_wait3A_93 = arith.constant 0 : i32
      %dma_wait3A_94 = arith.constant 0 : i32
      %dma_wait3A_95 = tpu.memref_slice %arg8[%dma_wait3A_93, %dma_wait3A_94] : memref<120x128xi32, #tpu.memory_space<vmem>> -> memref<1x128xi32, #tpu.memory_space<vmem>>
      %dma_wait3A_96 = tpu.memref_squeeze %dma_wait3A_95 : memref<1x128xi32, #tpu.memory_space<vmem>> -> memref<128xi32, #tpu.memory_space<vmem>>
      %dma_wait3A_97 = arith.constant 0 : i32
      %dma_wait3A_98 = arith.constant 0 : i32
      %dma_wait3A_99 = tpu.memref_slice %arg3[%dma_wait3A_97, %dma_wait3A_98] : memref<10240x128xf32, #tpu.memory_space<hbm>> -> memref<10240x128xf32, #tpu.memory_space<hbm>>
      tpu.wait_indirect_dma semaphore(%arg16 : memref<!tpu.dma_semaphore, #tpu.memory_space<semaphore_mem>>) src(%dma_wait3A_99 : memref<10240x128xf32, #tpu.memory_space<hbm>>) dst(%arg12 : memref<128x128xf32, #tpu.memory_space<vmem>>)
      %add3A_100 = arith.constant 1 : i32
      %add3A_101 = arith.addi %add3A_43, %add3A_100 : i32
      %scan3A_102 = arith.constant 0 : i32
      %scan3A_103 = arith.constant 128 : i32
      %scan3A_104 = arith.addi %scan3A_102, %scan3A_103 : i32
      %scan3A_105 = arith.constant 1 : i32
      scf.for %scan3A_111 = %scan3A_102 to %scan3A_104 step %scan3A_105  : i32 {
        %mul3A_112 = arith.constant 1 : i32
        %mul3A_113 = arith.muli %scan3A_111, %mul3A_112 : i32
        %add3A_114 = arith.constant 0 : i32
        %add3A_115 = arith.addi %add3A_114, %mul3A_113 : i32
        %get3A = arith.index_cast %add3A_115 : i32 to index
        %get3A_116 = arith.constant 0 : index
        %get3A_117 = tpu.vector_load %arg11[%get3A, %get3A_116] {strides = array<i32>} : memref<128x128xf32, #tpu.memory_space<vmem>>, vector<1x16xf32>,
        %get3A_118 = vector.shape_cast %get3A_117 : vector<1x16xf32> to vector<16xf32>
        %get3A_119 = arith.index_cast %add3A_115 : i32 to index
        %get3A_120 = arith.constant 0 : index
        %get3A_121 = tpu.vector_load %arg12[%get3A_119, %get3A_120] {strides = array<i32>} : memref<128x128xf32, #tpu.memory_space<vmem>>, vector<1x16xf32>,
        %get3A_122 = vector.shape_cast %get3A_121 : vector<1x16xf32> to vector<16xf32>
        %add3A_123 = arith.addf %get3A_118, %get3A_122 : vector<16xf32>
        %swap3A = arith.index_cast %add3A_115 : i32 to index
        %swap3A_124 = arith.constant 0 : index
        %swap3A_125 = tpu.vector_load %arg11[%swap3A, %swap3A_124] {strides = array<i32>} : memref<128x128xf32, #tpu.memory_space<vmem>>, vector<1x16xf32>,
        %swap3A_126 = vector.shape_cast %swap3A_125 : vector<1x16xf32> to vector<16xf32>
        %swap3A_127 = vector.shape_cast %add3A_123 : vector<16xf32> to vector<1x16xf32>
        tpu.vector_store %arg11[%swap3A, %swap3A_124], %swap3A_127 {strides = array<i32>} : memref<128x128xf32, #tpu.memory_space<vmem>>, vector<1x16xf32>,
        %get3A_128 = arith.index_cast %add3A_115 : i32 to index
        %get3A_129 = arith.constant 16 : index
        %get3A_130 = tpu.vector_load %arg11[%get3A_128, %get3A_129] {strides = array<i32>} : memref<128x128xf32, #tpu.memory_space<vmem>>, vector<1x16xf32>,
        %get3A_131 = vector.shape_cast %get3A_130 : vector<1x16xf32> to vector<16xf32>
        %get3A_132 = arith.index_cast %add3A_115 : i32 to index
        %get3A_133 = arith.constant 16 : index
        %get3A_134 = tpu.vector_load %arg12[%get3A_132, %get3A_133] {strides = array<i32>} : memref<128x128xf32, #tpu.memory_space<vmem>>, vector<1x16xf32>,
        %get3A_135 = vector.shape_cast %get3A_134 : vector<1x16xf32> to vector<16xf32>
        %add3A_136 = arith.addf %get3A_131, %get3A_135 : vector<16xf32>
        %swap3A_137 = arith.index_cast %add3A_115 : i32 to index
        %swap3A_138 = arith.constant 16 : index
        %swap3A_139 = tpu.vector_load %arg11[%swap3A_137, %swap3A_138] {strides = array<i32>} : memref<128x128xf32, #tpu.memory_space<vmem>>, vector<1x16xf32>,
        %swap3A_140 = vector.shape_cast %swap3A_139 : vector<1x16xf32> to vector<16xf32>
        %swap3A_141 = vector.shape_cast %add3A_136 : vector<16xf32> to vector<1x16xf32>
        tpu.vector_store %arg11[%swap3A_137, %swap3A_138], %swap3A_141 {strides = array<i32>} : memref<128x128xf32, #tpu.memory_space<vmem>>, vector<1x16xf32>,
        %get3A_142 = arith.index_cast %add3A_115 : i32 to index
        %get3A_143 = arith.constant 32 : index
        %get3A_144 = tpu.vector_load %arg11[%get3A_142, %get3A_143] {strides = array<i32>} : memref<128x128xf32, #tpu.memory_space<vmem>>, vector<1x16xf32>,
        %get3A_145 = vector.shape_cast %get3A_144 : vector<1x16xf32> to vector<16xf32>
        %get3A_146 = arith.index_cast %add3A_115 : i32 to index
        %get3A_147 = arith.constant 32 : index
        %get3A_148 = tpu.vector_load %arg12[%get3A_146, %get3A_147] {strides = array<i32>} : memref<128x128xf32, #tpu.memory_space<vmem>>, vector<1x16xf32>,
        %get3A_149 = vector.shape_cast %get3A_148 : vector<1x16xf32> to vector<16xf32>
        %add3A_150 = arith.addf %get3A_145, %get3A_149 : vector<16xf32>
        %swap3A_151 = arith.index_cast %add3A_115 : i32 to index
        %swap3A_152 = arith.constant 32 : index
        %swap3A_153 = tpu.vector_load %arg11[%swap3A_151, %swap3A_152] {strides = array<i32>} : memref<128x128xf32, #tpu.memory_space<vmem>>, vector<1x16xf32>,
        %swap3A_154 = vector.shape_cast %swap3A_153 : vector<1x16xf32> to vector<16xf32>
        %swap3A_155 = vector.shape_cast %add3A_150 : vector<16xf32> to vector<1x16xf32>
        tpu.vector_store %arg11[%swap3A_151, %swap3A_152], %swap3A_155 {strides = array<i32>} : memref<128x128xf32, #tpu.memory_space<vmem>>, vector<1x16xf32>,
        %get3A_156 = arith.index_cast %add3A_115 : i32 to index
        %get3A_157 = arith.constant 48 : index
        %get3A_158 = tpu.vector_load %arg11[%get3A_156, %get3A_157] {strides = array<i32>} : memref<128x128xf32, #tpu.memory_space<vmem>>, vector<1x16xf32>,
        %get3A_159 = vector.shape_cast %get3A_158 : vector<1x16xf32> to vector<16xf32>
        %get3A_160 = arith.index_cast %add3A_115 : i32 to index
        %get3A_161 = arith.constant 48 : index
        %get3A_162 = tpu.vector_load %arg12[%get3A_160, %get3A_161] {strides = array<i32>} : memref<128x128xf32, #tpu.memory_space<vmem>>, vector<1x16xf32>,
        %get3A_163 = vector.shape_cast %get3A_162 : vector<1x16xf32> to vector<16xf32>
        %add3A_164 = arith.addf %get3A_159, %get3A_163 : vector<16xf32>
        %swap3A_165 = arith.index_cast %add3A_115 : i32 to index
        %swap3A_166 = arith.constant 48 : index
        %swap3A_167 = tpu.vector_load %arg11[%swap3A_165, %swap3A_166] {strides = array<i32>} : memref<128x128xf32, #tpu.memory_space<vmem>>, vector<1x16xf32>,
        %swap3A_168 = vector.shape_cast %swap3A_167 : vector<1x16xf32> to vector<16xf32>
        %swap3A_169 = vector.shape_cast %add3A_164 : vector<16xf32> to vector<1x16xf32>
        tpu.vector_store %arg11[%swap3A_165, %swap3A_166], %swap3A_169 {strides = array<i32>} : memref<128x128xf32, #tpu.memory_space<vmem>>, vector<1x16xf32>,
        %get3A_170 = arith.index_cast %add3A_115 : i32 to index
        %get3A_171 = arith.constant 64 : index
        %get3A_172 = tpu.vector_load %arg11[%get3A_170, %get3A_171] {strides = array<i32>} : memref<128x128xf32, #tpu.memory_space<vmem>>, vector<1x16xf32>,
        %get3A_173 = vector.shape_cast %get3A_172 : vector<1x16xf32> to vector<16xf32>
        %get3A_174 = arith.index_cast %add3A_115 : i32 to index
        %get3A_175 = arith.constant 64 : index
        %get3A_176 = tpu.vector_load %arg12[%get3A_174, %get3A_175] {strides = array<i32>} : memref<128x128xf32, #tpu.memory_space<vmem>>, vector<1x16xf32>,
        %get3A_177 = vector.shape_cast %get3A_176 : vector<1x16xf32> to vector<16xf32>
        %add3A_178 = arith.addf %get3A_173, %get3A_177 : vector<16xf32>
        %swap3A_179 = arith.index_cast %add3A_115 : i32 to index
        %swap3A_180 = arith.constant 64 : index
        %swap3A_181 = tpu.vector_load %arg11[%swap3A_179, %swap3A_180] {strides = array<i32>} : memref<128x128xf32, #tpu.memory_space<vmem>>, vector<1x16xf32>,
        %swap3A_182 = vector.shape_cast %swap3A_181 : vector<1x16xf32> to vector<16xf32>
        %swap3A_183 = vector.shape_cast %add3A_178 : vector<16xf32> to vector<1x16xf32>
        tpu.vector_store %arg11[%swap3A_179, %swap3A_180], %swap3A_183 {strides = array<i32>} : memref<128x128xf32, #tpu.memory_space<vmem>>, vector<1x16xf32>,
        %get3A_184 = arith.index_cast %add3A_115 : i32 to index
        %get3A_185 = arith.constant 80 : index
        %get3A_186 = tpu.vector_load %arg11[%get3A_184, %get3A_185] {strides = array<i32>} : memref<128x128xf32, #tpu.memory_space<vmem>>, vector<1x16xf32>,
        %get3A_187 = vector.shape_cast %get3A_186 : vector<1x16xf32> to vector<16xf32>
        %get3A_188 = arith.index_cast %add3A_115 : i32 to index
        %get3A_189 = arith.constant 80 : index
        %get3A_190 = tpu.vector_load %arg12[%get3A_188, %get3A_189] {strides = array<i32>} : memref<128x128xf32, #tpu.memory_space<vmem>>, vector<1x16xf32>,
        %get3A_191 = vector.shape_cast %get3A_190 : vector<1x16xf32> to vector<16xf32>
        %add3A_192 = arith.addf %get3A_187, %get3A_191 : vector<16xf32>
        %swap3A_193 = arith.index_cast %add3A_115 : i32 to index
        %swap3A_194 = arith.constant 80 : index
        %swap3A_195 = tpu.vector_load %arg11[%swap3A_193, %swap3A_194] {strides = array<i32>} : memref<128x128xf32, #tpu.memory_space<vmem>>, vector<1x16xf32>,
        %swap3A_196 = vector.shape_cast %swap3A_195 : vector<1x16xf32> to vector<16xf32>
        %swap3A_197 = vector.shape_cast %add3A_192 : vector<16xf32> to vector<1x16xf32>
        tpu.vector_store %arg11[%swap3A_193, %swap3A_194], %swap3A_197 {strides = array<i32>} : memref<128x128xf32, #tpu.memory_space<vmem>>, vector<1x16xf32>,
        %get3A_198 = arith.index_cast %add3A_115 : i32 to index
        %get3A_199 = arith.constant 96 : index
        %get3A_200 = tpu.vector_load %arg11[%get3A_198, %get3A_199] {strides = array<i32>} : memref<128x128xf32, #tpu.memory_space<vmem>>, vector<1x16xf32>,
        %get3A_201 = vector.shape_cast %get3A_200 : vector<1x16xf32> to vector<16xf32>
        %get3A_202 = arith.index_cast %add3A_115 : i32 to index
        %get3A_203 = arith.constant 96 : index
        %get3A_204 = tpu.vector_load %arg12[%get3A_202, %get3A_203] {strides = array<i32>} : memref<128x128xf32, #tpu.memory_space<vmem>>, vector<1x16xf32>,
        %get3A_205 = vector.shape_cast %get3A_204 : vector<1x16xf32> to vector<16xf32>
        %add3A_206 = arith.addf %get3A_201, %get3A_205 : vector<16xf32>
        %swap3A_207 = arith.index_cast %add3A_115 : i32 to index
        %swap3A_208 = arith.constant 96 : index
        %swap3A_209 = tpu.vector_load %arg11[%swap3A_207, %swap3A_208] {strides = array<i32>} : memref<128x128xf32, #tpu.memory_space<vmem>>, vector<1x16xf32>,
        %swap3A_210 = vector.shape_cast %swap3A_209 : vector<1x16xf32> to vector<16xf32>
        %swap3A_211 = vector.shape_cast %add3A_206 : vector<16xf32> to vector<1x16xf32>
        tpu.vector_store %arg11[%swap3A_207, %swap3A_208], %swap3A_211 {strides = array<i32>} : memref<128x128xf32, #tpu.memory_space<vmem>>, vector<1x16xf32>,
        %get3A_212 = arith.index_cast %add3A_115 : i32 to index
        %get3A_213 = arith.constant 112 : index
        %get3A_214 = tpu.vector_load %arg11[%get3A_212, %get3A_213] {strides = array<i32>} : memref<128x128xf32, #tpu.memory_space<vmem>>, vector<1x16xf32>,
        %get3A_215 = vector.shape_cast %get3A_214 : vector<1x16xf32> to vector<16xf32>
        %get3A_216 = arith.index_cast %add3A_115 : i32 to index
        %get3A_217 = arith.constant 112 : index
        %get3A_218 = tpu.vector_load %arg12[%get3A_216, %get3A_217] {strides = array<i32>} : memref<128x128xf32, #tpu.memory_space<vmem>>, vector<1x16xf32>,
        %get3A_219 = vector.shape_cast %get3A_218 : vector<1x16xf32> to vector<16xf32>
        %add3A_220 = arith.addf %get3A_215, %get3A_219 : vector<16xf32>
        %swap3A_221 = arith.index_cast %add3A_115 : i32 to index
        %swap3A_222 = arith.constant 112 : index
        %swap3A_223 = tpu.vector_load %arg11[%swap3A_221, %swap3A_222] {strides = array<i32>} : memref<128x128xf32, #tpu.memory_space<vmem>>, vector<1x16xf32>,
        %swap3A_224 = vector.shape_cast %swap3A_223 : vector<1x16xf32> to vector<16xf32>
        %swap3A_225 = vector.shape_cast %add3A_220 : vector<16xf32> to vector<1x16xf32>
        tpu.vector_store %arg11[%swap3A_221, %swap3A_222], %swap3A_225 {strides = array<i32>} : memref<128x128xf32, #tpu.memory_space<vmem>>, vector<1x16xf32>,
      }
      %scan3A_106 = arith.constant 128 : i32
      %add3A_107 = arith.addi %multiple_of3A, %add3A_101 : i32
      %mul3A_108 = arith.constant 128 : i32
      %mul3A_109 = arith.muli %add3A_107, %mul3A_108 : i32
      %multiple_of3A_110 = tpu.assume_multiple %mul3A_109, 128 : i32
      "tpu.region"() ({
        %run_scoped3A = tpu.sem_alloc : memref<!tpu.dma_semaphore, #tpu.memory_space<semaphore_mem>>
        %dma_start3A_111 = arith.constant 0 : i32
        %dma_start3A_112 = tpu.memref_slice %arg6[%multiple_of3A_110, %dma_start3A_111] : memref<327680x128xf32, #tpu.memory_space<hbm>> -> memref<128x128xf32, #tpu.memory_space<hbm>>
        %dma_start3A_113 = arith.constant 0 : i32
        %dma_start3A_114 = tpu.memref_slice %arg6[%multiple_of3A_110, %dma_start3A_113] : memref<327680x128xf32, #tpu.memory_space<hbm>> -> memref<128x128xf32, #tpu.memory_space<hbm>>
        tpu.enqueue_dma source(%arg11 : memref<128x128xf32, #tpu.memory_space<vmem>>) target(%dma_start3A_114 : memref<128x128xf32, #tpu.memory_space<hbm>>) target_semaphore(%run_scoped3A : memref<!tpu.dma_semaphore, #tpu.memory_space<semaphore_mem>>)
        %dma_wait3A_115 = arith.constant 0 : i32
        %dma_wait3A_116 = tpu.memref_slice %arg6[%multiple_of3A_110, %dma_wait3A_115] : memref<327680x128xf32, #tpu.memory_space<hbm>> -> memref<128x128xf32, #tpu.memory_space<hbm>>
        %dma_wait3A_117 = arith.constant 0 : i32
        %dma_wait3A_118 = tpu.memref_slice %arg6[%multiple_of3A_110, %dma_wait3A_117] : memref<327680x128xf32, #tpu.memory_space<hbm>> -> memref<128x128xf32, #tpu.memory_space<hbm>>
        tpu.wait_dma2 semaphore(%run_scoped3A : memref<!tpu.dma_semaphore, #tpu.memory_space<semaphore_mem>>) src(%arg11 : memref<128x128xf32, #tpu.memory_space<vmem>>) dst(%dma_wait3A_118 : memref<128x128xf32, #tpu.memory_space<hbm>>)
        tpu.yield
      }) : () -> ()
    }
    return
  }
}

#map = affine_map<(d0, d1) -> (0, 0)>
#map1 = affine_map<(d0, d1) -> (0, 0, 0)>
module attributes {stable_mosaic.version = 14 : i64} {
  func.func @k(%arg0: i32, %arg1: i32, %arg2: memref<10240x128xf32, #tpu.memory_space<hbm>>, %arg3: memref<2560x128xi32, #tpu.memory_space<hbm>>, %arg4: memref<2560x128xi32, #tpu.memory_space<hbm>>, %arg5: memref<128x128xf32, #tpu.memory_space<hbm>>, %arg6: memref<2x10240x128xf32, #tpu.memory_space<hbm>>, %arg7: memref<10240x128xf32, #tpu.memory_space<vmem_shared>>, %arg8: memref<40x128xi32, #tpu.memory_space<vmem>>, %arg9: memref<40x128xi32, #tpu.memory_space<vmem>>, %arg10: memref<128x128xf32, #tpu.memory_space<vmem>>, %arg11: memref<128x128xf32, #tpu.memory_space<vmem>>, %arg12: memref<!tpu.dma_semaphore, #tpu.memory_space<semaphore_mem>>, %arg13: memref<!tpu.dma_semaphore, #tpu.memory_space<semaphore_mem>>) attributes {dimension_semantics = [#tpu.dimension_semantics<core_parallel>, #tpu.dimension_semantics<subcore_parallel>], iteration_bounds = array<i64: 2, 16>, scalar_prefetch = 0 : i64, scratch_operands = 7 : i64, tpu.core_type = #tpu.core_type<sc_vector_subcore>, window_params = [{transform_indices = #map}, {transform_indices = #map}, {transform_indices = #map}, {transform_indices = #map}, {transform_indices = #map1}]} {
    "tpu.region"() ({
      %run_scoped3A = tpu.sem_alloc : memref<!tpu.dma_semaphore, #tpu.memory_space<semaphore_mem>>
      tpu.enqueue_dma source(%arg5 : memref<128x128xf32, #tpu.memory_space<hbm>>) target(%arg10 : memref<128x128xf32, #tpu.memory_space<vmem>>) target_semaphore(%run_scoped3A : memref<!tpu.dma_semaphore, #tpu.memory_space<semaphore_mem>>)
      tpu.wait_dma2 semaphore(%run_scoped3A : memref<!tpu.dma_semaphore, #tpu.memory_space<semaphore_mem>>) src(%arg5 : memref<128x128xf32, #tpu.memory_space<hbm>>) dst(%arg10 : memref<128x128xf32, #tpu.memory_space<vmem>>)
      tpu.yield
    }) : () -> ()
    %mul3A = arith.constant 640 : i32
    %mul3A_0 = arith.muli %arg1, %mul3A : i32
    %add3A = arith.constant 0 : i32
    %add3A_1 = arith.addi %mul3A_0, %add3A : i32
    "tpu.region"() ({
      %run_scoped3A = tpu.sem_alloc : memref<!tpu.dma_semaphore, #tpu.memory_space<semaphore_mem>>
      %dma_start3A = arith.constant 0 : i32
      %dma_start3A_48 = tpu.memref_slice %arg7[%add3A_1, %dma_start3A] : memref<10240x128xf32, #tpu.memory_space<vmem_shared>> -> memref<128x128xf32, #tpu.memory_space<vmem_shared>>
      %dma_start3A_49 = arith.constant 0 : i32
      %dma_start3A_50 = tpu.memref_slice %arg7[%add3A_1, %dma_start3A_49] : memref<10240x128xf32, #tpu.memory_space<vmem_shared>> -> memref<128x128xf32, #tpu.memory_space<vmem_shared>>
      tpu.enqueue_dma source(%arg10 : memref<128x128xf32, #tpu.memory_space<vmem>>) target(%dma_start3A_50 : memref<128x128xf32, #tpu.memory_space<vmem_shared>>) target_semaphore(%run_scoped3A : memref<!tpu.dma_semaphore, #tpu.memory_space<semaphore_mem>>)
      %dma_wait3A = arith.constant 0 : i32
      %dma_wait3A_51 = tpu.memref_slice %arg7[%add3A_1, %dma_wait3A] : memref<10240x128xf32, #tpu.memory_space<vmem_shared>> -> memref<128x128xf32, #tpu.memory_space<vmem_shared>>
      %dma_wait3A_52 = arith.constant 0 : i32
      %dma_wait3A_53 = tpu.memref_slice %arg7[%add3A_1, %dma_wait3A_52] : memref<10240x128xf32, #tpu.memory_space<vmem_shared>> -> memref<128x128xf32, #tpu.memory_space<vmem_shared>>
      tpu.wait_dma2 semaphore(%run_scoped3A : memref<!tpu.dma_semaphore, #tpu.memory_space<semaphore_mem>>) src(%arg10 : memref<128x128xf32, #tpu.memory_space<vmem>>) dst(%dma_wait3A_53 : memref<128x128xf32, #tpu.memory_space<vmem_shared>>)
      tpu.yield
    }) : () -> ()
    %add3A_2 = arith.constant 128 : i32
    %add3A_3 = arith.addi %mul3A_0, %add3A_2 : i32
    "tpu.region"() ({
      %run_scoped3A = tpu.sem_alloc : memref<!tpu.dma_semaphore, #tpu.memory_space<semaphore_mem>>
      %dma_start3A = arith.constant 0 : i32
      %dma_start3A_48 = tpu.memref_slice %arg7[%add3A_3, %dma_start3A] : memref<10240x128xf32, #tpu.memory_space<vmem_shared>> -> memref<128x128xf32, #tpu.memory_space<vmem_shared>>
      %dma_start3A_49 = arith.constant 0 : i32
      %dma_start3A_50 = tpu.memref_slice %arg7[%add3A_3, %dma_start3A_49] : memref<10240x128xf32, #tpu.memory_space<vmem_shared>> -> memref<128x128xf32, #tpu.memory_space<vmem_shared>>
      tpu.enqueue_dma source(%arg10 : memref<128x128xf32, #tpu.memory_space<vmem>>) target(%dma_start3A_50 : memref<128x128xf32, #tpu.memory_space<vmem_shared>>) target_semaphore(%run_scoped3A : memref<!tpu.dma_semaphore, #tpu.memory_space<semaphore_mem>>)
      %dma_wait3A = arith.constant 0 : i32
      %dma_wait3A_51 = tpu.memref_slice %arg7[%add3A_3, %dma_wait3A] : memref<10240x128xf32, #tpu.memory_space<vmem_shared>> -> memref<128x128xf32, #tpu.memory_space<vmem_shared>>
      %dma_wait3A_52 = arith.constant 0 : i32
      %dma_wait3A_53 = tpu.memref_slice %arg7[%add3A_3, %dma_wait3A_52] : memref<10240x128xf32, #tpu.memory_space<vmem_shared>> -> memref<128x128xf32, #tpu.memory_space<vmem_shared>>
      tpu.wait_dma2 semaphore(%run_scoped3A : memref<!tpu.dma_semaphore, #tpu.memory_space<semaphore_mem>>) src(%arg10 : memref<128x128xf32, #tpu.memory_space<vmem>>) dst(%dma_wait3A_53 : memref<128x128xf32, #tpu.memory_space<vmem_shared>>)
      tpu.yield
    }) : () -> ()
    %add3A_4 = arith.constant 256 : i32
    %add3A_5 = arith.addi %mul3A_0, %add3A_4 : i32
    "tpu.region"() ({
      %run_scoped3A = tpu.sem_alloc : memref<!tpu.dma_semaphore, #tpu.memory_space<semaphore_mem>>
      %dma_start3A = arith.constant 0 : i32
      %dma_start3A_48 = tpu.memref_slice %arg7[%add3A_5, %dma_start3A] : memref<10240x128xf32, #tpu.memory_space<vmem_shared>> -> memref<128x128xf32, #tpu.memory_space<vmem_shared>>
      %dma_start3A_49 = arith.constant 0 : i32
      %dma_start3A_50 = tpu.memref_slice %arg7[%add3A_5, %dma_start3A_49] : memref<10240x128xf32, #tpu.memory_space<vmem_shared>> -> memref<128x128xf32, #tpu.memory_space<vmem_shared>>
      tpu.enqueue_dma source(%arg10 : memref<128x128xf32, #tpu.memory_space<vmem>>) target(%dma_start3A_50 : memref<128x128xf32, #tpu.memory_space<vmem_shared>>) target_semaphore(%run_scoped3A : memref<!tpu.dma_semaphore, #tpu.memory_space<semaphore_mem>>)
      %dma_wait3A = arith.constant 0 : i32
      %dma_wait3A_51 = tpu.memref_slice %arg7[%add3A_5, %dma_wait3A] : memref<10240x128xf32, #tpu.memory_space<vmem_shared>> -> memref<128x128xf32, #tpu.memory_space<vmem_shared>>
      %dma_wait3A_52 = arith.constant 0 : i32
      %dma_wait3A_53 = tpu.memref_slice %arg7[%add3A_5, %dma_wait3A_52] : memref<10240x128xf32, #tpu.memory_space<vmem_shared>> -> memref<128x128xf32, #tpu.memory_space<vmem_shared>>
      tpu.wait_dma2 semaphore(%run_scoped3A : memref<!tpu.dma_semaphore, #tpu.memory_space<semaphore_mem>>) src(%arg10 : memref<128x128xf32, #tpu.memory_space<vmem>>) dst(%dma_wait3A_53 : memref<128x128xf32, #tpu.memory_space<vmem_shared>>)
      tpu.yield
    }) : () -> ()
    %add3A_6 = arith.constant 384 : i32
    %add3A_7 = arith.addi %mul3A_0, %add3A_6 : i32
    "tpu.region"() ({
      %run_scoped3A = tpu.sem_alloc : memref<!tpu.dma_semaphore, #tpu.memory_space<semaphore_mem>>
      %dma_start3A = arith.constant 0 : i32
      %dma_start3A_48 = tpu.memref_slice %arg7[%add3A_7, %dma_start3A] : memref<10240x128xf32, #tpu.memory_space<vmem_shared>> -> memref<128x128xf32, #tpu.memory_space<vmem_shared>>
      %dma_start3A_49 = arith.constant 0 : i32
      %dma_start3A_50 = tpu.memref_slice %arg7[%add3A_7, %dma_start3A_49] : memref<10240x128xf32, #tpu.memory_space<vmem_shared>> -> memref<128x128xf32, #tpu.memory_space<vmem_shared>>
      tpu.enqueue_dma source(%arg10 : memref<128x128xf32, #tpu.memory_space<vmem>>) target(%dma_start3A_50 : memref<128x128xf32, #tpu.memory_space<vmem_shared>>) target_semaphore(%run_scoped3A : memref<!tpu.dma_semaphore, #tpu.memory_space<semaphore_mem>>)
      %dma_wait3A = arith.constant 0 : i32
      %dma_wait3A_51 = tpu.memref_slice %arg7[%add3A_7, %dma_wait3A] : memref<10240x128xf32, #tpu.memory_space<vmem_shared>> -> memref<128x128xf32, #tpu.memory_space<vmem_shared>>
      %dma_wait3A_52 = arith.constant 0 : i32
      %dma_wait3A_53 = tpu.memref_slice %arg7[%add3A_7, %dma_wait3A_52] : memref<10240x128xf32, #tpu.memory_space<vmem_shared>> -> memref<128x128xf32, #tpu.memory_space<vmem_shared>>
      tpu.wait_dma2 semaphore(%run_scoped3A : memref<!tpu.dma_semaphore, #tpu.memory_space<semaphore_mem>>) src(%arg10 : memref<128x128xf32, #tpu.memory_space<vmem>>) dst(%dma_wait3A_53 : memref<128x128xf32, #tpu.memory_space<vmem_shared>>)
      tpu.yield
    }) : () -> ()
    %add3A_8 = arith.constant 512 : i32
    %add3A_9 = arith.addi %mul3A_0, %add3A_8 : i32
    "tpu.region"() ({
      %run_scoped3A = tpu.sem_alloc : memref<!tpu.dma_semaphore, #tpu.memory_space<semaphore_mem>>
      %dma_start3A = arith.constant 0 : i32
      %dma_start3A_48 = tpu.memref_slice %arg7[%add3A_9, %dma_start3A] : memref<10240x128xf32, #tpu.memory_space<vmem_shared>> -> memref<128x128xf32, #tpu.memory_space<vmem_shared>>
      %dma_start3A_49 = arith.constant 0 : i32
      %dma_start3A_50 = tpu.memref_slice %arg7[%add3A_9, %dma_start3A_49] : memref<10240x128xf32, #tpu.memory_space<vmem_shared>> -> memref<128x128xf32, #tpu.memory_space<vmem_shared>>
      tpu.enqueue_dma source(%arg10 : memref<128x128xf32, #tpu.memory_space<vmem>>) target(%dma_start3A_50 : memref<128x128xf32, #tpu.memory_space<vmem_shared>>) target_semaphore(%run_scoped3A : memref<!tpu.dma_semaphore, #tpu.memory_space<semaphore_mem>>)
      %dma_wait3A = arith.constant 0 : i32
      %dma_wait3A_51 = tpu.memref_slice %arg7[%add3A_9, %dma_wait3A] : memref<10240x128xf32, #tpu.memory_space<vmem_shared>> -> memref<128x128xf32, #tpu.memory_space<vmem_shared>>
      %dma_wait3A_52 = arith.constant 0 : i32
      %dma_wait3A_53 = tpu.memref_slice %arg7[%add3A_9, %dma_wait3A_52] : memref<10240x128xf32, #tpu.memory_space<vmem_shared>> -> memref<128x128xf32, #tpu.memory_space<vmem_shared>>
      tpu.wait_dma2 semaphore(%run_scoped3A : memref<!tpu.dma_semaphore, #tpu.memory_space<semaphore_mem>>) src(%arg10 : memref<128x128xf32, #tpu.memory_space<vmem>>) dst(%dma_wait3A_53 : memref<128x128xf32, #tpu.memory_space<vmem_shared>>)
      tpu.yield
    }) : () -> ()
    %barrier3A = arith.constant 0 : index
    tpu.barrier barrier_id(%barrier3A)
    %eq3A = arith.constant 0 : i32
    %eq3A_10 = arith.cmpi eq, %arg0, %eq3A : i32
    %mul3A_11 = arith.constant 120 : i32
    %mul3A_12 = arith.muli %arg1, %mul3A_11 : i32
    %mul3A_13 = arith.constant 40 : i32
    %mul3A_14 = arith.muli %arg1, %mul3A_13 : i32
    %add3A_15 = arith.constant 1920 : i32
    %add3A_16 = arith.addi %add3A_15, %mul3A_14 : i32
    %select_n3A = arith.select %eq3A_10, %mul3A_12, %add3A_16 : i32
    %eq3A_17 = arith.constant 0 : i32
    %eq3A_18 = arith.cmpi eq, %arg0, %eq3A_17 : i32
    %jit3A = arith.constant 3 : i32
    %jit3A_19 = arith.constant 1 : i32
    %select_n3A_20 = arith.select %eq3A_18, %jit3A, %jit3A_19 : i32
    %sub3A = arith.constant 0 : i32
    %sub3A_21 = arith.subi %select_n3A_20, %sub3A : i32
    %sub3A_22 = arith.constant 1 : i32
    %sub3A_23 = arith.constant 1 : i32
    %sub3A_24 = arith.subi %sub3A_22, %sub3A_23 : i32
    %add3A_25 = arith.addi %sub3A_21, %sub3A_24 : i32
    %div3A = arith.constant 1 : i32
    %div3A_26 = arith.divsi %add3A_25, %div3A : i32
    %while3A = arith.constant 1 : i32
    %while3A_27 = arith.constant 0 : i32
    %while3A_28 = arith.constant 0 : i32
    %while3A_29 = arith.subi %div3A_26, %while3A_28 : i32
    %while3A_30 = arith.addi %while3A_28, %while3A_29 : i32
    %while3A_31 = arith.constant 1 : i32
    %while3A_32 = arith.divsi %while3A_29, %while3A_31 : i32
    %while3A_33 = arith.muli %while3A_32, %while3A_31 : i32
    %while3A_34 = arith.addi %while3A_28, %while3A_33 : i32
    %while3A_35 = arith.constant 1 : i32
    scf.for %while3A_48 = %while3A_28 to %while3A_34 step %while3A_35  : i32 {
      %mul3A_49 = arith.muli %while3A_48, %while3A : i32
      %add3A_50 = arith.addi %while3A_27, %mul3A_49 : i32
      %mul3A_51 = arith.constant 40 : i32
      %mul3A_52 = arith.muli %add3A_50, %mul3A_51 : i32
      %add3A_53 = arith.addi %select_n3A, %mul3A_52 : i32
      %multiple_of3A = tpu.assume_multiple %add3A_53, 8 : i32
      "tpu.region"() ({
        %run_scoped3A = tpu.sem_alloc : memref<!tpu.dma_semaphore, #tpu.memory_space<semaphore_mem>>
        %dma_start3A_64 = arith.constant 0 : i32
        %dma_start3A_65 = tpu.memref_slice %arg3[%multiple_of3A, %dma_start3A_64] : memref<2560x128xi32, #tpu.memory_space<hbm>> -> memref<40x128xi32, #tpu.memory_space<hbm>>
        %dma_start3A_66 = arith.constant 0 : i32
        %dma_start3A_67 = tpu.memref_slice %arg3[%multiple_of3A, %dma_start3A_66] : memref<2560x128xi32, #tpu.memory_space<hbm>> -> memref<40x128xi32, #tpu.memory_space<hbm>>
        tpu.enqueue_dma source(%dma_start3A_67 : memref<40x128xi32, #tpu.memory_space<hbm>>) target(%arg8 : memref<40x128xi32, #tpu.memory_space<vmem>>) target_semaphore(%run_scoped3A : memref<!tpu.dma_semaphore, #tpu.memory_space<semaphore_mem>>)
        %dma_wait3A = arith.constant 0 : i32
        %dma_wait3A_68 = tpu.memref_slice %arg3[%multiple_of3A, %dma_wait3A] : memref<2560x128xi32, #tpu.memory_space<hbm>> -> memref<40x128xi32, #tpu.memory_space<hbm>>
        %dma_wait3A_69 = arith.constant 0 : i32
        %dma_wait3A_70 = tpu.memref_slice %arg3[%multiple_of3A, %dma_wait3A_69] : memref<2560x128xi32, #tpu.memory_space<hbm>> -> memref<40x128xi32, #tpu.memory_space<hbm>>
        tpu.wait_dma2 semaphore(%run_scoped3A : memref<!tpu.dma_semaphore, #tpu.memory_space<semaphore_mem>>) src(%dma_wait3A_70 : memref<40x128xi32, #tpu.memory_space<hbm>>) dst(%arg8 : memref<40x128xi32, #tpu.memory_space<vmem>>)
        tpu.yield
      }) : () -> ()
      "tpu.region"() ({
        %run_scoped3A = tpu.sem_alloc : memref<!tpu.dma_semaphore, #tpu.memory_space<semaphore_mem>>
        %dma_start3A_64 = arith.constant 0 : i32
        %dma_start3A_65 = tpu.memref_slice %arg4[%multiple_of3A, %dma_start3A_64] : memref<2560x128xi32, #tpu.memory_space<hbm>> -> memref<40x128xi32, #tpu.memory_space<hbm>>
        %dma_start3A_66 = arith.constant 0 : i32
        %dma_start3A_67 = tpu.memref_slice %arg4[%multiple_of3A, %dma_start3A_66] : memref<2560x128xi32, #tpu.memory_space<hbm>> -> memref<40x128xi32, #tpu.memory_space<hbm>>
        tpu.enqueue_dma source(%dma_start3A_67 : memref<40x128xi32, #tpu.memory_space<hbm>>) target(%arg9 : memref<40x128xi32, #tpu.memory_space<vmem>>) target_semaphore(%run_scoped3A : memref<!tpu.dma_semaphore, #tpu.memory_space<semaphore_mem>>)
        %dma_wait3A = arith.constant 0 : i32
        %dma_wait3A_68 = tpu.memref_slice %arg4[%multiple_of3A, %dma_wait3A] : memref<2560x128xi32, #tpu.memory_space<hbm>> -> memref<40x128xi32, #tpu.memory_space<hbm>>
        %dma_wait3A_69 = arith.constant 0 : i32
        %dma_wait3A_70 = tpu.memref_slice %arg4[%multiple_of3A, %dma_wait3A_69] : memref<2560x128xi32, #tpu.memory_space<hbm>> -> memref<40x128xi32, #tpu.memory_space<hbm>>
        tpu.wait_dma2 semaphore(%run_scoped3A : memref<!tpu.dma_semaphore, #tpu.memory_space<semaphore_mem>>) src(%dma_wait3A_70 : memref<40x128xi32, #tpu.memory_space<hbm>>) dst(%arg9 : memref<40x128xi32, #tpu.memory_space<vmem>>)
        tpu.yield
      }) : () -> ()
      %dma_start3A = arith.constant 0 : i32
      %dma_start3A_54 = arith.constant 0 : i32
      %dma_start3A_55 = tpu.memref_slice %arg8[%dma_start3A, %dma_start3A_54] : memref<40x128xi32, #tpu.memory_space<vmem>> -> memref<1x128xi32, #tpu.memory_space<vmem>>
      %dma_start3A_56 = tpu.memref_squeeze %dma_start3A_55 : memref<1x128xi32, #tpu.memory_space<vmem>> -> memref<128xi32, #tpu.memory_space<vmem>>
      %dma_start3A_57 = arith.constant 0 : i32
      %dma_start3A_58 = arith.constant 0 : i32
      %dma_start3A_59 = tpu.memref_slice %arg2[%dma_start3A_57, %dma_start3A_58] : memref<10240x128xf32, #tpu.memory_space<hbm>> -> memref<10240x128xf32, #tpu.memory_space<hbm>>
      tpu.enqueue_indirect_dma source(%dma_start3A_59 : memref<10240x128xf32, #tpu.memory_space<hbm>>) target(%arg10 : memref<128x128xf32, #tpu.memory_space<vmem>>) offsets(%dma_start3A_56 : memref<128xi32, #tpu.memory_space<vmem>>) semaphore(%arg12 : memref<!tpu.dma_semaphore, #tpu.memory_space<semaphore_mem>>)
      %scan3A = arith.constant 0 : i32
      %scan3A_60 = arith.constant 20 : i32
      %scan3A_61 = arith.addi %scan3A, %scan3A_60 : i32
      %scan3A_62 = arith.constant 1 : i32
      scf.for %scan3A_64 = %scan3A to %scan3A_61 step %scan3A_62  : i32 {
        %mul3A_65 = arith.constant 2 : i32
        %mul3A_66 = arith.muli %scan3A_64, %mul3A_65 : i32
        %add3A_67 = arith.constant 0 : i32
        %add3A_68 = arith.addi %add3A_67, %mul3A_66 : i32
        %add3A_69 = arith.constant 1 : i32
        %add3A_70 = arith.addi %add3A_68, %add3A_69 : i32
        %dma_start3A_71 = arith.constant 0 : i32
        %dma_start3A_72 = tpu.memref_slice %arg8[%add3A_70, %dma_start3A_71] : memref<40x128xi32, #tpu.memory_space<vmem>> -> memref<1x128xi32, #tpu.memory_space<vmem>>
        %dma_start3A_73 = tpu.memref_squeeze %dma_start3A_72 : memref<1x128xi32, #tpu.memory_space<vmem>> -> memref<128xi32, #tpu.memory_space<vmem>>
        %dma_start3A_74 = arith.constant 0 : i32
        %dma_start3A_75 = arith.constant 0 : i32
        %dma_start3A_76 = tpu.memref_slice %arg2[%dma_start3A_74, %dma_start3A_75] : memref<10240x128xf32, #tpu.memory_space<hbm>> -> memref<10240x128xf32, #tpu.memory_space<hbm>>
        tpu.enqueue_indirect_dma source(%dma_start3A_76 : memref<10240x128xf32, #tpu.memory_space<hbm>>) target(%arg11 : memref<128x128xf32, #tpu.memory_space<vmem>>) offsets(%dma_start3A_73 : memref<128xi32, #tpu.memory_space<vmem>>) semaphore(%arg13 : memref<!tpu.dma_semaphore, #tpu.memory_space<semaphore_mem>>)
        %dma_wait3A = arith.constant 0 : i32
        %dma_wait3A_77 = tpu.memref_slice %arg8[%add3A_68, %dma_wait3A] : memref<40x128xi32, #tpu.memory_space<vmem>> -> memref<1x128xi32, #tpu.memory_space<vmem>>
        %dma_wait3A_78 = tpu.memref_squeeze %dma_wait3A_77 : memref<1x128xi32, #tpu.memory_space<vmem>> -> memref<128xi32, #tpu.memory_space<vmem>>
        %dma_wait3A_79 = arith.constant 0 : i32
        %dma_wait3A_80 = arith.constant 0 : i32
        %dma_wait3A_81 = tpu.memref_slice %arg2[%dma_wait3A_79, %dma_wait3A_80] : memref<10240x128xf32, #tpu.memory_space<hbm>> -> memref<10240x128xf32, #tpu.memory_space<hbm>>
        tpu.wait_indirect_dma semaphore(%arg12 : memref<!tpu.dma_semaphore, #tpu.memory_space<semaphore_mem>>) src(%dma_wait3A_81 : memref<10240x128xf32, #tpu.memory_space<hbm>>) dst(%arg10 : memref<128x128xf32, #tpu.memory_space<vmem>>)
        "tpu.region"() ({
          %run_scoped3A = tpu.sem_alloc : memref<!tpu.dma_semaphore, #tpu.memory_space<semaphore_mem>>
          %dma_start3A_94 = arith.constant 0 : i32
          %dma_start3A_95 = tpu.memref_slice %arg9[%add3A_68, %dma_start3A_94] : memref<40x128xi32, #tpu.memory_space<vmem>> -> memref<1x128xi32, #tpu.memory_space<vmem>>
          %dma_start3A_96 = tpu.memref_squeeze %dma_start3A_95 : memref<1x128xi32, #tpu.memory_space<vmem>> -> memref<128xi32, #tpu.memory_space<vmem>>
          %dma_start3A_97 = arith.constant 0 : i32
          %dma_start3A_98 = arith.constant 0 : i32
          %dma_start3A_99 = tpu.memref_slice %arg7[%dma_start3A_97, %dma_start3A_98] : memref<10240x128xf32, #tpu.memory_space<vmem_shared>> -> memref<10240x128xf32, #tpu.memory_space<vmem_shared>>
          tpu.enqueue_indirect_dma source(%arg10 : memref<128x128xf32, #tpu.memory_space<vmem>>) target(%dma_start3A_99 : memref<10240x128xf32, #tpu.memory_space<vmem_shared>>) offsets(%dma_start3A_96 : memref<128xi32, #tpu.memory_space<vmem>>) semaphore(%run_scoped3A : memref<!tpu.dma_semaphore, #tpu.memory_space<semaphore_mem>>) {add = true}
          %dma_wait3A_100 = arith.constant 0 : i32
          %dma_wait3A_101 = tpu.memref_slice %arg9[%add3A_68, %dma_wait3A_100] : memref<40x128xi32, #tpu.memory_space<vmem>> -> memref<1x128xi32, #tpu.memory_space<vmem>>
          %dma_wait3A_102 = tpu.memref_squeeze %dma_wait3A_101 : memref<1x128xi32, #tpu.memory_space<vmem>> -> memref<128xi32, #tpu.memory_space<vmem>>
          %dma_wait3A_103 = arith.constant 0 : i32
          %dma_wait3A_104 = arith.constant 0 : i32
          %dma_wait3A_105 = tpu.memref_slice %arg7[%dma_wait3A_103, %dma_wait3A_104] : memref<10240x128xf32, #tpu.memory_space<vmem_shared>> -> memref<10240x128xf32, #tpu.memory_space<vmem_shared>>
          tpu.wait_indirect_dma semaphore(%run_scoped3A : memref<!tpu.dma_semaphore, #tpu.memory_space<semaphore_mem>>) src(%arg10 : memref<128x128xf32, #tpu.memory_space<vmem>>) dst(%dma_wait3A_105 : memref<10240x128xf32, #tpu.memory_space<vmem_shared>>)
          tpu.yield
        }) : () -> ()
        %add3A_82 = arith.constant 2 : i32
        %add3A_83 = arith.addi %add3A_68, %add3A_82 : i32
        %lt3A = arith.constant 40 : i32
        %lt3A_84 = arith.cmpi slt, %add3A_83, %lt3A : i32
        %convert_element_type3A = arith.extui %lt3A_84 : i1 to i32
        %cond3A = arith.constant 0 : i32
        %cond3A_85 = arith.cmpi ne, %convert_element_type3A, %cond3A : i32
        scf.if %cond3A_85 {
          %add3A_94 = arith.constant 2 : i32
          %add3A_95 = arith.addi %add3A_68, %add3A_94 : i32
          %dma_start3A_96 = arith.constant 0 : i32
          %dma_start3A_97 = tpu.memref_slice %arg8[%add3A_95, %dma_start3A_96] : memref<40x128xi32, #tpu.memory_space<vmem>> -> memref<1x128xi32, #tpu.memory_space<vmem>>
          %dma_start3A_98 = tpu.memref_squeeze %dma_start3A_97 : memref<1x128xi32, #tpu.memory_space<vmem>> -> memref<128xi32, #tpu.memory_space<vmem>>
          %dma_start3A_99 = arith.constant 0 : i32
          %dma_start3A_100 = arith.constant 0 : i32
          %dma_start3A_101 = tpu.memref_slice %arg2[%dma_start3A_99, %dma_start3A_100] : memref<10240x128xf32, #tpu.memory_space<hbm>> -> memref<10240x128xf32, #tpu.memory_space<hbm>>
          tpu.enqueue_indirect_dma source(%dma_start3A_101 : memref<10240x128xf32, #tpu.memory_space<hbm>>) target(%arg10 : memref<128x128xf32, #tpu.memory_space<vmem>>) offsets(%dma_start3A_98 : memref<128xi32, #tpu.memory_space<vmem>>) semaphore(%arg12 : memref<!tpu.dma_semaphore, #tpu.memory_space<semaphore_mem>>)
        } else {
        }
        %dma_wait3A_86 = arith.constant 0 : i32
        %dma_wait3A_87 = tpu.memref_slice %arg8[%add3A_68, %dma_wait3A_86] : memref<40x128xi32, #tpu.memory_space<vmem>> -> memref<1x128xi32, #tpu.memory_space<vmem>>
        %dma_wait3A_88 = tpu.memref_squeeze %dma_wait3A_87 : memref<1x128xi32, #tpu.memory_space<vmem>> -> memref<128xi32, #tpu.memory_space<vmem>>
        %dma_wait3A_89 = arith.constant 0 : i32
        %dma_wait3A_90 = arith.constant 0 : i32
        %dma_wait3A_91 = tpu.memref_slice %arg2[%dma_wait3A_89, %dma_wait3A_90] : memref<10240x128xf32, #tpu.memory_space<hbm>> -> memref<10240x128xf32, #tpu.memory_space<hbm>>
        tpu.wait_indirect_dma semaphore(%arg13 : memref<!tpu.dma_semaphore, #tpu.memory_space<semaphore_mem>>) src(%dma_wait3A_91 : memref<10240x128xf32, #tpu.memory_space<hbm>>) dst(%arg11 : memref<128x128xf32, #tpu.memory_space<vmem>>)
        %add3A_92 = arith.constant 1 : i32
        %add3A_93 = arith.addi %add3A_68, %add3A_92 : i32
        "tpu.region"() ({
          %run_scoped3A = tpu.sem_alloc : memref<!tpu.dma_semaphore, #tpu.memory_space<semaphore_mem>>
          %dma_start3A_94 = arith.constant 0 : i32
          %dma_start3A_95 = tpu.memref_slice %arg9[%add3A_93, %dma_start3A_94] : memref<40x128xi32, #tpu.memory_space<vmem>> -> memref<1x128xi32, #tpu.memory_space<vmem>>
          %dma_start3A_96 = tpu.memref_squeeze %dma_start3A_95 : memref<1x128xi32, #tpu.memory_space<vmem>> -> memref<128xi32, #tpu.memory_space<vmem>>
          %dma_start3A_97 = arith.constant 0 : i32
          %dma_start3A_98 = arith.constant 0 : i32
          %dma_start3A_99 = tpu.memref_slice %arg7[%dma_start3A_97, %dma_start3A_98] : memref<10240x128xf32, #tpu.memory_space<vmem_shared>> -> memref<10240x128xf32, #tpu.memory_space<vmem_shared>>
          tpu.enqueue_indirect_dma source(%arg11 : memref<128x128xf32, #tpu.memory_space<vmem>>) target(%dma_start3A_99 : memref<10240x128xf32, #tpu.memory_space<vmem_shared>>) offsets(%dma_start3A_96 : memref<128xi32, #tpu.memory_space<vmem>>) semaphore(%run_scoped3A : memref<!tpu.dma_semaphore, #tpu.memory_space<semaphore_mem>>) {add = true}
          %dma_wait3A_100 = arith.constant 0 : i32
          %dma_wait3A_101 = tpu.memref_slice %arg9[%add3A_93, %dma_wait3A_100] : memref<40x128xi32, #tpu.memory_space<vmem>> -> memref<1x128xi32, #tpu.memory_space<vmem>>
          %dma_wait3A_102 = tpu.memref_squeeze %dma_wait3A_101 : memref<1x128xi32, #tpu.memory_space<vmem>> -> memref<128xi32, #tpu.memory_space<vmem>>
          %dma_wait3A_103 = arith.constant 0 : i32
          %dma_wait3A_104 = arith.constant 0 : i32
          %dma_wait3A_105 = tpu.memref_slice %arg7[%dma_wait3A_103, %dma_wait3A_104] : memref<10240x128xf32, #tpu.memory_space<vmem_shared>> -> memref<10240x128xf32, #tpu.memory_space<vmem_shared>>
          tpu.wait_indirect_dma semaphore(%run_scoped3A : memref<!tpu.dma_semaphore, #tpu.memory_space<semaphore_mem>>) src(%arg11 : memref<128x128xf32, #tpu.memory_space<vmem>>) dst(%dma_wait3A_105 : memref<10240x128xf32, #tpu.memory_space<vmem_shared>>)
          tpu.yield
        }) : () -> ()
      }
      %scan3A_63 = arith.constant 20 : i32
    }
    %while3A_36 = arith.constant 1 : i32
    scf.for %while3A_48 = %while3A_34 to %while3A_30 step %while3A_36  : i32 {
      %mul3A_49 = arith.muli %while3A_48, %while3A : i32
      %add3A_50 = arith.addi %while3A_27, %mul3A_49 : i32
      %mul3A_51 = arith.constant 40 : i32
      %mul3A_52 = arith.muli %add3A_50, %mul3A_51 : i32
      %add3A_53 = arith.addi %select_n3A, %mul3A_52 : i32
      %multiple_of3A = tpu.assume_multiple %add3A_53, 8 : i32
      "tpu.region"() ({
        %run_scoped3A = tpu.sem_alloc : memref<!tpu.dma_semaphore, #tpu.memory_space<semaphore_mem>>
        %dma_start3A_64 = arith.constant 0 : i32
        %dma_start3A_65 = tpu.memref_slice %arg3[%multiple_of3A, %dma_start3A_64] : memref<2560x128xi32, #tpu.memory_space<hbm>> -> memref<40x128xi32, #tpu.memory_space<hbm>>
        %dma_start3A_66 = arith.constant 0 : i32
        %dma_start3A_67 = tpu.memref_slice %arg3[%multiple_of3A, %dma_start3A_66] : memref<2560x128xi32, #tpu.memory_space<hbm>> -> memref<40x128xi32, #tpu.memory_space<hbm>>
        tpu.enqueue_dma source(%dma_start3A_67 : memref<40x128xi32, #tpu.memory_space<hbm>>) target(%arg8 : memref<40x128xi32, #tpu.memory_space<vmem>>) target_semaphore(%run_scoped3A : memref<!tpu.dma_semaphore, #tpu.memory_space<semaphore_mem>>)
        %dma_wait3A = arith.constant 0 : i32
        %dma_wait3A_68 = tpu.memref_slice %arg3[%multiple_of3A, %dma_wait3A] : memref<2560x128xi32, #tpu.memory_space<hbm>> -> memref<40x128xi32, #tpu.memory_space<hbm>>
        %dma_wait3A_69 = arith.constant 0 : i32
        %dma_wait3A_70 = tpu.memref_slice %arg3[%multiple_of3A, %dma_wait3A_69] : memref<2560x128xi32, #tpu.memory_space<hbm>> -> memref<40x128xi32, #tpu.memory_space<hbm>>
        tpu.wait_dma2 semaphore(%run_scoped3A : memref<!tpu.dma_semaphore, #tpu.memory_space<semaphore_mem>>) src(%dma_wait3A_70 : memref<40x128xi32, #tpu.memory_space<hbm>>) dst(%arg8 : memref<40x128xi32, #tpu.memory_space<vmem>>)
        tpu.yield
      }) : () -> ()
      "tpu.region"() ({
        %run_scoped3A = tpu.sem_alloc : memref<!tpu.dma_semaphore, #tpu.memory_space<semaphore_mem>>
        %dma_start3A_64 = arith.constant 0 : i32
        %dma_start3A_65 = tpu.memref_slice %arg4[%multiple_of3A, %dma_start3A_64] : memref<2560x128xi32, #tpu.memory_space<hbm>> -> memref<40x128xi32, #tpu.memory_space<hbm>>
        %dma_start3A_66 = arith.constant 0 : i32
        %dma_start3A_67 = tpu.memref_slice %arg4[%multiple_of3A, %dma_start3A_66] : memref<2560x128xi32, #tpu.memory_space<hbm>> -> memref<40x128xi32, #tpu.memory_space<hbm>>
        tpu.enqueue_dma source(%dma_start3A_67 : memref<40x128xi32, #tpu.memory_space<hbm>>) target(%arg9 : memref<40x128xi32, #tpu.memory_space<vmem>>) target_semaphore(%run_scoped3A : memref<!tpu.dma_semaphore, #tpu.memory_space<semaphore_mem>>)
        %dma_wait3A = arith.constant 0 : i32
        %dma_wait3A_68 = tpu.memref_slice %arg4[%multiple_of3A, %dma_wait3A] : memref<2560x128xi32, #tpu.memory_space<hbm>> -> memref<40x128xi32, #tpu.memory_space<hbm>>
        %dma_wait3A_69 = arith.constant 0 : i32
        %dma_wait3A_70 = tpu.memref_slice %arg4[%multiple_of3A, %dma_wait3A_69] : memref<2560x128xi32, #tpu.memory_space<hbm>> -> memref<40x128xi32, #tpu.memory_space<hbm>>
        tpu.wait_dma2 semaphore(%run_scoped3A : memref<!tpu.dma_semaphore, #tpu.memory_space<semaphore_mem>>) src(%dma_wait3A_70 : memref<40x128xi32, #tpu.memory_space<hbm>>) dst(%arg9 : memref<40x128xi32, #tpu.memory_space<vmem>>)
        tpu.yield
      }) : () -> ()
      %dma_start3A = arith.constant 0 : i32
      %dma_start3A_54 = arith.constant 0 : i32
      %dma_start3A_55 = tpu.memref_slice %arg8[%dma_start3A, %dma_start3A_54] : memref<40x128xi32, #tpu.memory_space<vmem>> -> memref<1x128xi32, #tpu.memory_space<vmem>>
      %dma_start3A_56 = tpu.memref_squeeze %dma_start3A_55 : memref<1x128xi32, #tpu.memory_space<vmem>> -> memref<128xi32, #tpu.memory_space<vmem>>
      %dma_start3A_57 = arith.constant 0 : i32
      %dma_start3A_58 = arith.constant 0 : i32
      %dma_start3A_59 = tpu.memref_slice %arg2[%dma_start3A_57, %dma_start3A_58] : memref<10240x128xf32, #tpu.memory_space<hbm>> -> memref<10240x128xf32, #tpu.memory_space<hbm>>
      tpu.enqueue_indirect_dma source(%dma_start3A_59 : memref<10240x128xf32, #tpu.memory_space<hbm>>) target(%arg10 : memref<128x128xf32, #tpu.memory_space<vmem>>) offsets(%dma_start3A_56 : memref<128xi32, #tpu.memory_space<vmem>>) semaphore(%arg12 : memref<!tpu.dma_semaphore, #tpu.memory_space<semaphore_mem>>)
      %scan3A = arith.constant 0 : i32
      %scan3A_60 = arith.constant 20 : i32
      %scan3A_61 = arith.addi %scan3A, %scan3A_60 : i32
      %scan3A_62 = arith.constant 1 : i32
      scf.for %scan3A_64 = %scan3A to %scan3A_61 step %scan3A_62  : i32 {
        %mul3A_65 = arith.constant 2 : i32
        %mul3A_66 = arith.muli %scan3A_64, %mul3A_65 : i32
        %add3A_67 = arith.constant 0 : i32
        %add3A_68 = arith.addi %add3A_67, %mul3A_66 : i32
        %add3A_69 = arith.constant 1 : i32
        %add3A_70 = arith.addi %add3A_68, %add3A_69 : i32
        %dma_start3A_71 = arith.constant 0 : i32
        %dma_start3A_72 = tpu.memref_slice %arg8[%add3A_70, %dma_start3A_71] : memref<40x128xi32, #tpu.memory_space<vmem>> -> memref<1x128xi32, #tpu.memory_space<vmem>>
        %dma_start3A_73 = tpu.memref_squeeze %dma_start3A_72 : memref<1x128xi32, #tpu.memory_space<vmem>> -> memref<128xi32, #tpu.memory_space<vmem>>
        %dma_start3A_74 = arith.constant 0 : i32
        %dma_start3A_75 = arith.constant 0 : i32
        %dma_start3A_76 = tpu.memref_slice %arg2[%dma_start3A_74, %dma_start3A_75] : memref<10240x128xf32, #tpu.memory_space<hbm>> -> memref<10240x128xf32, #tpu.memory_space<hbm>>
        tpu.enqueue_indirect_dma source(%dma_start3A_76 : memref<10240x128xf32, #tpu.memory_space<hbm>>) target(%arg11 : memref<128x128xf32, #tpu.memory_space<vmem>>) offsets(%dma_start3A_73 : memref<128xi32, #tpu.memory_space<vmem>>) semaphore(%arg13 : memref<!tpu.dma_semaphore, #tpu.memory_space<semaphore_mem>>)
        %dma_wait3A = arith.constant 0 : i32
        %dma_wait3A_77 = tpu.memref_slice %arg8[%add3A_68, %dma_wait3A] : memref<40x128xi32, #tpu.memory_space<vmem>> -> memref<1x128xi32, #tpu.memory_space<vmem>>
        %dma_wait3A_78 = tpu.memref_squeeze %dma_wait3A_77 : memref<1x128xi32, #tpu.memory_space<vmem>> -> memref<128xi32, #tpu.memory_space<vmem>>
        %dma_wait3A_79 = arith.constant 0 : i32
        %dma_wait3A_80 = arith.constant 0 : i32
        %dma_wait3A_81 = tpu.memref_slice %arg2[%dma_wait3A_79, %dma_wait3A_80] : memref<10240x128xf32, #tpu.memory_space<hbm>> -> memref<10240x128xf32, #tpu.memory_space<hbm>>
        tpu.wait_indirect_dma semaphore(%arg12 : memref<!tpu.dma_semaphore, #tpu.memory_space<semaphore_mem>>) src(%dma_wait3A_81 : memref<10240x128xf32, #tpu.memory_space<hbm>>) dst(%arg10 : memref<128x128xf32, #tpu.memory_space<vmem>>)
        "tpu.region"() ({
          %run_scoped3A = tpu.sem_alloc : memref<!tpu.dma_semaphore, #tpu.memory_space<semaphore_mem>>
          %dma_start3A_94 = arith.constant 0 : i32
          %dma_start3A_95 = tpu.memref_slice %arg9[%add3A_68, %dma_start3A_94] : memref<40x128xi32, #tpu.memory_space<vmem>> -> memref<1x128xi32, #tpu.memory_space<vmem>>
          %dma_start3A_96 = tpu.memref_squeeze %dma_start3A_95 : memref<1x128xi32, #tpu.memory_space<vmem>> -> memref<128xi32, #tpu.memory_space<vmem>>
          %dma_start3A_97 = arith.constant 0 : i32
          %dma_start3A_98 = arith.constant 0 : i32
          %dma_start3A_99 = tpu.memref_slice %arg7[%dma_start3A_97, %dma_start3A_98] : memref<10240x128xf32, #tpu.memory_space<vmem_shared>> -> memref<10240x128xf32, #tpu.memory_space<vmem_shared>>
          tpu.enqueue_indirect_dma source(%arg10 : memref<128x128xf32, #tpu.memory_space<vmem>>) target(%dma_start3A_99 : memref<10240x128xf32, #tpu.memory_space<vmem_shared>>) offsets(%dma_start3A_96 : memref<128xi32, #tpu.memory_space<vmem>>) semaphore(%run_scoped3A : memref<!tpu.dma_semaphore, #tpu.memory_space<semaphore_mem>>) {add = true}
          %dma_wait3A_100 = arith.constant 0 : i32
          %dma_wait3A_101 = tpu.memref_slice %arg9[%add3A_68, %dma_wait3A_100] : memref<40x128xi32, #tpu.memory_space<vmem>> -> memref<1x128xi32, #tpu.memory_space<vmem>>
          %dma_wait3A_102 = tpu.memref_squeeze %dma_wait3A_101 : memref<1x128xi32, #tpu.memory_space<vmem>> -> memref<128xi32, #tpu.memory_space<vmem>>
          %dma_wait3A_103 = arith.constant 0 : i32
          %dma_wait3A_104 = arith.constant 0 : i32
          %dma_wait3A_105 = tpu.memref_slice %arg7[%dma_wait3A_103, %dma_wait3A_104] : memref<10240x128xf32, #tpu.memory_space<vmem_shared>> -> memref<10240x128xf32, #tpu.memory_space<vmem_shared>>
          tpu.wait_indirect_dma semaphore(%run_scoped3A : memref<!tpu.dma_semaphore, #tpu.memory_space<semaphore_mem>>) src(%arg10 : memref<128x128xf32, #tpu.memory_space<vmem>>) dst(%dma_wait3A_105 : memref<10240x128xf32, #tpu.memory_space<vmem_shared>>)
          tpu.yield
        }) : () -> ()
        %add3A_82 = arith.constant 2 : i32
        %add3A_83 = arith.addi %add3A_68, %add3A_82 : i32
        %lt3A = arith.constant 40 : i32
        %lt3A_84 = arith.cmpi slt, %add3A_83, %lt3A : i32
        %convert_element_type3A = arith.extui %lt3A_84 : i1 to i32
        %cond3A = arith.constant 0 : i32
        %cond3A_85 = arith.cmpi ne, %convert_element_type3A, %cond3A : i32
        scf.if %cond3A_85 {
          %add3A_94 = arith.constant 2 : i32
          %add3A_95 = arith.addi %add3A_68, %add3A_94 : i32
          %dma_start3A_96 = arith.constant 0 : i32
          %dma_start3A_97 = tpu.memref_slice %arg8[%add3A_95, %dma_start3A_96] : memref<40x128xi32, #tpu.memory_space<vmem>> -> memref<1x128xi32, #tpu.memory_space<vmem>>
          %dma_start3A_98 = tpu.memref_squeeze %dma_start3A_97 : memref<1x128xi32, #tpu.memory_space<vmem>> -> memref<128xi32, #tpu.memory_space<vmem>>
          %dma_start3A_99 = arith.constant 0 : i32
          %dma_start3A_100 = arith.constant 0 : i32
          %dma_start3A_101 = tpu.memref_slice %arg2[%dma_start3A_99, %dma_start3A_100] : memref<10240x128xf32, #tpu.memory_space<hbm>> -> memref<10240x128xf32, #tpu.memory_space<hbm>>
          tpu.enqueue_indirect_dma source(%dma_start3A_101 : memref<10240x128xf32, #tpu.memory_space<hbm>>) target(%arg10 : memref<128x128xf32, #tpu.memory_space<vmem>>) offsets(%dma_start3A_98 : memref<128xi32, #tpu.memory_space<vmem>>) semaphore(%arg12 : memref<!tpu.dma_semaphore, #tpu.memory_space<semaphore_mem>>)
        } else {
        }
        %dma_wait3A_86 = arith.constant 0 : i32
        %dma_wait3A_87 = tpu.memref_slice %arg8[%add3A_68, %dma_wait3A_86] : memref<40x128xi32, #tpu.memory_space<vmem>> -> memref<1x128xi32, #tpu.memory_space<vmem>>
        %dma_wait3A_88 = tpu.memref_squeeze %dma_wait3A_87 : memref<1x128xi32, #tpu.memory_space<vmem>> -> memref<128xi32, #tpu.memory_space<vmem>>
        %dma_wait3A_89 = arith.constant 0 : i32
        %dma_wait3A_90 = arith.constant 0 : i32
        %dma_wait3A_91 = tpu.memref_slice %arg2[%dma_wait3A_89, %dma_wait3A_90] : memref<10240x128xf32, #tpu.memory_space<hbm>> -> memref<10240x128xf32, #tpu.memory_space<hbm>>
        tpu.wait_indirect_dma semaphore(%arg13 : memref<!tpu.dma_semaphore, #tpu.memory_space<semaphore_mem>>) src(%dma_wait3A_91 : memref<10240x128xf32, #tpu.memory_space<hbm>>) dst(%arg11 : memref<128x128xf32, #tpu.memory_space<vmem>>)
        %add3A_92 = arith.constant 1 : i32
        %add3A_93 = arith.addi %add3A_68, %add3A_92 : i32
        "tpu.region"() ({
          %run_scoped3A = tpu.sem_alloc : memref<!tpu.dma_semaphore, #tpu.memory_space<semaphore_mem>>
          %dma_start3A_94 = arith.constant 0 : i32
          %dma_start3A_95 = tpu.memref_slice %arg9[%add3A_93, %dma_start3A_94] : memref<40x128xi32, #tpu.memory_space<vmem>> -> memref<1x128xi32, #tpu.memory_space<vmem>>
          %dma_start3A_96 = tpu.memref_squeeze %dma_start3A_95 : memref<1x128xi32, #tpu.memory_space<vmem>> -> memref<128xi32, #tpu.memory_space<vmem>>
          %dma_start3A_97 = arith.constant 0 : i32
          %dma_start3A_98 = arith.constant 0 : i32
          %dma_start3A_99 = tpu.memref_slice %arg7[%dma_start3A_97, %dma_start3A_98] : memref<10240x128xf32, #tpu.memory_space<vmem_shared>> -> memref<10240x128xf32, #tpu.memory_space<vmem_shared>>
          tpu.enqueue_indirect_dma source(%arg11 : memref<128x128xf32, #tpu.memory_space<vmem>>) target(%dma_start3A_99 : memref<10240x128xf32, #tpu.memory_space<vmem_shared>>) offsets(%dma_start3A_96 : memref<128xi32, #tpu.memory_space<vmem>>) semaphore(%run_scoped3A : memref<!tpu.dma_semaphore, #tpu.memory_space<semaphore_mem>>) {add = true}
          %dma_wait3A_100 = arith.constant 0 : i32
          %dma_wait3A_101 = tpu.memref_slice %arg9[%add3A_93, %dma_wait3A_100] : memref<40x128xi32, #tpu.memory_space<vmem>> -> memref<1x128xi32, #tpu.memory_space<vmem>>
          %dma_wait3A_102 = tpu.memref_squeeze %dma_wait3A_101 : memref<1x128xi32, #tpu.memory_space<vmem>> -> memref<128xi32, #tpu.memory_space<vmem>>
          %dma_wait3A_103 = arith.constant 0 : i32
          %dma_wait3A_104 = arith.constant 0 : i32
          %dma_wait3A_105 = tpu.memref_slice %arg7[%dma_wait3A_103, %dma_wait3A_104] : memref<10240x128xf32, #tpu.memory_space<vmem_shared>> -> memref<10240x128xf32, #tpu.memory_space<vmem_shared>>
          tpu.wait_indirect_dma semaphore(%run_scoped3A : memref<!tpu.dma_semaphore, #tpu.memory_space<semaphore_mem>>) src(%arg11 : memref<128x128xf32, #tpu.memory_space<vmem>>) dst(%dma_wait3A_105 : memref<10240x128xf32, #tpu.memory_space<vmem_shared>>)
          tpu.yield
        }) : () -> ()
      }
      %scan3A_63 = arith.constant 20 : i32
    }
    %barrier3A_37 = arith.constant 0 : index
    tpu.barrier barrier_id(%barrier3A_37)
    %add3A_38 = arith.constant 0 : i32
    %add3A_39 = arith.addi %mul3A_0, %add3A_38 : i32
    "tpu.region"() ({
      %run_scoped3A = tpu.sem_alloc : memref<!tpu.dma_semaphore, #tpu.memory_space<semaphore_mem>>
      %dma_start3A = arith.constant 0 : i32
      %dma_start3A_48 = tpu.memref_slice %arg6[%arg0, %add3A_39, %dma_start3A] : memref<2x10240x128xf32, #tpu.memory_space<hbm>> -> memref<1x128x128xf32, #tpu.memory_space<hbm>>
      %dma_start3A_49 = tpu.memref_squeeze %dma_start3A_48 : memref<1x128x128xf32, #tpu.memory_space<hbm>> -> memref<128x128xf32, #tpu.memory_space<hbm>>
      %dma_start3A_50 = arith.constant 0 : i32
      %dma_start3A_51 = tpu.memref_slice %arg7[%add3A_39, %dma_start3A_50] : memref<10240x128xf32, #tpu.memory_space<vmem_shared>> -> memref<128x128xf32, #tpu.memory_space<vmem_shared>>
      tpu.enqueue_dma source(%dma_start3A_51 : memref<128x128xf32, #tpu.memory_space<vmem_shared>>) target(%dma_start3A_49 : memref<128x128xf32, #tpu.memory_space<hbm>>) target_semaphore(%run_scoped3A : memref<!tpu.dma_semaphore, #tpu.memory_space<semaphore_mem>>)
      %dma_wait3A = arith.constant 0 : i32
      %dma_wait3A_52 = tpu.memref_slice %arg6[%arg0, %add3A_39, %dma_wait3A] : memref<2x10240x128xf32, #tpu.memory_space<hbm>> -> memref<1x128x128xf32, #tpu.memory_space<hbm>>
      %dma_wait3A_53 = tpu.memref_squeeze %dma_wait3A_52 : memref<1x128x128xf32, #tpu.memory_space<hbm>> -> memref<128x128xf32, #tpu.memory_space<hbm>>
      %dma_wait3A_54 = arith.constant 0 : i32
      %dma_wait3A_55 = tpu.memref_slice %arg7[%add3A_39, %dma_wait3A_54] : memref<10240x128xf32, #tpu.memory_space<vmem_shared>> -> memref<128x128xf32, #tpu.memory_space<vmem_shared>>
      tpu.wait_dma2 semaphore(%run_scoped3A : memref<!tpu.dma_semaphore, #tpu.memory_space<semaphore_mem>>) src(%dma_wait3A_55 : memref<128x128xf32, #tpu.memory_space<vmem_shared>>) dst(%dma_wait3A_53 : memref<128x128xf32, #tpu.memory_space<hbm>>)
      tpu.yield
    }) : () -> ()
    %add3A_40 = arith.constant 128 : i32
    %add3A_41 = arith.addi %mul3A_0, %add3A_40 : i32
    "tpu.region"() ({
      %run_scoped3A = tpu.sem_alloc : memref<!tpu.dma_semaphore, #tpu.memory_space<semaphore_mem>>
      %dma_start3A = arith.constant 0 : i32
      %dma_start3A_48 = tpu.memref_slice %arg6[%arg0, %add3A_41, %dma_start3A] : memref<2x10240x128xf32, #tpu.memory_space<hbm>> -> memref<1x128x128xf32, #tpu.memory_space<hbm>>
      %dma_start3A_49 = tpu.memref_squeeze %dma_start3A_48 : memref<1x128x128xf32, #tpu.memory_space<hbm>> -> memref<128x128xf32, #tpu.memory_space<hbm>>
      %dma_start3A_50 = arith.constant 0 : i32
      %dma_start3A_51 = tpu.memref_slice %arg7[%add3A_41, %dma_start3A_50] : memref<10240x128xf32, #tpu.memory_space<vmem_shared>> -> memref<128x128xf32, #tpu.memory_space<vmem_shared>>
      tpu.enqueue_dma source(%dma_start3A_51 : memref<128x128xf32, #tpu.memory_space<vmem_shared>>) target(%dma_start3A_49 : memref<128x128xf32, #tpu.memory_space<hbm>>) target_semaphore(%run_scoped3A : memref<!tpu.dma_semaphore, #tpu.memory_space<semaphore_mem>>)
      %dma_wait3A = arith.constant 0 : i32
      %dma_wait3A_52 = tpu.memref_slice %arg6[%arg0, %add3A_41, %dma_wait3A] : memref<2x10240x128xf32, #tpu.memory_space<hbm>> -> memref<1x128x128xf32, #tpu.memory_space<hbm>>
      %dma_wait3A_53 = tpu.memref_squeeze %dma_wait3A_52 : memref<1x128x128xf32, #tpu.memory_space<hbm>> -> memref<128x128xf32, #tpu.memory_space<hbm>>
      %dma_wait3A_54 = arith.constant 0 : i32
      %dma_wait3A_55 = tpu.memref_slice %arg7[%add3A_41, %dma_wait3A_54] : memref<10240x128xf32, #tpu.memory_space<vmem_shared>> -> memref<128x128xf32, #tpu.memory_space<vmem_shared>>
      tpu.wait_dma2 semaphore(%run_scoped3A : memref<!tpu.dma_semaphore, #tpu.memory_space<semaphore_mem>>) src(%dma_wait3A_55 : memref<128x128xf32, #tpu.memory_space<vmem_shared>>) dst(%dma_wait3A_53 : memref<128x128xf32, #tpu.memory_space<hbm>>)
      tpu.yield
    }) : () -> ()
    %add3A_42 = arith.constant 256 : i32
    %add3A_43 = arith.addi %mul3A_0, %add3A_42 : i32
    "tpu.region"() ({
      %run_scoped3A = tpu.sem_alloc : memref<!tpu.dma_semaphore, #tpu.memory_space<semaphore_mem>>
      %dma_start3A = arith.constant 0 : i32
      %dma_start3A_48 = tpu.memref_slice %arg6[%arg0, %add3A_43, %dma_start3A] : memref<2x10240x128xf32, #tpu.memory_space<hbm>> -> memref<1x128x128xf32, #tpu.memory_space<hbm>>
      %dma_start3A_49 = tpu.memref_squeeze %dma_start3A_48 : memref<1x128x128xf32, #tpu.memory_space<hbm>> -> memref<128x128xf32, #tpu.memory_space<hbm>>
      %dma_start3A_50 = arith.constant 0 : i32
      %dma_start3A_51 = tpu.memref_slice %arg7[%add3A_43, %dma_start3A_50] : memref<10240x128xf32, #tpu.memory_space<vmem_shared>> -> memref<128x128xf32, #tpu.memory_space<vmem_shared>>
      tpu.enqueue_dma source(%dma_start3A_51 : memref<128x128xf32, #tpu.memory_space<vmem_shared>>) target(%dma_start3A_49 : memref<128x128xf32, #tpu.memory_space<hbm>>) target_semaphore(%run_scoped3A : memref<!tpu.dma_semaphore, #tpu.memory_space<semaphore_mem>>)
      %dma_wait3A = arith.constant 0 : i32
      %dma_wait3A_52 = tpu.memref_slice %arg6[%arg0, %add3A_43, %dma_wait3A] : memref<2x10240x128xf32, #tpu.memory_space<hbm>> -> memref<1x128x128xf32, #tpu.memory_space<hbm>>
      %dma_wait3A_53 = tpu.memref_squeeze %dma_wait3A_52 : memref<1x128x128xf32, #tpu.memory_space<hbm>> -> memref<128x128xf32, #tpu.memory_space<hbm>>
      %dma_wait3A_54 = arith.constant 0 : i32
      %dma_wait3A_55 = tpu.memref_slice %arg7[%add3A_43, %dma_wait3A_54] : memref<10240x128xf32, #tpu.memory_space<vmem_shared>> -> memref<128x128xf32, #tpu.memory_space<vmem_shared>>
      tpu.wait_dma2 semaphore(%run_scoped3A : memref<!tpu.dma_semaphore, #tpu.memory_space<semaphore_mem>>) src(%dma_wait3A_55 : memref<128x128xf32, #tpu.memory_space<vmem_shared>>) dst(%dma_wait3A_53 : memref<128x128xf32, #tpu.memory_space<hbm>>)
      tpu.yield
    }) : () -> ()
    %add3A_44 = arith.constant 384 : i32
    %add3A_45 = arith.addi %mul3A_0, %add3A_44 : i32
    "tpu.region"() ({
      %run_scoped3A = tpu.sem_alloc : memref<!tpu.dma_semaphore, #tpu.memory_space<semaphore_mem>>
      %dma_start3A = arith.constant 0 : i32
      %dma_start3A_48 = tpu.memref_slice %arg6[%arg0, %add3A_45, %dma_start3A] : memref<2x10240x128xf32, #tpu.memory_space<hbm>> -> memref<1x128x128xf32, #tpu.memory_space<hbm>>
      %dma_start3A_49 = tpu.memref_squeeze %dma_start3A_48 : memref<1x128x128xf32, #tpu.memory_space<hbm>> -> memref<128x128xf32, #tpu.memory_space<hbm>>
      %dma_start3A_50 = arith.constant 0 : i32
      %dma_start3A_51 = tpu.memref_slice %arg7[%add3A_45, %dma_start3A_50] : memref<10240x128xf32, #tpu.memory_space<vmem_shared>> -> memref<128x128xf32, #tpu.memory_space<vmem_shared>>
      tpu.enqueue_dma source(%dma_start3A_51 : memref<128x128xf32, #tpu.memory_space<vmem_shared>>) target(%dma_start3A_49 : memref<128x128xf32, #tpu.memory_space<hbm>>) target_semaphore(%run_scoped3A : memref<!tpu.dma_semaphore, #tpu.memory_space<semaphore_mem>>)
      %dma_wait3A = arith.constant 0 : i32
      %dma_wait3A_52 = tpu.memref_slice %arg6[%arg0, %add3A_45, %dma_wait3A] : memref<2x10240x128xf32, #tpu.memory_space<hbm>> -> memref<1x128x128xf32, #tpu.memory_space<hbm>>
      %dma_wait3A_53 = tpu.memref_squeeze %dma_wait3A_52 : memref<1x128x128xf32, #tpu.memory_space<hbm>> -> memref<128x128xf32, #tpu.memory_space<hbm>>
      %dma_wait3A_54 = arith.constant 0 : i32
      %dma_wait3A_55 = tpu.memref_slice %arg7[%add3A_45, %dma_wait3A_54] : memref<10240x128xf32, #tpu.memory_space<vmem_shared>> -> memref<128x128xf32, #tpu.memory_space<vmem_shared>>
      tpu.wait_dma2 semaphore(%run_scoped3A : memref<!tpu.dma_semaphore, #tpu.memory_space<semaphore_mem>>) src(%dma_wait3A_55 : memref<128x128xf32, #tpu.memory_space<vmem_shared>>) dst(%dma_wait3A_53 : memref<128x128xf32, #tpu.memory_space<hbm>>)
      tpu.yield
    }) : () -> ()
    %add3A_46 = arith.constant 512 : i32
    %add3A_47 = arith.addi %mul3A_0, %add3A_46 : i32
    "tpu.region"() ({
      %run_scoped3A = tpu.sem_alloc : memref<!tpu.dma_semaphore, #tpu.memory_space<semaphore_mem>>
      %dma_start3A = arith.constant 0 : i32
      %dma_start3A_48 = tpu.memref_slice %arg6[%arg0, %add3A_47, %dma_start3A] : memref<2x10240x128xf32, #tpu.memory_space<hbm>> -> memref<1x128x128xf32, #tpu.memory_space<hbm>>
      %dma_start3A_49 = tpu.memref_squeeze %dma_start3A_48 : memref<1x128x128xf32, #tpu.memory_space<hbm>> -> memref<128x128xf32, #tpu.memory_space<hbm>>
      %dma_start3A_50 = arith.constant 0 : i32
      %dma_start3A_51 = tpu.memref_slice %arg7[%add3A_47, %dma_start3A_50] : memref<10240x128xf32, #tpu.memory_space<vmem_shared>> -> memref<128x128xf32, #tpu.memory_space<vmem_shared>>
      tpu.enqueue_dma source(%dma_start3A_51 : memref<128x128xf32, #tpu.memory_space<vmem_shared>>) target(%dma_start3A_49 : memref<128x128xf32, #tpu.memory_space<hbm>>) target_semaphore(%run_scoped3A : memref<!tpu.dma_semaphore, #tpu.memory_space<semaphore_mem>>)
      %dma_wait3A = arith.constant 0 : i32
      %dma_wait3A_52 = tpu.memref_slice %arg6[%arg0, %add3A_47, %dma_wait3A] : memref<2x10240x128xf32, #tpu.memory_space<hbm>> -> memref<1x128x128xf32, #tpu.memory_space<hbm>>
      %dma_wait3A_53 = tpu.memref_squeeze %dma_wait3A_52 : memref<1x128x128xf32, #tpu.memory_space<hbm>> -> memref<128x128xf32, #tpu.memory_space<hbm>>
      %dma_wait3A_54 = arith.constant 0 : i32
      %dma_wait3A_55 = tpu.memref_slice %arg7[%add3A_47, %dma_wait3A_54] : memref<10240x128xf32, #tpu.memory_space<vmem_shared>> -> memref<128x128xf32, #tpu.memory_space<vmem_shared>>
      tpu.wait_dma2 semaphore(%run_scoped3A : memref<!tpu.dma_semaphore, #tpu.memory_space<semaphore_mem>>) src(%dma_wait3A_55 : memref<128x128xf32, #tpu.memory_space<vmem_shared>>) dst(%dma_wait3A_53 : memref<128x128xf32, #tpu.memory_space<hbm>>)
      tpu.yield
    }) : () -> ()
    return
  }
}

module attributes {stable_mosaic.version = 14 : i64} {
  func.func @body(%arg0: i32, %arg1: memref<2x512x128xf32, #tpu.memory_space<vmem>>, %arg2: memref<512x128xf32, #tpu.memory_space<vmem>>, %arg3: memref<512x128xf32, #tpu.memory_space<vmem>>, %arg4: memref<512x1xf32, #tpu.memory_space<vmem>>, %arg5: memref<512x1xf32, #tpu.memory_space<vmem>>) attributes {dimension_semantics = [#tpu.dimension_semantics<arbitrary>], iteration_bounds = array<i64: 20>, scalar_prefetch = 0 : i64, scratch_operands = 0 : i64, tpu.core_type = #tpu.core_type<tc>, window_params = [{transform_indices = @transform_0, window_bounds = array<i64: 2, 512, 128>}, {transform_indices = @transform_1, window_bounds = array<i64: 512, 128>}, {transform_indices = @transform_2, window_bounds = array<i64: 512, 128>}, {transform_indices = @transform_3, window_bounds = array<i64: 512, 1>}, {transform_indices = @transform_4, window_bounds = array<i64: 512, 1>}]} {
    %get3A = arith.constant 0 : index
    %get3A_0 = arith.constant 0 : index
    %get3A_1 = arith.constant 0 : index
    %get3A_2 = vector.load %arg1[%get3A, %get3A_0, %get3A_1] : memref<2x512x128xf32, #tpu.memory_space<vmem>>, vector<2x512x128xf32>
    %slice3A = vector.extract_strided_slice %get3A_2 {offsets = [0, 0, 0], sizes = [1, 512, 1], strides = [1, 1, 1]} : vector<2x512x128xf32> to vector<1x512x1xf32>
    %squeeze3A = vector.shape_cast %slice3A : vector<1x512x1xf32> to vector<512x1xf32>
    %max3A = arith.constant 1.000000e+00 : f32
    %max3A_3 = vector.broadcast %max3A : f32 to vector<512x1xf32>
    %max3A_4 = arith.maximumf %squeeze3A, %max3A_3 : vector<512x1xf32>
    %rsqrt3A = math.rsqrt %max3A_4 : vector<512x1xf32>
    %slice3A_5 = vector.extract_strided_slice %get3A_2 {offsets = [1, 0, 0], sizes = [1, 512, 1], strides = [1, 1, 1]} : vector<2x512x128xf32> to vector<1x512x1xf32>
    %squeeze3A_6 = vector.shape_cast %slice3A_5 : vector<1x512x1xf32> to vector<512x1xf32>
    %max3A_7 = arith.constant 1.000000e+00 : f32
    %max3A_8 = vector.broadcast %max3A_7 : f32 to vector<512x1xf32>
    %max3A_9 = arith.maximumf %squeeze3A_6, %max3A_8 : vector<512x1xf32>
    %rsqrt3A_10 = math.rsqrt %max3A_9 : vector<512x1xf32>
    %get3A_11 = arith.constant 0 : index
    %get3A_12 = arith.constant 0 : index
    %get3A_13 = vector.load %arg2[%get3A_11, %get3A_12] : memref<512x128xf32, #tpu.memory_space<vmem>>, vector<512x128xf32>
    %mul3A = vector.broadcast %rsqrt3A : vector<512x1xf32> to vector<512x128xf32>
    %mul3A_14 = arith.mulf %get3A_13, %mul3A : vector<512x128xf32>
    %swap3A = arith.constant 0 : index
    %swap3A_15 = arith.constant 0 : index
    %swap3A_16 = vector.load %arg3[%swap3A, %swap3A_15] : memref<512x128xf32, #tpu.memory_space<vmem>>, vector<512x128xf32>
    tpu.vector_store %arg3[%swap3A, %swap3A_15], %mul3A_14 {strides = array<i32>} : memref<512x128xf32, #tpu.memory_space<vmem>>, vector<512x128xf32>,
    %swap3A_17 = arith.constant 0 : index
    %swap3A_18 = arith.constant 0 : index
    %swap3A_19 = vector.load %arg4[%swap3A_17, %swap3A_18] : memref<512x1xf32, #tpu.memory_space<vmem>>, vector<512x1xf32>
    tpu.vector_store %arg4[%swap3A_17, %swap3A_18], %rsqrt3A {strides = array<i32>} : memref<512x1xf32, #tpu.memory_space<vmem>>, vector<512x1xf32>,
    %swap3A_20 = arith.constant 0 : index
    %swap3A_21 = arith.constant 0 : index
    %swap3A_22 = vector.load %arg5[%swap3A_20, %swap3A_21] : memref<512x1xf32, #tpu.memory_space<vmem>>, vector<512x1xf32>
    tpu.vector_store %arg5[%swap3A_20, %swap3A_21], %rsqrt3A_10 {strides = array<i32>} : memref<512x1xf32, #tpu.memory_space<vmem>>, vector<512x1xf32>,
    return
  }
  func.func @transform_0(%arg0: i32) -> (i32, i32, i32) {
    %c0_i32 = arith.constant 0 : i32
    %c0_i32_0 = arith.constant 0 : i32
    %c0_i32_1 = arith.constant 0 : i32
    return %c0_i32, %arg0, %c0_i32_0 : i32, i32, i32
  }
  func.func @transform_1(%arg0: i32) -> (i32, i32) {
    %c0_i32 = arith.constant 0 : i32
    %c0_i32_0 = arith.constant 0 : i32
    return %arg0, %c0_i32 : i32, i32
  }
  func.func @transform_2(%arg0: i32) -> (i32, i32) {
    %c0_i32 = arith.constant 0 : i32
    %c0_i32_0 = arith.constant 0 : i32
    return %arg0, %c0_i32 : i32, i32
  }
  func.func @transform_3(%arg0: i32) -> (i32, i32) {
    %c0_i32 = arith.constant 0 : i32
    %c0_i32_0 = arith.constant 0 : i32
    return %arg0, %c0_i32 : i32, i32
  }
  func.func @transform_4(%arg0: i32) -> (i32, i32) {
    %c0_i32 = arith.constant 0 : i32
    %c0_i32_0 = arith.constant 0 : i32
    return %arg0, %c0_i32 : i32, i32
  }
}

module attributes {stable_mosaic.version = 14 : i64} {
  func.func @body(%arg0: i32, %arg1: memref<2x512x128xf32, #tpu.memory_space<vmem>>, %arg2: memref<512x1xf32, #tpu.memory_space<vmem>>, %arg3: memref<512x1xf32, #tpu.memory_space<vmem>>, %arg4: memref<128x128xf32, #tpu.memory_space<vmem>>, %arg5: memref<1x128xf32, #tpu.memory_space<vmem>>, %arg6: memref<512x128xf32, #tpu.memory_space<vmem>>) attributes {dimension_semantics = [#tpu.dimension_semantics<arbitrary>], iteration_bounds = array<i64: 20>, scalar_prefetch = 0 : i64, scratch_operands = 0 : i64, tpu.core_type = #tpu.core_type<tc>, window_params = [{transform_indices = @transform_0, window_bounds = array<i64: 2, 512, 128>}, {transform_indices = @transform_1, window_bounds = array<i64: 512, 1>}, {transform_indices = @transform_2, window_bounds = array<i64: 512, 1>}, {pipeline_mode = #tpu.pipeline_mode<synchronous>, transform_indices = @transform_3, window_bounds = array<i64: 128, 128>}, {pipeline_mode = #tpu.pipeline_mode<synchronous>, transform_indices = @transform_4, window_bounds = array<i64: 1, 128>}, {transform_indices = @transform_5, window_bounds = array<i64: 512, 128>}]} {
    %get3A = arith.constant 0 : index
    %get3A_0 = arith.constant 0 : index
    %get3A_1 = arith.constant 0 : index
    %get3A_2 = vector.load %arg1[%get3A, %get3A_0, %get3A_1] : memref<2x512x128xf32, #tpu.memory_space<vmem>>, vector<1x512x128xf32>
    %get3A_3 = vector.shape_cast %get3A_2 : vector<1x512x128xf32> to vector<512x128xf32>
    %get3A_4 = arith.constant 1 : index
    %get3A_5 = arith.constant 0 : index
    %get3A_6 = arith.constant 0 : index
    %get3A_7 = vector.load %arg1[%get3A_4, %get3A_5, %get3A_6] : memref<2x512x128xf32, #tpu.memory_space<vmem>>, vector<1x512x128xf32>
    %get3A_8 = vector.shape_cast %get3A_7 : vector<1x512x128xf32> to vector<512x128xf32>
    %add3A = arith.addf %get3A_3, %get3A_8 : vector<512x128xf32>
    %get3A_9 = arith.constant 0 : index
    %get3A_10 = arith.constant 0 : index
    %get3A_11 = vector.load %arg2[%get3A_9, %get3A_10] : memref<512x1xf32, #tpu.memory_space<vmem>>, vector<512x1xf32>
    %mul3A = vector.broadcast %get3A_11 : vector<512x1xf32> to vector<512x128xf32>
    %mul3A_12 = arith.mulf %add3A, %mul3A : vector<512x128xf32>
    %get3A_13 = arith.constant 0 : index
    %get3A_14 = arith.constant 0 : index
    %get3A_15 = vector.load %arg4[%get3A_13, %get3A_14] : memref<128x128xf32, #tpu.memory_space<vmem>>, vector<128x128xf32>
    %dot_general3A = arith.constant dense<0.000000e+00> : vector<512x128xf32>
    %dot_general3A_16 = tpu.matmul %mul3A_12, %get3A_15, %dot_general3A {dimension_numbers = #tpu.dot_dimension_numbers<[1], [0], [0], [1], [0, 0, 1, 1], [], []>, transpose_lhs_hint = false} : vector<512x128xf32>, vector<128x128xf32>, vector<512x128xf32> -> vector<512x128xf32>
    %get3A_17 = arith.constant 0 : index
    %get3A_18 = arith.constant 0 : index
    %get3A_19 = vector.load %arg5[%get3A_17, %get3A_18] : memref<1x128xf32, #tpu.memory_space<vmem>>, vector<1x128xf32>
    %add3A_20 = vector.broadcast %get3A_19 : vector<1x128xf32> to vector<512x128xf32>
    %add3A_21 = arith.addf %dot_general3A_16, %add3A_20 : vector<512x128xf32>
    %max3A = arith.constant 0.000000e+00 : f32
    %max3A_22 = vector.broadcast %max3A : f32 to vector<512x128xf32>
    %max3A_23 = arith.maximumf %add3A_21, %max3A_22 : vector<512x128xf32>
    %get3A_24 = arith.constant 0 : index
    %get3A_25 = arith.constant 0 : index
    %get3A_26 = vector.load %arg3[%get3A_24, %get3A_25] : memref<512x1xf32, #tpu.memory_space<vmem>>, vector<512x1xf32>
    %mul3A_27 = vector.broadcast %get3A_26 : vector<512x1xf32> to vector<512x128xf32>
    %mul3A_28 = arith.mulf %max3A_23, %mul3A_27 : vector<512x128xf32>
    %swap3A = arith.constant 0 : index
    %swap3A_29 = arith.constant 0 : index
    %swap3A_30 = vector.load %arg6[%swap3A, %swap3A_29] : memref<512x128xf32, #tpu.memory_space<vmem>>, vector<512x128xf32>
    tpu.vector_store %arg6[%swap3A, %swap3A_29], %mul3A_28 {strides = array<i32>} : memref<512x128xf32, #tpu.memory_space<vmem>>, vector<512x128xf32>,
    return
  }
  func.func @transform_0(%arg0: i32) -> (i32, i32, i32) {
    %c0_i32 = arith.constant 0 : i32
    %c0_i32_0 = arith.constant 0 : i32
    %c0_i32_1 = arith.constant 0 : i32
    return %c0_i32, %arg0, %c0_i32_0 : i32, i32, i32
  }
  func.func @transform_1(%arg0: i32) -> (i32, i32) {
    %c0_i32 = arith.constant 0 : i32
    %c0_i32_0 = arith.constant 0 : i32
    return %arg0, %c0_i32 : i32, i32
  }
  func.func @transform_2(%arg0: i32) -> (i32, i32) {
    %c0_i32 = arith.constant 0 : i32
    %c0_i32_0 = arith.constant 0 : i32
    return %arg0, %c0_i32 : i32, i32
  }
  func.func @transform_3(%arg0: i32) -> (i32, i32) {
    %c0_i32 = arith.constant 0 : i32
    %c0_i32_0 = arith.constant 0 : i32
    %c0_i32_1 = arith.constant 0 : i32
    return %c0_i32, %c0_i32_0 : i32, i32
  }
  func.func @transform_4(%arg0: i32) -> (i32, i32) {
    %c0_i32 = arith.constant 0 : i32
    %c0_i32_0 = arith.constant 0 : i32
    %c0_i32_1 = arith.constant 0 : i32
    return %c0_i32, %c0_i32_0 : i32, i32
  }
  func.func @transform_5(%arg0: i32) -> (i32, i32) {
    %c0_i32 = arith.constant 0 : i32
    %c0_i32_0 = arith.constant 0 : i32
    return %arg0, %c0_i32 : i32, i32
  }
}

module attributes {stable_mosaic.version = 14 : i64} {
  func.func @body(%arg0: i32, %arg1: memref<2x512x128xf32, #tpu.memory_space<vmem>>, %arg2: memref<512x1xf32, #tpu.memory_space<vmem>>, %arg3: memref<128x128xf32, #tpu.memory_space<vmem>>, %arg4: memref<1x128xf32, #tpu.memory_space<vmem>>, %arg5: memref<256x128xf32, #tpu.memory_space<vmem>>, %arg6: memref<1x128xf32, #tpu.memory_space<vmem>>, %arg7: memref<512x128xf32, #tpu.memory_space<vmem>>, %arg8: memref<512x128xf32, #tpu.memory_space<vmem>>) attributes {dimension_semantics = [#tpu.dimension_semantics<arbitrary>], iteration_bounds = array<i64: 20>, scalar_prefetch = 0 : i64, scratch_operands = 0 : i64, tpu.core_type = #tpu.core_type<tc>, window_params = [{transform_indices = @transform_0, window_bounds = array<i64: 2, 512, 128>}, {transform_indices = @transform_1, window_bounds = array<i64: 512, 1>}, {pipeline_mode = #tpu.pipeline_mode<synchronous>, transform_indices = @transform_2, window_bounds = array<i64: 128, 128>}, {pipeline_mode = #tpu.pipeline_mode<synchronous>, transform_indices = @transform_3, window_bounds = array<i64: 1, 128>}, {pipeline_mode = #tpu.pipeline_mode<synchronous>, transform_indices = @transform_4, window_bounds = array<i64: 256, 128>}, {pipeline_mode = #tpu.pipeline_mode<synchronous>, transform_indices = @transform_5, window_bounds = array<i64: 1, 128>}, {transform_indices = @transform_6, window_bounds = array<i64: 512, 128>}, {transform_indices = @transform_7, window_bounds = array<i64: 512, 128>}]} {
    %get3A = arith.constant 0 : index
    %get3A_0 = arith.constant 0 : index
    %get3A_1 = arith.constant 0 : index
    %get3A_2 = vector.load %arg1[%get3A, %get3A_0, %get3A_1] : memref<2x512x128xf32, #tpu.memory_space<vmem>>, vector<1x512x128xf32>
    %get3A_3 = vector.shape_cast %get3A_2 : vector<1x512x128xf32> to vector<512x128xf32>
    %get3A_4 = arith.constant 1 : index
    %get3A_5 = arith.constant 0 : index
    %get3A_6 = arith.constant 0 : index
    %get3A_7 = vector.load %arg1[%get3A_4, %get3A_5, %get3A_6] : memref<2x512x128xf32, #tpu.memory_space<vmem>>, vector<1x512x128xf32>
    %get3A_8 = vector.shape_cast %get3A_7 : vector<1x512x128xf32> to vector<512x128xf32>
    %add3A = arith.addf %get3A_3, %get3A_8 : vector<512x128xf32>
    %get3A_9 = arith.constant 0 : index
    %get3A_10 = arith.constant 0 : index
    %get3A_11 = vector.load %arg2[%get3A_9, %get3A_10] : memref<512x1xf32, #tpu.memory_space<vmem>>, vector<512x1xf32>
    %mul3A = vector.broadcast %get3A_11 : vector<512x1xf32> to vector<512x128xf32>
    %mul3A_12 = arith.mulf %add3A, %mul3A : vector<512x128xf32>
    %get3A_13 = arith.constant 0 : index
    %get3A_14 = arith.constant 0 : index
    %get3A_15 = vector.load %arg3[%get3A_13, %get3A_14] : memref<128x128xf32, #tpu.memory_space<vmem>>, vector<128x128xf32>
    %dot_general3A = arith.constant dense<0.000000e+00> : vector<512x128xf32>
    %dot_general3A_16 = tpu.matmul %mul3A_12, %get3A_15, %dot_general3A {dimension_numbers = #tpu.dot_dimension_numbers<[1], [0], [0], [1], [0, 0, 1, 1], [], []>, transpose_lhs_hint = false} : vector<512x128xf32>, vector<128x128xf32>, vector<512x128xf32> -> vector<512x128xf32>
    %get3A_17 = arith.constant 0 : index
    %get3A_18 = arith.constant 0 : index
    %get3A_19 = vector.load %arg4[%get3A_17, %get3A_18] : memref<1x128xf32, #tpu.memory_space<vmem>>, vector<1x128xf32>
    %add3A_20 = vector.broadcast %get3A_19 : vector<1x128xf32> to vector<512x128xf32>
    %add3A_21 = arith.addf %dot_general3A_16, %add3A_20 : vector<512x128xf32>
    %get3A_22 = arith.constant 0 : index
    %get3A_23 = arith.constant 0 : index
    %get3A_24 = vector.load %arg5[%get3A_22, %get3A_23] : memref<256x128xf32, #tpu.memory_space<vmem>>, vector<256x128xf32>
    %slice3A = vector.extract_strided_slice %get3A_24 {offsets = [0, 0], sizes = [128, 128], strides = [1, 1]} : vector<256x128xf32> to vector<128x128xf32>
    %dot_general3A_25 = arith.constant dense<0.000000e+00> : vector<512x128xf32>
    %dot_general3A_26 = tpu.matmul %add3A_21, %slice3A, %dot_general3A_25 {dimension_numbers = #tpu.dot_dimension_numbers<[1], [0], [0], [1], [0, 0, 1, 1], [], []>, transpose_lhs_hint = false} : vector<512x128xf32>, vector<128x128xf32>, vector<512x128xf32> -> vector<512x128xf32>
    %swap3A = arith.constant 0 : index
    %swap3A_27 = arith.constant 0 : index
    %swap3A_28 = vector.load %arg7[%swap3A, %swap3A_27] : memref<512x128xf32, #tpu.memory_space<vmem>>, vector<512x128xf32>
    tpu.vector_store %arg7[%swap3A, %swap3A_27], %dot_general3A_26 {strides = array<i32>} : memref<512x128xf32, #tpu.memory_space<vmem>>, vector<512x128xf32>,
    %slice3A_29 = vector.extract_strided_slice %get3A_24 {offsets = [128, 0], sizes = [128, 128], strides = [1, 1]} : vector<256x128xf32> to vector<128x128xf32>
    %dot_general3A_30 = arith.constant dense<0.000000e+00> : vector<512x128xf32>
    %dot_general3A_31 = tpu.matmul %add3A_21, %slice3A_29, %dot_general3A_30 {dimension_numbers = #tpu.dot_dimension_numbers<[1], [0], [0], [1], [0, 0, 1, 1], [], []>, transpose_lhs_hint = false} : vector<512x128xf32>, vector<128x128xf32>, vector<512x128xf32> -> vector<512x128xf32>
    %get3A_32 = arith.constant 0 : index
    %get3A_33 = arith.constant 0 : index
    %get3A_34 = vector.load %arg6[%get3A_32, %get3A_33] : memref<1x128xf32, #tpu.memory_space<vmem>>, vector<1x128xf32>
    %add3A_35 = vector.broadcast %get3A_34 : vector<1x128xf32> to vector<512x128xf32>
    %add3A_36 = arith.addf %dot_general3A_31, %add3A_35 : vector<512x128xf32>
    %swap3A_37 = arith.constant 0 : index
    %swap3A_38 = arith.constant 0 : index
    %swap3A_39 = vector.load %arg8[%swap3A_37, %swap3A_38] : memref<512x128xf32, #tpu.memory_space<vmem>>, vector<512x128xf32>
    tpu.vector_store %arg8[%swap3A_37, %swap3A_38], %add3A_36 {strides = array<i32>} : memref<512x128xf32, #tpu.memory_space<vmem>>, vector<512x128xf32>,
    return
  }
  func.func @transform_0(%arg0: i32) -> (i32, i32, i32) {
    %c0_i32 = arith.constant 0 : i32
    %c0_i32_0 = arith.constant 0 : i32
    %c0_i32_1 = arith.constant 0 : i32
    return %c0_i32, %arg0, %c0_i32_0 : i32, i32, i32
  }
  func.func @transform_1(%arg0: i32) -> (i32, i32) {
    %c0_i32 = arith.constant 0 : i32
    %c0_i32_0 = arith.constant 0 : i32
    return %arg0, %c0_i32 : i32, i32
  }
  func.func @transform_2(%arg0: i32) -> (i32, i32) {
    %c0_i32 = arith.constant 0 : i32
    %c0_i32_0 = arith.constant 0 : i32
    %c0_i32_1 = arith.constant 0 : i32
    return %c0_i32, %c0_i32_0 : i32, i32
  }
  func.func @transform_3(%arg0: i32) -> (i32, i32) {
    %c0_i32 = arith.constant 0 : i32
    %c0_i32_0 = arith.constant 0 : i32
    %c0_i32_1 = arith.constant 0 : i32
    return %c0_i32, %c0_i32_0 : i32, i32
  }
  func.func @transform_4(%arg0: i32) -> (i32, i32) {
    %c0_i32 = arith.constant 0 : i32
    %c0_i32_0 = arith.constant 0 : i32
    %c0_i32_1 = arith.constant 0 : i32
    return %c0_i32, %c0_i32_0 : i32, i32
  }
  func.func @transform_5(%arg0: i32) -> (i32, i32) {
    %c0_i32 = arith.constant 0 : i32
    %c0_i32_0 = arith.constant 0 : i32
    %c0_i32_1 = arith.constant 0 : i32
    return %c0_i32, %c0_i32_0 : i32, i32
  }
  func.func @transform_6(%arg0: i32) -> (i32, i32) {
    %c0_i32 = arith.constant 0 : i32
    %c0_i32_0 = arith.constant 0 : i32
    return %arg0, %c0_i32 : i32, i32
  }
  func.func @transform_7(%arg0: i32) -> (i32, i32) {
    %c0_i32 = arith.constant 0 : i32
    %c0_i32_0 = arith.constant 0 : i32
    return %arg0, %c0_i32 : i32, i32
  }
}

module attributes {stable_mosaic.version = 14 : i64} {
  func.func @body(%arg0: i32, %arg1: memref<2560x128xf32, #tpu.memory_space<vmem>>, %arg2: memref<128x64xf32, #tpu.memory_space<vmem>>, %arg3: memref<1x64xf32, #tpu.memory_space<vmem>>, %arg4: memref<64x1xf32, #tpu.memory_space<vmem>>, %arg5: memref<1x1xf32, #tpu.memory_space<vmem>>, %arg6: memref<2560x1xf32, #tpu.memory_space<vmem>>) attributes {dimension_semantics = [#tpu.dimension_semantics<arbitrary>], iteration_bounds = array<i64: 125>, scalar_prefetch = 0 : i64, scratch_operands = 0 : i64, tpu.core_type = #tpu.core_type<tc>, window_params = [{transform_indices = @transform_0, window_bounds = array<i64: 2560, 128>}, {pipeline_mode = #tpu.pipeline_mode<synchronous>, transform_indices = @transform_1, window_bounds = array<i64: 128, 64>}, {pipeline_mode = #tpu.pipeline_mode<synchronous>, transform_indices = @transform_2, window_bounds = array<i64: 1, 64>}, {pipeline_mode = #tpu.pipeline_mode<synchronous>, transform_indices = @transform_3, window_bounds = array<i64: 64, 1>}, {pipeline_mode = #tpu.pipeline_mode<synchronous>, transform_indices = @transform_4, window_bounds = array<i64: 1, 1>}, {transform_indices = @transform_5, window_bounds = array<i64: 2560, 1>}]} {
    %get3A = arith.constant 0 : index
    %get3A_0 = arith.constant 0 : index
    %get3A_1 = vector.load %arg1[%get3A, %get3A_0] : memref<2560x128xf32, #tpu.memory_space<vmem>>, vector<2560x128xf32>
    %max3A = arith.constant 0.000000e+00 : f32
    %max3A_2 = vector.broadcast %max3A : f32 to vector<2560x128xf32>
    %max3A_3 = arith.maximumf %get3A_1, %max3A_2 : vector<2560x128xf32>
    %get3A_4 = arith.constant 0 : index
    %get3A_5 = arith.constant 0 : index
    %get3A_6 = vector.load %arg2[%get3A_4, %get3A_5] : memref<128x64xf32, #tpu.memory_space<vmem>>, vector<128x64xf32>
    %dot_general3A = arith.constant dense<0.000000e+00> : vector<2560x64xf32>
    %dot_general3A_7 = tpu.matmul %max3A_3, %get3A_6, %dot_general3A {dimension_numbers = #tpu.dot_dimension_numbers<[1], [0], [0], [1], [0, 0, 1, 1], [], []>, transpose_lhs_hint = false} : vector<2560x128xf32>, vector<128x64xf32>, vector<2560x64xf32> -> vector<2560x64xf32>
    %get3A_8 = arith.constant 0 : index
    %get3A_9 = arith.constant 0 : index
    %get3A_10 = vector.load %arg3[%get3A_8, %get3A_9] : memref<1x64xf32, #tpu.memory_space<vmem>>, vector<1x64xf32>
    %add3A = vector.broadcast %get3A_10 : vector<1x64xf32> to vector<2560x64xf32>
    %add3A_11 = arith.addf %dot_general3A_7, %add3A : vector<2560x64xf32>
    %max3A_12 = arith.constant 0.000000e+00 : f32
    %max3A_13 = vector.broadcast %max3A_12 : f32 to vector<2560x64xf32>
    %max3A_14 = arith.maximumf %add3A_11, %max3A_13 : vector<2560x64xf32>
    %get3A_15 = arith.constant 0 : index
    %get3A_16 = arith.constant 0 : index
    %get3A_17 = vector.load %arg4[%get3A_15, %get3A_16] : memref<64x1xf32, #tpu.memory_space<vmem>>, vector<64x1xf32>
    %dot_general3A_18 = arith.constant dense<0.000000e+00> : vector<2560x1xf32>
    %dot_general3A_19 = tpu.matmul %max3A_14, %get3A_17, %dot_general3A_18 {dimension_numbers = #tpu.dot_dimension_numbers<[1], [0], [0], [1], [0, 0, 1, 1], [], []>, transpose_lhs_hint = false} : vector<2560x64xf32>, vector<64x1xf32>, vector<2560x1xf32> -> vector<2560x1xf32>
    %get3A_20 = arith.constant 0 : index
    %get3A_21 = arith.constant 0 : index
    %get3A_22 = vector.load %arg5[%get3A_20, %get3A_21] : memref<1x1xf32, #tpu.memory_space<vmem>>, vector<1x1xf32>
    %add3A_23 = vector.broadcast %get3A_22 : vector<1x1xf32> to vector<2560x1xf32>
    %add3A_24 = arith.addf %dot_general3A_19, %add3A_23 : vector<2560x1xf32>
    %logistic3A = arith.negf %add3A_24 : vector<2560x1xf32>
    %logistic3A_25 = math.exp %logistic3A : vector<2560x1xf32>
    %logistic3A_26 = arith.constant 1.000000e+00 : f32
    %logistic3A_27 = vector.broadcast %logistic3A_26 : f32 to vector<2560x1xf32>
    %logistic3A_28 = arith.addf %logistic3A_27, %logistic3A_25 : vector<2560x1xf32>
    %logistic3A_29 = arith.divf %logistic3A_27, %logistic3A_28 : vector<2560x1xf32>
    %swap3A = arith.constant 0 : index
    %swap3A_30 = arith.constant 0 : index
    %swap3A_31 = vector.load %arg6[%swap3A, %swap3A_30] : memref<2560x1xf32, #tpu.memory_space<vmem>>, vector<2560x1xf32>
    tpu.vector_store %arg6[%swap3A, %swap3A_30], %logistic3A_29 {strides = array<i32>} : memref<2560x1xf32, #tpu.memory_space<vmem>>, vector<2560x1xf32>,
    return
  }
  func.func @transform_0(%arg0: i32) -> (i32, i32) {
    %c0_i32 = arith.constant 0 : i32
    %c0_i32_0 = arith.constant 0 : i32
    return %arg0, %c0_i32 : i32, i32
  }
  func.func @transform_1(%arg0: i32) -> (i32, i32) {
    %c0_i32 = arith.constant 0 : i32
    %c0_i32_0 = arith.constant 0 : i32
    %c0_i32_1 = arith.constant 0 : i32
    return %c0_i32, %c0_i32_0 : i32, i32
  }
  func.func @transform_2(%arg0: i32) -> (i32, i32) {
    %c0_i32 = arith.constant 0 : i32
    %c0_i32_0 = arith.constant 0 : i32
    %c0_i32_1 = arith.constant 0 : i32
    return %c0_i32, %c0_i32_0 : i32, i32
  }
  func.func @transform_3(%arg0: i32) -> (i32, i32) {
    %c0_i32 = arith.constant 0 : i32
    %c0_i32_0 = arith.constant 0 : i32
    %c0_i32_1 = arith.constant 0 : i32
    return %c0_i32, %c0_i32_0 : i32, i32
  }
  func.func @transform_4(%arg0: i32) -> (i32, i32) {
    %c0_i32 = arith.constant 0 : i32
    %c0_i32_0 = arith.constant 0 : i32
    %c0_i32_1 = arith.constant 0 : i32
    return %c0_i32, %c0_i32_0 : i32, i32
  }
  func.func @transform_5(%arg0: i32) -> (i32, i32) {
    %c0_i32 = arith.constant 0 : i32
    %c0_i32_0 = arith.constant 0 : i32
    return %arg0, %c0_i32 : i32, i32
  }
}

</mosaic_0001>

<sc_bundles>
// kernel: kernel.10.cloned.1.call-start
scs
__scs_entry_jumppad:
0x0: {  	(pc) =	sbr.rel $0x88, $3  }
0x1: {  	(tag) =	ssettag $0x0;
	lr =	simm.s32 $0x1  }
0x2: {  	[smem:$0x3F95] =	sst lr;
	_ =	strace $0xD0000000  }
0x3: {  	_ = 	snop  }
0x4: {  	_ = 	snop  }
0x5: {  	_ = 	snop  }
0x6: {  	_ = 	snop  }
0x7: {  	_ = 	snop  }
__scs_overlays_trampoline_lowered:
0x8: {  	[smem:$0x3FA4] =	sst s0  }
0x9: {  	[smem:$0x3FA5] =	sst s1  }
0xa: {  	[smem:$0x3FA6] =	sst s2  }
0xb: {  	[smem:$0x3FA7] =	sst s3  }
0xc: {  	[smem:$0x3FA8] =	sst s4  }
0xd: {  	[smem:$0x3FA9] =	sst s5  }
0xe: {  	[smem:$0x3FAA] =	sst s6  }
0xf: {  	[smem:$0x3FAB] =	sst s7  }
0x10: {  	[smem:$0x3FAC] =	sst s8  }
0x11: {  	[smem:$0x3FAD] =	sst s9;
	s0 =	simm.s32 @!p0 $0x0  }
0x12: {  	s1 =	sld [smem:$0x3F93];
	s0 =	simm.s32 @p0 $0x1  }
0x13: {  	[smem:$0x3FAE] =	sst s0;
	s0 =	simm.s32 @!p1 $0x0  }
0x14: {  	s2 =	sld [smem:$0x3F92];
	s0 =	simm.s32 @p1 $0x1  }
0x15: {  	[smem:$0x3FAF] =	sst s0;
	s0 =	simm.s32 @!p2 $0x0  }
0x16: {  	s3 =	sld [smem:$0x3FDB];
	s0 =	simm.s32 @p2 $0x1  }
0x17: {  	s4 =	simm.s32 $0x1BF5;
	[smem:$0x3FB1] =	sst s0  }
0x18: {  	s0 =	sld [smem:$0x3F94];
	_ =	swait.ge [sflag:s4], $0x0  }
0x19: {  	s7 =	sld [smem:$0x3F95]  }
0x1a: {  	s8 =	sadd.s32 $0xFFFFE003, lr  }
0x1b: {  	s9 =	sadd.s32 $0xFFFFFEF7, lr;
	s5 =	simm.s32 $0xFFFFFFFF;
	p2 =	slt.u32 s8, $0xFFFFF086  }
0x1c: {  	p1 =	slt.u32 s9, $0xF7A;
	s5 =	simm.s32 @!p2 $0x0  }
0x1d: {  	s5 =	simm.s32 @p1 $0x1;
	p0 =	seq.s32 s7, s2  }
0x1e: {  	s7 =	smul.u32 @!p0 $0xF7A, s2;
	p2 =	seq.s32 @!p0 s5, $0x0  }
0x1f: {  	s9 =	smul.u32 $0xF7A, s1;
	s8 =	simm.s32 @!p0 $0x1BF5;
	p2 =	por !p2, p0  }
0x20: {  	[sflag:s8] =	ssyncset.s32 @!p0 $0xFFFFF086;
	s6 =	sadd.s32 @!p0 s3, s7;
	s7 =	simm.s32 @!p0 $0x108  }
0x21: {  	s3 =	sadd.s32 s3, s9;
	s6 =	sadd.s32 @!p0 $0x88, s6;
	s7 =	simm.s32 @p2 $0x1082  }
0x22: {  	[simem:s7], [sflag:s8] =	dma.local @!p0 [hbm:s6], $0xF7A  }
0x23: {  	s9 =	sor.u32 $0xD0000000, s2;
	s6 =	simm.s32 $0x108;
	_ =	swait.ge @!p0 [sflag:s8], $0x0  }
0x24: {  	s3 =	sadd.s32 $0x88, s3;
	s6 =	simm.s32 @!p1 $0x1082;
	[sflag:s4] =	ssyncset.s32 $0xFFFFF086  }
0x25: {  	[simem:s6], [sflag:s4] =	dma.local [hbm:s3], $0xF7A  }
0x26: {  	[smem:$0x3F95] =	sst s1;
	(tag) =	ssettag s2;
	_ =	strace s9  }
0x27: {  	s1 =	sld [smem:$0x3FA5]  }
0x28: {  	s2 =	sld [smem:$0x3FA6]  }
0x29: {  	s4 =	sld [smem:$0x3FA8]  }
0x2a: {  	p0 =	seq.s32 s5, $0x0;
	s5 =	sld [smem:$0x3FA9]  }
0x2b: {  	s6 =	sld [smem:$0x3FAA]  }
0x2c: {  	s7 =	sld [smem:$0x3FAB]  }
0x2d: {  	s3 =	simm.s32 $0x108;
	s8 =	sld [smem:$0x3FAC]  }
0x2e: {  	s3 =	simm.s32 @!p0 $0x1082;
	s9 =	sld [smem:$0x3FAD]  }
0x2f: {  	lr =	sadd.s32 s0, s3;
	s0 =	sld [smem:$0x3FA4]  }
0x30: {  	s3 =	sld [smem:$0x3FA7]  }
0x31: {  	[smem:$0x3FB0] =	sst s10  }
0x32: {  	s10 =	sld [smem:$0x3FAE];
	_ =	sdelay $0x3  }
0x33: {  	p0 =	seq.s32 s10, $0x1;
	s10 =	sld [smem:$0x3FB0];
	_ =	sdelay $0x3  }
0x34: {  	[smem:$0x3FB0] =	sst s10  }
0x35: {  	s10 =	sld [smem:$0x3FAF];
	_ =	sdelay $0x3  }
0x36: {  	p1 =	seq.s32 s10, $0x1;
	s10 =	sld [smem:$0x3FB0];
	_ =	sdelay $0x3  }
0x37: {  	[smem:$0x3FB0] =	sst s10  }
0x38: {  	s10 =	sld [smem:$0x3FB1]  }
0x39: {  	_ = 	snop;
	(pc) =	sbr.ind lr, $3  }
0x3a: {  	_ = 	snop  }
0x3b: {  	_ = 	snop  }
0x3c: {  	p2 =	seq.s32 s10, $0x1;
	s10 =	sld [smem:$0x3FB0]  }
0x3d: {  	_ =	shalt  }
0x3e: {  	_ =	shalt  }
0x3f: {  	_ =	shalt  }
0x40: {  	_ =	shalt  }
0x41: {  	_ =	shalt  }
0x42: {  	_ =	shalt  }
0x43: {  	_ =	shalt  }
0x44: {  	_ =	shalt  }
0x45: {  	_ =	shalt  }
0x46: {  	_ =	shalt  }
0x47: {  	_ =	shalt  }
0x48: {  	_ =	shalt  }
0x49: {  	_ =	shalt  }
0x4a: {  	_ =	shalt  }
0x4b: {  	_ =	shalt  }
0x4c: {  	_ =	shalt  }
0x4d: {  	_ =	shalt  }
0x4e: {  	_ =	shalt  }
0x4f: {  	_ =	shalt  }
0x50: {  	_ =	shalt  }
0x51: {  	_ =	shalt  }
0x52: {  	_ =	shalt  }
0x53: {  	_ =	shalt  }
0x54: {  	_ =	shalt  }
0x55: {  	_ =	shalt  }
0x56: {  	_ =	shalt  }
0x57: {  	_ =	shalt  }
0x58: {  	_ =	shalt  }
0x59: {  	_ =	shalt  }
0x5a: {  	_ =	shalt  }
0x5b: {  	_ =	shalt  }
0x5c: {  	_ =	shalt  }
0x5d: {  	_ =	shalt  }
0x5e: {  	_ =	shalt  }
0x5f: {  	_ =	shalt  }
0x60: {  	_ =	shalt  }
0x61: {  	_ =	shalt  }
0x62: {  	_ =	shalt  }
0x63: {  	_ =	shalt  }
0x64: {  	_ =	shalt  }
0x65: {  	_ =	shalt  }
0x66: {  	_ =	shalt  }
0x67: {  	_ =	shalt  }
0x68: {  	_ =	shalt  }
0x69: {  	_ =	shalt  }
0x6a: {  	_ =	shalt  }
0x6b: {  	_ =	shalt  }
0x6c: {  	_ =	shalt  }
0x6d: {  	_ =	shalt  }
0x6e: {  	_ =	shalt  }
0x6f: {  	_ =	shalt  }
0x70: {  	_ =	shalt  }
0x71: {  	_ =	shalt  }
0x72: {  	_ =	shalt  }
0x73: {  	_ =	shalt  }
0x74: {  	_ =	shalt  }
0x75: {  	_ =	shalt  }
0x76: {  	_ =	shalt  }
0x77: {  	_ =	shalt  }
0x78: {  	_ =	shalt  }
0x79: {  	_ =	shalt  }
0x7a: {  	_ =	shalt  }
0x7b: {  	_ =	shalt  }
0x7c: {  	_ =	shalt  }
0x7d: {  	_ =	shalt  }
0x7e: {  	_ =	shalt  }
0x7f: {  	_ =	shalt  }
0x80: {  	_ =	shalt  }
0x81: {  	_ =	shalt  }
0x82: {  	_ =	shalt  }
0x83: {  	_ =	shalt  }
0x84: {  	_ =	shalt  }
0x85: {  	_ =	shalt  }
0x86: {  	_ =	shalt  }
0x87: {  	_ =	shalt  }
.Lfunc_end0:
.L_simem_size_0:
called_computation_lowered:
.L_overlay_start_0:
0x88: {  	s2 =	sld [smem:$0x3FD9]  }
0x89: {  	s3 =	sld [smem:$0x3FFE];
	_ =	sdelay $0x1  }
0x8a: {  	s1 =	srdreg.scid  }
0x8b: {  	s0 =	sand.u32 $0x1, s1  }
0x8c: {  	s17 =	sshll.u32 s0, $0xA;
	s2 =	sadd.s32 s3, s2  }
0x8d: {  	s2 =	sadd.s32 s2, s17  }
0x8e: {  	[smem:$0x3FBC] =	sst s2  }
0x8f: {  	_ = 	snop  }
0x90: {  	s2 =	sld [smem:$0x3FD0];
	(tm) =	ssettm $0x1  }
0x91: {  	s18 =	sld [smem:$0x3FFB];
	_ =	sdelay $0x3  }
0x92: {  	_ =	strace s18  }
0x93: {  	s3 =	sld [smem:$0x3FFC];
	_ =	sdelay $0x3  }
0x94: {  	_ =	strace s3  }
0x95: {  	s3 =	sld [smem:$0x3FFD];
	_ =	sdelay $0x3  }
0x96: {  	_ =	strace s3  }
0x97: {  	_ =	strace $0x8FFFFFFF  }
0x98: {  	s19 =	sld [smem:$0x3FDB];
	_ =	sdelay $0x1  }
0x99: {  	s4 =	simm.s32 $_scs_section_size  }
0x9a: {  	s5 =	simm.s32 $_size__tile_overlayer_lowered;
	s6 =	simm.s32 $_tile_overlayer_lowered  }
0x9b: {  	s22 =	simm.s32 $0x1BFF;
	s21 =	sshll.u32 s6, $0x1;
	s3 =	sadd.s32 s4, s19  }
0x9c: {  	s7 =	simm.s32 $0x0;
	s20 =	sshll.u32 s5, $0x1;
	s5 =	sadd.s32 s21, s3  }
0x9d: {  	[timem:s7], [sflag:s22] =	dma.local [hbm:s5], s20  }
0x9e: {  	_ =	swait.ge [sflag:s22], s20  }
0x9f: {  	s4 =	ssub.s32 $0x0, s20;
	[sflag:s22] =	ssyncset.done $0x0  }
0xa0: {  	[sflag:s22] =	ssyncadd.s32 s4;
	_ =	sdelay $0x1  }
0xa1: {  	s23 =	simm.s32 $0x1B8B  }
0xa2: {  	_ =	swait.ge [sflag:s23], $0x1  }
0xa3: {  	[sflag:s23] =	ssyncset.done $0x0  }
0xa4: {  	s25 =	simm.s32 $0x1B8E;
	s24 =	sld [smem:$0x3FFE];
	[sflag:s23] =	ssyncadd.s32 $0xFFFFFFFF  }
0xa5: {  	s26 =	simm.s32 $execute0_lowered;
	[smem:$0x3FD2] =	sst s25  }
0xa6: {  	s5 =	sshll.u32 s26, $0x1;
	_ =	strace $0x80000046;
	[dreg:$0x1] =	wrdreg $0xFFFFFFFF  }
0xa7: {  	s28 =	simm.s32 $_size_execute0_lowered;
	s3 =	sadd.s32 s3, s5;
	[dreg:$0x0] =	wrdreg $0x0  }
0xa8: {  	s5 =	sshll.u32 s28, $0x1;
	[dreg:$0x2] =	wrdreg s3  }
0xa9: {  	[dreg:$0x3] =	wrdreg s5  }
0xaa: {  	[dreg:$0x4] =	wrdreg $0xC0  }
0xab: {  	_ =	task [dreg:s7], $0x5FFFF  }
0xac: {  	[dreg:$0x1] =	wrdreg $0xFFFFFFFF  }
0xad: {  	[dreg:$0x0] =	wrdreg $0x60  }
0xae: {  	[dreg:$0x2] =	wrdreg s24  }
0xaf: {  	[dreg:$0x3] =	wrdreg s2  }
0xb0: {  	[dreg:$0x4] =	wrdreg $0x0  }
0xb1: {  	[dreg:$0x5] =	wrdreg $0x9  }
0xb2: {  	_ =	task.clear_ibuf [dreg:s7], $0x6FFFF;
	_ =	strace $0x90000046  }
0xb3: {  	s29 =	simm.s32 $0x9;
	_ =	strace $0x80000048  }
0xb4: {  	_ =	swait.ge [sflag:s29], $0x1  }
0xb5: {  	[sflag:s29] =	ssyncadd.s32 $0xFFFFFFFF  }
0xb6: {  	_ =	strace $0x90000048  }
0xb7: {  	_ =	sfence  }
0xb8: {  	s30 =	sld [smem:$0x0];
	_ =	sdelay $0x2  }
0xb9: {  	s31 =	sshll.u32 s1, $0xD;
	s1 =	sshrl.u32 s1, $0x2  }
0xba: {  	s3 =	sand.u32 $0x4000, s31;
	s1 =	sadd.s32 s1, s30  }
0xbb: {  	s0 =	sor.u32 s3, s0;
	s1 =	sshll.u32 s1, $0x11  }
0xbc: {  	s0 =	sor.u32 s1, s0  }
0xbd: {  	s0 =	sadd.s32 $0x8F2B, s0  }
0xbe: {  	[sflag:s0] =	ssyncadd.remote.s32 $0x1  }
0xbf: {  	_ =	sfence.sel $0xFFFF  }
0xc0: {  	[dreg:$0x0] =	wrdreg $0xFFFFFFFF;
	(pc) =	sbr.abs _section_cstart, $3  }
0xc1: {  	[dreg:$0x1] =	wrdreg $0xFFFFFFFF  }
0xc2: {  	_ =	task.clear_ibuf [dreg:s7], $0x2FFFF;
	_ =	strace $0x9FFFFFFF  }
0xc3: {  	(tm) =	ssettm $0x7FFFFFFF  }
tec
execute0_lowered:
.L_overlay_start_1:
0x0: {  	(tag) =	ssettag $0x1  }
0x1: {  	s17 =	rddreg [dreg:$0x0]  }
0x2: {  	s1 =	rddreg [dreg:$0x1]  }
0x3: {  	s3 =	rddreg [dreg:$0x2]  }
0x4: {  	s0 =	rddreg [dreg:$0x3]  }
0x5: {  	s4 =	simm.s32 $0x0;
	s5 =	srdreg.scid;
	s2 =	stileid.u32  }
0x6: {  	s22 =	simm.s32 $0x0;
	[smem:$0x7FF] =	sst s4;
	s6 =	smul.u32 $0x50000, s2  }
0x7: {  	s11 =	sand.u32 $0x1, s5;
	s12 =	smul.u32 $0x14000, s2;
	s5 =	sadd.s32 $0x17000, s17  }
0x8: {  	s15 =	sadd.s32 $0x17800, s17;
	s21 =	smul.u32 $0xA00, s2;
	_ =	strace $0x80000047  }
0x9: {  	s7 =	ssub.s32 $0x2, s11;
	s20 =	smul.u32 $0x140000, s11;
	p0 =	seq.s32 s11, $0x1  }
0xa: {  	s8 =	sshrl.u32 s7, $0x1;
	s6 =	sshrl.u32 s6, $0x2;
	s13 =	sadd.s32 $0x4000, s12  }
0xb: {  	s14 =	sadd.s32 $0x8000, s12;
	s18 =	sadd.s32 $0xC000, s12;
	s19 =	sadd.s32 $0x10000, s12  }
0xc: {  	s16 =	ssub.s32 s7, s8;
	s6 =	sadd.s32 s6, s3;
	s7 =	sadd.s32 s13, s3  }
0xd: {  	s8 =	sadd.s32 s14, s3;
	s9 =	sadd.s32 s18, s3;
	s10 =	sadd.s32 s19, s3  }
0xe: {  	s26 =	sadd.s32 s12, s20;
	s28 =	sadd.s32 s20, s13;
	s29 =	sadd.s32 s20, s14  }
0xf: {  	s30 =	sadd.s32 s20, s18;
	s31 =	sadd.s32 s20, s19;
	s19 =	simm.s32 $0x3000  }
0x10: {  	s20 =	simm.s32 $0x14000;
	s11 =	sshrl.u32 s26, $0x3;
	s12 =	sshrl.u32 s28, $0x3  }
0x11: {  	s13 =	sshrl.u32 s29, $0x3;
	s14 =	sshrl.u32 s30, $0x3;
	s18 =	sshrl.u32 s31, $0x3  }
0x12: {  	s19 =	simm.s32 @!p0 $0xD000;
	s16 =	smax.u32 s16, $0x1;
	s11 =	sadd.s32 s15, s11  }
0x13: {  	s12 =	sadd.s32 s15, s12;
	s13 =	sadd.s32 s15, s13;
	s14 =	sadd.s32 s15, s14  }
0x14: {  	s15 =	sadd.s32 s15, s18;
	s17 =	sadd.s32 s19, s17;
	s18 =	simm.s32 $0x19000  }
0x15: {  	s19 =	simm.s32 $0x1;
	s17 =	sadd.s32 s17, s21;
	s21 =	simm.s32 $0x80  }
.LBB2_1:
0x16: {  	[tilespmem:s18], [sflag:$0x1] =	stream.linear.gather [hbm4b:s5+s4], $0x4000, $0x38;
	[tilespmem:$0x1D000] =	vst v63  }
0x17: {  	_ =	swait.ge [sflag:s19], $0x4000  }
0x18: {  	[sflag:s19] =	ssyncset.done $0x0  }
0x19: {  	[sflag:s19] =	ssyncadd.s32 $0xFFFFC000  }
0x1a: {  	[spmem:s6] =	stream.linear.scatter [tilespmem:s18], [sflag:$0x1], $0x4000, $0x38;
	[tilespmem:$0x1D000] =	vst v63  }
0x1b: {  	_ =	swait.ge [sflag:s19], $0x4000  }
0x1c: {  	[sflag:s19] =	ssyncset.done $0x0  }
0x1d: {  	[sflag:s19] =	ssyncadd.s32 $0xFFFFC000  }
0x1e: {  	[spmem:s7] =	stream.linear.scatter [tilespmem:s18], [sflag:$0x1], $0x4000, $0x38;
	[tilespmem:$0x1D000] =	vst v63  }
0x1f: {  	_ =	swait.ge [sflag:s19], $0x4000  }
0x20: {  	[sflag:s19] =	ssyncset.done $0x0  }
0x21: {  	[sflag:s19] =	ssyncadd.s32 $0xFFFFC000  }
0x22: {  	[spmem:s8] =	stream.linear.scatter [tilespmem:s18], [sflag:$0x1], $0x4000, $0x38;
	[tilespmem:$0x1D000] =	vst v63  }
0x23: {  	_ =	swait.ge [sflag:s19], $0x4000  }
0x24: {  	[sflag:s19] =	ssyncset.done $0x0  }
0x25: {  	[sflag:s19] =	ssyncadd.s32 $0xFFFFC000  }
0x26: {  	[spmem:s9] =	stream.linear.scatter [tilespmem:s18], [sflag:$0x1], $0x4000, $0x38;
	[tilespmem:$0x1D000] =	vst v63  }
0x27: {  	_ =	swait.ge [sflag:s19], $0x4000  }
0x28: {  	[sflag:s19] =	ssyncset.done $0x0  }
0x29: {  	[sflag:s19] =	ssyncadd.s32 $0xFFFFC000  }
0x2a: {  	[spmem:s10] =	stream.linear.scatter [tilespmem:s18], [sflag:$0x1], $0x4000, $0x38;
	[tilespmem:$0x1D000] =	vst v63  }
0x2b: {  	_ =	swait.ge [sflag:s19], $0x4000  }
0x2c: {  	[sflag:s19] =	ssyncset.done $0x0  }
0x2d: {  	[sflag:s19] =	ssyncadd.s32 $0xFFFFC000  }
0x2e: {  	[tilespmem:s18], [sflag:$0x1] =	stream.linear.gather [hbm4b:s1+s4], $0x4000, $0x38;
	[tilespmem:$0x1D000] =	vst v63  }
0x2f: {  	_ =	swait.ge [sflag:s19], $0x4000  }
0x30: {  	[sflag:s19] =	ssyncset.done $0x0  }
0x31: {  	[sflag:s19] =	ssyncadd.s32 $0xFFFFC000  }
0x32: {  	[tilespmem:s20], [sflag:$0x1] =	stream.linear.gather [hbm4b:s17+s4], $0x5000, $0x38;
	[tilespmem:$0x1D000] =	vst v63  }
0x33: {  	_ =	swait.ge [sflag:s19], $0x5000  }
0x34: {  	[sflag:s19] =	ssyncset.done $0x0  }
0x35: {  	[sflag:s19] =	ssyncadd.s32 $0xFFFFB000  }
0x36: {  	s23 =	simm.s32 $0x14000;
	[bflag:$0x0] =	sbarrier.arrive $0xFFFF  }
0x37: {  	[spmem:s3] =	stream.indirect.scatter.add.f32 [tilespmem:s18], [sflag:$0x1], $0x80, s23, s21, $0xb8;
	[tilespmem:$0x1D000] =	vst v63  }
0x38: {  	s23 =	simm.s32 $0x200;
	_ =	swait.ge [sflag:s19], $0x4000  }
.LBB2_2:
0x39: {  	s24 =	sshra.s32 s23, $0x2;
	[sflag:s19] =	ssyncset.done $0x0;
	p0 =	sne.s32 s23, $0x13E00  }
.Ltmp0:
0x3a: {  	s24 =	sadd.s32 $0x14000, s24;
	[sflag:s19] =	ssyncadd.s32 $0xFFFFC000;
	(pc) =	sbr.rel @p0 .LBB2_2-.Ltmp0, $3  }
0x3b: {  	[spmem:s3] =	stream.indirect.scatter.add.f32 [tilespmem:s18], [sflag:$0x1], $0x80, s24, s21, $0xb8;
	[tilespmem:$0x1D000] =	vst v63  }
0x3c: {  	s23 =	sadd.s32 $0x200, s23;
	_ =	sdelay $0x1  }
0x3d: {  	_ =	swait.ge [sflag:s19], $0x4000  }
0x3e: {  	[sflag:s19] =	ssyncset.done $0x0  }
0x3f: {  	s23 =	sshll.u32 s2, $0x6;
	[sflag:s19] =	ssyncadd.s32 $0xFFFFC000  }
0x40: {  	s24 =	sshrl.u32 s6, $0x3;
	s23 =	sor.u32 $0x1C01, s23;
	[bflag:$0x0] =	sbarrier.arrive $0xFFFF  }
0x41: {  	[hbm:s11], [sflag:s23] =	dma.local [spmem:s24], $0x800  }
0x42: {  	_ =	swait.ge [sflag:s19], $0x800  }
0x43: {  	[sflag:s19] =	ssyncset.done $0x0  }
0x44: {  	s28 =	sshrl.u32 s7, $0x3;
	[sflag:s19] =	ssyncadd.s32 $0xFFFFF800  }
0x45: {  	[hbm:s12], [sflag:s23] =	dma.local [spmem:s28], $0x800  }
0x46: {  	_ =	swait.ge [sflag:s19], $0x800  }
0x47: {  	[sflag:s19] =	ssyncset.done $0x0  }
0x48: {  	s29 =	sshrl.u32 s8, $0x3;
	[sflag:s19] =	ssyncadd.s32 $0xFFFFF800  }
0x49: {  	[hbm:s13], [sflag:s23] =	dma.local [spmem:s29], $0x800  }
0x4a: {  	_ =	swait.ge [sflag:s19], $0x800  }
0x4b: {  	[sflag:s19] =	ssyncset.done $0x0  }
0x4c: {  	s30 =	sshrl.u32 s9, $0x3;
	[sflag:s19] =	ssyncadd.s32 $0xFFFFF800  }
0x4d: {  	[hbm:s14], [sflag:s23] =	dma.local [spmem:s30], $0x800  }
0x4e: {  	s22 =	sadd.s32 $0x1, s22;
	_ =	swait.ge [sflag:s19], $0x800  }
0x4f: {  	p0 =	sne.s32 s22, s16;
	[sflag:s19] =	ssyncset.done $0x0  }
.Ltmp1:
0x50: {  	s31 =	sshrl.u32 s10, $0x3;
	[sflag:s19] =	ssyncadd.s32 $0xFFFFF800;
	(pc) =	sbr.rel @p0 .LBB2_1-.Ltmp1, $4  }
0x51: {  	[hbm:s15], [sflag:s23] =	dma.local [spmem:s31], $0x800  }
0x52: {  	_ =	swait.ge [sflag:s19], $0x800  }
0x53: {  	[sflag:s19] =	ssyncset.done $0x0  }
0x54: {  	[sflag:s19] =	ssyncadd.s32 $0xFFFFF800  }
0x55: {  	_ =	sfence.sel $0x180000  }
0x56: {  	[bflag:$0x0] =	sbarrier.arrive $0xFFFF  }
0x57: {  	p0 =	sne.s32 s2, $0x0;
	_ =	strace $0x90000047  }
0x58: {  	s0 =	sadd.s32 @!p0 $0x100000, s0;
	[bflag:$0x2] =	sbarrier.arrive $0xFFFF  }
0x59: {  	[sflag:s0] =	ssyncadd.tile.s32 @!p0 $0x1;
	_ =	shalt  }
.Lfunc_end2:
_tile_overlayer_lowered:
.L_overlay_start_2:
0x5a: {  	(tag) =	ssettag $0x2  }
0x5b: {  	s0 =	rddreg [dreg:$0x0];
	s2 =	stileid.u32  }
0x5c: {  	s1 =	rddreg [dreg:$0x1];
	p0 =	sne.s32 s2, $0x0  }
0x5d: {  	s3 =	rddreg [dreg:$0x2];
	[bflag:$0x3] =	sbarrier.arrive $0xFFFF;
	s2 =	simm.s32 @!p0 $0x1C01  }
0x5e: {  	[timem:s3], [sflag:s2] =	dma.local @!p0 [hbm:s0], s1  }
0x5f: {  	s0 =	simm.s32 @!p0 $0x1  }
0x60: {  	_ =	swait.ge @!p0 [sflag:s0], s1  }
0x61: {  	s1 =	ssub.s32 @!p0 $0x0, s1;
	[sflag:s0] =	ssyncset.done @!p0 $0x0  }
0x62: {  	[sflag:s0] =	ssyncadd.s32 @!p0 s1  }
0x63: {  	[bflag:$0x3] =	sbarrier.arrive $0xFFFF  }
0x64: {  	_ =	shalt  }

// kernel: kernel.13.cloned.1.call-start
scs
__scs_entry_jumppad:
0x0: {  	(pc) =	sbr.rel $0x88, $3  }
0x1: {  	(tag) =	ssettag $0x0;
	lr =	simm.s32 $0x1  }
0x2: {  	[smem:$0x3F95] =	sst lr;
	_ =	strace $0xD0000000  }
0x3: {  	_ = 	snop  }
0x4: {  	_ = 	snop  }
0x5: {  	_ = 	snop  }
0x6: {  	_ = 	snop  }
0x7: {  	_ = 	snop  }
__scs_overlays_trampoline_lowered:
0x8: {  	[smem:$0x3FA4] =	sst s0  }
0x9: {  	[smem:$0x3FA5] =	sst s1  }
0xa: {  	[smem:$0x3FA6] =	sst s2  }
0xb: {  	[smem:$0x3FA7] =	sst s3  }
0xc: {  	[smem:$0x3FA8] =	sst s4  }
0xd: {  	[smem:$0x3FA9] =	sst s5  }
0xe: {  	[smem:$0x3FAA] =	sst s6  }
0xf: {  	[smem:$0x3FAB] =	sst s7  }
0x10: {  	[smem:$0x3FAC] =	sst s8  }
0x11: {  	[smem:$0x3FAD] =	sst s9;
	s0 =	simm.s32 @!p0 $0x0  }
0x12: {  	s1 =	sld [smem:$0x3F93];
	s0 =	simm.s32 @p0 $0x1  }
0x13: {  	[smem:$0x3FAE] =	sst s0;
	s0 =	simm.s32 @!p1 $0x0  }
0x14: {  	s2 =	sld [smem:$0x3F92];
	s0 =	simm.s32 @p1 $0x1  }
0x15: {  	[smem:$0x3FAF] =	sst s0;
	s0 =	simm.s32 @!p2 $0x0  }
0x16: {  	s3 =	sld [smem:$0x3FDB];
	s0 =	simm.s32 @p2 $0x1  }
0x17: {  	s4 =	simm.s32 $0x1BF5;
	[smem:$0x3FB1] =	sst s0  }
0x18: {  	s0 =	sld [smem:$0x3F94];
	_ =	swait.ge [sflag:s4], $0x0  }
0x19: {  	s7 =	sld [smem:$0x3F95]  }
0x1a: {  	s8 =	sadd.s32 $0xFFFFE003, lr  }
0x1b: {  	s9 =	sadd.s32 $0xFFFFFEF7, lr;
	s5 =	simm.s32 $0xFFFFFFFF;
	p2 =	slt.u32 s8, $0xFFFFF086  }
0x1c: {  	p1 =	slt.u32 s9, $0xF7A;
	s5 =	simm.s32 @!p2 $0x0  }
0x1d: {  	s5 =	simm.s32 @p1 $0x1;
	p0 =	seq.s32 s7, s2  }
0x1e: {  	s7 =	smul.u32 @!p0 $0xF7A, s2;
	p2 =	seq.s32 @!p0 s5, $0x0  }
0x1f: {  	s9 =	smul.u32 $0xF7A, s1;
	s8 =	simm.s32 @!p0 $0x1BF5;
	p2 =	por !p2, p0  }
0x20: {  	[sflag:s8] =	ssyncset.s32 @!p0 $0xFFFFF086;
	s6 =	sadd.s32 @!p0 s3, s7;
	s7 =	simm.s32 @!p0 $0x108  }
0x21: {  	s3 =	sadd.s32 s3, s9;
	s6 =	sadd.s32 @!p0 $0x88, s6;
	s7 =	simm.s32 @p2 $0x1082  }
0x22: {  	[simem:s7], [sflag:s8] =	dma.local @!p0 [hbm:s6], $0xF7A  }
0x23: {  	s9 =	sor.u32 $0xD0000000, s2;
	s6 =	simm.s32 $0x108;
	_ =	swait.ge @!p0 [sflag:s8], $0x0  }
0x24: {  	s3 =	sadd.s32 $0x88, s3;
	s6 =	simm.s32 @!p1 $0x1082;
	[sflag:s4] =	ssyncset.s32 $0xFFFFF086  }
0x25: {  	[simem:s6], [sflag:s4] =	dma.local [hbm:s3], $0xF7A  }
0x26: {  	[smem:$0x3F95] =	sst s1;
	(tag) =	ssettag s2;
	_ =	strace s9  }
0x27: {  	s1 =	sld [smem:$0x3FA5]  }
0x28: {  	s2 =	sld [smem:$0x3FA6]  }
0x29: {  	s4 =	sld [smem:$0x3FA8]  }
0x2a: {  	p0 =	seq.s32 s5, $0x0;
	s5 =	sld [smem:$0x3FA9]  }
0x2b: {  	s6 =	sld [smem:$0x3FAA]  }
0x2c: {  	s7 =	sld [smem:$0x3FAB]  }
0x2d: {  	s3 =	simm.s32 $0x108;
	s8 =	sld [smem:$0x3FAC]  }
0x2e: {  	s3 =	simm.s32 @!p0 $0x1082;
	s9 =	sld [smem:$0x3FAD]  }
0x2f: {  	lr =	sadd.s32 s0, s3;
	s0 =	sld [smem:$0x3FA4]  }
0x30: {  	s3 =	sld [smem:$0x3FA7]  }
0x31: {  	[smem:$0x3FB0] =	sst s10  }
0x32: {  	s10 =	sld [smem:$0x3FAE];
	_ =	sdelay $0x3  }
0x33: {  	p0 =	seq.s32 s10, $0x1;
	s10 =	sld [smem:$0x3FB0];
	_ =	sdelay $0x3  }
0x34: {  	[smem:$0x3FB0] =	sst s10  }
0x35: {  	s10 =	sld [smem:$0x3FAF];
	_ =	sdelay $0x3  }
0x36: {  	p1 =	seq.s32 s10, $0x1;
	s10 =	sld [smem:$0x3FB0];
	_ =	sdelay $0x3  }
0x37: {  	[smem:$0x3FB0] =	sst s10  }
0x38: {  	s10 =	sld [smem:$0x3FB1]  }
0x39: {  	_ = 	snop;
	(pc) =	sbr.ind lr, $3  }
0x3a: {  	_ = 	snop  }
0x3b: {  	_ = 	snop  }
0x3c: {  	p2 =	seq.s32 s10, $0x1;
	s10 =	sld [smem:$0x3FB0]  }
0x3d: {  	_ =	shalt  }
0x3e: {  	_ =	shalt  }
0x3f: {  	_ =	shalt  }
0x40: {  	_ =	shalt  }
0x41: {  	_ =	shalt  }
0x42: {  	_ =	shalt  }
0x43: {  	_ =	shalt  }
0x44: {  	_ =	shalt  }
0x45: {  	_ =	shalt  }
0x46: {  	_ =	shalt  }
0x47: {  	_ =	shalt  }
0x48: {  	_ =	shalt  }
0x49: {  	_ =	shalt  }
0x4a: {  	_ =	shalt  }
0x4b: {  	_ =	shalt  }
0x4c: {  	_ =	shalt  }
0x4d: {  	_ =	shalt  }
0x4e: {  	_ =	shalt  }
0x4f: {  	_ =	shalt  }
0x50: {  	_ =	shalt  }
0x51: {  	_ =	shalt  }
0x52: {  	_ =	shalt  }
0x53: {  	_ =	shalt  }
0x54: {  	_ =	shalt  }
0x55: {  	_ =	shalt  }
0x56: {  	_ =	shalt  }
0x57: {  	_ =	shalt  }
0x58: {  	_ =	shalt  }
0x59: {  	_ =	shalt  }
0x5a: {  	_ =	shalt  }
0x5b: {  	_ =	shalt  }
0x5c: {  	_ =	shalt  }
0x5d: {  	_ =	shalt  }
0x5e: {  	_ =	shalt  }
0x5f: {  	_ =	shalt  }
0x60: {  	_ =	shalt  }
0x61: {  	_ =	shalt  }
0x62: {  	_ =	shalt  }
0x63: {  	_ =	shalt  }
0x64: {  	_ =	shalt  }
0x65: {  	_ =	shalt  }
0x66: {  	_ =	shalt  }
0x67: {  	_ =	shalt  }
0x68: {  	_ =	shalt  }
0x69: {  	_ =	shalt  }
0x6a: {  	_ =	shalt  }
0x6b: {  	_ =	shalt  }
0x6c: {  	_ =	shalt  }
0x6d: {  	_ =	shalt  }
0x6e: {  	_ =	shalt  }
0x6f: {  	_ =	shalt  }
0x70: {  	_ =	shalt  }
0x71: {  	_ =	shalt  }
0x72: {  	_ =	shalt  }
0x73: {  	_ =	shalt  }
0x74: {  	_ =	shalt  }
0x75: {  	_ =	shalt  }
0x76: {  	_ =	shalt  }
0x77: {  	_ =	shalt  }
0x78: {  	_ =	shalt  }
0x79: {  	_ =	shalt  }
0x7a: {  	_ =	shalt  }
0x7b: {  	_ =	shalt  }
0x7c: {  	_ =	shalt  }
0x7d: {  	_ =	shalt  }
0x7e: {  	_ =	shalt  }
0x7f: {  	_ =	shalt  }
0x80: {  	_ =	shalt  }
0x81: {  	_ =	shalt  }
0x82: {  	_ =	shalt  }
0x83: {  	_ =	shalt  }
0x84: {  	_ =	shalt  }
0x85: {  	_ =	shalt  }
0x86: {  	_ =	shalt  }
0x87: {  	_ =	shalt  }
.Lfunc_end0:
.L_simem_size_0:
called_computation.1_lowered:
.L_overlay_start_0:
0x88: {  	s2 =	sld [smem:$0x3FD9]  }
0x89: {  	s3 =	sld [smem:$0x3FFE];
	_ =	sdelay $0x1  }
0x8a: {  	s1 =	srdreg.scid  }
0x8b: {  	s0 =	sand.u32 $0x1, s1  }
0x8c: {  	s16 =	sshll.u32 s0, $0xA;
	s2 =	sadd.s32 s3, s2  }
0x8d: {  	s2 =	sadd.s32 s2, s16  }
0x8e: {  	[smem:$0x3FBC] =	sst s2  }
0x8f: {  	_ = 	snop  }
0x90: {  	(tm) =	ssettm $0x1  }
0x91: {  	s17 =	sld [smem:$0x3FFB];
	_ =	sdelay $0x3  }
0x92: {  	_ =	strace s17  }
0x93: {  	s2 =	sld [smem:$0x3FFC];
	_ =	sdelay $0x3  }
0x94: {  	_ =	strace s2  }
0x95: {  	s2 =	sld [smem:$0x3FFD];
	_ =	sdelay $0x3  }
0x96: {  	_ =	strace s2  }
0x97: {  	_ =	strace $0x8FFFFFFF  }
0x98: {  	s18 =	sld [smem:$0x3FDB];
	_ =	sdelay $0x1  }
0x99: {  	s19 =	simm.s32 $_scs_section_size  }
0x9a: {  	s4 =	simm.s32 $_size__tile_overlayer_lowered;
	s5 =	simm.s32 $_tile_overlayer_lowered  }
0x9b: {  	s22 =	simm.s32 $0x1BFF;
	s21 =	sshll.u32 s5, $0x1;
	s2 =	sadd.s32 s19, s18  }
0x9c: {  	s6 =	simm.s32 $0x0;
	s20 =	sshll.u32 s4, $0x1;
	s4 =	sadd.s32 s21, s2  }
0x9d: {  	[timem:s6], [sflag:s22] =	dma.local [hbm:s4], s20  }
0x9e: {  	_ =	swait.ge [sflag:s22], s20  }
0x9f: {  	s3 =	ssub.s32 $0x0, s20;
	[sflag:s22] =	ssyncset.done $0x0  }
0xa0: {  	[sflag:s22] =	ssyncadd.s32 s3;
	_ =	sdelay $0x1  }
0xa1: {  	s23 =	simm.s32 $0x1B8B  }
0xa2: {  	_ =	swait.ge [sflag:s23], $0x1  }
0xa3: {  	[sflag:s23] =	ssyncset.done $0x0  }
0xa4: {  	s25 =	simm.s32 $0x1B8E;
	s24 =	sld [smem:$0x3FFE];
	[sflag:s23] =	ssyncadd.s32 $0xFFFFFFFF  }
0xa5: {  	s26 =	simm.s32 $execute0_lowered;
	[smem:$0x3FD2] =	sst s25  }
0xa6: {  	s4 =	sshll.u32 s26, $0x1;
	_ =	strace $0x80000049;
	[dreg:$0x1] =	wrdreg $0xFFFFFFFF  }
0xa7: {  	s28 =	simm.s32 $_size_execute0_lowered;
	s2 =	sadd.s32 s2, s4;
	[dreg:$0x0] =	wrdreg $0x0  }
0xa8: {  	s4 =	sshll.u32 s28, $0x1;
	[dreg:$0x2] =	wrdreg s2  }
0xa9: {  	[dreg:$0x3] =	wrdreg s4  }
0xaa: {  	[dreg:$0x4] =	wrdreg $0xC0  }
0xab: {  	_ =	task [dreg:s6], $0x5FFFF  }
0xac: {  	[dreg:$0x1] =	wrdreg $0xFFFFFFFF  }
0xad: {  	[dreg:$0x0] =	wrdreg $0x60  }
0xae: {  	[dreg:$0x2] =	wrdreg s24  }
0xaf: {  	[dreg:$0x3] =	wrdreg $0x0  }
0xb0: {  	[dreg:$0x4] =	wrdreg $0x9  }
0xb1: {  	_ =	task.clear_ibuf [dreg:s6], $0x5FFFF;
	_ =	strace $0x90000049  }
0xb2: {  	s29 =	simm.s32 $0x9;
	_ =	strace $0x8000004B  }
0xb3: {  	_ =	swait.ge [sflag:s29], $0x1  }
0xb4: {  	[sflag:s29] =	ssyncadd.s32 $0xFFFFFFFF  }
0xb5: {  	_ =	strace $0x9000004B  }
0xb6: {  	_ =	sfence  }
0xb7: {  	s30 =	sld [smem:$0x0];
	_ =	sdelay $0x2  }
0xb8: {  	s31 =	sshll.u32 s1, $0xD;
	s1 =	sshrl.u32 s1, $0x2  }
0xb9: {  	s3 =	sand.u32 $0x4000, s31;
	s1 =	sadd.s32 s1, s30  }
0xba: {  	s0 =	sor.u32 s3, s0;
	s1 =	sshll.u32 s1, $0x11  }
0xbb: {  	s0 =	sor.u32 s1, s0  }
0xbc: {  	s0 =	sadd.s32 $0x8F2B, s0  }
0xbd: {  	[sflag:s0] =	ssyncadd.remote.s32 $0x1  }
0xbe: {  	_ =	sfence.sel $0xFFFF  }
0xbf: {  	[dreg:$0x0] =	wrdreg $0xFFFFFFFF;
	(pc) =	sbr.abs _section_cstart, $3  }
0xc0: {  	[dreg:$0x1] =	wrdreg $0xFFFFFFFF  }
0xc1: {  	_ =	task.clear_ibuf [dreg:s6], $0x2FFFF;
	_ =	strace $0x9FFFFFFF  }
0xc2: {  	(tm) =	ssettm $0x7FFFFFFF  }
0xc3: {  	_ =	shalt  }
tec
execute0_lowered:
.L_overlay_start_1:
0x0: {  	(tag) =	ssettag $0x1  }
0x1: {  	s0 =	rddreg [dreg:$0x0]  }
0x2: {  	s1 =	rddreg [dreg:$0x1];
	s2 =	simm.s32 $0x0;
	s25 =	srdreg.scid  }
0x3: {  	s19 =	stileid.u32;
	s28 =	simm.s32 $0x2;
	s29 =	simm.s32 $0x15380  }
0x4: {  	s30 =	simm.s32 $0x16700;
	s31 =	simm.s32 $0x16780;
	[smem:$0x7FF] =	sst s2  }
0x5: {  	s4 =	sadd.s32 $0x17800, s0;
	s2 =	sand.u32 $0x1, s25;
	s7 =	smul.u32 $0x50000, s19  }
0x6: {  	s5 =	sadd.s32 $0xD000, s0;
	s6 =	sadd.s32 $0x3000, s0;
	s13 =	smul.u32 $0x14000, s19  }
0x7: {  	s9 =	sadd.s32 $0x17000, s0;
	s0 =	sadd.s32 $0x3F800, s0;
	s15 =	smul.u32 $0x28, s19  }
0x8: {  	s19 =	smul.u32 $0x78, s19;
	_ =	strace $0x8000004A;
	s3 =	ssub.s32 $0x2, s2  }
0x9: {  	[dreg:$0x3] =	wrdreg s9;
	s18 =	smul.u32 $0x140000, s2;
	p0 =	seq.s32 s2, $0x0  }
0xa: {  	s8 =	sshrl.u32 s3, $0x1;
	s7 =	sshrl.u32 s7, $0x2;
	s14 =	sadd.s32 $0x4000, s13  }
0xb: {  	s16 =	sadd.s32 $0x8000, s13;
	s26 =	sadd.s32 $0xC000, s13;
	s17 =	sadd.s32 $0x10000, s13  }
0xc: {  	s3 =	ssub.s32 s3, s8;
	s8 =	sadd.s32 s7, s1;
	s9 =	sadd.s32 s14, s1  }
0xd: {  	s10 =	sadd.s32 s16, s1;
	s11 =	sadd.s32 s26, s1;
	s12 =	sadd.s32 s17, s1  }
0xe: {  	s20 =	sadd.s32 s13, s18;
	s13 =	sadd.s32 $0x780, s15;
	s21 =	sadd.s32 s18, s14  }
0xf: {  	s16 =	sadd.s32 s18, s16;
	s7 =	sadd.s32 s18, s26;
	s18 =	sadd.s32 s18, s17  }
0x10: {  	s20 =	sshrl.u32 s20, $0x3;
	s13 =	smov.u32 @p0 s19;
	s23 =	sshrl.u32 s21, $0x3  }
0x11: {  	s16 =	sshrl.u32 s16, $0x3;
	s7 =	sshrl.u32 s7, $0x3;
	s26 =	sshrl.u32 s18, $0x3  }
0x12: {  	s19 =	smax.u32 s3, $0x1;
	s21 =	simm.s32 $0x3;
	p0 =	sne.s32 s2, $0x0  }
0x13: {  	s22 =	sadd.s32 s0, s20;
	s24 =	sadd.s32 s0, s23;
	s25 =	sadd.s32 s0, s16  }
0x14: {  	s17 =	sadd.s32 s0, s7;
	s18 =	sadd.s32 s0, s26;
	[dreg:$0x4] =	wrdreg s22  }
0x15: {  	s20 =	simm.s32 $0x16800;
	s23 =	simm.s32 $0x15400;
	[dreg:$0x5] =	wrdreg s24  }
0x16: {  	s26 =	simm.s32 $0x1;
	s0 =	simm.s32 $0x0;
	[dreg:$0x6] =	wrdreg s25  }
0x17: {  	s22 =	simm.s32 $0x14000;
	s24 =	simm.s32 $0x80;
	s25 =	simm.s32 $0x1A800  }
.LBB2_1:
0x18: {  	s2 =	simm.s32 $0x0;
	s3 =	rddreg [dreg:$0x3]  }
0x19: {  	[tilespmem:s20], [sflag:$0x3] =	stream.linear.gather [hbm4b:s3+s2], $0x4000, $0x38;
	[tilespmem:$0x1E800] =	vst v63  }
0x1a: {  	_ =	swait.ge [sflag:s21], $0x4000  }
0x1b: {  	[sflag:s21] =	ssyncset.done $0x0  }
0x1c: {  	[sflag:s21] =	ssyncadd.s32 $0xFFFFC000  }
0x1d: {  	[spmem:s8] =	stream.linear.scatter [tilespmem:s20], [sflag:$0x3], $0x4000, $0x38;
	[tilespmem:$0x1E800] =	vst v63  }
0x1e: {  	_ =	swait.ge [sflag:s21], $0x4000  }
0x1f: {  	[sflag:s21] =	ssyncset.done $0x0  }
0x20: {  	[sflag:s21] =	ssyncadd.s32 $0xFFFFC000  }
0x21: {  	[spmem:s9] =	stream.linear.scatter [tilespmem:s20], [sflag:$0x3], $0x4000, $0x38;
	[tilespmem:$0x1E800] =	vst v63  }
0x22: {  	_ =	swait.ge [sflag:s21], $0x4000  }
0x23: {  	[sflag:s21] =	ssyncset.done $0x0  }
0x24: {  	[sflag:s21] =	ssyncadd.s32 $0xFFFFC000  }
0x25: {  	[spmem:s10] =	stream.linear.scatter [tilespmem:s20], [sflag:$0x3], $0x4000, $0x38;
	[tilespmem:$0x1E800] =	vst v63  }
0x26: {  	_ =	swait.ge [sflag:s21], $0x4000  }
0x27: {  	[sflag:s21] =	ssyncset.done $0x0  }
0x28: {  	[sflag:s21] =	ssyncadd.s32 $0xFFFFC000  }
0x29: {  	[spmem:s11] =	stream.linear.scatter [tilespmem:s20], [sflag:$0x3], $0x4000, $0x38;
	[tilespmem:$0x1E800] =	vst v63  }
0x2a: {  	_ =	swait.ge [sflag:s21], $0x4000  }
0x2b: {  	[sflag:s21] =	ssyncset.done $0x0  }
0x2c: {  	[sflag:s21] =	ssyncadd.s32 $0xFFFFC000  }
0x2d: {  	[spmem:s12] =	stream.linear.scatter [tilespmem:s20], [sflag:$0x3], $0x4000, $0x38;
	[tilespmem:$0x1E800] =	vst v63  }
0x2e: {  	_ =	swait.ge [sflag:s21], $0x4000  }
0x2f: {  	[sflag:s21] =	ssyncset.done $0x0  }
0x30: {  	[sflag:s21] =	ssyncadd.s32 $0xFFFFC000  }
0x31: {  	s2 =	simm.s32 $0x0;
	[bflag:$0x0] =	sbarrier.arrive $0xFFFF  }
.LBB2_2:
0x32: {  	s3 =	smul.u32 $0x28, s2;
	_ =	sdelay $0x1  }
0x33: {  	s3 =	sadd.s32 s13, s3  }
0x34: {  	s3 =	sshll.u32 s3, $0x4  }
0x35: {  	s14 =	simm.s32 $0x0;
	s7 =	sadd.s32 s5, s3  }
0x36: {  	[tilespmem:s22], [sflag:$0x3] =	stream.linear.gather [hbm4b:s7+s14], $0x1400, $0x38;
	[tilespmem:$0x1E800] =	vst v63  }
0x37: {  	_ =	swait.ge [sflag:s21], $0x1400  }
0x38: {  	[sflag:s21] =	ssyncset.done $0x0  }
0x39: {  	s3 =	sadd.s32 s6, s3;
	[sflag:s21] =	ssyncadd.s32 $0xFFFFEC00  }
0x3a: {  	[tilespmem:s23], [sflag:$0x3] =	stream.linear.gather [hbm4b:s3+s14], $0x1400, $0x38;
	[tilespmem:$0x1E800] =	vst v63  }
0x3b: {  	_ =	swait.ge [sflag:s21], $0x1400  }
0x3c: {  	[sflag:s21] =	ssyncset.done $0x0  }
0x3d: {  	[sflag:s21] =	ssyncadd.s32 $0xFFFFEC00  }
0x3e: {  	[tilespmem:s20], [sflag:$0x1] =	stream.indirect.gather [hbm4b:s4+s24], $0x80, s22, s24, $0xb8;
	[tilespmem:$0x1E800] =	vst v63  }
0x3f: {  	s7 =	simm.s32 $0x14080  }
0x40: {  	[tilespmem:s25], [sflag:$0x2] =	stream.indirect.gather [hbm4b:s4+s24], $0x80, s7, s24, $0xb8;
	[tilespmem:$0x1E800] =	vst v63  }
0x41: {  	_ =	swait.ge [sflag:s26], $0x4000  }
0x42: {  	[sflag:s26] =	ssyncset.done $0x0  }
0x43: {  	s14 =	simm.s32 $0x15400;
	[sflag:s26] =	ssyncadd.s32 $0xFFFFC000  }
0x44: {  	[spmem:s1] =	stream.indirect.scatter.add.f32 [tilespmem:s20], [sflag:$0x3], $0x80, s14, s24, $0xb8;
	[tilespmem:$0x1E800] =	vst v63  }
0x45: {  	_ =	swait.ge [sflag:s21], $0x4000  }
0x46: {  	[sflag:s21] =	ssyncset.done $0x0  }
0x47: {  	s15 =	simm.s32 $0x14100;
	[sflag:s21] =	ssyncadd.s32 $0xFFFFC000  }
0x48: {  	[tilespmem:s20], [sflag:$0x1] =	stream.indirect.gather [hbm4b:s4+s24], $0x80, s15, s24, $0xb8;
	[tilespmem:$0x1E800] =	vst v63  }
0x49: {  	_ =	swait.ge [sflag:s28], $0x4000  }
0x4a: {  	[sflag:s28] =	ssyncset.done $0x0  }
0x4b: {  	s16 =	simm.s32 $0x15480;
	[sflag:s28] =	ssyncadd.s32 $0xFFFFC000  }
0x4c: {  	[spmem:s1] =	stream.indirect.scatter.add.f32 [tilespmem:s25], [sflag:$0x3], $0x80, s16, s24, $0xb8;
	[tilespmem:$0x1E800] =	vst v63  }
0x4d: {  	_ =	swait.ge [sflag:s21], $0x4000  }
0x4e: {  	s3 =	simm.s32 $0x100;
	s7 =	simm.s32 $0x800;
	[sflag:s21] =	ssyncset.done $0x0  }
.LBB2_3:
0x4f: {  	s14 =	sadd.s32 $0x14080, s3  }
0x50: {  	[sflag:s21] =	ssyncadd.s32 $0xFFFFC000;
	s15 =	smov.u32 s7;
	s16 =	sadd.s32 $0x400, s7  }
0x51: {  	[tilespmem:s25], [sflag:$0x2] =	stream.indirect.gather [hbm4b:s4+s24], $0x80, s14, s24, $0xb8;
	[tilespmem:$0x1E800] =	vst v63  }
0x52: {  	p1 =	sne.s32 s7, $0x4800;
	_ =	swait.ge [sflag:s26], $0x4000  }
0x53: {  	[sflag:s26] =	ssyncset.done $0x0  }
0x54: {  	s7 =	sadd.s32 $0x15400, s3;
	[sflag:s26] =	ssyncadd.s32 $0xFFFFC000  }
0x55: {  	[spmem:s1] =	stream.indirect.scatter.add.f32 [tilespmem:s20], [sflag:$0x3], $0x80, s7, s24, $0xb8;
	[tilespmem:$0x1E800] =	vst v63  }
0x56: {  	_ =	swait.ge [sflag:s21], $0x4000  }
0x57: {  	[sflag:s21] =	ssyncset.done $0x0  }
0x58: {  	s7 =	sadd.s32 $0x14100, s3;
	[sflag:s21] =	ssyncadd.s32 $0xFFFFC000  }
0x59: {  	[tilespmem:s20], [sflag:$0x1] =	stream.indirect.gather [hbm4b:s4+s24], $0x80, s7, s24, $0xb8;
	[tilespmem:$0x1E800] =	vst v63  }
0x5a: {  	_ =	swait.ge [sflag:s28], $0x4000  }
.Ltmp0:
0x5b: {  	[sflag:s28] =	ssyncset.done $0x0;
	(pc) =	sbr.rel @p1 .LBB2_3-.Ltmp0, $4  }
0x5c: {  	s3 =	sadd.s32 $0x15480, s3;
	[sflag:s28] =	ssyncadd.s32 $0xFFFFC000  }
0x5d: {  	[spmem:s1] =	stream.indirect.scatter.add.f32 [tilespmem:s25], [sflag:$0x3], $0x80, s3, s24, $0xb8;
	[tilespmem:$0x1E800] =	vst v63  }
0x5e: {  	_ =	swait.ge [sflag:s21], $0x4000  }
0x5f: {  	s7 =	smov.u32 s16;
	s3 =	sshra.s32 s15, $0x2;
	[sflag:s21] =	ssyncset.done $0x0  }
0x60: {  	s7 =	sadd.s32 $0x14080, s3;
	[sflag:s21] =	ssyncadd.s32 $0xFFFFC000  }
0x61: {  	[tilespmem:s25], [sflag:$0x2] =	stream.indirect.gather [hbm4b:s4+s24], $0x80, s7, s24, $0xb8;
	[tilespmem:$0x1E800] =	vst v63  }
0x62: {  	_ =	swait.ge [sflag:s26], $0x4000  }
0x63: {  	[sflag:s26] =	ssyncset.done $0x0  }
0x64: {  	s14 =	sadd.s32 $0x15400, s3;
	[sflag:s26] =	ssyncadd.s32 $0xFFFFC000  }
0x65: {  	[spmem:s1] =	stream.indirect.scatter.add.f32 [tilespmem:s20], [sflag:$0x3], $0x80, s14, s24, $0xb8;
	[tilespmem:$0x1E800] =	vst v63  }
0x66: {  	_ =	swait.ge [sflag:s21], $0x4000  }
0x67: {  	[sflag:s21] =	ssyncset.done $0x0  }
0x68: {  	s15 =	sadd.s32 $0x14100, s3;
	[sflag:s21] =	ssyncadd.s32 $0xFFFFC000  }
0x69: {  	[tilespmem:s20], [sflag:$0x1] =	stream.indirect.gather [hbm4b:s4+s24], $0x80, s15, s24, $0xb8;
	[tilespmem:$0x1E800] =	vst v63  }
0x6a: {  	_ =	swait.ge [sflag:s28], $0x4000  }
0x6b: {  	[sflag:s28] =	ssyncset.done $0x0  }
0x6c: {  	s16 =	sadd.s32 $0x15480, s3;
	[sflag:s28] =	ssyncadd.s32 $0xFFFFC000  }
0x6d: {  	[spmem:s1] =	stream.indirect.scatter.add.f32 [tilespmem:s25], [sflag:$0x3], $0x80, s16, s24, $0xb8;
	[tilespmem:$0x1E800] =	vst v63  }
0x6e: {  	_ =	swait.ge [sflag:s21], $0x4000  }
0x6f: {  	[sflag:s21] =	ssyncset.done $0x0  }
0x70: {  	[sflag:s21] =	ssyncadd.s32 $0xFFFFC000  }
0x71: {  	[tilespmem:s25], [sflag:$0x2] =	stream.indirect.gather [hbm4b:s4+s24], $0x80, s29, s24, $0xb8;
	[tilespmem:$0x1E800] =	vst v63  }
0x72: {  	_ =	swait.ge [sflag:s26], $0x4000  }
0x73: {  	[sflag:s26] =	ssyncset.done $0x0  }
0x74: {  	[sflag:s26] =	ssyncadd.s32 $0xFFFFC000  }
0x75: {  	[spmem:s1] =	stream.indirect.scatter.add.f32 [tilespmem:s20], [sflag:$0x3], $0x80, s30, s24, $0xb8;
	[tilespmem:$0x1E800] =	vst v63  }
0x76: {  	_ =	swait.ge [sflag:s21], $0x4000  }
0x77: {  	[sflag:s21] =	ssyncset.done $0x0  }
0x78: {  	[sflag:s21] =	ssyncadd.s32 $0xFFFFC000  }
0x79: {  	p1 =	slt.u32 @!p0 s2, $0x2;
	_ =	swait.ge [sflag:s28], $0x4000  }
0x7a: {  	p1 =	por p0, !p1;
	[sflag:s28] =	ssyncset.done $0x0  }
.Ltmp1:
0x7b: {  	[sflag:s28] =	ssyncadd.s32 $0xFFFFC000;
	(pc) =	sbr.rel @!p1 .LBB2_2-.Ltmp1, $4  }
0x7c: {  	[spmem:s1] =	stream.indirect.scatter.add.f32 [tilespmem:s25], [sflag:$0x3], $0x80, s31, s24, $0xb8;
	[tilespmem:$0x1E800] =	vst v63  }
0x7d: {  	_ =	swait.ge [sflag:s21], $0x4000  }
0x7e: {  	[sflag:s21] =	ssyncset.done $0x0  }
0x7f: {  	s2 =	sadd.s32 $0x1, s2;
	[sflag:s21] =	ssyncadd.s32 $0xFFFFC000  }
0x80: {  	s2 =	stileid.u32  }
0x81: {  	[bflag:$0x0] =	sbarrier.arrive $0xFFFF;
	s2 =	sshll.u32 s2, $0x6  }
0x82: {  	s3 =	sshrl.u32 s8, $0x3;
	s7 =	rddreg [dreg:$0x4];
	s2 =	sor.u32 $0x1C03, s2  }
0x83: {  	[hbm:s7], [sflag:s2] =	dma.local [spmem:s3], $0x800  }
0x84: {  	_ =	swait.ge [sflag:s21], $0x800  }
0x85: {  	[sflag:s21] =	ssyncset.done $0x0  }
0x86: {  	s15 =	sshrl.u32 s9, $0x3;
	s16 =	rddreg [dreg:$0x5];
	[sflag:s21] =	ssyncadd.s32 $0xFFFFF800  }
0x87: {  	[hbm:s16], [sflag:s2] =	dma.local [spmem:s15], $0x800  }
0x88: {  	_ =	swait.ge [sflag:s21], $0x800  }
0x89: {  	[sflag:s21] =	ssyncset.done $0x0  }
0x8a: {  	s7 =	sshrl.u32 s10, $0x3;
	s14 =	rddreg [dreg:$0x6];
	[sflag:s21] =	ssyncadd.s32 $0xFFFFF800  }
0x8b: {  	[hbm:s14], [sflag:s2] =	dma.local [spmem:s7], $0x800  }
0x8c: {  	_ =	swait.ge [sflag:s21], $0x800  }
0x8d: {  	[sflag:s21] =	ssyncset.done $0x0  }
0x8e: {  	s15 =	sshrl.u32 s11, $0x3;
	[sflag:s21] =	ssyncadd.s32 $0xFFFFF800  }
0x8f: {  	[hbm:s17], [sflag:s2] =	dma.local [spmem:s15], $0x800  }
0x90: {  	s0 =	sadd.s32 $0x1, s0;
	_ =	swait.ge [sflag:s21], $0x800  }
0x91: {  	p1 =	sne.s32 s0, s19;
	[sflag:s21] =	ssyncset.done $0x0  }
.Ltmp2:
0x92: {  	s16 =	sshrl.u32 s12, $0x3;
	[sflag:s21] =	ssyncadd.s32 $0xFFFFF800;
	(pc) =	sbr.rel @p1 .LBB2_1-.Ltmp2, $4  }
0x93: {  	[hbm:s18], [sflag:s2] =	dma.local [spmem:s16], $0x800  }
0x94: {  	_ =	swait.ge [sflag:s21], $0x800  }
0x95: {  	[sflag:s21] =	ssyncset.done $0x0  }
0x96: {  	[sflag:s21] =	ssyncadd.s32 $0xFFFFF800  }
0x97: {  	_ =	sfence.sel $0x180000  }
0x98: {  	[bflag:$0x0] =	sbarrier.arrive $0xFFFF  }
0x99: {  	_ =	strace $0x9000004A  }
0x9a: {  	s0 =	stileid.u32;
	[bflag:$0x2] =	sbarrier.arrive $0xFFFF  }
0x9b: {  	p0 =	sne.s32 s0, $0x0;
	s0 =	rddreg [dreg:$0x2]  }
0x9c: {  	s0 =	sadd.s32 @!p0 $0x100000, s0  }
0x9d: {  	[sflag:s0] =	ssyncadd.tile.s32 @!p0 $0x1;
	_ =	shalt  }
.Lfunc_end2:
_tile_overlayer_lowered:
.L_overlay_start_2:
0x9e: {  	(tag) =	ssettag $0x2  }
0x9f: {  	s0 =	rddreg [dreg:$0x0];
	s2 =	stileid.u32  }
0xa0: {  	s1 =	rddreg [dreg:$0x1];
	p0 =	sne.s32 s2, $0x0  }
0xa1: {  	s3 =	rddreg [dreg:$0x2];
	[bflag:$0x3] =	sbarrier.arrive $0xFFFF;
	s2 =	simm.s32 @!p0 $0x1C03  }
0xa2: {  	[timem:s3], [sflag:s2] =	dma.local @!p0 [hbm:s0], s1  }
0xa3: {  	s0 =	simm.s32 @!p0 $0x3  }
0xa4: {  	_ =	swait.ge @!p0 [sflag:s0], s1  }
0xa5: {  	s1 =	ssub.s32 @!p0 $0x0, s1;
	[sflag:s0] =	ssyncset.done @!p0 $0x0  }
0xa6: {  	[sflag:s0] =	ssyncadd.s32 @!p0 s1  }
0xa7: {  	[bflag:$0x3] =	sbarrier.arrive $0xFFFF  }
0xa8: {  	_ =	shalt  }

// kernel: kernel.16.cloned.1.call-start
scs
__scs_entry_jumppad:
0x0: {  	(pc) =	sbr.rel $0x88, $3  }
0x1: {  	(tag) =	ssettag $0x0;
	lr =	simm.s32 $0x1  }
0x2: {  	[smem:$0x3F95] =	sst lr;
	_ =	strace $0xD0000000  }
0x3: {  	_ = 	snop  }
0x4: {  	_ = 	snop  }
0x5: {  	_ = 	snop  }
0x6: {  	_ = 	snop  }
0x7: {  	_ = 	snop  }
__scs_overlays_trampoline_lowered:
0x8: {  	[smem:$0x3FA4] =	sst s0  }
0x9: {  	[smem:$0x3FA5] =	sst s1  }
0xa: {  	[smem:$0x3FA6] =	sst s2  }
0xb: {  	[smem:$0x3FA7] =	sst s3  }
0xc: {  	[smem:$0x3FA8] =	sst s4  }
0xd: {  	[smem:$0x3FA9] =	sst s5  }
0xe: {  	[smem:$0x3FAA] =	sst s6  }
0xf: {  	[smem:$0x3FAB] =	sst s7  }
0x10: {  	[smem:$0x3FAC] =	sst s8  }
0x11: {  	[smem:$0x3FAD] =	sst s9;
	s0 =	simm.s32 @!p0 $0x0  }
0x12: {  	s1 =	sld [smem:$0x3F93];
	s0 =	simm.s32 @p0 $0x1  }
0x13: {  	[smem:$0x3FAE] =	sst s0;
	s0 =	simm.s32 @!p1 $0x0  }
0x14: {  	s2 =	sld [smem:$0x3F92];
	s0 =	simm.s32 @p1 $0x1  }
0x15: {  	[smem:$0x3FAF] =	sst s0;
	s0 =	simm.s32 @!p2 $0x0  }
0x16: {  	s3 =	sld [smem:$0x3FDB];
	s0 =	simm.s32 @p2 $0x1  }
0x17: {  	s4 =	simm.s32 $0x1BF5;
	[smem:$0x3FB1] =	sst s0  }
0x18: {  	s0 =	sld [smem:$0x3F94];
	_ =	swait.ge [sflag:s4], $0x0  }
0x19: {  	s7 =	sld [smem:$0x3F95]  }
0x1a: {  	s8 =	sadd.s32 $0xFFFFE003, lr  }
0x1b: {  	s9 =	sadd.s32 $0xFFFFFEF7, lr;
	s5 =	simm.s32 $0xFFFFFFFF;
	p2 =	slt.u32 s8, $0xFFFFF086  }
0x1c: {  	p1 =	slt.u32 s9, $0xF7A;
	s5 =	simm.s32 @!p2 $0x0  }
0x1d: {  	s5 =	simm.s32 @p1 $0x1;
	p0 =	seq.s32 s7, s2  }
0x1e: {  	s7 =	smul.u32 @!p0 $0xF7A, s2;
	p2 =	seq.s32 @!p0 s5, $0x0  }
0x1f: {  	s9 =	smul.u32 $0xF7A, s1;
	s8 =	simm.s32 @!p0 $0x1BF5;
	p2 =	por !p2, p0  }
0x20: {  	[sflag:s8] =	ssyncset.s32 @!p0 $0xFFFFF086;
	s6 =	sadd.s32 @!p0 s3, s7;
	s7 =	simm.s32 @!p0 $0x108  }
0x21: {  	s3 =	sadd.s32 s3, s9;
	s6 =	sadd.s32 @!p0 $0x88, s6;
	s7 =	simm.s32 @p2 $0x1082  }
0x22: {  	[simem:s7], [sflag:s8] =	dma.local @!p0 [hbm:s6], $0xF7A  }
0x23: {  	s9 =	sor.u32 $0xD0000000, s2;
	s6 =	simm.s32 $0x108;
	_ =	swait.ge @!p0 [sflag:s8], $0x0  }
0x24: {  	s3 =	sadd.s32 $0x88, s3;
	s6 =	simm.s32 @!p1 $0x1082;
	[sflag:s4] =	ssyncset.s32 $0xFFFFF086  }
0x25: {  	[simem:s6], [sflag:s4] =	dma.local [hbm:s3], $0xF7A  }
0x26: {  	[smem:$0x3F95] =	sst s1;
	(tag) =	ssettag s2;
	_ =	strace s9  }
0x27: {  	s1 =	sld [smem:$0x3FA5]  }
0x28: {  	s2 =	sld [smem:$0x3FA6]  }
0x29: {  	s4 =	sld [smem:$0x3FA8]  }
0x2a: {  	p0 =	seq.s32 s5, $0x0;
	s5 =	sld [smem:$0x3FA9]  }
0x2b: {  	s6 =	sld [smem:$0x3FAA]  }
0x2c: {  	s7 =	sld [smem:$0x3FAB]  }
0x2d: {  	s3 =	simm.s32 $0x108;
	s8 =	sld [smem:$0x3FAC]  }
0x2e: {  	s3 =	simm.s32 @!p0 $0x1082;
	s9 =	sld [smem:$0x3FAD]  }
0x2f: {  	lr =	sadd.s32 s0, s3;
	s0 =	sld [smem:$0x3FA4]  }
0x30: {  	s3 =	sld [smem:$0x3FA7]  }
0x31: {  	[smem:$0x3FB0] =	sst s10  }
0x32: {  	s10 =	sld [smem:$0x3FAE];
	_ =	sdelay $0x3  }
0x33: {  	p0 =	seq.s32 s10, $0x1;
	s10 =	sld [smem:$0x3FB0];
	_ =	sdelay $0x3  }
0x34: {  	[smem:$0x3FB0] =	sst s10  }
0x35: {  	s10 =	sld [smem:$0x3FAF];
	_ =	sdelay $0x3  }
0x36: {  	p1 =	seq.s32 s10, $0x1;
	s10 =	sld [smem:$0x3FB0];
	_ =	sdelay $0x3  }
0x37: {  	[smem:$0x3FB0] =	sst s10  }
0x38: {  	s10 =	sld [smem:$0x3FB1]  }
0x39: {  	_ = 	snop;
	(pc) =	sbr.ind lr, $3  }
0x3a: {  	_ = 	snop  }
0x3b: {  	_ = 	snop  }
0x3c: {  	p2 =	seq.s32 s10, $0x1;
	s10 =	sld [smem:$0x3FB0]  }
0x3d: {  	_ =	shalt  }
0x3e: {  	_ =	shalt  }
0x3f: {  	_ =	shalt  }
0x40: {  	_ =	shalt  }
0x41: {  	_ =	shalt  }
0x42: {  	_ =	shalt  }
0x43: {  	_ =	shalt  }
0x44: {  	_ =	shalt  }
0x45: {  	_ =	shalt  }
0x46: {  	_ =	shalt  }
0x47: {  	_ =	shalt  }
0x48: {  	_ =	shalt  }
0x49: {  	_ =	shalt  }
0x4a: {  	_ =	shalt  }
0x4b: {  	_ =	shalt  }
0x4c: {  	_ =	shalt  }
0x4d: {  	_ =	shalt  }
0x4e: {  	_ =	shalt  }
0x4f: {  	_ =	shalt  }
0x50: {  	_ =	shalt  }
0x51: {  	_ =	shalt  }
0x52: {  	_ =	shalt  }
0x53: {  	_ =	shalt  }
0x54: {  	_ =	shalt  }
0x55: {  	_ =	shalt  }
0x56: {  	_ =	shalt  }
0x57: {  	_ =	shalt  }
0x58: {  	_ =	shalt  }
0x59: {  	_ =	shalt  }
0x5a: {  	_ =	shalt  }
0x5b: {  	_ =	shalt  }
0x5c: {  	_ =	shalt  }
0x5d: {  	_ =	shalt  }
0x5e: {  	_ =	shalt  }
0x5f: {  	_ =	shalt  }
0x60: {  	_ =	shalt  }
0x61: {  	_ =	shalt  }
0x62: {  	_ =	shalt  }
0x63: {  	_ =	shalt  }
0x64: {  	_ =	shalt  }
0x65: {  	_ =	shalt  }
0x66: {  	_ =	shalt  }
0x67: {  	_ =	shalt  }
0x68: {  	_ =	shalt  }
0x69: {  	_ =	shalt  }
0x6a: {  	_ =	shalt  }
0x6b: {  	_ =	shalt  }
0x6c: {  	_ =	shalt  }
0x6d: {  	_ =	shalt  }
0x6e: {  	_ =	shalt  }
0x6f: {  	_ =	shalt  }
0x70: {  	_ =	shalt  }
0x71: {  	_ =	shalt  }
0x72: {  	_ =	shalt  }
0x73: {  	_ =	shalt  }
0x74: {  	_ =	shalt  }
0x75: {  	_ =	shalt  }
0x76: {  	_ =	shalt  }
0x77: {  	_ =	shalt  }
0x78: {  	_ =	shalt  }
0x79: {  	_ =	shalt  }
0x7a: {  	_ =	shalt  }
0x7b: {  	_ =	shalt  }
0x7c: {  	_ =	shalt  }
0x7d: {  	_ =	shalt  }
0x7e: {  	_ =	shalt  }
0x7f: {  	_ =	shalt  }
0x80: {  	_ =	shalt  }
0x81: {  	_ =	shalt  }
0x82: {  	_ =	shalt  }
0x83: {  	_ =	shalt  }
0x84: {  	_ =	shalt  }
0x85: {  	_ =	shalt  }
0x86: {  	_ =	shalt  }
0x87: {  	_ =	shalt  }
.Lfunc_end0:
.L_simem_size_0:
called_computation.2_lowered:
.L_overlay_start_0:
0x88: {  	s2 =	sld [smem:$0x3FD9]  }
0x89: {  	s3 =	sld [smem:$0x3FFE];
	_ =	sdelay $0x1  }
0x8a: {  	s1 =	srdreg.scid  }
0x8b: {  	s0 =	sand.u32 $0x1, s1  }
0x8c: {  	s16 =	sshll.u32 s0, $0xA;
	s2 =	sadd.s32 s3, s2  }
0x8d: {  	s2 =	sadd.s32 s2, s16  }
0x8e: {  	[smem:$0x3FBC] =	sst s2  }
0x8f: {  	_ = 	snop  }
0x90: {  	(tm) =	ssettm $0x1  }
0x91: {  	s17 =	sld [smem:$0x3FFB];
	_ =	sdelay $0x3  }
0x92: {  	_ =	strace s17  }
0x93: {  	s2 =	sld [smem:$0x3FFC];
	_ =	sdelay $0x3  }
0x94: {  	_ =	strace s2  }
0x95: {  	s2 =	sld [smem:$0x3FFD];
	_ =	sdelay $0x3  }
0x96: {  	_ =	strace s2  }
0x97: {  	_ =	strace $0x8FFFFFFF  }
0x98: {  	s18 =	sld [smem:$0x3FDB];
	_ =	sdelay $0x1  }
0x99: {  	s19 =	simm.s32 $_scs_section_size  }
0x9a: {  	s4 =	simm.s32 $_size__tile_overlayer_lowered;
	s5 =	simm.s32 $_tile_overlayer_lowered  }
0x9b: {  	s22 =	simm.s32 $0x1BFF;
	s21 =	sshll.u32 s5, $0x1;
	s2 =	sadd.s32 s19, s18  }
0x9c: {  	s6 =	simm.s32 $0x0;
	s20 =	sshll.u32 s4, $0x1;
	s4 =	sadd.s32 s21, s2  }
0x9d: {  	[timem:s6], [sflag:s22] =	dma.local [hbm:s4], s20  }
0x9e: {  	_ =	swait.ge [sflag:s22], s20  }
0x9f: {  	s3 =	ssub.s32 $0x0, s20;
	[sflag:s22] =	ssyncset.done $0x0  }
0xa0: {  	[sflag:s22] =	ssyncadd.s32 s3;
	_ =	sdelay $0x1  }
0xa1: {  	s23 =	simm.s32 $0x1B8B  }
0xa2: {  	_ =	swait.ge [sflag:s23], $0x1  }
0xa3: {  	[sflag:s23] =	ssyncset.done $0x0  }
0xa4: {  	s25 =	simm.s32 $0x1B8E;
	s24 =	sld [smem:$0x3FFE];
	[sflag:s23] =	ssyncadd.s32 $0xFFFFFFFF  }
0xa5: {  	s26 =	simm.s32 $execute0_lowered;
	[smem:$0x3FD2] =	sst s25  }
0xa6: {  	s4 =	sshll.u32 s26, $0x1;
	_ =	strace $0x8000004C;
	[dreg:$0x1] =	wrdreg $0xFFFFFFFF  }
0xa7: {  	s28 =	simm.s32 $_size_execute0_lowered;
	s2 =	sadd.s32 s2, s4;
	[dreg:$0x0] =	wrdreg $0x0  }
0xa8: {  	s4 =	sshll.u32 s28, $0x1;
	[dreg:$0x2] =	wrdreg s2  }
0xa9: {  	[dreg:$0x3] =	wrdreg s4  }
0xaa: {  	[dreg:$0x4] =	wrdreg $0xC0  }
0xab: {  	_ =	task [dreg:s6], $0x5FFFF  }
0xac: {  	[dreg:$0x1] =	wrdreg $0xFFFFFFFF  }
0xad: {  	[dreg:$0x0] =	wrdreg $0x60  }
0xae: {  	[dreg:$0x2] =	wrdreg s24  }
0xaf: {  	[dreg:$0x3] =	wrdreg $0x0  }
0xb0: {  	[dreg:$0x4] =	wrdreg $0x9  }
0xb1: {  	_ =	task.clear_ibuf [dreg:s6], $0x5FFFF;
	_ =	strace $0x9000004C  }
0xb2: {  	s29 =	simm.s32 $0x9;
	_ =	strace $0x8000004E  }
0xb3: {  	_ =	swait.ge [sflag:s29], $0x1  }
0xb4: {  	[sflag:s29] =	ssyncadd.s32 $0xFFFFFFFF  }
0xb5: {  	_ =	strace $0x9000004E  }
0xb6: {  	_ =	sfence  }
0xb7: {  	s30 =	sld [smem:$0x0];
	_ =	sdelay $0x2  }
0xb8: {  	s31 =	sshll.u32 s1, $0xD;
	s1 =	sshrl.u32 s1, $0x2  }
0xb9: {  	s3 =	sand.u32 $0x4000, s31;
	s1 =	sadd.s32 s1, s30  }
0xba: {  	s0 =	sor.u32 s3, s0;
	s1 =	sshll.u32 s1, $0x11  }
0xbb: {  	s0 =	sor.u32 s1, s0  }
0xbc: {  	s0 =	sadd.s32 $0x8F2B, s0  }
0xbd: {  	[sflag:s0] =	ssyncadd.remote.s32 $0x1  }
0xbe: {  	_ =	sfence.sel $0xFFFF  }
0xbf: {  	[dreg:$0x0] =	wrdreg $0xFFFFFFFF;
	(pc) =	sbr.abs _section_cstart, $3  }
0xc0: {  	[dreg:$0x1] =	wrdreg $0xFFFFFFFF  }
0xc1: {  	_ =	task.clear_ibuf [dreg:s6], $0x2FFFF;
	_ =	strace $0x9FFFFFFF  }
0xc2: {  	(tm) =	ssettm $0x7FFFFFFF  }
0xc3: {  	_ =	shalt  }
tec
execute0_lowered:
.L_overlay_start_1:
0x0: {  	(tag) =	ssettag $0x1  }
0x1: {  	s0 =	rddreg [dreg:$0x0]  }
0x2: {  	s1 =	rddreg [dreg:$0x1];
	s2 =	simm.s32 $0x0;
	s25 =	srdreg.scid  }
0x3: {  	s19 =	stileid.u32;
	s28 =	simm.s32 $0x2;
	s29 =	simm.s32 $0x15380  }
0x4: {  	s30 =	simm.s32 $0x16700;
	s31 =	simm.s32 $0x16780;
	[smem:$0x7FF] =	sst s2  }
0x5: {  	s4 =	sadd.s32 $0x17800, s0;
	s2 =	sand.u32 $0x1, s25;
	s7 =	smul.u32 $0x50000, s19  }
0x6: {  	s5 =	sadd.s32 $0xD000, s0;
	s6 =	sadd.s32 $0x3000, s0;
	s13 =	smul.u32 $0x14000, s19  }
0x7: {  	s9 =	sadd.s32 $0x17000, s0;
	s0 =	sadd.s32 $0x3F800, s0;
	s15 =	smul.u32 $0x28, s19  }
0x8: {  	s19 =	smul.u32 $0x78, s19;
	_ =	strace $0x8000004D;
	s3 =	ssub.s32 $0x2, s2  }
0x9: {  	[dreg:$0x3] =	wrdreg s9;
	s18 =	smul.u32 $0x140000, s2;
	p0 =	seq.s32 s2, $0x0  }
0xa: {  	s8 =	sshrl.u32 s3, $0x1;
	s7 =	sshrl.u32 s7, $0x2;
	s14 =	sadd.s32 $0x4000, s13  }
0xb: {  	s16 =	sadd.s32 $0x8000, s13;
	s26 =	sadd.s32 $0xC000, s13;
	s17 =	sadd.s32 $0x10000, s13  }
0xc: {  	s3 =	ssub.s32 s3, s8;
	s8 =	sadd.s32 s7, s1;
	s9 =	sadd.s32 s14, s1  }
0xd: {  	s10 =	sadd.s32 s16, s1;
	s11 =	sadd.s32 s26, s1;
	s12 =	sadd.s32 s17, s1  }
0xe: {  	s20 =	sadd.s32 s13, s18;
	s13 =	sadd.s32 $0x780, s15;
	s21 =	sadd.s32 s18, s14  }
0xf: {  	s16 =	sadd.s32 s18, s16;
	s7 =	sadd.s32 s18, s26;
	s18 =	sadd.s32 s18, s17  }
0x10: {  	s20 =	sshrl.u32 s20, $0x3;
	s13 =	smov.u32 @p0 s19;
	s23 =	sshrl.u32 s21, $0x3  }
0x11: {  	s16 =	sshrl.u32 s16, $0x3;
	s7 =	sshrl.u32 s7, $0x3;
	s26 =	sshrl.u32 s18, $0x3  }
0x12: {  	s19 =	smax.u32 s3, $0x1;
	s21 =	simm.s32 $0x3;
	p0 =	sne.s32 s2, $0x0  }
0x13: {  	s22 =	sadd.s32 s0, s20;
	s24 =	sadd.s32 s0, s23;
	s25 =	sadd.s32 s0, s16  }
0x14: {  	s17 =	sadd.s32 s0, s7;
	s18 =	sadd.s32 s0, s26;
	[dreg:$0x4] =	wrdreg s22  }
0x15: {  	s20 =	simm.s32 $0x16800;
	s23 =	simm.s32 $0x15400;
	[dreg:$0x5] =	wrdreg s24  }
0x16: {  	s26 =	simm.s32 $0x1;
	s0 =	simm.s32 $0x0;
	[dreg:$0x6] =	wrdreg s25  }
0x17: {  	s22 =	simm.s32 $0x14000;
	s24 =	simm.s32 $0x80;
	s25 =	simm.s32 $0x1A800  }
.LBB2_1:
0x18: {  	s2 =	simm.s32 $0x0;
	s3 =	rddreg [dreg:$0x3]  }
0x19: {  	[tilespmem:s20], [sflag:$0x3] =	stream.linear.gather [hbm4b:s3+s2], $0x4000, $0x38;
	[tilespmem:$0x1E800] =	vst v63  }
0x1a: {  	_ =	swait.ge [sflag:s21], $0x4000  }
0x1b: {  	[sflag:s21] =	ssyncset.done $0x0  }
0x1c: {  	[sflag:s21] =	ssyncadd.s32 $0xFFFFC000  }
0x1d: {  	[spmem:s8] =	stream.linear.scatter [tilespmem:s20], [sflag:$0x3], $0x4000, $0x38;
	[tilespmem:$0x1E800] =	vst v63  }
0x1e: {  	_ =	swait.ge [sflag:s21], $0x4000  }
0x1f: {  	[sflag:s21] =	ssyncset.done $0x0  }
0x20: {  	[sflag:s21] =	ssyncadd.s32 $0xFFFFC000  }
0x21: {  	[spmem:s9] =	stream.linear.scatter [tilespmem:s20], [sflag:$0x3], $0x4000, $0x38;
	[tilespmem:$0x1E800] =	vst v63  }
0x22: {  	_ =	swait.ge [sflag:s21], $0x4000  }
0x23: {  	[sflag:s21] =	ssyncset.done $0x0  }
0x24: {  	[sflag:s21] =	ssyncadd.s32 $0xFFFFC000  }
0x25: {  	[spmem:s10] =	stream.linear.scatter [tilespmem:s20], [sflag:$0x3], $0x4000, $0x38;
	[tilespmem:$0x1E800] =	vst v63  }
0x26: {  	_ =	swait.ge [sflag:s21], $0x4000  }
0x27: {  	[sflag:s21] =	ssyncset.done $0x0  }
0x28: {  	[sflag:s21] =	ssyncadd.s32 $0xFFFFC000  }
0x29: {  	[spmem:s11] =	stream.linear.scatter [tilespmem:s20], [sflag:$0x3], $0x4000, $0x38;
	[tilespmem:$0x1E800] =	vst v63  }
0x2a: {  	_ =	swait.ge [sflag:s21], $0x4000  }
0x2b: {  	[sflag:s21] =	ssyncset.done $0x0  }
0x2c: {  	[sflag:s21] =	ssyncadd.s32 $0xFFFFC000  }
0x2d: {  	[spmem:s12] =	stream.linear.scatter [tilespmem:s20], [sflag:$0x3], $0x4000, $0x38;
	[tilespmem:$0x1E800] =	vst v63  }
0x2e: {  	_ =	swait.ge [sflag:s21], $0x4000  }
0x2f: {  	[sflag:s21] =	ssyncset.done $0x0  }
0x30: {  	[sflag:s21] =	ssyncadd.s32 $0xFFFFC000  }
0x31: {  	s2 =	simm.s32 $0x0;
	[bflag:$0x0] =	sbarrier.arrive $0xFFFF  }
.LBB2_2:
0x32: {  	s3 =	smul.u32 $0x28, s2;
	_ =	sdelay $0x1  }
0x33: {  	s3 =	sadd.s32 s13, s3  }
0x34: {  	s3 =	sshll.u32 s3, $0x4  }
0x35: {  	s14 =	simm.s32 $0x0;
	s7 =	sadd.s32 s5, s3  }
0x36: {  	[tilespmem:s22], [sflag:$0x3] =	stream.linear.gather [hbm4b:s7+s14], $0x1400, $0x38;
	[tilespmem:$0x1E800] =	vst v63  }
0x37: {  	_ =	swait.ge [sflag:s21], $0x1400  }
0x38: {  	[sflag:s21] =	ssyncset.done $0x0  }
0x39: {  	s3 =	sadd.s32 s6, s3;
	[sflag:s21] =	ssyncadd.s32 $0xFFFFEC00  }
0x3a: {  	[tilespmem:s23], [sflag:$0x3] =	stream.linear.gather [hbm4b:s3+s14], $0x1400, $0x38;
	[tilespmem:$0x1E800] =	vst v63  }
0x3b: {  	_ =	swait.ge [sflag:s21], $0x1400  }
0x3c: {  	[sflag:s21] =	ssyncset.done $0x0  }
0x3d: {  	[sflag:s21] =	ssyncadd.s32 $0xFFFFEC00  }
0x3e: {  	[tilespmem:s20], [sflag:$0x1] =	stream.indirect.gather [hbm4b:s4+s24], $0x80, s22, s24, $0xb8;
	[tilespmem:$0x1E800] =	vst v63  }
0x3f: {  	s7 =	simm.s32 $0x14080  }
0x40: {  	[tilespmem:s25], [sflag:$0x2] =	stream.indirect.gather [hbm4b:s4+s24], $0x80, s7, s24, $0xb8;
	[tilespmem:$0x1E800] =	vst v63  }
0x41: {  	_ =	swait.ge [sflag:s26], $0x4000  }
0x42: {  	[sflag:s26] =	ssyncset.done $0x0  }
0x43: {  	s14 =	simm.s32 $0x15400;
	[sflag:s26] =	ssyncadd.s32 $0xFFFFC000  }
0x44: {  	[spmem:s1] =	stream.indirect.scatter.add.f32 [tilespmem:s20], [sflag:$0x3], $0x80, s14, s24, $0xb8;
	[tilespmem:$0x1E800] =	vst v63  }
0x45: {  	_ =	swait.ge [sflag:s21], $0x4000  }
0x46: {  	[sflag:s21] =	ssyncset.done $0x0  }
0x47: {  	s15 =	simm.s32 $0x14100;
	[sflag:s21] =	ssyncadd.s32 $0xFFFFC000  }
0x48: {  	[tilespmem:s20], [sflag:$0x1] =	stream.indirect.gather [hbm4b:s4+s24], $0x80, s15, s24, $0xb8;
	[tilespmem:$0x1E800] =	vst v63  }
0x49: {  	_ =	swait.ge [sflag:s28], $0x4000  }
0x4a: {  	[sflag:s28] =	ssyncset.done $0x0  }
0x4b: {  	s16 =	simm.s32 $0x15480;
	[sflag:s28] =	ssyncadd.s32 $0xFFFFC000  }
0x4c: {  	[spmem:s1] =	stream.indirect.scatter.add.f32 [tilespmem:s25], [sflag:$0x3], $0x80, s16, s24, $0xb8;
	[tilespmem:$0x1E800] =	vst v63  }
0x4d: {  	_ =	swait.ge [sflag:s21], $0x4000  }
0x4e: {  	s3 =	simm.s32 $0x100;
	s7 =	simm.s32 $0x800;
	[sflag:s21] =	ssyncset.done $0x0  }
.LBB2_3:
0x4f: {  	s14 =	sadd.s32 $0x14080, s3  }
0x50: {  	[sflag:s21] =	ssyncadd.s32 $0xFFFFC000;
	s15 =	smov.u32 s7;
	s16 =	sadd.s32 $0x400, s7  }
0x51: {  	[tilespmem:s25], [sflag:$0x2] =	stream.indirect.gather [hbm4b:s4+s24], $0x80, s14, s24, $0xb8;
	[tilespmem:$0x1E800] =	vst v63  }
0x52: {  	p1 =	sne.s32 s7, $0x4800;
	_ =	swait.ge [sflag:s26], $0x4000  }
0x53: {  	[sflag:s26] =	ssyncset.done $0x0  }
0x54: {  	s7 =	sadd.s32 $0x15400, s3;
	[sflag:s26] =	ssyncadd.s32 $0xFFFFC000  }
0x55: {  	[spmem:s1] =	stream.indirect.scatter.add.f32 [tilespmem:s20], [sflag:$0x3], $0x80, s7, s24, $0xb8;
	[tilespmem:$0x1E800] =	vst v63  }
0x56: {  	_ =	swait.ge [sflag:s21], $0x4000  }
0x57: {  	[sflag:s21] =	ssyncset.done $0x0  }
0x58: {  	s7 =	sadd.s32 $0x14100, s3;
	[sflag:s21] =	ssyncadd.s32 $0xFFFFC000  }
0x59: {  	[tilespmem:s20], [sflag:$0x1] =	stream.indirect.gather [hbm4b:s4+s24], $0x80, s7, s24, $0xb8;
	[tilespmem:$0x1E800] =	vst v63  }
0x5a: {  	_ =	swait.ge [sflag:s28], $0x4000  }
.Ltmp0:
0x5b: {  	[sflag:s28] =	ssyncset.done $0x0;
	(pc) =	sbr.rel @p1 .LBB2_3-.Ltmp0, $4  }
0x5c: {  	s3 =	sadd.s32 $0x15480, s3;
	[sflag:s28] =	ssyncadd.s32 $0xFFFFC000  }
0x5d: {  	[spmem:s1] =	stream.indirect.scatter.add.f32 [tilespmem:s25], [sflag:$0x3], $0x80, s3, s24, $0xb8;
	[tilespmem:$0x1E800] =	vst v63  }
0x5e: {  	_ =	swait.ge [sflag:s21], $0x4000  }
0x5f: {  	s7 =	smov.u32 s16;
	s3 =	sshra.s32 s15, $0x2;
	[sflag:s21] =	ssyncset.done $0x0  }
0x60: {  	s7 =	sadd.s32 $0x14080, s3;
	[sflag:s21] =	ssyncadd.s32 $0xFFFFC000  }
0x61: {  	[tilespmem:s25], [sflag:$0x2] =	stream.indirect.gather [hbm4b:s4+s24], $0x80, s7, s24, $0xb8;
	[tilespmem:$0x1E800] =	vst v63  }
0x62: {  	_ =	swait.ge [sflag:s26], $0x4000  }
0x63: {  	[sflag:s26] =	ssyncset.done $0x0  }
0x64: {  	s14 =	sadd.s32 $0x15400, s3;
	[sflag:s26] =	ssyncadd.s32 $0xFFFFC000  }
0x65: {  	[spmem:s1] =	stream.indirect.scatter.add.f32 [tilespmem:s20], [sflag:$0x3], $0x80, s14, s24, $0xb8;
	[tilespmem:$0x1E800] =	vst v63  }
0x66: {  	_ =	swait.ge [sflag:s21], $0x4000  }
0x67: {  	[sflag:s21] =	ssyncset.done $0x0  }
0x68: {  	s15 =	sadd.s32 $0x14100, s3;
	[sflag:s21] =	ssyncadd.s32 $0xFFFFC000  }
0x69: {  	[tilespmem:s20], [sflag:$0x1] =	stream.indirect.gather [hbm4b:s4+s24], $0x80, s15, s24, $0xb8;
	[tilespmem:$0x1E800] =	vst v63  }
0x6a: {  	_ =	swait.ge [sflag:s28], $0x4000  }
0x6b: {  	[sflag:s28] =	ssyncset.done $0x0  }
0x6c: {  	s16 =	sadd.s32 $0x15480, s3;
	[sflag:s28] =	ssyncadd.s32 $0xFFFFC000  }
0x6d: {  	[spmem:s1] =	stream.indirect.scatter.add.f32 [tilespmem:s25], [sflag:$0x3], $0x80, s16, s24, $0xb8;
	[tilespmem:$0x1E800] =	vst v63  }
0x6e: {  	_ =	swait.ge [sflag:s21], $0x4000  }
0x6f: {  	[sflag:s21] =	ssyncset.done $0x0  }
0x70: {  	[sflag:s21] =	ssyncadd.s32 $0xFFFFC000  }
0x71: {  	[tilespmem:s25], [sflag:$0x2] =	stream.indirect.gather [hbm4b:s4+s24], $0x80, s29, s24, $0xb8;
	[tilespmem:$0x1E800] =	vst v63  }
0x72: {  	_ =	swait.ge [sflag:s26], $0x4000  }
0x73: {  	[sflag:s26] =	ssyncset.done $0x0  }
0x74: {  	[sflag:s26] =	ssyncadd.s32 $0xFFFFC000  }
0x75: {  	[spmem:s1] =	stream.indirect.scatter.add.f32 [tilespmem:s20], [sflag:$0x3], $0x80, s30, s24, $0xb8;
	[tilespmem:$0x1E800] =	vst v63  }
0x76: {  	_ =	swait.ge [sflag:s21], $0x4000  }
0x77: {  	[sflag:s21] =	ssyncset.done $0x0  }
0x78: {  	[sflag:s21] =	ssyncadd.s32 $0xFFFFC000  }
0x79: {  	p1 =	slt.u32 @!p0 s2, $0x2;
	_ =	swait.ge [sflag:s28], $0x4000  }
0x7a: {  	p1 =	por p0, !p1;
	[sflag:s28] =	ssyncset.done $0x0  }
.Ltmp1:
0x7b: {  	[sflag:s28] =	ssyncadd.s32 $0xFFFFC000;
	(pc) =	sbr.rel @!p1 .LBB2_2-.Ltmp1, $4  }
0x7c: {  	[spmem:s1] =	stream.indirect.scatter.add.f32 [tilespmem:s25], [sflag:$0x3], $0x80, s31, s24, $0xb8;
	[tilespmem:$0x1E800] =	vst v63  }
0x7d: {  	_ =	swait.ge [sflag:s21], $0x4000  }
0x7e: {  	[sflag:s21] =	ssyncset.done $0x0  }
0x7f: {  	s2 =	sadd.s32 $0x1, s2;
	[sflag:s21] =	ssyncadd.s32 $0xFFFFC000  }
0x80: {  	s2 =	stileid.u32  }
0x81: {  	[bflag:$0x0] =	sbarrier.arrive $0xFFFF;
	s2 =	sshll.u32 s2, $0x6  }
0x82: {  	s3 =	sshrl.u32 s8, $0x3;
	s7 =	rddreg [dreg:$0x4];
	s2 =	sor.u32 $0x1C03, s2  }
0x83: {  	[hbm:s7], [sflag:s2] =	dma.local [spmem:s3], $0x800  }
0x84: {  	_ =	swait.ge [sflag:s21], $0x800  }
0x85: {  	[sflag:s21] =	ssyncset.done $0x0  }
0x86: {  	s15 =	sshrl.u32 s9, $0x3;
	s16 =	rddreg [dreg:$0x5];
	[sflag:s21] =	ssyncadd.s32 $0xFFFFF800  }
0x87: {  	[hbm:s16], [sflag:s2] =	dma.local [spmem:s15], $0x800  }
0x88: {  	_ =	swait.ge [sflag:s21], $0x800  }
0x89: {  	[sflag:s21] =	ssyncset.done $0x0  }
0x8a: {  	s7 =	sshrl.u32 s10, $0x3;
	s14 =	rddreg [dreg:$0x6];
	[sflag:s21] =	ssyncadd.s32 $0xFFFFF800  }
0x8b: {  	[hbm:s14], [sflag:s2] =	dma.local [spmem:s7], $0x800  }
0x8c: {  	_ =	swait.ge [sflag:s21], $0x800  }
0x8d: {  	[sflag:s21] =	ssyncset.done $0x0  }
0x8e: {  	s15 =	sshrl.u32 s11, $0x3;
	[sflag:s21] =	ssyncadd.s32 $0xFFFFF800  }
0x8f: {  	[hbm:s17], [sflag:s2] =	dma.local [spmem:s15], $0x800  }
0x90: {  	s0 =	sadd.s32 $0x1, s0;
	_ =	swait.ge [sflag:s21], $0x800  }
0x91: {  	p1 =	sne.s32 s0, s19;
	[sflag:s21] =	ssyncset.done $0x0  }
.Ltmp2:
0x92: {  	s16 =	sshrl.u32 s12, $0x3;
	[sflag:s21] =	ssyncadd.s32 $0xFFFFF800;
	(pc) =	sbr.rel @p1 .LBB2_1-.Ltmp2, $4  }
0x93: {  	[hbm:s18], [sflag:s2] =	dma.local [spmem:s16], $0x800  }
0x94: {  	_ =	swait.ge [sflag:s21], $0x800  }
0x95: {  	[sflag:s21] =	ssyncset.done $0x0  }
0x96: {  	[sflag:s21] =	ssyncadd.s32 $0xFFFFF800  }
0x97: {  	_ =	sfence.sel $0x180000  }
0x98: {  	[bflag:$0x0] =	sbarrier.arrive $0xFFFF  }
0x99: {  	_ =	strace $0x9000004D  }
0x9a: {  	s0 =	stileid.u32;
	[bflag:$0x2] =	sbarrier.arrive $0xFFFF  }
0x9b: {  	p0 =	sne.s32 s0, $0x0;
	s0 =	rddreg [dreg:$0x2]  }
0x9c: {  	s0 =	sadd.s32 @!p0 $0x100000, s0  }
0x9d: {  	[sflag:s0] =	ssyncadd.tile.s32 @!p0 $0x1;
	_ =	shalt  }
.Lfunc_end2:
_tile_overlayer_lowered:
.L_overlay_start_2:
0x9e: {  	(tag) =	ssettag $0x2  }
0x9f: {  	s0 =	rddreg [dreg:$0x0];
	s2 =	stileid.u32  }
0xa0: {  	s1 =	rddreg [dreg:$0x1];
	p0 =	sne.s32 s2, $0x0  }
0xa1: {  	s3 =	rddreg [dreg:$0x2];
	[bflag:$0x3] =	sbarrier.arrive $0xFFFF;
	s2 =	simm.s32 @!p0 $0x1C03  }
0xa2: {  	[timem:s3], [sflag:s2] =	dma.local @!p0 [hbm:s0], s1  }
0xa3: {  	s0 =	simm.s32 @!p0 $0x3  }
0xa4: {  	_ =	swait.ge @!p0 [sflag:s0], s1  }
0xa5: {  	s1 =	ssub.s32 @!p0 $0x0, s1;
	[sflag:s0] =	ssyncset.done @!p0 $0x0  }
0xa6: {  	[sflag:s0] =	ssyncadd.s32 @!p0 s1  }
0xa7: {  	[bflag:$0x3] =	sbarrier.arrive $0xFFFF  }
0xa8: {  	_ =	shalt  }

// kernel: kernel.19.cloned.1.call-start
scs
__scs_entry_jumppad:
0x0: {  	(pc) =	sbr.rel $0x88, $3  }
0x1: {  	(tag) =	ssettag $0x0;
	lr =	simm.s32 $0x1  }
0x2: {  	[smem:$0x3F95] =	sst lr;
	_ =	strace $0xD0000000  }
0x3: {  	_ = 	snop  }
0x4: {  	_ = 	snop  }
0x5: {  	_ = 	snop  }
0x6: {  	_ = 	snop  }
0x7: {  	_ = 	snop  }
__scs_overlays_trampoline_lowered:
0x8: {  	[smem:$0x3FA4] =	sst s0  }
0x9: {  	[smem:$0x3FA5] =	sst s1  }
0xa: {  	[smem:$0x3FA6] =	sst s2  }
0xb: {  	[smem:$0x3FA7] =	sst s3  }
0xc: {  	[smem:$0x3FA8] =	sst s4  }
0xd: {  	[smem:$0x3FA9] =	sst s5  }
0xe: {  	[smem:$0x3FAA] =	sst s6  }
0xf: {  	[smem:$0x3FAB] =	sst s7  }
0x10: {  	[smem:$0x3FAC] =	sst s8  }
0x11: {  	[smem:$0x3FAD] =	sst s9;
	s0 =	simm.s32 @!p0 $0x0  }
0x12: {  	s1 =	sld [smem:$0x3F93];
	s0 =	simm.s32 @p0 $0x1  }
0x13: {  	[smem:$0x3FAE] =	sst s0;
	s0 =	simm.s32 @!p1 $0x0  }
0x14: {  	s2 =	sld [smem:$0x3F92];
	s0 =	simm.s32 @p1 $0x1  }
0x15: {  	[smem:$0x3FAF] =	sst s0;
	s0 =	simm.s32 @!p2 $0x0  }
0x16: {  	s3 =	sld [smem:$0x3FDB];
	s0 =	simm.s32 @p2 $0x1  }
0x17: {  	s4 =	simm.s32 $0x1BF5;
	[smem:$0x3FB1] =	sst s0  }
0x18: {  	s0 =	sld [smem:$0x3F94];
	_ =	swait.ge [sflag:s4], $0x0  }
0x19: {  	s7 =	sld [smem:$0x3F95]  }
0x1a: {  	s8 =	sadd.s32 $0xFFFFE003, lr  }
0x1b: {  	s9 =	sadd.s32 $0xFFFFFEF7, lr;
	s5 =	simm.s32 $0xFFFFFFFF;
	p2 =	slt.u32 s8, $0xFFFFF086  }
0x1c: {  	p1 =	slt.u32 s9, $0xF7A;
	s5 =	simm.s32 @!p2 $0x0  }
0x1d: {  	s5 =	simm.s32 @p1 $0x1;
	p0 =	seq.s32 s7, s2  }
0x1e: {  	s7 =	smul.u32 @!p0 $0xF7A, s2;
	p2 =	seq.s32 @!p0 s5, $0x0  }
0x1f: {  	s9 =	smul.u32 $0xF7A, s1;
	s8 =	simm.s32 @!p0 $0x1BF5;
	p2 =	por !p2, p0  }
0x20: {  	[sflag:s8] =	ssyncset.s32 @!p0 $0xFFFFF086;
	s6 =	sadd.s32 @!p0 s3, s7;
	s7 =	simm.s32 @!p0 $0x108  }
0x21: {  	s3 =	sadd.s32 s3, s9;
	s6 =	sadd.s32 @!p0 $0x88, s6;
	s7 =	simm.s32 @p2 $0x1082  }
0x22: {  	[simem:s7], [sflag:s8] =	dma.local @!p0 [hbm:s6], $0xF7A  }
0x23: {  	s9 =	sor.u32 $0xD0000000, s2;
	s6 =	simm.s32 $0x108;
	_ =	swait.ge @!p0 [sflag:s8], $0x0  }
0x24: {  	s3 =	sadd.s32 $0x88, s3;
	s6 =	simm.s32 @!p1 $0x1082;
	[sflag:s4] =	ssyncset.s32 $0xFFFFF086  }
0x25: {  	[simem:s6], [sflag:s4] =	dma.local [hbm:s3], $0xF7A  }
0x26: {  	[smem:$0x3F95] =	sst s1;
	(tag) =	ssettag s2;
	_ =	strace s9  }
0x27: {  	s1 =	sld [smem:$0x3FA5]  }
0x28: {  	s2 =	sld [smem:$0x3FA6]  }
0x29: {  	s4 =	sld [smem:$0x3FA8]  }
0x2a: {  	p0 =	seq.s32 s5, $0x0;
	s5 =	sld [smem:$0x3FA9]  }
0x2b: {  	s6 =	sld [smem:$0x3FAA]  }
0x2c: {  	s7 =	sld [smem:$0x3FAB]  }
0x2d: {  	s3 =	simm.s32 $0x108;
	s8 =	sld [smem:$0x3FAC]  }
0x2e: {  	s3 =	simm.s32 @!p0 $0x1082;
	s9 =	sld [smem:$0x3FAD]  }
0x2f: {  	lr =	sadd.s32 s0, s3;
	s0 =	sld [smem:$0x3FA4]  }
0x30: {  	s3 =	sld [smem:$0x3FA7]  }
0x31: {  	[smem:$0x3FB0] =	sst s10  }
0x32: {  	s10 =	sld [smem:$0x3FAE];
	_ =	sdelay $0x3  }
0x33: {  	p0 =	seq.s32 s10, $0x1;
	s10 =	sld [smem:$0x3FB0];
	_ =	sdelay $0x3  }
0x34: {  	[smem:$0x3FB0] =	sst s10  }
0x35: {  	s10 =	sld [smem:$0x3FAF];
	_ =	sdelay $0x3  }
0x36: {  	p1 =	seq.s32 s10, $0x1;
	s10 =	sld [smem:$0x3FB0];
	_ =	sdelay $0x3  }
0x37: {  	[smem:$0x3FB0] =	sst s10  }
0x38: {  	s10 =	sld [smem:$0x3FB1]  }
0x39: {  	_ = 	snop;
	(pc) =	sbr.ind lr, $3  }
0x3a: {  	_ = 	snop  }
0x3b: {  	_ = 	snop  }
0x3c: {  	p2 =	seq.s32 s10, $0x1;
	s10 =	sld [smem:$0x3FB0]  }
0x3d: {  	_ =	shalt  }
0x3e: {  	_ =	shalt  }
0x3f: {  	_ =	shalt  }
0x40: {  	_ =	shalt  }
0x41: {  	_ =	shalt  }
0x42: {  	_ =	shalt  }
0x43: {  	_ =	shalt  }
0x44: {  	_ =	shalt  }
0x45: {  	_ =	shalt  }
0x46: {  	_ =	shalt  }
0x47: {  	_ =	shalt  }
0x48: {  	_ =	shalt  }
0x49: {  	_ =	shalt  }
0x4a: {  	_ =	shalt  }
0x4b: {  	_ =	shalt  }
0x4c: {  	_ =	shalt  }
0x4d: {  	_ =	shalt  }
0x4e: {  	_ =	shalt  }
0x4f: {  	_ =	shalt  }
0x50: {  	_ =	shalt  }
0x51: {  	_ =	shalt  }
0x52: {  	_ =	shalt  }
0x53: {  	_ =	shalt  }
0x54: {  	_ =	shalt  }
0x55: {  	_ =	shalt  }
0x56: {  	_ =	shalt  }
0x57: {  	_ =	shalt  }
0x58: {  	_ =	shalt  }
0x59: {  	_ =	shalt  }
0x5a: {  	_ =	shalt  }
0x5b: {  	_ =	shalt  }
0x5c: {  	_ =	shalt  }
0x5d: {  	_ =	shalt  }
0x5e: {  	_ =	shalt  }
0x5f: {  	_ =	shalt  }
0x60: {  	_ =	shalt  }
0x61: {  	_ =	shalt  }
0x62: {  	_ =	shalt  }
0x63: {  	_ =	shalt  }
0x64: {  	_ =	shalt  }
0x65: {  	_ =	shalt  }
0x66: {  	_ =	shalt  }
0x67: {  	_ =	shalt  }
0x68: {  	_ =	shalt  }
0x69: {  	_ =	shalt  }
0x6a: {  	_ =	shalt  }
0x6b: {  	_ =	shalt  }
0x6c: {  	_ =	shalt  }
0x6d: {  	_ =	shalt  }
0x6e: {  	_ =	shalt  }
0x6f: {  	_ =	shalt  }
0x70: {  	_ =	shalt  }
0x71: {  	_ =	shalt  }
0x72: {  	_ =	shalt  }
0x73: {  	_ =	shalt  }
0x74: {  	_ =	shalt  }
0x75: {  	_ =	shalt  }
0x76: {  	_ =	shalt  }
0x77: {  	_ =	shalt  }
0x78: {  	_ =	shalt  }
0x79: {  	_ =	shalt  }
0x7a: {  	_ =	shalt  }
0x7b: {  	_ =	shalt  }
0x7c: {  	_ =	shalt  }
0x7d: {  	_ =	shalt  }
0x7e: {  	_ =	shalt  }
0x7f: {  	_ =	shalt  }
0x80: {  	_ =	shalt  }
0x81: {  	_ =	shalt  }
0x82: {  	_ =	shalt  }
0x83: {  	_ =	shalt  }
0x84: {  	_ =	shalt  }
0x85: {  	_ =	shalt  }
0x86: {  	_ =	shalt  }
0x87: {  	_ =	shalt  }
.Lfunc_end0:
.L_simem_size_0:
called_computation.3_lowered:
.L_overlay_start_0:
0x88: {  	s2 =	sld [smem:$0x3FD9]  }
0x89: {  	s3 =	sld [smem:$0x3FFE];
	_ =	sdelay $0x1  }
0x8a: {  	s1 =	srdreg.scid  }
0x8b: {  	s0 =	sand.u32 $0x1, s1  }
0x8c: {  	s16 =	sshll.u32 s0, $0xA;
	s2 =	sadd.s32 s3, s2  }
0x8d: {  	s2 =	sadd.s32 s2, s16  }
0x8e: {  	[smem:$0x3FBC] =	sst s2  }
0x8f: {  	_ = 	snop  }
0x90: {  	(tm) =	ssettm $0x1  }
0x91: {  	s17 =	sld [smem:$0x3FFB];
	_ =	sdelay $0x3  }
0x92: {  	_ =	strace s17  }
0x93: {  	s2 =	sld [smem:$0x3FFC];
	_ =	sdelay $0x3  }
0x94: {  	_ =	strace s2  }
0x95: {  	s2 =	sld [smem:$0x3FFD];
	_ =	sdelay $0x3  }
0x96: {  	_ =	strace s2  }
0x97: {  	_ =	strace $0x8FFFFFFF  }
0x98: {  	s18 =	sld [smem:$0x3FDB];
	_ =	sdelay $0x1  }
0x99: {  	s19 =	simm.s32 $_scs_section_size  }
0x9a: {  	s4 =	simm.s32 $_size__tile_overlayer_lowered;
	s5 =	simm.s32 $_tile_overlayer_lowered  }
0x9b: {  	s22 =	simm.s32 $0x1BFF;
	s21 =	sshll.u32 s5, $0x1;
	s2 =	sadd.s32 s19, s18  }
0x9c: {  	s6 =	simm.s32 $0x0;
	s20 =	sshll.u32 s4, $0x1;
	s4 =	sadd.s32 s21, s2  }
0x9d: {  	[timem:s6], [sflag:s22] =	dma.local [hbm:s4], s20  }
0x9e: {  	_ =	swait.ge [sflag:s22], s20  }
0x9f: {  	s3 =	ssub.s32 $0x0, s20;
	[sflag:s22] =	ssyncset.done $0x0  }
0xa0: {  	[sflag:s22] =	ssyncadd.s32 s3;
	_ =	sdelay $0x1  }
0xa1: {  	s23 =	simm.s32 $0x1B8B  }
0xa2: {  	_ =	swait.ge [sflag:s23], $0x1  }
0xa3: {  	[sflag:s23] =	ssyncset.done $0x0  }
0xa4: {  	s25 =	simm.s32 $0x1B8E;
	s24 =	sld [smem:$0x3FFE];
	[sflag:s23] =	ssyncadd.s32 $0xFFFFFFFF  }
0xa5: {  	s26 =	simm.s32 $execute0_lowered;
	[smem:$0x3FD2] =	sst s25  }
0xa6: {  	s4 =	sshll.u32 s26, $0x1;
	_ =	strace $0x8000004F;
	[dreg:$0x1] =	wrdreg $0xFFFFFFFF  }
0xa7: {  	s28 =	simm.s32 $_size_execute0_lowered;
	s2 =	sadd.s32 s2, s4;
	[dreg:$0x0] =	wrdreg $0x0  }
0xa8: {  	s4 =	sshll.u32 s28, $0x1;
	[dreg:$0x2] =	wrdreg s2  }
0xa9: {  	[dreg:$0x3] =	wrdreg s4  }
0xaa: {  	[dreg:$0x4] =	wrdreg $0xC0  }
0xab: {  	_ =	task [dreg:s6], $0x5FFFF  }
0xac: {  	[dreg:$0x1] =	wrdreg $0xFFFFFFFF  }
0xad: {  	[dreg:$0x0] =	wrdreg $0x60  }
0xae: {  	[dreg:$0x2] =	wrdreg s24  }
0xaf: {  	[dreg:$0x3] =	wrdreg $0x9  }
0xb0: {  	_ =	task.clear_ibuf [dreg:s6], $0x4FFFF;
	_ =	strace $0x9000004F  }
0xb1: {  	s29 =	simm.s32 $0x9;
	_ =	strace $0x80000051  }
0xb2: {  	_ =	swait.ge [sflag:s29], $0x1  }
0xb3: {  	[sflag:s29] =	ssyncadd.s32 $0xFFFFFFFF  }
0xb4: {  	_ =	strace $0x90000051  }
0xb5: {  	_ =	sfence  }
0xb6: {  	s30 =	sld [smem:$0x0];
	_ =	sdelay $0x2  }
0xb7: {  	s31 =	sshll.u32 s1, $0xD;
	s1 =	sshrl.u32 s1, $0x2  }
0xb8: {  	s3 =	sand.u32 $0x4000, s31;
	s1 =	sadd.s32 s1, s30  }
0xb9: {  	s0 =	sor.u32 s3, s0;
	s1 =	sshll.u32 s1, $0x11  }
0xba: {  	s0 =	sor.u32 s1, s0  }
0xbb: {  	s0 =	sadd.s32 $0x8F2B, s0  }
0xbc: {  	[sflag:s0] =	ssyncadd.remote.s32 $0x1  }
0xbd: {  	_ =	sfence.sel $0xFFFF  }
0xbe: {  	[dreg:$0x0] =	wrdreg $0xFFFFFFFF;
	(pc) =	sbr.abs _section_cstart, $3  }
0xbf: {  	[dreg:$0x1] =	wrdreg $0xFFFFFFFF  }
0xc0: {  	_ =	task.clear_ibuf [dreg:s6], $0x2FFFF;
	_ =	strace $0x9FFFFFFF  }
0xc1: {  	(tm) =	ssettm $0x7FFFFFFF  }
tec
execute0_lowered:
.L_overlay_start_1:
0x0: {  	(tag) =	ssettag $0x1  }
0x1: {  	s6 =	rddreg [dreg:$0x0];
	s1 =	simm.s32 $0x0;
	s5 =	srdreg.scid  }
0x2: {  	s2 =	stileid.u32;
	s15 =	simm.s32 $0x3C00;
	s16 =	simm.s32 $0x80  }
0x3: {  	s17 =	simm.s32 $0x7800;
	s18 =	simm.s32 $0xB800;
	s19 =	simm.s32 $0xF800  }
0x4: {  	s20 =	simm.s32 $0x13800;
	s21 =	simm.s32 $0x1;
	s22 =	simm.s32 $0x2  }
0x5: {  	s23 =	simm.s32 $0x3;
	s24 =	simm.s32 $0x4;
	s25 =	simm.s32 $0x0  }
0x6: {  	[smem:$0x7FF] =	sst s1;
	s3 =	sadd.s32 $0x17000, s6;
	s31 =	smul.u32 $0x28, s2  }
0x7: {  	s4 =	sadd.s32 $0x3F000, s6;
	s14 =	sand.u32 $0x1, s5;
	s9 =	smul.u32 $0x78, s2  }
0x8: {  	s10 =	sadd.s32 $0xD000, s6;
	s11 =	sadd.s32 $0x3000, s6;
	s12 =	smul.u32 $0x3C00, s2  }
0x9: {  	s6 =	sadd.s32 $0x67000, s6;
	_ =	strace $0x80000050;
	s7 =	ssub.s32 $0x2, s14  }
0xa: {  	p0 =	seq.s32 s14, $0x0;
	s8 =	sshrl.u32 s7, $0x1;
	s5 =	sadd.s32 $0x780, s31  }
0xb: {  	s12 =	sshrl.u32 s12, $0x3;
	s13 =	ssub.s32 s7, s8;
	s5 =	smov.u32 @p0 s9  }
0xc: {  	s7 =	simm.s32 $0x78;
	s12 =	sadd.s32 $0x280, s12;
	s9 =	sshll.u32 s5, $0x4  }
0xd: {  	s7 =	simm.s32 @!p0 $0x28;
	s13 =	smax.u32 s13, $0x1;
	p0 =	sne.s32 s14, $0x0  }
0xe: {  	s14 =	simm.s32 $0x5;
	s8 =	sadd.s32 s10, s9;
	s9 =	sadd.s32 s11, s9  }
0xf: {  	s10 =	sadd.s32 s10, s12;
	s11 =	sadd.s32 s11, s12;
	s12 =	sshrl.u32 s7, $0x1  }
.LBB2_1:
0x10: {  	[tilespmem:s1], [sflag:$0x5] =	stream.linear.gather [hbm4b:s8+s1], $0x1400, $0x38;
	[tilespmem:$0x17800] =	vst v63  }
0x11: {  	_ =	swait.ge [sflag:s14], $0x1400  }
0x12: {  	[sflag:s14] =	ssyncset.done $0x0  }
0x13: {  	[sflag:s14] =	ssyncadd.s32 $0xFFFFEC00  }
0x14: {  	[tilespmem:s15], [sflag:$0x5] =	stream.linear.gather [hbm4b:s9+s1], $0x1400, $0x38;
	[tilespmem:$0x17800] =	vst v63  }
0x15: {  	_ =	swait.ge [sflag:s14], $0x1400  }
0x16: {  	[sflag:s14] =	ssyncset.done $0x0  }
0x17: {  	s26 =	simm.s32 @!p0 $0x0;
	s28 =	simm.s32 @!p0 $0x1400;
	[sflag:s14] =	ssyncadd.s32 $0xFFFFEC00  }
0x18: {  	[tilespmem:s28], [sflag:$0x5] =	stream.linear.gather @!p0 [hbm4b:s10+s26], $0x2800, $0x38;
	[tilespmem:$0x17800] =	vst v63  }
0x19: {  	s28 =	simm.s32 @!p0 $0x5  }
0x1a: {  	_ =	swait.ge @!p0 [sflag:s28], $0x2800  }
0x1b: {  	[sflag:s28] =	ssyncset.done @!p0 $0x0  }
0x1c: {  	s29 =	simm.s32 @!p0 $0x5000;
	[sflag:s28] =	ssyncadd.s32 @!p0 $0xFFFFD800  }
0x1d: {  	[tilespmem:s29], [sflag:$0x5] =	stream.linear.gather @!p0 [hbm4b:s11+s26], $0x2800, $0x38;
	[tilespmem:$0x17800] =	vst v63  }
0x1e: {  	_ =	swait.ge @!p0 [sflag:s28], $0x2800  }
0x1f: {  	[sflag:s28] =	ssyncset.done @!p0 $0x0  }
0x20: {  	[sflag:s28] =	ssyncadd.s32 @!p0 $0xFFFFD800  }
0x21: {  	[tilespmem:s17], [sflag:$0x1] =	stream.indirect.gather [hbm4b:s3+s16], $0x80, s1, s16, $0xb8;
	[tilespmem:$0x17800] =	vst v63  }
0x22: {  	s26 =	simm.s32 $0x0  }
0x23: {  	[tilespmem:s18], [sflag:$0x2] =	stream.indirect.gather [hbm4b:s4+s16], $0x80, s15, s16, $0xb8;
	[tilespmem:$0x17800] =	vst v63  }
.LBB2_2:
0x24: {  	s28 =	sshllo.u32 s26, $0x1  }
0x25: {  	s29 =	sshll.u32 s28, $0x7  }
0x26: {  	[tilespmem:s19], [sflag:$0x3] =	stream.indirect.gather [hbm4b:s3+s16], $0x80, s29, s16, $0xb8;
	[tilespmem:$0x17800] =	vst v63  }
0x27: {  	s29 =	sadd.s32 $0x3C00, s29  }
0x28: {  	[tilespmem:s20], [sflag:$0x4] =	stream.indirect.gather [hbm4b:s4+s16], $0x80, s29, s16, $0xb8;
	[tilespmem:$0x17800] =	vst v63  }
0x29: {  	_ =	swait.ge [sflag:s21], $0x4000  }
0x2a: {  	[sflag:s21] =	ssyncset.done $0x0  }
0x2b: {  	[sflag:s21] =	ssyncadd.s32 $0xFFFFC000  }
0x2c: {  	_ =	swait.ge [sflag:s22], $0x4000  }
0x2d: {  	[sflag:s22] =	ssyncset.done $0x0  }
0x2e: {  	s29 =	simm.s32 $0x0;
	[sflag:s22] =	ssyncadd.s32 $0xFFFFC000  }
0x2f: {  	v7 =	vld [tilespmem:s29+$0xB800]  }
0x30: {  	v11 =	vld [tilespmem:s29+$0xB810]  }
0x31: {  	v5 =	vld [tilespmem:s29+$0xB820]  }
0x32: {  	v4 =	vld [tilespmem:s29+$0xB830]  }
0x33: {  	v3 =	vld [tilespmem:s29+$0xB840]  }
0x34: {  	v2 =	vld [tilespmem:s29+$0xB850]  }
0x35: {  	v1 =	vld [tilespmem:s29+$0xB860]  }
0x36: {  	v0 =	vld [tilespmem:s29+$0xB870]  }
0x37: {  	v12 =	vld [tilespmem:s29+$0x7800]  }
0x38: {  	v13 =	vld [tilespmem:s29+$0x7810]  }
0x39: {  	v10 =	vld [tilespmem:s29+$0x7820]  }
0x3a: {  	v9 =	vld [tilespmem:s29+$0x7830]  }
0x3b: {  	v8 =	vld [tilespmem:s29+$0x7840]  }
0x3c: {  	v6 =	vld [tilespmem:s29+$0x7850];
	v12 =	vadd.f32 v7, v12  }
0x3d: {  	s30 =	sshll.u32 s26, $0x1;
	s31 =	simm.s32 $0x200;
	v11 =	vadd.f32 v11, v13;
	v7 =	vld [tilespmem:s29+$0x7860]  }
.LBB2_3:
0x3e: {  	s0 =	sshra.s32 s31, $0x2;
	p1 =	sne.s32 s31, $0xFE00;
	[tilespmem:s29+$0x7800] =	vst v12;
	v5 =	vadd.f32 v5, v10;
	v10 =	vld [tilespmem:s29+$0x7870]  }
0x3f: {  	v12 =	vld [tilespmem:s0+$0xB800];
	[tilespmem:s29+$0x7810] =	vst v11;
	v4 =	vadd.f32 v4, v9  }
0x40: {  	v11 =	vld [tilespmem:s0+$0xB810];
	[tilespmem:s29+$0x7820] =	vst v5;
	v3 =	vadd.f32 v3, v8  }
0x41: {  	v5 =	vld [tilespmem:s0+$0xB820];
	[tilespmem:s29+$0x7830] =	vst v4;
	v2 =	vadd.f32 v2, v6  }
0x42: {  	v4 =	vld [tilespmem:s0+$0xB830];
	[tilespmem:s29+$0x7840] =	vst v3;
	v1 =	vadd.f32 v1, v7  }
0x43: {  	v3 =	vld [tilespmem:s0+$0xB840];
	[tilespmem:s29+$0x7850] =	vst v2;
	v0 =	vadd.f32 v0, v10  }
0x44: {  	v2 =	vld [tilespmem:s0+$0xB850];
	[tilespmem:s29+$0x7860] =	vst v1  }
0x45: {  	v1 =	vld [tilespmem:s0+$0xB860];
	[tilespmem:s29+$0x7870] =	vst v0;
	s29 =	smov.u32 s0  }
0x46: {  	v0 =	vld [tilespmem:s29+$0xB870]  }
0x47: {  	v6 =	vld [tilespmem:s29+$0x7800]  }
0x48: {  	v7 =	vld [tilespmem:s29+$0x7810]  }
.Ltmp0:
0x49: {  	v10 =	vld [tilespmem:s29+$0x7820];
	(pc) =	sbr.rel @p1 .LBB2_3-.Ltmp0, $4  }
0x4a: {  	v9 =	vld [tilespmem:s29+$0x7830]  }
0x4b: {  	v8 =	vld [tilespmem:s29+$0x7840]  }
0x4c: {  	v12 =	vadd.f32 v12, v6;
	v6 =	vld [tilespmem:s29+$0x7850]  }
0x4d: {  	s31 =	sadd.s32 $0x200, s31;
	v11 =	vadd.f32 v11, v7;
	v7 =	vld [tilespmem:s29+$0x7860]  }
0x4e: {  	[tilespmem:s29+$0x7800] =	vst v12;
	v5 =	vadd.f32 v5, v10;
	v10 =	vld [tilespmem:s29+$0x7870]  }
0x4f: {  	[tilespmem:s29+$0x7810] =	vst v11;
	v4 =	vadd.f32 v4, v9  }
0x50: {  	[tilespmem:s29+$0x7820] =	vst v5;
	v3 =	vadd.f32 v3, v8  }
0x51: {  	[tilespmem:s29+$0x7830] =	vst v4;
	v2 =	vadd.f32 v2, v6  }
0x52: {  	s0 =	sadd.s32 s5, s30;
	[tilespmem:s29+$0x7840] =	vst v3;
	v1 =	vadd.f32 v1, v7  }
0x53: {  	s0 =	sshll.u32 s0, $0xB;
	[tilespmem:s29+$0x7850] =	vst v2;
	v0 =	vadd.f32 v0, v10  }
0x54: {  	s0 =	sand.u32 $0x1FFFF000, s0;
	[tilespmem:s29+$0x7860] =	vst v1  }
0x55: {  	s0 =	sadd.s32 s6, s0;
	[tilespmem:s29+$0x7870] =	vst v0  }
0x56: {  	[hbm4b:s0+s1] =	stream.linear.scatter [tilespmem:s17], [sflag:$0x5], $0x4000, $0x38;
	[tilespmem:$0x17800] =	vst v63  }
0x57: {  	s0 =	sadd.s32 $0x2, s30  }
0x58: {  	_ =	swait.ge [sflag:s14], $0x4000;
	p1 =	sge.u32 s0, s7  }
0x59: {  	[sflag:s14] =	ssyncset.done $0x0;
	s0 =	sshll.u32 @!p1 s0, $0x7  }
0x5a: {  	s29 =	simm.s32 @!p1 $0x80;
	s30 =	simm.s32 @!p1 $0x7800;
	[sflag:s14] =	ssyncadd.s32 $0xFFFFC000  }
0x5b: {  	[tilespmem:s30], [sflag:$0x1] =	stream.indirect.gather @!p1 [hbm4b:s3+s29], $0x80, s0, s29, $0xb8;
	[tilespmem:$0x17800] =	vst v63  }
0x5c: {  	s0 =	sadd.s32 @!p1 $0x3C00, s0;
	s30 =	simm.s32 @!p1 $0xB800  }
0x5d: {  	[tilespmem:s30], [sflag:$0x2] =	stream.indirect.gather @!p1 [hbm4b:s4+s29], $0x80, s0, s29, $0xb8;
	[tilespmem:$0x17800] =	vst v63  }
0x5e: {  	_ =	swait.ge [sflag:s23], $0x4000  }
0x5f: {  	[sflag:s23] =	ssyncset.done $0x0  }
0x60: {  	[sflag:s23] =	ssyncadd.s32 $0xFFFFC000  }
0x61: {  	_ =	swait.ge [sflag:s24], $0x4000  }
0x62: {  	[sflag:s24] =	ssyncset.done $0x0  }
0x63: {  	s29 =	simm.s32 $0x0;
	[sflag:s24] =	ssyncadd.s32 $0xFFFFC000  }
0x64: {  	v7 =	vld [tilespmem:s29+$0x13800]  }
0x65: {  	v11 =	vld [tilespmem:s29+$0x13810]  }
0x66: {  	v5 =	vld [tilespmem:s29+$0x13820]  }
0x67: {  	v4 =	vld [tilespmem:s29+$0x13830]  }
0x68: {  	v3 =	vld [tilespmem:s29+$0x13840]  }
0x69: {  	v2 =	vld [tilespmem:s29+$0x13850]  }
0x6a: {  	v1 =	vld [tilespmem:s29+$0x13860]  }
0x6b: {  	v0 =	vld [tilespmem:s29+$0x13870]  }
0x6c: {  	v12 =	vld [tilespmem:s29+$0xF800]  }
0x6d: {  	v13 =	vld [tilespmem:s29+$0xF810]  }
0x6e: {  	v10 =	vld [tilespmem:s29+$0xF820]  }
0x6f: {  	v9 =	vld [tilespmem:s29+$0xF830]  }
0x70: {  	v8 =	vld [tilespmem:s29+$0xF840]  }
0x71: {  	v6 =	vld [tilespmem:s29+$0xF850];
	v12 =	vadd.f32 v7, v12  }
0x72: {  	s30 =	simm.s32 $0x200;
	v11 =	vadd.f32 v11, v13;
	v7 =	vld [tilespmem:s29+$0xF860]  }
.LBB2_5:
0x73: {  	s0 =	sshra.s32 s30, $0x2;
	p1 =	sne.s32 s30, $0xFE00;
	[tilespmem:s29+$0xF800] =	vst v12;
	v5 =	vadd.f32 v5, v10;
	v10 =	vld [tilespmem:s29+$0xF870]  }
0x74: {  	v12 =	vld [tilespmem:s0+$0x13800];
	[tilespmem:s29+$0xF810] =	vst v11;
	v4 =	vadd.f32 v4, v9  }
0x75: {  	v11 =	vld [tilespmem:s0+$0x13810];
	[tilespmem:s29+$0xF820] =	vst v5;
	v3 =	vadd.f32 v3, v8  }
0x76: {  	v5 =	vld [tilespmem:s0+$0x13820];
	[tilespmem:s29+$0xF830] =	vst v4;
	v2 =	vadd.f32 v2, v6  }
0x77: {  	v4 =	vld [tilespmem:s0+$0x13830];
	[tilespmem:s29+$0xF840] =	vst v3;
	v1 =	vadd.f32 v1, v7  }
0x78: {  	v3 =	vld [tilespmem:s0+$0x13840];
	[tilespmem:s29+$0xF850] =	vst v2;
	v0 =	vadd.f32 v0, v10  }
0x79: {  	v2 =	vld [tilespmem:s0+$0x13850];
	[tilespmem:s29+$0xF860] =	vst v1  }
0x7a: {  	v1 =	vld [tilespmem:s0+$0x13860];
	[tilespmem:s29+$0xF870] =	vst v0;
	s29 =	smov.u32 s0  }
0x7b: {  	v0 =	vld [tilespmem:s29+$0x13870]  }
0x7c: {  	v6 =	vld [tilespmem:s29+$0xF800]  }
0x7d: {  	v7 =	vld [tilespmem:s29+$0xF810]  }
.Ltmp1:
0x7e: {  	v10 =	vld [tilespmem:s29+$0xF820];
	(pc) =	sbr.rel @p1 .LBB2_5-.Ltmp1, $4  }
0x7f: {  	v9 =	vld [tilespmem:s29+$0xF830]  }
0x80: {  	v8 =	vld [tilespmem:s29+$0xF840]  }
0x81: {  	v12 =	vadd.f32 v12, v6;
	v6 =	vld [tilespmem:s29+$0xF850]  }
0x82: {  	s30 =	sadd.s32 $0x200, s30;
	v11 =	vadd.f32 v11, v7;
	v7 =	vld [tilespmem:s29+$0xF860]  }
0x83: {  	[tilespmem:s29+$0xF800] =	vst v12;
	v5 =	vadd.f32 v5, v10;
	v63 =	vld [tilespmem:s29+$0xF870]  }
0x84: {  	[tilespmem:s29+$0xF810] =	vst v11;
	v4 =	vadd.f32 v4, v9  }
0x85: {  	[tilespmem:s29+$0xF820] =	vst v5;
	v3 =	vadd.f32 v3, v8  }
0x86: {  	[tilespmem:s29+$0xF830] =	vst v4;
	v2 =	vadd.f32 v2, v6  }
0x87: {  	[tilespmem:s29+$0xF840] =	vst v3;
	v1 =	vadd.f32 v1, v7  }
0x88: {  	s0 =	sadd.s32 s5, s28;
	s26 =	sadd.s32 $0x1, s26;
	[tilespmem:s29+$0xF850] =	vst v2;
	v0 =	vadd.f32 v0, v63  }
0x89: {  	s0 =	sshll.u32 s0, $0xB;
	p1 =	sne.s32 s26, s12;
	[tilespmem:s29+$0xF860] =	vst v1  }
.Ltmp2:
0x8a: {  	s0 =	sadd.s32 s6, s0;
	[tilespmem:s29+$0xF870] =	vst v0;
	(pc) =	sbr.rel @p1 .LBB2_2-.Ltmp2, $4  }
0x8b: {  	[hbm4b:s0+s1] =	stream.linear.scatter [tilespmem:s19], [sflag:$0x5], $0x4000, $0x38;
	[tilespmem:$0x17800] =	vst v63  }
0x8c: {  	_ =	swait.ge [sflag:s14], $0x4000  }
0x8d: {  	[sflag:s14] =	ssyncset.done $0x0  }
0x8e: {  	[sflag:s14] =	ssyncadd.s32 $0xFFFFC000  }
0x8f: {  	s25 =	sadd.s32 $0x1, s25  }
0x90: {  	p1 =	sne.s32 s25, s13  }
.Ltmp3:
0x91: {  	_ = 	snop;
	(pc) =	sbr.rel @p1 .LBB2_1-.Ltmp3, $1  }
0x92: {  	_ =	sdelay $0x3  }
0x93: {  	_ =	sfence.sel $0x180000  }
0x94: {  	[bflag:$0x0] =	sbarrier.arrive $0xFFFF  }
0x95: {  	_ =	strace $0x90000050  }
0x96: {  	[bflag:$0x2] =	sbarrier.arrive $0xFFFF  }
0x97: {  	p0 =	sne.s32 s2, $0x0;
	s0 =	rddreg [dreg:$0x1]  }
0x98: {  	s0 =	sadd.s32 @!p0 $0x100000, s0  }
0x99: {  	[sflag:s0] =	ssyncadd.tile.s32 @!p0 $0x1;
	_ =	shalt  }
.Lfunc_end2:
_tile_overlayer_lowered:
.L_overlay_start_2:
0x9a: {  	(tag) =	ssettag $0x2  }
0x9b: {  	s0 =	rddreg [dreg:$0x0];
	s2 =	stileid.u32  }
0x9c: {  	s1 =	rddreg [dreg:$0x1];
	p0 =	sne.s32 s2, $0x0  }
0x9d: {  	s3 =	rddreg [dreg:$0x2];
	[bflag:$0x3] =	sbarrier.arrive $0xFFFF;
	s2 =	simm.s32 @!p0 $0x1C05  }
0x9e: {  	[timem:s3], [sflag:s2] =	dma.local @!p0 [hbm:s0], s1  }
0x9f: {  	s0 =	simm.s32 @!p0 $0x5  }
0xa0: {  	_ =	swait.ge @!p0 [sflag:s0], s1  }
0xa1: {  	s1 =	ssub.s32 @!p0 $0x0, s1;
	[sflag:s0] =	ssyncset.done @!p0 $0x0  }
0xa2: {  	[sflag:s0] =	ssyncadd.s32 @!p0 s1  }
0xa3: {  	[bflag:$0x3] =	sbarrier.arrive $0xFFFF  }
0xa4: {  	_ =	shalt  }

</sc_bundles>
